<compile_context>
chip_gen: v7x
topology: tpu7x:2x2x1
jax: 0.10.2.dev20260603
libtpu: 0.0.44.dev20260713+nightly
codegen_flags: <defaults>
</compile_context>

<pallas_src>
import functools

import jax
import jax.numpy as jnp
from jax import lax
from jax.experimental import pallas as pl
from jax.experimental.pallas import tpu as pltpu
from jax.experimental.pallas import tpu_sc as plsc

N = 100000
G = 512
DS = 128
VI = 16
DV = 3 * VI

NC, NS = 2, 16
NW = NC * NS

C = 128
NB_FULL = N // C
TAIL = N - NB_FULL * C
T_STEPS = -(-NB_FULL // NW)
ZR = G // NS
GP = G + 8
NBUF = 3

BV = 2048
NPAD = -(-N // BV) * BV
KB = NPAD // BV


def _segsum_body(xs_hbm, i_hbm, ps_hbm,
                 xs0, xs1, xs2, idx2, idxt, shared_s,
                 gsem0, gsem1, gsem2, ssem0, ssem1, ssem2):
    XS = (xs0, xs1, xs2)
    GSEM = (gsem0, gsem1, gsem2)
    SSEM = (ssem0, ssem1, ssem2)

    c = lax.axis_index("c")
    s = lax.axis_index("s")
    wid = s * NC + c

    zero16 = jnp.zeros((16,), jnp.float32)
    trash16 = jnp.full((16,), G, jnp.int32)

    def _fill_z(k, carry):
        r = k // (DS // 16)
        cc = k % (DS // 16)
        xs0[r, pl.ds(cc * 16, 16)] = zero16
        return carry
    lax.fori_loop(0, ZR * (DS // 16), _fill_z, 0)
    pltpu.sync_copy(xs0.at[pl.ds(0, ZR)], shared_s.at[pl.ds(s * ZR, ZR)])
    plsc.subcore_barrier()

    def batch_of(t):
        b = t * NW + wid
        b_eff = jnp.minimum(b, NB_FULL - 1)
        base = pl.multiple_of(b_eff * C, C)
        return b, base

    handles = {}

    def issue_gather(t):
        p = t % NBUF
        _, base = batch_of(t)
        handles[(t, 'xs')] = pltpu.async_copy(
            xs_hbm.at[pl.ds(base, C)], XS[p], GSEM[p])
        handles[(t, 'ix')] = pltpu.async_copy(
            i_hbm.at[pl.ds(base, C)], idx2.at[p], GSEM[p])

    def process(t):
        p = t % NBUF
        handles.pop((t, 'xs')).wait()
        handles.pop((t, 'ix')).wait()
        b, _ = batch_of(t)

        @pl.when(b >= NB_FULL)
        def _trash():
            idx_row = idx2.at[p]
            for k in range(C // 16):
                idx_row[pl.ds(k * 16, 16)] = trash16

        handles[(t, 'ss')] = pltpu.async_copy(
            XS[p], shared_s.at[idx2.at[p]], SSEM[p], add=True)

    def wait_scatter(t):
        handles.pop((t, 'ss')).wait()

    issue_gather(0)
    issue_gather(1)
    for t in range(T_STEPS):
        if t - NBUF + 1 >= 0:
            wait_scatter(t - NBUF + 1)
        if t + 1 < T_STEPS and t + 1 >= 2:
            issue_gather(t + 1)
        process(t)
    for t in range(max(0, T_STEPS - NBUF + 1), T_STEPS):
        wait_scatter(t)

    @pl.when(wid == NW - 1)
    def _tail():
        base = NB_FULL * C
        pltpu.sync_copy(xs_hbm.at[pl.ds(base, TAIL)], xs0.at[pl.ds(0, TAIL)])
        pltpu.sync_copy(i_hbm.at[pl.ds(base, TAIL)], idxt)
        pltpu.sync_copy(xs0.at[pl.ds(0, TAIL)], shared_s.at[idxt], add=True)

    plsc.subcore_barrier()

    @pl.when(s == 0)
    def _out():
        pltpu.sync_copy(shared_s, ps_hbm.at[c])


@functools.lru_cache(maxsize=1)
def _build_segsum():
    mesh = plsc.VectorSubcoreMesh(core_axis_name="c", subcore_axis_name="s")
    return pl.kernel(
        _segsum_body,
        mesh=mesh,
        out_type=[
            jax.ShapeDtypeStruct((NC, GP, DS), jnp.float32),
        ],
        scratch_types=(
            [pltpu.VMEM((C, DS), jnp.float32)] * NBUF
            + [pltpu.VMEM((NBUF, C), jnp.int32),
               pltpu.VMEM((TAIL,), jnp.int32),
               pltpu.VMEM_SHARED((GP, DS), jnp.float32)]
            + [pltpu.SemaphoreType.DMA] * (2 * NBUF)
        ),
    )


def _vsum_body(ids_ref, xv_ref, vout_ref, cout_ref):
    k = pl.program_id(0)
    ids = ids_ref[0, 0, :].reshape(1, BV)
    iota = lax.broadcasted_iota(jnp.int32, (G, BV), 0)
    oh = (iota == ids).astype(jnp.float32)
    xvb = jnp.where(ids < G, xv_ref[...], 0.0)
    pv = lax.dot_general(oh, xvb, (((1,), (1,)), ((), ())),
                         preferred_element_type=jnp.float32)
    pc = jnp.sum(oh, axis=1, keepdims=True)

    @pl.when(k == 0)
    def _init():
        vout_ref[...] = pv
        cout_ref[...] = pc

    @pl.when(k != 0)
    def _acc():
        vout_ref[...] += pv
        cout_ref[...] += pc


def _sigmoid(x):
    return 1.0 / (1.0 + jnp.exp(-x))


def _epilogue(ps, vs, cs, us, uvf,
              wda, wdb, bd, wh1a, wh1b, wvo1, wso1a, wso1b, bso1, wg1, bg1,
              wh2, wvo2, wso2a, wso2b, bso2, wg2, bg2,
              s2o, v2o):
    dot = functools.partial(jnp.dot, preferred_element_type=jnp.float32)
    ssum = ps[0]
    for k in range(1, NC):
        ssum = ssum + ps[k]
    ssum = ssum[:G]
    vsum = vs[...]
    cnt = cs[...]
    inv = 1.0 / jnp.maximum(cnt, 1.0)
    avg_s = ssum * inv
    av = vsum * inv
    s1 = dot(avg_s, wda[...]) + dot(us[...], wdb[...]) + bd[...]
    uvc = uvf[...]
    vh = []
    for d in range(3):
        avd = av[:, VI * d:VI * (d + 1)]
        vh.append(dot(avd, wh1a[...]) + uvc[:, d:d + 1] * wh1b[...])
    sh = jnp.sqrt(vh[0] * vh[0] + vh[1] * vh[1] + vh[2] * vh[2])
    so = dot(sh, wso1a[...]) + dot(s1, wso1b[...]) + bso1[...]
    g = dot(_sigmoid(so), wg1[...]) + bg1[...]
    vo = [dot(vh[d], wvo1[...]) * g for d in range(3)]
    vh2 = [dot(vo[d], wh2[...]) for d in range(3)]
    sh2 = jnp.sqrt(vh2[0] * vh2[0] + vh2[1] * vh2[1] + vh2[2] * vh2[2])
    s2 = dot(sh2, wso2a[...]) + dot(so, wso2b[...]) + bso2[...]
    g2 = dot(_sigmoid(s2), wg2[...]) + bg2[...]
    v2 = [dot(vh2[d], wvo2[...]) * g2 for d in range(3)]
    s2o[...] = s2
    v2o[...] = jnp.concatenate(v2, axis=1)


def kernel(x_s, x_v, i, u_s, u_v, W_dense, b_dense,
           Wh1, Wvo1, Wso1, bso1, Wg1, bg1,
           Wh2, Wvo2, Wso2, bso2, Wg2, bg2):
    ii = i.astype(jnp.int32)
    (ps,) = _build_segsum()(x_s, ii)

    xvt = jnp.transpose(x_v, (1, 2, 0)).reshape(DV, N)
    ids_pad = jnp.concatenate(
        [ii, jnp.full((NPAD - N,), G, jnp.int32)]).reshape(KB, 1, BV)
    vs, cs = pl.pallas_call(
        _vsum_body,
        grid=(KB,),
        in_specs=[
            pl.BlockSpec((1, 1, BV), lambda k: (k, 0, 0)),
            pl.BlockSpec((DV, BV), lambda k: (0, k)),
        ],
        out_specs=[
            pl.BlockSpec((G, DV), lambda k: (0, 0)),
            pl.BlockSpec((G, 1), lambda k: (0, 0)),
        ],
        out_shape=[
            jax.ShapeDtypeStruct((G, DV), jnp.float32),
            jax.ShapeDtypeStruct((G, 1), jnp.float32),
        ],
    )(ids_pad, xvt)

    uvf = u_v.reshape(G, 3)
    args = (
        ps, vs, cs, u_s, uvf,
        W_dense[:DS], W_dense[DS:], b_dense.reshape(1, 16),
        Wh1[:VI], Wh1[VI:VI + 1], Wvo1,
        Wso1[:17], Wso1[17:], bso1.reshape(1, 8), Wg1, bg1.reshape(1, 3),
        Wh2, Wvo2,
        Wso2[:3], Wso2[3:], bso2.reshape(1, 3), Wg2, bg2.reshape(1, 3),
    )
    s2, v2 = pl.pallas_call(
        _epilogue,
        out_shape=[
            jax.ShapeDtypeStruct((G, 3), jnp.float32),
            jax.ShapeDtypeStruct((G, 9), jnp.float32),
        ],
    )(*args)
    return (s2, v2.reshape(G, 3, 3))

# --- scband reference (transcript-rebuilt; emitter-appended) ---
"""Pipeline reference for scband-global-update-4363686772966 (READ-ONLY COPY).

The authoritative reference and input builder live on the scoring server;
editing this copy changes nothing except your own understanding.
"""

import jax, jax.numpy as jnp
import numpy as np

N = 100000   # total nodes in disjoint batch
G = 512      # number of graphs (segments)
DS = 128     # scalar node feature dim
VI = 16      # vector channels of x_v
US = 8       # global scalar feature dim u_s
# GVPg(vi=VI+1, vo=3, so=8): h1 = max(17,3) = 17
H1, VO1, SO1 = 17, 3, 8
# GVPg(vi=3, vo=3, so=3): h2 = 3
H2, VO2, SO2 = 3, 3, 3


def segment_mean(data, seg, num):
    sums = jax.ops.segment_sum(data, seg, num_segments=num)
    counts = jax.ops.segment_sum(jnp.ones((data.shape[0],), dtype=data.dtype), seg, num_segments=num)
    counts = jnp.maximum(counts, 1.0)
    shape = (num,) + (1,) * (data.ndim - 1)
    return sums / counts.reshape(shape)


def gvp(s, V, Wh, Wvo, Wso, bso, Wg, bg):
    # Dense layers act on the last axis
    Vh = V @ Wh                      # [G, 3, h]
    Vvo = Vh @ Wvo                   # [G, 3, vo]
    sh = jnp.linalg.norm(Vh, axis=-2)  # [G, h]
    sn = jnp.concatenate([sh, s], axis=-1)
    s_out = sn @ Wso + bso           # s_act = linear
    v_scalars = jax.nn.sigmoid(s_out)  # v_act = sigmoid
    gate = v_scalars @ Wg + bg       # g_act = linear
    # column_wise_mult via diag == per-column scaling
    V_out = Vvo * gate[:, None, :]
    return s_out, V_out


def setup_inputs(seed: int = 0):
    key = jax.random.key(seed)
    ks = jax.random.split(key, 20)
    inp = {}
    inp['x_s'] = jax.random.normal(ks[0], (N, DS), dtype=jnp.float32)
    inp['x_v'] = jax.random.normal(ks[1], (N, 3, VI), dtype=jnp.float32)
    inp['i'] = jnp.sort(jax.random.randint(ks[2], (N,), 0, G)).astype(jnp.int32)
    inp['u_s'] = jax.random.normal(ks[3], (G, US), dtype=jnp.float32)
    inp['u_v'] = jax.random.normal(ks[4], (G, 3, 1), dtype=jnp.float32)
    sc = 0.05
    inp['W_dense'] = jax.random.normal(ks[5], (DS + US, 16), dtype=jnp.float32) * sc
    inp['b_dense'] = jnp.zeros((16,), dtype=jnp.float32)
    inp['Wh1'] = jax.random.normal(ks[6], (VI + 1, H1), dtype=jnp.float32) * sc
    inp['Wvo1'] = jax.random.normal(ks[7], (H1, VO1), dtype=jnp.float32) * sc
    inp['Wso1'] = jax.random.normal(ks[8], (H1 + 16, SO1), dtype=jnp.float32) * sc
    inp['bso1'] = jnp.zeros((SO1,), dtype=jnp.float32)
    inp['Wg1'] = jax.random.normal(ks[9], (SO1, VO1), dtype=jnp.float32) * sc
    inp['bg1'] = jnp.zeros((VO1,), dtype=jnp.float32)
    inp['Wh2'] = jax.random.normal(ks[10], (VO1, H2), dtype=jnp.float32) * sc
    inp['Wvo2'] = jax.random.normal(ks[11], (H2, VO2), dtype=jnp.float32) * sc
    inp['Wso2'] = jax.random.normal(ks[12], (H2 + SO1, SO2), dtype=jnp.float32) * sc
    inp['bso2'] = jnp.zeros((SO2,), dtype=jnp.float32)
    inp['Wg2'] = jax.random.normal(ks[13], (SO2, VO2), dtype=jnp.float32) * sc
    inp['bg2'] = jnp.zeros((VO2,), dtype=jnp.float32)
    return inp


def reference(x_s, x_v, i, u_s, u_v, W_dense, b_dense,
              Wh1, Wvo1, Wso1, bso1, Wg1, bg1,
              Wh2, Wvo2, Wso2, bso2, Wg2, bg2):
    avg_s = segment_mean(x_s, i, G)            # [G, DS]
    avg_v = segment_mean(x_v, i, G)            # [G, 3, VI]
    update_s = jnp.concatenate([avg_s, u_s], axis=-1)   # [G, DS+US]
    update_v = jnp.concatenate([avg_v, u_v], axis=-1)   # [G, 3, VI+1]
    s1 = update_s @ W_dense + b_dense          # Dense(16), linear
    s_o, V_o = gvp(s1, update_v, Wh1, Wvo1, Wso1, bso1, Wg1, bg1)
    s2, V2 = gvp(s_o, V_o, Wh2, Wvo2, Wso2, bso2, Wg2, bg2)
    return (s2, V2)

if __name__ == "__main__":
    import jax
    _d = setup_inputs()
    print(jax.jit(kernel)(*tuple(_d.values())))

</pallas_src>

<mosaic_0001>
#map = affine_map<(d0, d1) -> (0, 0)>
#map1 = affine_map<(d0, d1) -> (0)>
#map2 = affine_map<(d0, d1) -> (0, 0, 0)>
module attributes {stable_mosaic.version = 14 : i64} {
  func.func @_segsum_body(%arg0: i32, %arg1: i32, %arg2: memref<100000x128xf32, #tpu.memory_space<hbm>>, %arg3: memref<100000xi32, #tpu.memory_space<hbm>>, %arg4: memref<2x520x128xf32, #tpu.memory_space<hbm>>, %arg5: memref<128x128xf32, #tpu.memory_space<vmem>>, %arg6: memref<128x128xf32, #tpu.memory_space<vmem>>, %arg7: memref<128x128xf32, #tpu.memory_space<vmem>>, %arg8: memref<3x128xi32, #tpu.memory_space<vmem>>, %arg9: memref<32xi32, #tpu.memory_space<vmem>>, %arg10: memref<520x128xf32, #tpu.memory_space<vmem_shared>>, %arg11: memref<!tpu.dma_semaphore, #tpu.memory_space<semaphore_mem>>, %arg12: memref<!tpu.dma_semaphore, #tpu.memory_space<semaphore_mem>>, %arg13: memref<!tpu.dma_semaphore, #tpu.memory_space<semaphore_mem>>, %arg14: memref<!tpu.dma_semaphore, #tpu.memory_space<semaphore_mem>>, %arg15: memref<!tpu.dma_semaphore, #tpu.memory_space<semaphore_mem>>, %arg16: memref<!tpu.dma_semaphore, #tpu.memory_space<semaphore_mem>>) attributes {dimension_semantics = [#tpu.dimension_semantics<core_parallel>, #tpu.dimension_semantics<subcore_parallel>], iteration_bounds = array<i64: 2, 16>, scalar_prefetch = 0 : i64, scratch_operands = 12 : i64, tpu.core_type = #tpu.core_type<sc_vector_subcore>, window_params = [{transform_indices = #map}, {transform_indices = #map1}, {transform_indices = #map2}]} {
    %mul3A = arith.constant 2 : i32
    %mul3A_0 = arith.muli %arg1, %mul3A : i32
    %add3A = arith.addi %mul3A_0, %arg0 : i32
    %broadcast_in_dim3A = arith.constant 0.000000e+00 : f32
    %broadcast_in_dim3A_1 = vector.broadcast %broadcast_in_dim3A : f32 to vector<16xf32>
    %broadcast_in_dim3A_2 = arith.constant 512 : i32
    %broadcast_in_dim3A_3 = vector.broadcast %broadcast_in_dim3A_2 : i32 to vector<16xi32>
    %scan3A = arith.constant 0 : i32
    %scan3A_4 = arith.constant 0 : i32
    %scan3A_5 = arith.constant 256 : i32
    %scan3A_6 = arith.addi %scan3A_4, %scan3A_5 : i32
    %scan3A_7 = arith.constant 1 : i32
    scf.for %scan3A_1489 = %scan3A_4 to %scan3A_6 step %scan3A_7  : i32 {
      %jit3A = arith.constant 8 : i32
      %div3A = arith.divsi %scan3A_1489, %jit3A : i32
      %sign3A = arith.constant 0 : i32
      %sign3A_1490 = arith.cmpi sgt, %scan3A_1489, %sign3A : i32
      %sign3A_1491 = arith.extui %sign3A_1490 : i1 to i32
      %sign3A_1492 = arith.constant 0 : i32
      %sign3A_1493 = arith.cmpi slt, %scan3A_1489, %sign3A_1492 : i32
      %sign3A_1494 = arith.extui %sign3A_1493 : i1 to i32
      %sign3A_1495 = arith.subi %sign3A_1491, %sign3A_1494 : i32
      %sign3A_1496 = arith.constant 0 : i32
      %sign3A_1497 = arith.cmpi sgt, %jit3A, %sign3A_1496 : i32
      %sign3A_1498 = arith.extui %sign3A_1497 : i1 to i32
      %sign3A_1499 = arith.constant 0 : i32
      %sign3A_1500 = arith.cmpi slt, %jit3A, %sign3A_1499 : i32
      %sign3A_1501 = arith.extui %sign3A_1500 : i1 to i32
      %sign3A_1502 = arith.subi %sign3A_1498, %sign3A_1501 : i32
      %ne3A = arith.cmpi ne, %sign3A_1495, %sign3A_1502 : i32
      %rem3A = arith.remsi %scan3A_1489, %jit3A : i32
      %ne3A_1503 = arith.constant 0 : i32
      %ne3A_1504 = arith.cmpi ne, %rem3A, %ne3A_1503 : i32
      %and3A = arith.andi %ne3A, %ne3A_1504 : i1
      %sub3A = arith.constant 1 : i32
      %sub3A_1505 = arith.subi %div3A, %sub3A : i32
      %select_n3A = arith.select %and3A, %sub3A_1505, %div3A : i32
      %jit3A_1506 = arith.constant 8 : i32
      %eq3A_1507 = arith.constant 0 : i32
      %eq3A_1508 = arith.cmpi eq, %jit3A_1506, %eq3A_1507 : i32
      %jit3A_1509 = arith.constant 1 : i32
      %select_n3A_1510 = arith.select %eq3A_1508, %jit3A_1509, %jit3A_1506 : i32
      %rem3A_1511 = arith.remsi %scan3A_1489, %select_n3A_1510 : i32
      %ne3A_1512 = arith.constant 0 : i32
      %ne3A_1513 = arith.cmpi ne, %rem3A_1511, %ne3A_1512 : i32
      %lt3A = arith.constant 0 : i32
      %lt3A_1514 = arith.cmpi slt, %rem3A_1511, %lt3A : i32
      %lt3A_1515 = arith.constant 0 : i32
      %lt3A_1516 = arith.cmpi slt, %select_n3A_1510, %lt3A_1515 : i32
      %ne3A_1517 = arith.xori %lt3A_1514, %lt3A_1516 : i1
      %and3A_1518 = arith.andi %ne3A_1517, %ne3A_1513 : i1
      %add3A_1519 = arith.addi %rem3A_1511, %select_n3A_1510 : i32
      %select_n3A_1520 = arith.select %and3A_1518, %add3A_1519, %rem3A_1511 : i32
      %mul3A_1521 = arith.constant 16 : i32
      %mul3A_1522 = arith.muli %select_n3A_1520, %mul3A_1521 : i32
      %swap3A = arith.index_cast %select_n3A : i32 to index
      %swap3A_1523 = arith.index_cast %mul3A_1522 : i32 to index
      %swap3A_1524 = tpu.vector_load %arg5[%swap3A, %swap3A_1523] {strides = array<i32>} : memref<128x128xf32, #tpu.memory_space<vmem>>, vector<1x16xf32>,
      %swap3A_1525 = vector.shape_cast %swap3A_1524 : vector<1x16xf32> to vector<16xf32>
      %swap3A_1526 = vector.shape_cast %broadcast_in_dim3A_1 : vector<16xf32> to vector<1x16xf32>
      tpu.vector_store %arg5[%swap3A, %swap3A_1523], %swap3A_1526 {strides = array<i32>} : memref<128x128xf32, #tpu.memory_space<vmem>>, vector<1x16xf32>,
    }
    %scan3A_8 = arith.constant 256 : i32
    %mul3A_9 = arith.constant 32 : i32
    %mul3A_10 = arith.muli %arg1, %mul3A_9 : i32
    "tpu.region"() ({
      %run_scoped3A = tpu.sem_alloc : memref<!tpu.dma_semaphore, #tpu.memory_space<semaphore_mem>>
      %dma_start3A_1489 = arith.constant 0 : i32
      %dma_start3A_1490 = arith.constant 0 : i32
      %dma_start3A_1491 = tpu.memref_slice %arg5[%dma_start3A_1489, %dma_start3A_1490] : memref<128x128xf32, #tpu.memory_space<vmem>> -> memref<32x128xf32, #tpu.memory_space<vmem>>
      %dma_start3A_1492 = arith.constant 0 : i32
      %dma_start3A_1493 = tpu.memref_slice %arg10[%mul3A_10, %dma_start3A_1492] : memref<520x128xf32, #tpu.memory_space<vmem_shared>> -> memref<32x128xf32, #tpu.memory_space<vmem_shared>>
      %dma_start3A_1494 = arith.constant 0 : i32
      %dma_start3A_1495 = tpu.memref_slice %arg10[%mul3A_10, %dma_start3A_1494] : memref<520x128xf32, #tpu.memory_space<vmem_shared>> -> memref<32x128xf32, #tpu.memory_space<vmem_shared>>
      %dma_start3A_1496 = arith.constant 0 : i32
      %dma_start3A_1497 = arith.constant 0 : i32
      %dma_start3A_1498 = tpu.memref_slice %arg5[%dma_start3A_1496, %dma_start3A_1497] : memref<128x128xf32, #tpu.memory_space<vmem>> -> memref<32x128xf32, #tpu.memory_space<vmem>>
      tpu.enqueue_dma source(%dma_start3A_1498 : memref<32x128xf32, #tpu.memory_space<vmem>>) target(%dma_start3A_1495 : memref<32x128xf32, #tpu.memory_space<vmem_shared>>) target_semaphore(%run_scoped3A : memref<!tpu.dma_semaphore, #tpu.memory_space<semaphore_mem>>)
      %dma_wait3A_1499 = arith.constant 0 : i32
      %dma_wait3A_1500 = arith.constant 0 : i32
      %dma_wait3A_1501 = tpu.memref_slice %arg5[%dma_wait3A_1499, %dma_wait3A_1500] : memref<128x128xf32, #tpu.memory_space<vmem>> -> memref<32x128xf32, #tpu.memory_space<vmem>>
      %dma_wait3A_1502 = arith.constant 0 : i32
      %dma_wait3A_1503 = tpu.memref_slice %arg10[%mul3A_10, %dma_wait3A_1502] : memref<520x128xf32, #tpu.memory_space<vmem_shared>> -> memref<32x128xf32, #tpu.memory_space<vmem_shared>>
      %dma_wait3A_1504 = arith.constant 0 : i32
      %dma_wait3A_1505 = tpu.memref_slice %arg10[%mul3A_10, %dma_wait3A_1504] : memref<520x128xf32, #tpu.memory_space<vmem_shared>> -> memref<32x128xf32, #tpu.memory_space<vmem_shared>>
      %dma_wait3A_1506 = arith.constant 0 : i32
      %dma_wait3A_1507 = arith.constant 0 : i32
      %dma_wait3A_1508 = tpu.memref_slice %arg5[%dma_wait3A_1506, %dma_wait3A_1507] : memref<128x128xf32, #tpu.memory_space<vmem>> -> memref<32x128xf32, #tpu.memory_space<vmem>>
      tpu.wait_dma2 semaphore(%run_scoped3A : memref<!tpu.dma_semaphore, #tpu.memory_space<semaphore_mem>>) src(%dma_wait3A_1508 : memref<32x128xf32, #tpu.memory_space<vmem>>) dst(%dma_wait3A_1505 : memref<32x128xf32, #tpu.memory_space<vmem_shared>>)
      tpu.yield
    }) : () -> ()
    %barrier3A = arith.constant 0 : index
    tpu.barrier barrier_id(%barrier3A)
    %add3A_11 = arith.constant 0 : i32
    %add3A_12 = arith.addi %add3A_11, %add3A : i32
    %min3A = arith.constant 780 : i32
    %min3A_13 = arith.minsi %add3A_12, %min3A : i32
    %mul3A_14 = arith.constant 128 : i32
    %mul3A_15 = arith.muli %min3A_13, %mul3A_14 : i32
    %multiple_of3A = tpu.assume_multiple %mul3A_15, 128 : i32
    %dma_start3A = arith.constant 0 : i32
    %dma_start3A_16 = tpu.memref_slice %arg2[%multiple_of3A, %dma_start3A] : memref<100000x128xf32, #tpu.memory_space<hbm>> -> memref<128x128xf32, #tpu.memory_space<hbm>>
    %dma_start3A_17 = arith.constant 0 : i32
    %dma_start3A_18 = tpu.memref_slice %arg2[%multiple_of3A, %dma_start3A_17] : memref<100000x128xf32, #tpu.memory_space<hbm>> -> memref<128x128xf32, #tpu.memory_space<hbm>>
    tpu.enqueue_dma source(%dma_start3A_18 : memref<128x128xf32, #tpu.memory_space<hbm>>) target(%arg5 : memref<128x128xf32, #tpu.memory_space<vmem>>) target_semaphore(%arg11 : memref<!tpu.dma_semaphore, #tpu.memory_space<semaphore_mem>>)
    %dma_start3A_19 = arith.constant 0 : i32
    %dma_start3A_20 = arith.constant 0 : i32
    %dma_start3A_21 = tpu.memref_slice %arg8[%dma_start3A_19, %dma_start3A_20] : memref<3x128xi32, #tpu.memory_space<vmem>> -> memref<1x128xi32, #tpu.memory_space<vmem>>
    %dma_start3A_22 = tpu.memref_squeeze %dma_start3A_21 : memref<1x128xi32, #tpu.memory_space<vmem>> -> memref<128xi32, #tpu.memory_space<vmem>>
    %dma_start3A_23 = tpu.memref_slice %arg3[%multiple_of3A] : memref<100000xi32, #tpu.memory_space<hbm>> -> memref<128xi32, #tpu.memory_space<hbm>>
    %dma_start3A_24 = arith.constant 0 : i32
    %dma_start3A_25 = tpu.memref_slice %arg8[%dma_start3A_19, %dma_start3A_24] : memref<3x128xi32, #tpu.memory_space<vmem>> -> memref<1x128xi32, #tpu.memory_space<vmem>>
    %dma_start3A_26 = tpu.memref_squeeze %dma_start3A_25 : memref<1x128xi32, #tpu.memory_space<vmem>> -> memref<128xi32, #tpu.memory_space<vmem>>
    %dma_start3A_27 = tpu.memref_slice %arg3[%multiple_of3A] : memref<100000xi32, #tpu.memory_space<hbm>> -> memref<128xi32, #tpu.memory_space<hbm>>
    tpu.enqueue_dma source(%dma_start3A_27 : memref<128xi32, #tpu.memory_space<hbm>>) target(%dma_start3A_26 : memref<128xi32, #tpu.memory_space<vmem>>) target_semaphore(%arg11 : memref<!tpu.dma_semaphore, #tpu.memory_space<semaphore_mem>>)
    %add3A_28 = arith.constant 32 : i32
    %add3A_29 = arith.addi %add3A_28, %add3A : i32
    %min3A_30 = arith.constant 780 : i32
    %min3A_31 = arith.minsi %add3A_29, %min3A_30 : i32
    %mul3A_32 = arith.constant 128 : i32
    %mul3A_33 = arith.muli %min3A_31, %mul3A_32 : i32
    %multiple_of3A_34 = tpu.assume_multiple %mul3A_33, 128 : i32
    %dma_start3A_35 = arith.constant 0 : i32
    %dma_start3A_36 = tpu.memref_slice %arg2[%multiple_of3A_34, %dma_start3A_35] : memref<100000x128xf32, #tpu.memory_space<hbm>> -> memref<128x128xf32, #tpu.memory_space<hbm>>
    %dma_start3A_37 = arith.constant 0 : i32
    %dma_start3A_38 = tpu.memref_slice %arg2[%multiple_of3A_34, %dma_start3A_37] : memref<100000x128xf32, #tpu.memory_space<hbm>> -> memref<128x128xf32, #tpu.memory_space<hbm>>
    tpu.enqueue_dma source(%dma_start3A_38 : memref<128x128xf32, #tpu.memory_space<hbm>>) target(%arg6 : memref<128x128xf32, #tpu.memory_space<vmem>>) target_semaphore(%arg12 : memref<!tpu.dma_semaphore, #tpu.memory_space<semaphore_mem>>)
    %dma_start3A_39 = arith.constant 1 : i32
    %dma_start3A_40 = arith.constant 0 : i32
    %dma_start3A_41 = tpu.memref_slice %arg8[%dma_start3A_39, %dma_start3A_40] : memref<3x128xi32, #tpu.memory_space<vmem>> -> memref<1x128xi32, #tpu.memory_space<vmem>>
    %dma_start3A_42 = tpu.memref_squeeze %dma_start3A_41 : memref<1x128xi32, #tpu.memory_space<vmem>> -> memref<128xi32, #tpu.memory_space<vmem>>
    %dma_start3A_43 = tpu.memref_slice %arg3[%multiple_of3A_34] : memref<100000xi32, #tpu.memory_space<hbm>> -> memref<128xi32, #tpu.memory_space<hbm>>
    %dma_start3A_44 = arith.constant 0 : i32
    %dma_start3A_45 = tpu.memref_slice %arg8[%dma_start3A_39, %dma_start3A_44] : memref<3x128xi32, #tpu.memory_space<vmem>> -> memref<1x128xi32, #tpu.memory_space<vmem>>
    %dma_start3A_46 = tpu.memref_squeeze %dma_start3A_45 : memref<1x128xi32, #tpu.memory_space<vmem>> -> memref<128xi32, #tpu.memory_space<vmem>>
    %dma_start3A_47 = tpu.memref_slice %arg3[%multiple_of3A_34] : memref<100000xi32, #tpu.memory_space<hbm>> -> memref<128xi32, #tpu.memory_space<hbm>>
    tpu.enqueue_dma source(%dma_start3A_47 : memref<128xi32, #tpu.memory_space<hbm>>) target(%dma_start3A_46 : memref<128xi32, #tpu.memory_space<vmem>>) target_semaphore(%arg12 : memref<!tpu.dma_semaphore, #tpu.memory_space<semaphore_mem>>)
    %dma_wait3A = arith.constant 0 : i32
    %dma_wait3A_48 = tpu.memref_slice %arg2[%multiple_of3A, %dma_wait3A] : memref<100000x128xf32, #tpu.memory_space<hbm>> -> memref<128x128xf32, #tpu.memory_space<hbm>>
    %dma_wait3A_49 = arith.constant 0 : i32
    %dma_wait3A_50 = tpu.memref_slice %arg2[%multiple_of3A, %dma_wait3A_49] : memref<100000x128xf32, #tpu.memory_space<hbm>> -> memref<128x128xf32, #tpu.memory_space<hbm>>
    tpu.wait_dma2 semaphore(%arg11 : memref<!tpu.dma_semaphore, #tpu.memory_space<semaphore_mem>>) src(%dma_wait3A_50 : memref<128x128xf32, #tpu.memory_space<hbm>>) dst(%arg5 : memref<128x128xf32, #tpu.memory_space<vmem>>)
    %dma_wait3A_51 = arith.constant 0 : i32
    %dma_wait3A_52 = arith.constant 0 : i32
    %dma_wait3A_53 = tpu.memref_slice %arg8[%dma_wait3A_51, %dma_wait3A_52] : memref<3x128xi32, #tpu.memory_space<vmem>> -> memref<1x128xi32, #tpu.memory_space<vmem>>
    %dma_wait3A_54 = tpu.memref_squeeze %dma_wait3A_53 : memref<1x128xi32, #tpu.memory_space<vmem>> -> memref<128xi32, #tpu.memory_space<vmem>>
    %dma_wait3A_55 = tpu.memref_slice %arg3[%multiple_of3A] : memref<100000xi32, #tpu.memory_space<hbm>> -> memref<128xi32, #tpu.memory_space<hbm>>
    %dma_wait3A_56 = arith.constant 0 : i32
    %dma_wait3A_57 = tpu.memref_slice %arg8[%dma_wait3A_51, %dma_wait3A_56] : memref<3x128xi32, #tpu.memory_space<vmem>> -> memref<1x128xi32, #tpu.memory_space<vmem>>
    %dma_wait3A_58 = tpu.memref_squeeze %dma_wait3A_57 : memref<1x128xi32, #tpu.memory_space<vmem>> -> memref<128xi32, #tpu.memory_space<vmem>>
    %dma_wait3A_59 = tpu.memref_slice %arg3[%multiple_of3A] : memref<100000xi32, #tpu.memory_space<hbm>> -> memref<128xi32, #tpu.memory_space<hbm>>
    tpu.wait_dma2 semaphore(%arg11 : memref<!tpu.dma_semaphore, #tpu.memory_space<semaphore_mem>>) src(%dma_wait3A_59 : memref<128xi32, #tpu.memory_space<hbm>>) dst(%dma_wait3A_58 : memref<128xi32, #tpu.memory_space<vmem>>)
    %add3A_60 = arith.constant 0 : i32
    %add3A_61 = arith.addi %add3A_60, %add3A : i32
    %min3A_62 = arith.constant 780 : i32
    %min3A_63 = arith.minsi %add3A_61, %min3A_62 : i32
    %mul3A_64 = arith.constant 128 : i32
    %mul3A_65 = arith.muli %min3A_63, %mul3A_64 : i32
    %multiple_of3A_66 = tpu.assume_multiple %mul3A_65, 128 : i32
    %ge3A = arith.constant 781 : i32
    %ge3A_67 = arith.cmpi sge, %add3A_61, %ge3A : i32
    %convert_element_type3A = arith.extui %ge3A_67 : i1 to i32
    %cond3A = arith.constant 0 : i32
    %cond3A_68 = arith.cmpi ne, %convert_element_type3A, %cond3A : i32
    scf.if %cond3A_68 {
      %swap3A = arith.constant 0 : i32
      %swap3A_1489 = arith.constant 0 : i32
      %swap3A_1490 = tpu.memref_slice %arg8[%swap3A, %swap3A_1489] : memref<3x128xi32, #tpu.memory_space<vmem>> -> memref<1x128xi32, #tpu.memory_space<vmem>>
      %swap3A_1491 = tpu.memref_squeeze %swap3A_1490 : memref<1x128xi32, #tpu.memory_space<vmem>> -> memref<128xi32, #tpu.memory_space<vmem>>
      %swap3A_1492 = arith.constant 0 : index
      %swap3A_1493 = tpu.vector_load %swap3A_1491[%swap3A_1492] {strides = array<i32>} : memref<128xi32, #tpu.memory_space<vmem>>, vector<16xi32>,
      %swap3A_1494 = vector.shape_cast %swap3A_1493 : vector<16xi32> to vector<16xi32>
      %swap3A_1495 = vector.shape_cast %broadcast_in_dim3A_3 : vector<16xi32> to vector<16xi32>
      tpu.vector_store %swap3A_1491[%swap3A_1492], %swap3A_1495 {strides = array<i32>} : memref<128xi32, #tpu.memory_space<vmem>>, vector<16xi32>,
      %swap3A_1496 = arith.constant 0 : i32
      %swap3A_1497 = arith.constant 0 : i32
      %swap3A_1498 = tpu.memref_slice %arg8[%swap3A_1496, %swap3A_1497] : memref<3x128xi32, #tpu.memory_space<vmem>> -> memref<1x128xi32, #tpu.memory_space<vmem>>
      %swap3A_1499 = tpu.memref_squeeze %swap3A_1498 : memref<1x128xi32, #tpu.memory_space<vmem>> -> memref<128xi32, #tpu.memory_space<vmem>>
      %swap3A_1500 = arith.constant 16 : index
      %swap3A_1501 = tpu.vector_load %swap3A_1499[%swap3A_1500] {strides = array<i32>} : memref<128xi32, #tpu.memory_space<vmem>>, vector<16xi32>,
      %swap3A_1502 = vector.shape_cast %swap3A_1501 : vector<16xi32> to vector<16xi32>
      %swap3A_1503 = vector.shape_cast %broadcast_in_dim3A_3 : vector<16xi32> to vector<16xi32>
      tpu.vector_store %swap3A_1499[%swap3A_1500], %swap3A_1503 {strides = array<i32>} : memref<128xi32, #tpu.memory_space<vmem>>, vector<16xi32>,
      %swap3A_1504 = arith.constant 0 : i32
      %swap3A_1505 = arith.constant 0 : i32
      %swap3A_1506 = tpu.memref_slice %arg8[%swap3A_1504, %swap3A_1505] : memref<3x128xi32, #tpu.memory_space<vmem>> -> memref<1x128xi32, #tpu.memory_space<vmem>>
      %swap3A_1507 = tpu.memref_squeeze %swap3A_1506 : memref<1x128xi32, #tpu.memory_space<vmem>> -> memref<128xi32, #tpu.memory_space<vmem>>
      %swap3A_1508 = arith.constant 32 : index
      %swap3A_1509 = tpu.vector_load %swap3A_1507[%swap3A_1508] {strides = array<i32>} : memref<128xi32, #tpu.memory_space<vmem>>, vector<16xi32>,
      %swap3A_1510 = vector.shape_cast %swap3A_1509 : vector<16xi32> to vector<16xi32>
      %swap3A_1511 = vector.shape_cast %broadcast_in_dim3A_3 : vector<16xi32> to vector<16xi32>
      tpu.vector_store %swap3A_1507[%swap3A_1508], %swap3A_1511 {strides = array<i32>} : memref<128xi32, #tpu.memory_space<vmem>>, vector<16xi32>,
      %swap3A_1512 = arith.constant 0 : i32
      %swap3A_1513 = arith.constant 0 : i32
      %swap3A_1514 = tpu.memref_slice %arg8[%swap3A_1512, %swap3A_1513] : memref<3x128xi32, #tpu.memory_space<vmem>> -> memref<1x128xi32, #tpu.memory_space<vmem>>
      %swap3A_1515 = tpu.memref_squeeze %swap3A_1514 : memref<1x128xi32, #tpu.memory_space<vmem>> -> memref<128xi32, #tpu.memory_space<vmem>>
      %swap3A_1516 = arith.constant 48 : index
      %swap3A_1517 = tpu.vector_load %swap3A_1515[%swap3A_1516] {strides = array<i32>} : memref<128xi32, #tpu.memory_space<vmem>>, vector<16xi32>,
      %swap3A_1518 = vector.shape_cast %swap3A_1517 : vector<16xi32> to vector<16xi32>
      %swap3A_1519 = vector.shape_cast %broadcast_in_dim3A_3 : vector<16xi32> to vector<16xi32>
      tpu.vector_store %swap3A_1515[%swap3A_1516], %swap3A_1519 {strides = array<i32>} : memref<128xi32, #tpu.memory_space<vmem>>, vector<16xi32>,
      %swap3A_1520 = arith.constant 0 : i32
      %swap3A_1521 = arith.constant 0 : i32
      %swap3A_1522 = tpu.memref_slice %arg8[%swap3A_1520, %swap3A_1521] : memref<3x128xi32, #tpu.memory_space<vmem>> -> memref<1x128xi32, #tpu.memory_space<vmem>>
      %swap3A_1523 = tpu.memref_squeeze %swap3A_1522 : memref<1x128xi32, #tpu.memory_space<vmem>> -> memref<128xi32, #tpu.memory_space<vmem>>
      %swap3A_1524 = arith.constant 64 : index
      %swap3A_1525 = tpu.vector_load %swap3A_1523[%swap3A_1524] {strides = array<i32>} : memref<128xi32, #tpu.memory_space<vmem>>, vector<16xi32>,
      %swap3A_1526 = vector.shape_cast %swap3A_1525 : vector<16xi32> to vector<16xi32>
      %swap3A_1527 = vector.shape_cast %broadcast_in_dim3A_3 : vector<16xi32> to vector<16xi32>
      tpu.vector_store %swap3A_1523[%swap3A_1524], %swap3A_1527 {strides = array<i32>} : memref<128xi32, #tpu.memory_space<vmem>>, vector<16xi32>,
      %swap3A_1528 = arith.constant 0 : i32
      %swap3A_1529 = arith.constant 0 : i32
      %swap3A_1530 = tpu.memref_slice %arg8[%swap3A_1528, %swap3A_1529] : memref<3x128xi32, #tpu.memory_space<vmem>> -> memref<1x128xi32, #tpu.memory_space<vmem>>
      %swap3A_1531 = tpu.memref_squeeze %swap3A_1530 : memref<1x128xi32, #tpu.memory_space<vmem>> -> memref<128xi32, #tpu.memory_space<vmem>>
      %swap3A_1532 = arith.constant 80 : index
      %swap3A_1533 = tpu.vector_load %swap3A_1531[%swap3A_1532] {strides = array<i32>} : memref<128xi32, #tpu.memory_space<vmem>>, vector<16xi32>,
      %swap3A_1534 = vector.shape_cast %swap3A_1533 : vector<16xi32> to vector<16xi32>
      %swap3A_1535 = vector.shape_cast %broadcast_in_dim3A_3 : vector<16xi32> to vector<16xi32>
      tpu.vector_store %swap3A_1531[%swap3A_1532], %swap3A_1535 {strides = array<i32>} : memref<128xi32, #tpu.memory_space<vmem>>, vector<16xi32>,
      %swap3A_1536 = arith.constant 0 : i32
      %swap3A_1537 = arith.constant 0 : i32
      %swap3A_1538 = tpu.memref_slice %arg8[%swap3A_1536, %swap3A_1537] : memref<3x128xi32, #tpu.memory_space<vmem>> -> memref<1x128xi32, #tpu.memory_space<vmem>>
      %swap3A_1539 = tpu.memref_squeeze %swap3A_1538 : memref<1x128xi32, #tpu.memory_space<vmem>> -> memref<128xi32, #tpu.memory_space<vmem>>
      %swap3A_1540 = arith.constant 96 : index
      %swap3A_1541 = tpu.vector_load %swap3A_1539[%swap3A_1540] {strides = array<i32>} : memref<128xi32, #tpu.memory_space<vmem>>, vector<16xi32>,
      %swap3A_1542 = vector.shape_cast %swap3A_1541 : vector<16xi32> to vector<16xi32>
      %swap3A_1543 = vector.shape_cast %broadcast_in_dim3A_3 : vector<16xi32> to vector<16xi32>
      tpu.vector_store %swap3A_1539[%swap3A_1540], %swap3A_1543 {strides = array<i32>} : memref<128xi32, #tpu.memory_space<vmem>>, vector<16xi32>,
      %swap3A_1544 = arith.constant 0 : i32
      %swap3A_1545 = arith.constant 0 : i32
      %swap3A_1546 = tpu.memref_slice %arg8[%swap3A_1544, %swap3A_1545] : memref<3x128xi32, #tpu.memory_space<vmem>> -> memref<1x128xi32, #tpu.memory_space<vmem>>
      %swap3A_1547 = tpu.memref_squeeze %swap3A_1546 : memref<1x128xi32, #tpu.memory_space<vmem>> -> memref<128xi32, #tpu.memory_space<vmem>>
      %swap3A_1548 = arith.constant 112 : index
      %swap3A_1549 = tpu.vector_load %swap3A_1547[%swap3A_1548] {strides = array<i32>} : memref<128xi32, #tpu.memory_space<vmem>>, vector<16xi32>,
      %swap3A_1550 = vector.shape_cast %swap3A_1549 : vector<16xi32> to vector<16xi32>
      %swap3A_1551 = vector.shape_cast %broadcast_in_dim3A_3 : vector<16xi32> to vector<16xi32>
      tpu.vector_store %swap3A_1547[%swap3A_1548], %swap3A_1551 {strides = array<i32>} : memref<128xi32, #tpu.memory_space<vmem>>, vector<16xi32>,
    } else {
    }
    %dma_start3A_69 = arith.constant 0 : i32
    %dma_start3A_70 = arith.constant 0 : i32
    %dma_start3A_71 = tpu.memref_slice %arg8[%dma_start3A_69, %dma_start3A_70] : memref<3x128xi32, #tpu.memory_space<vmem>> -> memref<1x128xi32, #tpu.memory_space<vmem>>
    %dma_start3A_72 = tpu.memref_squeeze %dma_start3A_71 : memref<1x128xi32, #tpu.memory_space<vmem>> -> memref<128xi32, #tpu.memory_space<vmem>>
    %dma_start3A_73 = arith.constant 0 : i32
    %dma_start3A_74 = arith.constant 0 : i32
    %dma_start3A_75 = tpu.memref_slice %arg10[%dma_start3A_73, %dma_start3A_74] : memref<520x128xf32, #tpu.memory_space<vmem_shared>> -> memref<520x128xf32, #tpu.memory_space<vmem_shared>>
    tpu.enqueue_indirect_dma source(%arg5 : memref<128x128xf32, #tpu.memory_space<vmem>>) target(%dma_start3A_75 : memref<520x128xf32, #tpu.memory_space<vmem_shared>>) offsets(%dma_start3A_72 : memref<128xi32, #tpu.memory_space<vmem>>) semaphore(%arg14 : memref<!tpu.dma_semaphore, #tpu.memory_space<semaphore_mem>>) {add = true}
    %add3A_76 = arith.constant 64 : i32
    %add3A_77 = arith.addi %add3A_76, %add3A : i32
    %min3A_78 = arith.constant 780 : i32
    %min3A_79 = arith.minsi %add3A_77, %min3A_78 : i32
    %mul3A_80 = arith.constant 128 : i32
    %mul3A_81 = arith.muli %min3A_79, %mul3A_80 : i32
    %multiple_of3A_82 = tpu.assume_multiple %mul3A_81, 128 : i32
    %dma_start3A_83 = arith.constant 0 : i32
    %dma_start3A_84 = tpu.memref_slice %arg2[%multiple_of3A_82, %dma_start3A_83] : memref<100000x128xf32, #tpu.memory_space<hbm>> -> memref<128x128xf32, #tpu.memory_space<hbm>>
    %dma_start3A_85 = arith.constant 0 : i32
    %dma_start3A_86 = tpu.memref_slice %arg2[%multiple_of3A_82, %dma_start3A_85] : memref<100000x128xf32, #tpu.memory_space<hbm>> -> memref<128x128xf32, #tpu.memory_space<hbm>>
    tpu.enqueue_dma source(%dma_start3A_86 : memref<128x128xf32, #tpu.memory_space<hbm>>) target(%arg7 : memref<128x128xf32, #tpu.memory_space<vmem>>) target_semaphore(%arg13 : memref<!tpu.dma_semaphore, #tpu.memory_space<semaphore_mem>>)
    %dma_start3A_87 = arith.constant 2 : i32
    %dma_start3A_88 = arith.constant 0 : i32
    %dma_start3A_89 = tpu.memref_slice %arg8[%dma_start3A_87, %dma_start3A_88] : memref<3x128xi32, #tpu.memory_space<vmem>> -> memref<1x128xi32, #tpu.memory_space<vmem>>
    %dma_start3A_90 = tpu.memref_squeeze %dma_start3A_89 : memref<1x128xi32, #tpu.memory_space<vmem>> -> memref<128xi32, #tpu.memory_space<vmem>>
    %dma_start3A_91 = tpu.memref_slice %arg3[%multiple_of3A_82] : memref<100000xi32, #tpu.memory_space<hbm>> -> memref<128xi32, #tpu.memory_space<hbm>>
    %dma_start3A_92 = arith.constant 0 : i32
    %dma_start3A_93 = tpu.memref_slice %arg8[%dma_start3A_87, %dma_start3A_92] : memref<3x128xi32, #tpu.memory_space<vmem>> -> memref<1x128xi32, #tpu.memory_space<vmem>>
    %dma_start3A_94 = tpu.memref_squeeze %dma_start3A_93 : memref<1x128xi32, #tpu.memory_space<vmem>> -> memref<128xi32, #tpu.memory_space<vmem>>
    %dma_start3A_95 = tpu.memref_slice %arg3[%multiple_of3A_82] : memref<100000xi32, #tpu.memory_space<hbm>> -> memref<128xi32, #tpu.memory_space<hbm>>
    tpu.enqueue_dma source(%dma_start3A_95 : memref<128xi32, #tpu.memory_space<hbm>>) target(%dma_start3A_94 : memref<128xi32, #tpu.memory_space<vmem>>) target_semaphore(%arg13 : memref<!tpu.dma_semaphore, #tpu.memory_space<semaphore_mem>>)
    %dma_wait3A_96 = arith.constant 0 : i32
    %dma_wait3A_97 = tpu.memref_slice %arg2[%multiple_of3A_34, %dma_wait3A_96] : memref<100000x128xf32, #tpu.memory_space<hbm>> -> memref<128x128xf32, #tpu.memory_space<hbm>>
    %dma_wait3A_98 = arith.constant 0 : i32
    %dma_wait3A_99 = tpu.memref_slice %arg2[%multiple_of3A_34, %dma_wait3A_98] : memref<100000x128xf32, #tpu.memory_space<hbm>> -> memref<128x128xf32, #tpu.memory_space<hbm>>
    tpu.wait_dma2 semaphore(%arg12 : memref<!tpu.dma_semaphore, #tpu.memory_space<semaphore_mem>>) src(%dma_wait3A_99 : memref<128x128xf32, #tpu.memory_space<hbm>>) dst(%arg6 : memref<128x128xf32, #tpu.memory_space<vmem>>)
    %dma_wait3A_100 = arith.constant 1 : i32
    %dma_wait3A_101 = arith.constant 0 : i32
    %dma_wait3A_102 = tpu.memref_slice %arg8[%dma_wait3A_100, %dma_wait3A_101] : memref<3x128xi32, #tpu.memory_space<vmem>> -> memref<1x128xi32, #tpu.memory_space<vmem>>
    %dma_wait3A_103 = tpu.memref_squeeze %dma_wait3A_102 : memref<1x128xi32, #tpu.memory_space<vmem>> -> memref<128xi32, #tpu.memory_space<vmem>>
    %dma_wait3A_104 = tpu.memref_slice %arg3[%multiple_of3A_34] : memref<100000xi32, #tpu.memory_space<hbm>> -> memref<128xi32, #tpu.memory_space<hbm>>
    %dma_wait3A_105 = arith.constant 0 : i32
    %dma_wait3A_106 = tpu.memref_slice %arg8[%dma_wait3A_100, %dma_wait3A_105] : memref<3x128xi32, #tpu.memory_space<vmem>> -> memref<1x128xi32, #tpu.memory_space<vmem>>
    %dma_wait3A_107 = tpu.memref_squeeze %dma_wait3A_106 : memref<1x128xi32, #tpu.memory_space<vmem>> -> memref<128xi32, #tpu.memory_space<vmem>>
    %dma_wait3A_108 = tpu.memref_slice %arg3[%multiple_of3A_34] : memref<100000xi32, #tpu.memory_space<hbm>> -> memref<128xi32, #tpu.memory_space<hbm>>
    tpu.wait_dma2 semaphore(%arg12 : memref<!tpu.dma_semaphore, #tpu.memory_space<semaphore_mem>>) src(%dma_wait3A_108 : memref<128xi32, #tpu.memory_space<hbm>>) dst(%dma_wait3A_107 : memref<128xi32, #tpu.memory_space<vmem>>)
    %add3A_109 = arith.constant 32 : i32
    %add3A_110 = arith.addi %add3A_109, %add3A : i32
    %min3A_111 = arith.constant 780 : i32
    %min3A_112 = arith.minsi %add3A_110, %min3A_111 : i32
    %mul3A_113 = arith.constant 128 : i32
    %mul3A_114 = arith.muli %min3A_112, %mul3A_113 : i32
    %multiple_of3A_115 = tpu.assume_multiple %mul3A_114, 128 : i32
    %ge3A_116 = arith.constant 781 : i32
    %ge3A_117 = arith.cmpi sge, %add3A_110, %ge3A_116 : i32
    %convert_element_type3A_118 = arith.extui %ge3A_117 : i1 to i32
    %cond3A_119 = arith.constant 0 : i32
    %cond3A_120 = arith.cmpi ne, %convert_element_type3A_118, %cond3A_119 : i32
    scf.if %cond3A_120 {
      %swap3A = arith.constant 1 : i32
      %swap3A_1489 = arith.constant 0 : i32
      %swap3A_1490 = tpu.memref_slice %arg8[%swap3A, %swap3A_1489] : memref<3x128xi32, #tpu.memory_space<vmem>> -> memref<1x128xi32, #tpu.memory_space<vmem>>
      %swap3A_1491 = tpu.memref_squeeze %swap3A_1490 : memref<1x128xi32, #tpu.memory_space<vmem>> -> memref<128xi32, #tpu.memory_space<vmem>>
      %swap3A_1492 = arith.constant 0 : index
      %swap3A_1493 = tpu.vector_load %swap3A_1491[%swap3A_1492] {strides = array<i32>} : memref<128xi32, #tpu.memory_space<vmem>>, vector<16xi32>,
      %swap3A_1494 = vector.shape_cast %swap3A_1493 : vector<16xi32> to vector<16xi32>
      %swap3A_1495 = vector.shape_cast %broadcast_in_dim3A_3 : vector<16xi32> to vector<16xi32>
      tpu.vector_store %swap3A_1491[%swap3A_1492], %swap3A_1495 {strides = array<i32>} : memref<128xi32, #tpu.memory_space<vmem>>, vector<16xi32>,
      %swap3A_1496 = arith.constant 1 : i32
      %swap3A_1497 = arith.constant 0 : i32
      %swap3A_1498 = tpu.memref_slice %arg8[%swap3A_1496, %swap3A_1497] : memref<3x128xi32, #tpu.memory_space<vmem>> -> memref<1x128xi32, #tpu.memory_space<vmem>>
      %swap3A_1499 = tpu.memref_squeeze %swap3A_1498 : memref<1x128xi32, #tpu.memory_space<vmem>> -> memref<128xi32, #tpu.memory_space<vmem>>
      %swap3A_1500 = arith.constant 16 : index
      %swap3A_1501 = tpu.vector_load %swap3A_1499[%swap3A_1500] {strides = array<i32>} : memref<128xi32, #tpu.memory_space<vmem>>, vector<16xi32>,
      %swap3A_1502 = vector.shape_cast %swap3A_1501 : vector<16xi32> to vector<16xi32>
      %swap3A_1503 = vector.shape_cast %broadcast_in_dim3A_3 : vector<16xi32> to vector<16xi32>
      tpu.vector_store %swap3A_1499[%swap3A_1500], %swap3A_1503 {strides = array<i32>} : memref<128xi32, #tpu.memory_space<vmem>>, vector<16xi32>,
      %swap3A_1504 = arith.constant 1 : i32
      %swap3A_1505 = arith.constant 0 : i32
      %swap3A_1506 = tpu.memref_slice %arg8[%swap3A_1504, %swap3A_1505] : memref<3x128xi32, #tpu.memory_space<vmem>> -> memref<1x128xi32, #tpu.memory_space<vmem>>
      %swap3A_1507 = tpu.memref_squeeze %swap3A_1506 : memref<1x128xi32, #tpu.memory_space<vmem>> -> memref<128xi32, #tpu.memory_space<vmem>>
      %swap3A_1508 = arith.constant 32 : index
      %swap3A_1509 = tpu.vector_load %swap3A_1507[%swap3A_1508] {strides = array<i32>} : memref<128xi32, #tpu.memory_space<vmem>>, vector<16xi32>,
      %swap3A_1510 = vector.shape_cast %swap3A_1509 : vector<16xi32> to vector<16xi32>
      %swap3A_1511 = vector.shape_cast %broadcast_in_dim3A_3 : vector<16xi32> to vector<16xi32>
      tpu.vector_store %swap3A_1507[%swap3A_1508], %swap3A_1511 {strides = array<i32>} : memref<128xi32, #tpu.memory_space<vmem>>, vector<16xi32>,
      %swap3A_1512 = arith.constant 1 : i32
      %swap3A_1513 = arith.constant 0 : i32
      %swap3A_1514 = tpu.memref_slice %arg8[%swap3A_1512, %swap3A_1513] : memref<3x128xi32, #tpu.memory_space<vmem>> -> memref<1x128xi32, #tpu.memory_space<vmem>>
      %swap3A_1515 = tpu.memref_squeeze %swap3A_1514 : memref<1x128xi32, #tpu.memory_space<vmem>> -> memref<128xi32, #tpu.memory_space<vmem>>
      %swap3A_1516 = arith.constant 48 : index
      %swap3A_1517 = tpu.vector_load %swap3A_1515[%swap3A_1516] {strides = array<i32>} : memref<128xi32, #tpu.memory_space<vmem>>, vector<16xi32>,
      %swap3A_1518 = vector.shape_cast %swap3A_1517 : vector<16xi32> to vector<16xi32>
      %swap3A_1519 = vector.shape_cast %broadcast_in_dim3A_3 : vector<16xi32> to vector<16xi32>
      tpu.vector_store %swap3A_1515[%swap3A_1516], %swap3A_1519 {strides = array<i32>} : memref<128xi32, #tpu.memory_space<vmem>>, vector<16xi32>,
      %swap3A_1520 = arith.constant 1 : i32
      %swap3A_1521 = arith.constant 0 : i32
      %swap3A_1522 = tpu.memref_slice %arg8[%swap3A_1520, %swap3A_1521] : memref<3x128xi32, #tpu.memory_space<vmem>> -> memref<1x128xi32, #tpu.memory_space<vmem>>
      %swap3A_1523 = tpu.memref_squeeze %swap3A_1522 : memref<1x128xi32, #tpu.memory_space<vmem>> -> memref<128xi32, #tpu.memory_space<vmem>>
      %swap3A_1524 = arith.constant 64 : index
      %swap3A_1525 = tpu.vector_load %swap3A_1523[%swap3A_1524] {strides = array<i32>} : memref<128xi32, #tpu.memory_space<vmem>>, vector<16xi32>,
      %swap3A_1526 = vector.shape_cast %swap3A_1525 : vector<16xi32> to vector<16xi32>
      %swap3A_1527 = vector.shape_cast %broadcast_in_dim3A_3 : vector<16xi32> to vector<16xi32>
      tpu.vector_store %swap3A_1523[%swap3A_1524], %swap3A_1527 {strides = array<i32>} : memref<128xi32, #tpu.memory_space<vmem>>, vector<16xi32>,
      %swap3A_1528 = arith.constant 1 : i32
      %swap3A_1529 = arith.constant 0 : i32
      %swap3A_1530 = tpu.memref_slice %arg8[%swap3A_1528, %swap3A_1529] : memref<3x128xi32, #tpu.memory_space<vmem>> -> memref<1x128xi32, #tpu.memory_space<vmem>>
      %swap3A_1531 = tpu.memref_squeeze %swap3A_1530 : memref<1x128xi32, #tpu.memory_space<vmem>> -> memref<128xi32, #tpu.memory_space<vmem>>
      %swap3A_1532 = arith.constant 80 : index
      %swap3A_1533 = tpu.vector_load %swap3A_1531[%swap3A_1532] {strides = array<i32>} : memref<128xi32, #tpu.memory_space<vmem>>, vector<16xi32>,
      %swap3A_1534 = vector.shape_cast %swap3A_1533 : vector<16xi32> to vector<16xi32>
      %swap3A_1535 = vector.shape_cast %broadcast_in_dim3A_3 : vector<16xi32> to vector<16xi32>
      tpu.vector_store %swap3A_1531[%swap3A_1532], %swap3A_1535 {strides = array<i32>} : memref<128xi32, #tpu.memory_space<vmem>>, vector<16xi32>,
      %swap3A_1536 = arith.constant 1 : i32
      %swap3A_1537 = arith.constant 0 : i32
      %swap3A_1538 = tpu.memref_slice %arg8[%swap3A_1536, %swap3A_1537] : memref<3x128xi32, #tpu.memory_space<vmem>> -> memref<1x128xi32, #tpu.memory_space<vmem>>
      %swap3A_1539 = tpu.memref_squeeze %swap3A_1538 : memref<1x128xi32, #tpu.memory_space<vmem>> -> memref<128xi32, #tpu.memory_space<vmem>>
      %swap3A_1540 = arith.constant 96 : index
      %swap3A_1541 = tpu.vector_load %swap3A_1539[%swap3A_1540] {strides = array<i32>} : memref<128xi32, #tpu.memory_space<vmem>>, vector<16xi32>,
      %swap3A_1542 = vector.shape_cast %swap3A_1541 : vector<16xi32> to vector<16xi32>
      %swap3A_1543 = vector.shape_cast %broadcast_in_dim3A_3 : vector<16xi32> to vector<16xi32>
      tpu.vector_store %swap3A_1539[%swap3A_1540], %swap3A_1543 {strides = array<i32>} : memref<128xi32, #tpu.memory_space<vmem>>, vector<16xi32>,
      %swap3A_1544 = arith.constant 1 : i32
      %swap3A_1545 = arith.constant 0 : i32
      %swap3A_1546 = tpu.memref_slice %arg8[%swap3A_1544, %swap3A_1545] : memref<3x128xi32, #tpu.memory_space<vmem>> -> memref<1x128xi32, #tpu.memory_space<vmem>>
      %swap3A_1547 = tpu.memref_squeeze %swap3A_1546 : memref<1x128xi32, #tpu.memory_space<vmem>> -> memref<128xi32, #tpu.memory_space<vmem>>
      %swap3A_1548 = arith.constant 112 : index
      %swap3A_1549 = tpu.vector_load %swap3A_1547[%swap3A_1548] {strides = array<i32>} : memref<128xi32, #tpu.memory_space<vmem>>, vector<16xi32>,
      %swap3A_1550 = vector.shape_cast %swap3A_1549 : vector<16xi32> to vector<16xi32>
      %swap3A_1551 = vector.shape_cast %broadcast_in_dim3A_3 : vector<16xi32> to vector<16xi32>
      tpu.vector_store %swap3A_1547[%swap3A_1548], %swap3A_1551 {strides = array<i32>} : memref<128xi32, #tpu.memory_space<vmem>>, vector<16xi32>,
    } else {
    }
    %dma_start3A_121 = arith.constant 1 : i32
    %dma_start3A_122 = arith.constant 0 : i32
    %dma_start3A_123 = tpu.memref_slice %arg8[%dma_start3A_121, %dma_start3A_122] : memref<3x128xi32, #tpu.memory_space<vmem>> -> memref<1x128xi32, #tpu.memory_space<vmem>>
    %dma_start3A_124 = tpu.memref_squeeze %dma_start3A_123 : memref<1x128xi32, #tpu.memory_space<vmem>> -> memref<128xi32, #tpu.memory_space<vmem>>
    %dma_start3A_125 = arith.constant 0 : i32
    %dma_start3A_126 = arith.constant 0 : i32
    %dma_start3A_127 = tpu.memref_slice %arg10[%dma_start3A_125, %dma_start3A_126] : memref<520x128xf32, #tpu.memory_space<vmem_shared>> -> memref<520x128xf32, #tpu.memory_space<vmem_shared>>
    tpu.enqueue_indirect_dma source(%arg6 : memref<128x128xf32, #tpu.memory_space<vmem>>) target(%dma_start3A_127 : memref<520x128xf32, #tpu.memory_space<vmem_shared>>) offsets(%dma_start3A_124 : memref<128xi32, #tpu.memory_space<vmem>>) semaphore(%arg15 : memref<!tpu.dma_semaphore, #tpu.memory_space<semaphore_mem>>) {add = true}
    %dma_wait3A_128 = arith.constant 0 : i32
    %dma_wait3A_129 = arith.constant 0 : i32
    %dma_wait3A_130 = tpu.memref_slice %arg8[%dma_wait3A_128, %dma_wait3A_129] : memref<3x128xi32, #tpu.memory_space<vmem>> -> memref<1x128xi32, #tpu.memory_space<vmem>>
    %dma_wait3A_131 = tpu.memref_squeeze %dma_wait3A_130 : memref<1x128xi32, #tpu.memory_space<vmem>> -> memref<128xi32, #tpu.memory_space<vmem>>
    %dma_wait3A_132 = arith.constant 0 : i32
    %dma_wait3A_133 = arith.constant 0 : i32
    %dma_wait3A_134 = tpu.memref_slice %arg10[%dma_wait3A_132, %dma_wait3A_133] : memref<520x128xf32, #tpu.memory_space<vmem_shared>> -> memref<520x128xf32, #tpu.memory_space<vmem_shared>>
    tpu.wait_indirect_dma semaphore(%arg14 : memref<!tpu.dma_semaphore, #tpu.memory_space<semaphore_mem>>) src(%arg5 : memref<128x128xf32, #tpu.memory_space<vmem>>) dst(%dma_wait3A_134 : memref<520x128xf32, #tpu.memory_space<vmem_shared>>)
    %add3A_135 = arith.constant 96 : i32
    %add3A_136 = arith.addi %add3A_135, %add3A : i32
    %min3A_137 = arith.constant 780 : i32
    %min3A_138 = arith.minsi %add3A_136, %min3A_137 : i32
    %mul3A_139 = arith.constant 128 : i32
    %mul3A_140 = arith.muli %min3A_138, %mul3A_139 : i32
    %multiple_of3A_141 = tpu.assume_multiple %mul3A_140, 128 : i32
    %dma_start3A_142 = arith.constant 0 : i32
    %dma_start3A_143 = tpu.memref_slice %arg2[%multiple_of3A_141, %dma_start3A_142] : memref<100000x128xf32, #tpu.memory_space<hbm>> -> memref<128x128xf32, #tpu.memory_space<hbm>>
    %dma_start3A_144 = arith.constant 0 : i32
    %dma_start3A_145 = tpu.memref_slice %arg2[%multiple_of3A_141, %dma_start3A_144] : memref<100000x128xf32, #tpu.memory_space<hbm>> -> memref<128x128xf32, #tpu.memory_space<hbm>>
    tpu.enqueue_dma source(%dma_start3A_145 : memref<128x128xf32, #tpu.memory_space<hbm>>) target(%arg5 : memref<128x128xf32, #tpu.memory_space<vmem>>) target_semaphore(%arg11 : memref<!tpu.dma_semaphore, #tpu.memory_space<semaphore_mem>>)
    %dma_start3A_146 = arith.constant 0 : i32
    %dma_start3A_147 = arith.constant 0 : i32
    %dma_start3A_148 = tpu.memref_slice %arg8[%dma_start3A_146, %dma_start3A_147] : memref<3x128xi32, #tpu.memory_space<vmem>> -> memref<1x128xi32, #tpu.memory_space<vmem>>
    %dma_start3A_149 = tpu.memref_squeeze %dma_start3A_148 : memref<1x128xi32, #tpu.memory_space<vmem>> -> memref<128xi32, #tpu.memory_space<vmem>>
    %dma_start3A_150 = tpu.memref_slice %arg3[%multiple_of3A_141] : memref<100000xi32, #tpu.memory_space<hbm>> -> memref<128xi32, #tpu.memory_space<hbm>>
    %dma_start3A_151 = arith.constant 0 : i32
    %dma_start3A_152 = tpu.memref_slice %arg8[%dma_start3A_146, %dma_start3A_151] : memref<3x128xi32, #tpu.memory_space<vmem>> -> memref<1x128xi32, #tpu.memory_space<vmem>>
    %dma_start3A_153 = tpu.memref_squeeze %dma_start3A_152 : memref<1x128xi32, #tpu.memory_space<vmem>> -> memref<128xi32, #tpu.memory_space<vmem>>
    %dma_start3A_154 = tpu.memref_slice %arg3[%multiple_of3A_141] : memref<100000xi32, #tpu.memory_space<hbm>> -> memref<128xi32, #tpu.memory_space<hbm>>
    tpu.enqueue_dma source(%dma_start3A_154 : memref<128xi32, #tpu.memory_space<hbm>>) target(%dma_start3A_153 : memref<128xi32, #tpu.memory_space<vmem>>) target_semaphore(%arg11 : memref<!tpu.dma_semaphore, #tpu.memory_space<semaphore_mem>>)
    %dma_wait3A_155 = arith.constant 0 : i32
    %dma_wait3A_156 = tpu.memref_slice %arg2[%multiple_of3A_82, %dma_wait3A_155] : memref<100000x128xf32, #tpu.memory_space<hbm>> -> memref<128x128xf32, #tpu.memory_space<hbm>>
    %dma_wait3A_157 = arith.constant 0 : i32
    %dma_wait3A_158 = tpu.memref_slice %arg2[%multiple_of3A_82, %dma_wait3A_157] : memref<100000x128xf32, #tpu.memory_space<hbm>> -> memref<128x128xf32, #tpu.memory_space<hbm>>
    tpu.wait_dma2 semaphore(%arg13 : memref<!tpu.dma_semaphore, #tpu.memory_space<semaphore_mem>>) src(%dma_wait3A_158 : memref<128x128xf32, #tpu.memory_space<hbm>>) dst(%arg7 : memref<128x128xf32, #tpu.memory_space<vmem>>)
    %dma_wait3A_159 = arith.constant 2 : i32
    %dma_wait3A_160 = arith.constant 0 : i32
    %dma_wait3A_161 = tpu.memref_slice %arg8[%dma_wait3A_159, %dma_wait3A_160] : memref<3x128xi32, #tpu.memory_space<vmem>> -> memref<1x128xi32, #tpu.memory_space<vmem>>
    %dma_wait3A_162 = tpu.memref_squeeze %dma_wait3A_161 : memref<1x128xi32, #tpu.memory_space<vmem>> -> memref<128xi32, #tpu.memory_space<vmem>>
    %dma_wait3A_163 = tpu.memref_slice %arg3[%multiple_of3A_82] : memref<100000xi32, #tpu.memory_space<hbm>> -> memref<128xi32, #tpu.memory_space<hbm>>
    %dma_wait3A_164 = arith.constant 0 : i32
    %dma_wait3A_165 = tpu.memref_slice %arg8[%dma_wait3A_159, %dma_wait3A_164] : memref<3x128xi32, #tpu.memory_space<vmem>> -> memref<1x128xi32, #tpu.memory_space<vmem>>
    %dma_wait3A_166 = tpu.memref_squeeze %dma_wait3A_165 : memref<1x128xi32, #tpu.memory_space<vmem>> -> memref<128xi32, #tpu.memory_space<vmem>>
    %dma_wait3A_167 = tpu.memref_slice %arg3[%multiple_of3A_82] : memref<100000xi32, #tpu.memory_space<hbm>> -> memref<128xi32, #tpu.memory_space<hbm>>
    tpu.wait_dma2 semaphore(%arg13 : memref<!tpu.dma_semaphore, #tpu.memory_space<semaphore_mem>>) src(%dma_wait3A_167 : memref<128xi32, #tpu.memory_space<hbm>>) dst(%dma_wait3A_166 : memref<128xi32, #tpu.memory_space<vmem>>)
    %add3A_168 = arith.constant 64 : i32
    %add3A_169 = arith.addi %add3A_168, %add3A : i32
    %min3A_170 = arith.constant 780 : i32
    %min3A_171 = arith.minsi %add3A_169, %min3A_170 : i32
    %mul3A_172 = arith.constant 128 : i32
    %mul3A_173 = arith.muli %min3A_171, %mul3A_172 : i32
    %multiple_of3A_174 = tpu.assume_multiple %mul3A_173, 128 : i32
    %ge3A_175 = arith.constant 781 : i32
    %ge3A_176 = arith.cmpi sge, %add3A_169, %ge3A_175 : i32
    %convert_element_type3A_177 = arith.extui %ge3A_176 : i1 to i32
    %cond3A_178 = arith.constant 0 : i32
    %cond3A_179 = arith.cmpi ne, %convert_element_type3A_177, %cond3A_178 : i32
    scf.if %cond3A_179 {
      %swap3A = arith.constant 2 : i32
      %swap3A_1489 = arith.constant 0 : i32
      %swap3A_1490 = tpu.memref_slice %arg8[%swap3A, %swap3A_1489] : memref<3x128xi32, #tpu.memory_space<vmem>> -> memref<1x128xi32, #tpu.memory_space<vmem>>
      %swap3A_1491 = tpu.memref_squeeze %swap3A_1490 : memref<1x128xi32, #tpu.memory_space<vmem>> -> memref<128xi32, #tpu.memory_space<vmem>>
      %swap3A_1492 = arith.constant 0 : index
      %swap3A_1493 = tpu.vector_load %swap3A_1491[%swap3A_1492] {strides = array<i32>} : memref<128xi32, #tpu.memory_space<vmem>>, vector<16xi32>,
      %swap3A_1494 = vector.shape_cast %swap3A_1493 : vector<16xi32> to vector<16xi32>
      %swap3A_1495 = vector.shape_cast %broadcast_in_dim3A_3 : vector<16xi32> to vector<16xi32>
      tpu.vector_store %swap3A_1491[%swap3A_1492], %swap3A_1495 {strides = array<i32>} : memref<128xi32, #tpu.memory_space<vmem>>, vector<16xi32>,
      %swap3A_1496 = arith.constant 2 : i32
      %swap3A_1497 = arith.constant 0 : i32
      %swap3A_1498 = tpu.memref_slice %arg8[%swap3A_1496, %swap3A_1497] : memref<3x128xi32, #tpu.memory_space<vmem>> -> memref<1x128xi32, #tpu.memory_space<vmem>>
      %swap3A_1499 = tpu.memref_squeeze %swap3A_1498 : memref<1x128xi32, #tpu.memory_space<vmem>> -> memref<128xi32, #tpu.memory_space<vmem>>
      %swap3A_1500 = arith.constant 16 : index
      %swap3A_1501 = tpu.vector_load %swap3A_1499[%swap3A_1500] {strides = array<i32>} : memref<128xi32, #tpu.memory_space<vmem>>, vector<16xi32>,
      %swap3A_1502 = vector.shape_cast %swap3A_1501 : vector<16xi32> to vector<16xi32>
      %swap3A_1503 = vector.shape_cast %broadcast_in_dim3A_3 : vector<16xi32> to vector<16xi32>
      tpu.vector_store %swap3A_1499[%swap3A_1500], %swap3A_1503 {strides = array<i32>} : memref<128xi32, #tpu.memory_space<vmem>>, vector<16xi32>,
      %swap3A_1504 = arith.constant 2 : i32
      %swap3A_1505 = arith.constant 0 : i32
      %swap3A_1506 = tpu.memref_slice %arg8[%swap3A_1504, %swap3A_1505] : memref<3x128xi32, #tpu.memory_space<vmem>> -> memref<1x128xi32, #tpu.memory_space<vmem>>
      %swap3A_1507 = tpu.memref_squeeze %swap3A_1506 : memref<1x128xi32, #tpu.memory_space<vmem>> -> memref<128xi32, #tpu.memory_space<vmem>>
      %swap3A_1508 = arith.constant 32 : index
      %swap3A_1509 = tpu.vector_load %swap3A_1507[%swap3A_1508] {strides = array<i32>} : memref<128xi32, #tpu.memory_space<vmem>>, vector<16xi32>,
      %swap3A_1510 = vector.shape_cast %swap3A_1509 : vector<16xi32> to vector<16xi32>
      %swap3A_1511 = vector.shape_cast %broadcast_in_dim3A_3 : vector<16xi32> to vector<16xi32>
      tpu.vector_store %swap3A_1507[%swap3A_1508], %swap3A_1511 {strides = array<i32>} : memref<128xi32, #tpu.memory_space<vmem>>, vector<16xi32>,
      %swap3A_1512 = arith.constant 2 : i32
      %swap3A_1513 = arith.constant 0 : i32
      %swap3A_1514 = tpu.memref_slice %arg8[%swap3A_1512, %swap3A_1513] : memref<3x128xi32, #tpu.memory_space<vmem>> -> memref<1x128xi32, #tpu.memory_space<vmem>>
      %swap3A_1515 = tpu.memref_squeeze %swap3A_1514 : memref<1x128xi32, #tpu.memory_space<vmem>> -> memref<128xi32, #tpu.memory_space<vmem>>
      %swap3A_1516 = arith.constant 48 : index
      %swap3A_1517 = tpu.vector_load %swap3A_1515[%swap3A_1516] {strides = array<i32>} : memref<128xi32, #tpu.memory_space<vmem>>, vector<16xi32>,
      %swap3A_1518 = vector.shape_cast %swap3A_1517 : vector<16xi32> to vector<16xi32>
      %swap3A_1519 = vector.shape_cast %broadcast_in_dim3A_3 : vector<16xi32> to vector<16xi32>
      tpu.vector_store %swap3A_1515[%swap3A_1516], %swap3A_1519 {strides = array<i32>} : memref<128xi32, #tpu.memory_space<vmem>>, vector<16xi32>,
      %swap3A_1520 = arith.constant 2 : i32
      %swap3A_1521 = arith.constant 0 : i32
      %swap3A_1522 = tpu.memref_slice %arg8[%swap3A_1520, %swap3A_1521] : memref<3x128xi32, #tpu.memory_space<vmem>> -> memref<1x128xi32, #tpu.memory_space<vmem>>
      %swap3A_1523 = tpu.memref_squeeze %swap3A_1522 : memref<1x128xi32, #tpu.memory_space<vmem>> -> memref<128xi32, #tpu.memory_space<vmem>>
      %swap3A_1524 = arith.constant 64 : index
      %swap3A_1525 = tpu.vector_load %swap3A_1523[%swap3A_1524] {strides = array<i32>} : memref<128xi32, #tpu.memory_space<vmem>>, vector<16xi32>,
      %swap3A_1526 = vector.shape_cast %swap3A_1525 : vector<16xi32> to vector<16xi32>
      %swap3A_1527 = vector.shape_cast %broadcast_in_dim3A_3 : vector<16xi32> to vector<16xi32>
      tpu.vector_store %swap3A_1523[%swap3A_1524], %swap3A_1527 {strides = array<i32>} : memref<128xi32, #tpu.memory_space<vmem>>, vector<16xi32>,
      %swap3A_1528 = arith.constant 2 : i32
      %swap3A_1529 = arith.constant 0 : i32
      %swap3A_1530 = tpu.memref_slice %arg8[%swap3A_1528, %swap3A_1529] : memref<3x128xi32, #tpu.memory_space<vmem>> -> memref<1x128xi32, #tpu.memory_space<vmem>>
      %swap3A_1531 = tpu.memref_squeeze %swap3A_1530 : memref<1x128xi32, #tpu.memory_space<vmem>> -> memref<128xi32, #tpu.memory_space<vmem>>
      %swap3A_1532 = arith.constant 80 : index
      %swap3A_1533 = tpu.vector_load %swap3A_1531[%swap3A_1532] {strides = array<i32>} : memref<128xi32, #tpu.memory_space<vmem>>, vector<16xi32>,
      %swap3A_1534 = vector.shape_cast %swap3A_1533 : vector<16xi32> to vector<16xi32>
      %swap3A_1535 = vector.shape_cast %broadcast_in_dim3A_3 : vector<16xi32> to vector<16xi32>
      tpu.vector_store %swap3A_1531[%swap3A_1532], %swap3A_1535 {strides = array<i32>} : memref<128xi32, #tpu.memory_space<vmem>>, vector<16xi32>,
      %swap3A_1536 = arith.constant 2 : i32
      %swap3A_1537 = arith.constant 0 : i32
      %swap3A_1538 = tpu.memref_slice %arg8[%swap3A_1536, %swap3A_1537] : memref<3x128xi32, #tpu.memory_space<vmem>> -> memref<1x128xi32, #tpu.memory_space<vmem>>
      %swap3A_1539 = tpu.memref_squeeze %swap3A_1538 : memref<1x128xi32, #tpu.memory_space<vmem>> -> memref<128xi32, #tpu.memory_space<vmem>>
      %swap3A_1540 = arith.constant 96 : index
      %swap3A_1541 = tpu.vector_load %swap3A_1539[%swap3A_1540] {strides = array<i32>} : memref<128xi32, #tpu.memory_space<vmem>>, vector<16xi32>,
      %swap3A_1542 = vector.shape_cast %swap3A_1541 : vector<16xi32> to vector<16xi32>
      %swap3A_1543 = vector.shape_cast %broadcast_in_dim3A_3 : vector<16xi32> to vector<16xi32>
      tpu.vector_store %swap3A_1539[%swap3A_1540], %swap3A_1543 {strides = array<i32>} : memref<128xi32, #tpu.memory_space<vmem>>, vector<16xi32>,
      %swap3A_1544 = arith.constant 2 : i32
      %swap3A_1545 = arith.constant 0 : i32
      %swap3A_1546 = tpu.memref_slice %arg8[%swap3A_1544, %swap3A_1545] : memref<3x128xi32, #tpu.memory_space<vmem>> -> memref<1x128xi32, #tpu.memory_space<vmem>>
      %swap3A_1547 = tpu.memref_squeeze %swap3A_1546 : memref<1x128xi32, #tpu.memory_space<vmem>> -> memref<128xi32, #tpu.memory_space<vmem>>
      %swap3A_1548 = arith.constant 112 : index
      %swap3A_1549 = tpu.vector_load %swap3A_1547[%swap3A_1548] {strides = array<i32>} : memref<128xi32, #tpu.memory_space<vmem>>, vector<16xi32>,
      %swap3A_1550 = vector.shape_cast %swap3A_1549 : vector<16xi32> to vector<16xi32>
      %swap3A_1551 = vector.shape_cast %broadcast_in_dim3A_3 : vector<16xi32> to vector<16xi32>
      tpu.vector_store %swap3A_1547[%swap3A_1548], %swap3A_1551 {strides = array<i32>} : memref<128xi32, #tpu.memory_space<vmem>>, vector<16xi32>,
    } else {
    }
    %dma_start3A_180 = arith.constant 2 : i32
    %dma_start3A_181 = arith.constant 0 : i32
    %dma_start3A_182 = tpu.memref_slice %arg8[%dma_start3A_180, %dma_start3A_181] : memref<3x128xi32, #tpu.memory_space<vmem>> -> memref<1x128xi32, #tpu.memory_space<vmem>>
    %dma_start3A_183 = tpu.memref_squeeze %dma_start3A_182 : memref<1x128xi32, #tpu.memory_space<vmem>> -> memref<128xi32, #tpu.memory_space<vmem>>
    %dma_start3A_184 = arith.constant 0 : i32
    %dma_start3A_185 = arith.constant 0 : i32
    %dma_start3A_186 = tpu.memref_slice %arg10[%dma_start3A_184, %dma_start3A_185] : memref<520x128xf32, #tpu.memory_space<vmem_shared>> -> memref<520x128xf32, #tpu.memory_space<vmem_shared>>
    tpu.enqueue_indirect_dma source(%arg7 : memref<128x128xf32, #tpu.memory_space<vmem>>) target(%dma_start3A_186 : memref<520x128xf32, #tpu.memory_space<vmem_shared>>) offsets(%dma_start3A_183 : memref<128xi32, #tpu.memory_space<vmem>>) semaphore(%arg16 : memref<!tpu.dma_semaphore, #tpu.memory_space<semaphore_mem>>) {add = true}
    %dma_wait3A_187 = arith.constant 1 : i32
    %dma_wait3A_188 = arith.constant 0 : i32
    %dma_wait3A_189 = tpu.memref_slice %arg8[%dma_wait3A_187, %dma_wait3A_188] : memref<3x128xi32, #tpu.memory_space<vmem>> -> memref<1x128xi32, #tpu.memory_space<vmem>>
    %dma_wait3A_190 = tpu.memref_squeeze %dma_wait3A_189 : memref<1x128xi32, #tpu.memory_space<vmem>> -> memref<128xi32, #tpu.memory_space<vmem>>
    %dma_wait3A_191 = arith.constant 0 : i32
    %dma_wait3A_192 = arith.constant 0 : i32
    %dma_wait3A_193 = tpu.memref_slice %arg10[%dma_wait3A_191, %dma_wait3A_192] : memref<520x128xf32, #tpu.memory_space<vmem_shared>> -> memref<520x128xf32, #tpu.memory_space<vmem_shared>>
    tpu.wait_indirect_dma semaphore(%arg15 : memref<!tpu.dma_semaphore, #tpu.memory_space<semaphore_mem>>) src(%arg6 : memref<128x128xf32, #tpu.memory_space<vmem>>) dst(%dma_wait3A_193 : memref<520x128xf32, #tpu.memory_space<vmem_shared>>)
    %add3A_194 = arith.constant 128 : i32
    %add3A_195 = arith.addi %add3A_194, %add3A : i32
    %min3A_196 = arith.constant 780 : i32
    %min3A_197 = arith.minsi %add3A_195, %min3A_196 : i32
    %mul3A_198 = arith.constant 128 : i32
    %mul3A_199 = arith.muli %min3A_197, %mul3A_198 : i32
    %multiple_of3A_200 = tpu.assume_multiple %mul3A_199, 128 : i32
    %dma_start3A_201 = arith.constant 0 : i32
    %dma_start3A_202 = tpu.memref_slice %arg2[%multiple_of3A_200, %dma_start3A_201] : memref<100000x128xf32, #tpu.memory_space<hbm>> -> memref<128x128xf32, #tpu.memory_space<hbm>>
    %dma_start3A_203 = arith.constant 0 : i32
    %dma_start3A_204 = tpu.memref_slice %arg2[%multiple_of3A_200, %dma_start3A_203] : memref<100000x128xf32, #tpu.memory_space<hbm>> -> memref<128x128xf32, #tpu.memory_space<hbm>>
    tpu.enqueue_dma source(%dma_start3A_204 : memref<128x128xf32, #tpu.memory_space<hbm>>) target(%arg6 : memref<128x128xf32, #tpu.memory_space<vmem>>) target_semaphore(%arg12 : memref<!tpu.dma_semaphore, #tpu.memory_space<semaphore_mem>>)
    %dma_start3A_205 = arith.constant 1 : i32
    %dma_start3A_206 = arith.constant 0 : i32
    %dma_start3A_207 = tpu.memref_slice %arg8[%dma_start3A_205, %dma_start3A_206] : memref<3x128xi32, #tpu.memory_space<vmem>> -> memref<1x128xi32, #tpu.memory_space<vmem>>
    %dma_start3A_208 = tpu.memref_squeeze %dma_start3A_207 : memref<1x128xi32, #tpu.memory_space<vmem>> -> memref<128xi32, #tpu.memory_space<vmem>>
    %dma_start3A_209 = tpu.memref_slice %arg3[%multiple_of3A_200] : memref<100000xi32, #tpu.memory_space<hbm>> -> memref<128xi32, #tpu.memory_space<hbm>>
    %dma_start3A_210 = arith.constant 0 : i32
    %dma_start3A_211 = tpu.memref_slice %arg8[%dma_start3A_205, %dma_start3A_210] : memref<3x128xi32, #tpu.memory_space<vmem>> -> memref<1x128xi32, #tpu.memory_space<vmem>>
    %dma_start3A_212 = tpu.memref_squeeze %dma_start3A_211 : memref<1x128xi32, #tpu.memory_space<vmem>> -> memref<128xi32, #tpu.memory_space<vmem>>
    %dma_start3A_213 = tpu.memref_slice %arg3[%multiple_of3A_200] : memref<100000xi32, #tpu.memory_space<hbm>> -> memref<128xi32, #tpu.memory_space<hbm>>
    tpu.enqueue_dma source(%dma_start3A_213 : memref<128xi32, #tpu.memory_space<hbm>>) target(%dma_start3A_212 : memref<128xi32, #tpu.memory_space<vmem>>) target_semaphore(%arg12 : memref<!tpu.dma_semaphore, #tpu.memory_space<semaphore_mem>>)
    %dma_wait3A_214 = arith.constant 0 : i32
    %dma_wait3A_215 = tpu.memref_slice %arg2[%multiple_of3A_141, %dma_wait3A_214] : memref<100000x128xf32, #tpu.memory_space<hbm>> -> memref<128x128xf32, #tpu.memory_space<hbm>>
    %dma_wait3A_216 = arith.constant 0 : i32
    %dma_wait3A_217 = tpu.memref_slice %arg2[%multiple_of3A_141, %dma_wait3A_216] : memref<100000x128xf32, #tpu.memory_space<hbm>> -> memref<128x128xf32, #tpu.memory_space<hbm>>
    tpu.wait_dma2 semaphore(%arg11 : memref<!tpu.dma_semaphore, #tpu.memory_space<semaphore_mem>>) src(%dma_wait3A_217 : memref<128x128xf32, #tpu.memory_space<hbm>>) dst(%arg5 : memref<128x128xf32, #tpu.memory_space<vmem>>)
    %dma_wait3A_218 = arith.constant 0 : i32
    %dma_wait3A_219 = arith.constant 0 : i32
    %dma_wait3A_220 = tpu.memref_slice %arg8[%dma_wait3A_218, %dma_wait3A_219] : memref<3x128xi32, #tpu.memory_space<vmem>> -> memref<1x128xi32, #tpu.memory_space<vmem>>
    %dma_wait3A_221 = tpu.memref_squeeze %dma_wait3A_220 : memref<1x128xi32, #tpu.memory_space<vmem>> -> memref<128xi32, #tpu.memory_space<vmem>>
    %dma_wait3A_222 = tpu.memref_slice %arg3[%multiple_of3A_141] : memref<100000xi32, #tpu.memory_space<hbm>> -> memref<128xi32, #tpu.memory_space<hbm>>
    %dma_wait3A_223 = arith.constant 0 : i32
    %dma_wait3A_224 = tpu.memref_slice %arg8[%dma_wait3A_218, %dma_wait3A_223] : memref<3x128xi32, #tpu.memory_space<vmem>> -> memref<1x128xi32, #tpu.memory_space<vmem>>
    %dma_wait3A_225 = tpu.memref_squeeze %dma_wait3A_224 : memref<1x128xi32, #tpu.memory_space<vmem>> -> memref<128xi32, #tpu.memory_space<vmem>>
    %dma_wait3A_226 = tpu.memref_slice %arg3[%multiple_of3A_141] : memref<100000xi32, #tpu.memory_space<hbm>> -> memref<128xi32, #tpu.memory_space<hbm>>
    tpu.wait_dma2 semaphore(%arg11 : memref<!tpu.dma_semaphore, #tpu.memory_space<semaphore_mem>>) src(%dma_wait3A_226 : memref<128xi32, #tpu.memory_space<hbm>>) dst(%dma_wait3A_225 : memref<128xi32, #tpu.memory_space<vmem>>)
    %add3A_227 = arith.constant 96 : i32
    %add3A_228 = arith.addi %add3A_227, %add3A : i32
    %min3A_229 = arith.constant 780 : i32
    %min3A_230 = arith.minsi %add3A_228, %min3A_229 : i32
    %mul3A_231 = arith.constant 128 : i32
    %mul3A_232 = arith.muli %min3A_230, %mul3A_231 : i32
    %multiple_of3A_233 = tpu.assume_multiple %mul3A_232, 128 : i32
    %ge3A_234 = arith.constant 781 : i32
    %ge3A_235 = arith.cmpi sge, %add3A_228, %ge3A_234 : i32
    %convert_element_type3A_236 = arith.extui %ge3A_235 : i1 to i32
    %cond3A_237 = arith.constant 0 : i32
    %cond3A_238 = arith.cmpi ne, %convert_element_type3A_236, %cond3A_237 : i32
    scf.if %cond3A_238 {
      %swap3A = arith.constant 0 : i32
      %swap3A_1489 = arith.constant 0 : i32
      %swap3A_1490 = tpu.memref_slice %arg8[%swap3A, %swap3A_1489] : memref<3x128xi32, #tpu.memory_space<vmem>> -> memref<1x128xi32, #tpu.memory_space<vmem>>
      %swap3A_1491 = tpu.memref_squeeze %swap3A_1490 : memref<1x128xi32, #tpu.memory_space<vmem>> -> memref<128xi32, #tpu.memory_space<vmem>>
      %swap3A_1492 = arith.constant 0 : index
      %swap3A_1493 = tpu.vector_load %swap3A_1491[%swap3A_1492] {strides = array<i32>} : memref<128xi32, #tpu.memory_space<vmem>>, vector<16xi32>,
      %swap3A_1494 = vector.shape_cast %swap3A_1493 : vector<16xi32> to vector<16xi32>
      %swap3A_1495 = vector.shape_cast %broadcast_in_dim3A_3 : vector<16xi32> to vector<16xi32>
      tpu.vector_store %swap3A_1491[%swap3A_1492], %swap3A_1495 {strides = array<i32>} : memref<128xi32, #tpu.memory_space<vmem>>, vector<16xi32>,
      %swap3A_1496 = arith.constant 0 : i32
      %swap3A_1497 = arith.constant 0 : i32
      %swap3A_1498 = tpu.memref_slice %arg8[%swap3A_1496, %swap3A_1497] : memref<3x128xi32, #tpu.memory_space<vmem>> -> memref<1x128xi32, #tpu.memory_space<vmem>>
      %swap3A_1499 = tpu.memref_squeeze %swap3A_1498 : memref<1x128xi32, #tpu.memory_space<vmem>> -> memref<128xi32, #tpu.memory_space<vmem>>
      %swap3A_1500 = arith.constant 16 : index
      %swap3A_1501 = tpu.vector_load %swap3A_1499[%swap3A_1500] {strides = array<i32>} : memref<128xi32, #tpu.memory_space<vmem>>, vector<16xi32>,
      %swap3A_1502 = vector.shape_cast %swap3A_1501 : vector<16xi32> to vector<16xi32>
      %swap3A_1503 = vector.shape_cast %broadcast_in_dim3A_3 : vector<16xi32> to vector<16xi32>
      tpu.vector_store %swap3A_1499[%swap3A_1500], %swap3A_1503 {strides = array<i32>} : memref<128xi32, #tpu.memory_space<vmem>>, vector<16xi32>,
      %swap3A_1504 = arith.constant 0 : i32
      %swap3A_1505 = arith.constant 0 : i32
      %swap3A_1506 = tpu.memref_slice %arg8[%swap3A_1504, %swap3A_1505] : memref<3x128xi32, #tpu.memory_space<vmem>> -> memref<1x128xi32, #tpu.memory_space<vmem>>
      %swap3A_1507 = tpu.memref_squeeze %swap3A_1506 : memref<1x128xi32, #tpu.memory_space<vmem>> -> memref<128xi32, #tpu.memory_space<vmem>>
      %swap3A_1508 = arith.constant 32 : index
      %swap3A_1509 = tpu.vector_load %swap3A_1507[%swap3A_1508] {strides = array<i32>} : memref<128xi32, #tpu.memory_space<vmem>>, vector<16xi32>,
      %swap3A_1510 = vector.shape_cast %swap3A_1509 : vector<16xi32> to vector<16xi32>
      %swap3A_1511 = vector.shape_cast %broadcast_in_dim3A_3 : vector<16xi32> to vector<16xi32>
      tpu.vector_store %swap3A_1507[%swap3A_1508], %swap3A_1511 {strides = array<i32>} : memref<128xi32, #tpu.memory_space<vmem>>, vector<16xi32>,
      %swap3A_1512 = arith.constant 0 : i32
      %swap3A_1513 = arith.constant 0 : i32
      %swap3A_1514 = tpu.memref_slice %arg8[%swap3A_1512, %swap3A_1513] : memref<3x128xi32, #tpu.memory_space<vmem>> -> memref<1x128xi32, #tpu.memory_space<vmem>>
      %swap3A_1515 = tpu.memref_squeeze %swap3A_1514 : memref<1x128xi32, #tpu.memory_space<vmem>> -> memref<128xi32, #tpu.memory_space<vmem>>
      %swap3A_1516 = arith.constant 48 : index
      %swap3A_1517 = tpu.vector_load %swap3A_1515[%swap3A_1516] {strides = array<i32>} : memref<128xi32, #tpu.memory_space<vmem>>, vector<16xi32>,
      %swap3A_1518 = vector.shape_cast %swap3A_1517 : vector<16xi32> to vector<16xi32>
      %swap3A_1519 = vector.shape_cast %broadcast_in_dim3A_3 : vector<16xi32> to vector<16xi32>
      tpu.vector_store %swap3A_1515[%swap3A_1516], %swap3A_1519 {strides = array<i32>} : memref<128xi32, #tpu.memory_space<vmem>>, vector<16xi32>,
      %swap3A_1520 = arith.constant 0 : i32
      %swap3A_1521 = arith.constant 0 : i32
      %swap3A_1522 = tpu.memref_slice %arg8[%swap3A_1520, %swap3A_1521] : memref<3x128xi32, #tpu.memory_space<vmem>> -> memref<1x128xi32, #tpu.memory_space<vmem>>
      %swap3A_1523 = tpu.memref_squeeze %swap3A_1522 : memref<1x128xi32, #tpu.memory_space<vmem>> -> memref<128xi32, #tpu.memory_space<vmem>>
      %swap3A_1524 = arith.constant 64 : index
      %swap3A_1525 = tpu.vector_load %swap3A_1523[%swap3A_1524] {strides = array<i32>} : memref<128xi32, #tpu.memory_space<vmem>>, vector<16xi32>,
      %swap3A_1526 = vector.shape_cast %swap3A_1525 : vector<16xi32> to vector<16xi32>
      %swap3A_1527 = vector.shape_cast %broadcast_in_dim3A_3 : vector<16xi32> to vector<16xi32>
      tpu.vector_store %swap3A_1523[%swap3A_1524], %swap3A_1527 {strides = array<i32>} : memref<128xi32, #tpu.memory_space<vmem>>, vector<16xi32>,
      %swap3A_1528 = arith.constant 0 : i32
      %swap3A_1529 = arith.constant 0 : i32
      %swap3A_1530 = tpu.memref_slice %arg8[%swap3A_1528, %swap3A_1529] : memref<3x128xi32, #tpu.memory_space<vmem>> -> memref<1x128xi32, #tpu.memory_space<vmem>>
      %swap3A_1531 = tpu.memref_squeeze %swap3A_1530 : memref<1x128xi32, #tpu.memory_space<vmem>> -> memref<128xi32, #tpu.memory_space<vmem>>
      %swap3A_1532 = arith.constant 80 : index
      %swap3A_1533 = tpu.vector_load %swap3A_1531[%swap3A_1532] {strides = array<i32>} : memref<128xi32, #tpu.memory_space<vmem>>, vector<16xi32>,
      %swap3A_1534 = vector.shape_cast %swap3A_1533 : vector<16xi32> to vector<16xi32>
      %swap3A_1535 = vector.shape_cast %broadcast_in_dim3A_3 : vector<16xi32> to vector<16xi32>
      tpu.vector_store %swap3A_1531[%swap3A_1532], %swap3A_1535 {strides = array<i32>} : memref<128xi32, #tpu.memory_space<vmem>>, vector<16xi32>,
      %swap3A_1536 = arith.constant 0 : i32
      %swap3A_1537 = arith.constant 0 : i32
      %swap3A_1538 = tpu.memref_slice %arg8[%swap3A_1536, %swap3A_1537] : memref<3x128xi32, #tpu.memory_space<vmem>> -> memref<1x128xi32, #tpu.memory_space<vmem>>
      %swap3A_1539 = tpu.memref_squeeze %swap3A_1538 : memref<1x128xi32, #tpu.memory_space<vmem>> -> memref<128xi32, #tpu.memory_space<vmem>>
      %swap3A_1540 = arith.constant 96 : index
      %swap3A_1541 = tpu.vector_load %swap3A_1539[%swap3A_1540] {strides = array<i32>} : memref<128xi32, #tpu.memory_space<vmem>>, vector<16xi32>,
      %swap3A_1542 = vector.shape_cast %swap3A_1541 : vector<16xi32> to vector<16xi32>
      %swap3A_1543 = vector.shape_cast %broadcast_in_dim3A_3 : vector<16xi32> to vector<16xi32>
      tpu.vector_store %swap3A_1539[%swap3A_1540], %swap3A_1543 {strides = array<i32>} : memref<128xi32, #tpu.memory_space<vmem>>, vector<16xi32>,
      %swap3A_1544 = arith.constant 0 : i32
      %swap3A_1545 = arith.constant 0 : i32
      %swap3A_1546 = tpu.memref_slice %arg8[%swap3A_1544, %swap3A_1545] : memref<3x128xi32, #tpu.memory_space<vmem>> -> memref<1x128xi32, #tpu.memory_space<vmem>>
      %swap3A_1547 = tpu.memref_squeeze %swap3A_1546 : memref<1x128xi32, #tpu.memory_space<vmem>> -> memref<128xi32, #tpu.memory_space<vmem>>
      %swap3A_1548 = arith.constant 112 : index
      %swap3A_1549 = tpu.vector_load %swap3A_1547[%swap3A_1548] {strides = array<i32>} : memref<128xi32, #tpu.memory_space<vmem>>, vector<16xi32>,
      %swap3A_1550 = vector.shape_cast %swap3A_1549 : vector<16xi32> to vector<16xi32>
      %swap3A_1551 = vector.shape_cast %broadcast_in_dim3A_3 : vector<16xi32> to vector<16xi32>
      tpu.vector_store %swap3A_1547[%swap3A_1548], %swap3A_1551 {strides = array<i32>} : memref<128xi32, #tpu.memory_space<vmem>>, vector<16xi32>,
    } else {
    }
    %dma_start3A_239 = arith.constant 0 : i32
    %dma_start3A_240 = arith.constant 0 : i32
    %dma_start3A_241 = tpu.memref_slice %arg8[%dma_start3A_239, %dma_start3A_240] : memref<3x128xi32, #tpu.memory_space<vmem>> -> memref<1x128xi32, #tpu.memory_space<vmem>>
    %dma_start3A_242 = tpu.memref_squeeze %dma_start3A_241 : memref<1x128xi32, #tpu.memory_space<vmem>> -> memref<128xi32, #tpu.memory_space<vmem>>
    %dma_start3A_243 = arith.constant 0 : i32
    %dma_start3A_244 = arith.constant 0 : i32
    %dma_start3A_245 = tpu.memref_slice %arg10[%dma_start3A_243, %dma_start3A_244] : memref<520x128xf32, #tpu.memory_space<vmem_shared>> -> memref<520x128xf32, #tpu.memory_space<vmem_shared>>
    tpu.enqueue_indirect_dma source(%arg5 : memref<128x128xf32, #tpu.memory_space<vmem>>) target(%dma_start3A_245 : memref<520x128xf32, #tpu.memory_space<vmem_shared>>) offsets(%dma_start3A_242 : memref<128xi32, #tpu.memory_space<vmem>>) semaphore(%arg14 : memref<!tpu.dma_semaphore, #tpu.memory_space<semaphore_mem>>) {add = true}
    %dma_wait3A_246 = arith.constant 2 : i32
    %dma_wait3A_247 = arith.constant 0 : i32
    %dma_wait3A_248 = tpu.memref_slice %arg8[%dma_wait3A_246, %dma_wait3A_247] : memref<3x128xi32, #tpu.memory_space<vmem>> -> memref<1x128xi32, #tpu.memory_space<vmem>>
    %dma_wait3A_249 = tpu.memref_squeeze %dma_wait3A_248 : memref<1x128xi32, #tpu.memory_space<vmem>> -> memref<128xi32, #tpu.memory_space<vmem>>
    %dma_wait3A_250 = arith.constant 0 : i32
    %dma_wait3A_251 = arith.constant 0 : i32
    %dma_wait3A_252 = tpu.memref_slice %arg10[%dma_wait3A_250, %dma_wait3A_251] : memref<520x128xf32, #tpu.memory_space<vmem_shared>> -> memref<520x128xf32, #tpu.memory_space<vmem_shared>>
    tpu.wait_indirect_dma semaphore(%arg16 : memref<!tpu.dma_semaphore, #tpu.memory_space<semaphore_mem>>) src(%arg7 : memref<128x128xf32, #tpu.memory_space<vmem>>) dst(%dma_wait3A_252 : memref<520x128xf32, #tpu.memory_space<vmem_shared>>)
    %add3A_253 = arith.constant 160 : i32
    %add3A_254 = arith.addi %add3A_253, %add3A : i32
    %min3A_255 = arith.constant 780 : i32
    %min3A_256 = arith.minsi %add3A_254, %min3A_255 : i32
    %mul3A_257 = arith.constant 128 : i32
    %mul3A_258 = arith.muli %min3A_256, %mul3A_257 : i32
    %multiple_of3A_259 = tpu.assume_multiple %mul3A_258, 128 : i32
    %dma_start3A_260 = arith.constant 0 : i32
    %dma_start3A_261 = tpu.memref_slice %arg2[%multiple_of3A_259, %dma_start3A_260] : memref<100000x128xf32, #tpu.memory_space<hbm>> -> memref<128x128xf32, #tpu.memory_space<hbm>>
    %dma_start3A_262 = arith.constant 0 : i32
    %dma_start3A_263 = tpu.memref_slice %arg2[%multiple_of3A_259, %dma_start3A_262] : memref<100000x128xf32, #tpu.memory_space<hbm>> -> memref<128x128xf32, #tpu.memory_space<hbm>>
    tpu.enqueue_dma source(%dma_start3A_263 : memref<128x128xf32, #tpu.memory_space<hbm>>) target(%arg7 : memref<128x128xf32, #tpu.memory_space<vmem>>) target_semaphore(%arg13 : memref<!tpu.dma_semaphore, #tpu.memory_space<semaphore_mem>>)
    %dma_start3A_264 = arith.constant 2 : i32
    %dma_start3A_265 = arith.constant 0 : i32
    %dma_start3A_266 = tpu.memref_slice %arg8[%dma_start3A_264, %dma_start3A_265] : memref<3x128xi32, #tpu.memory_space<vmem>> -> memref<1x128xi32, #tpu.memory_space<vmem>>
    %dma_start3A_267 = tpu.memref_squeeze %dma_start3A_266 : memref<1x128xi32, #tpu.memory_space<vmem>> -> memref<128xi32, #tpu.memory_space<vmem>>
    %dma_start3A_268 = tpu.memref_slice %arg3[%multiple_of3A_259] : memref<100000xi32, #tpu.memory_space<hbm>> -> memref<128xi32, #tpu.memory_space<hbm>>
    %dma_start3A_269 = arith.constant 0 : i32
    %dma_start3A_270 = tpu.memref_slice %arg8[%dma_start3A_264, %dma_start3A_269] : memref<3x128xi32, #tpu.memory_space<vmem>> -> memref<1x128xi32, #tpu.memory_space<vmem>>
    %dma_start3A_271 = tpu.memref_squeeze %dma_start3A_270 : memref<1x128xi32, #tpu.memory_space<vmem>> -> memref<128xi32, #tpu.memory_space<vmem>>
    %dma_start3A_272 = tpu.memref_slice %arg3[%multiple_of3A_259] : memref<100000xi32, #tpu.memory_space<hbm>> -> memref<128xi32, #tpu.memory_space<hbm>>
    tpu.enqueue_dma source(%dma_start3A_272 : memref<128xi32, #tpu.memory_space<hbm>>) target(%dma_start3A_271 : memref<128xi32, #tpu.memory_space<vmem>>) target_semaphore(%arg13 : memref<!tpu.dma_semaphore, #tpu.memory_space<semaphore_mem>>)
    %dma_wait3A_273 = arith.constant 0 : i32
    %dma_wait3A_274 = tpu.memref_slice %arg2[%multiple_of3A_200, %dma_wait3A_273] : memref<100000x128xf32, #tpu.memory_space<hbm>> -> memref<128x128xf32, #tpu.memory_space<hbm>>
    %dma_wait3A_275 = arith.constant 0 : i32
    %dma_wait3A_276 = tpu.memref_slice %arg2[%multiple_of3A_200, %dma_wait3A_275] : memref<100000x128xf32, #tpu.memory_space<hbm>> -> memref<128x128xf32, #tpu.memory_space<hbm>>
    tpu.wait_dma2 semaphore(%arg12 : memref<!tpu.dma_semaphore, #tpu.memory_space<semaphore_mem>>) src(%dma_wait3A_276 : memref<128x128xf32, #tpu.memory_space<hbm>>) dst(%arg6 : memref<128x128xf32, #tpu.memory_space<vmem>>)
    %dma_wait3A_277 = arith.constant 1 : i32
    %dma_wait3A_278 = arith.constant 0 : i32
    %dma_wait3A_279 = tpu.memref_slice %arg8[%dma_wait3A_277, %dma_wait3A_278] : memref<3x128xi32, #tpu.memory_space<vmem>> -> memref<1x128xi32, #tpu.memory_space<vmem>>
    %dma_wait3A_280 = tpu.memref_squeeze %dma_wait3A_279 : memref<1x128xi32, #tpu.memory_space<vmem>> -> memref<128xi32, #tpu.memory_space<vmem>>
    %dma_wait3A_281 = tpu.memref_slice %arg3[%multiple_of3A_200] : memref<100000xi32, #tpu.memory_space<hbm>> -> memref<128xi32, #tpu.memory_space<hbm>>
    %dma_wait3A_282 = arith.constant 0 : i32
    %dma_wait3A_283 = tpu.memref_slice %arg8[%dma_wait3A_277, %dma_wait3A_282] : memref<3x128xi32, #tpu.memory_space<vmem>> -> memref<1x128xi32, #tpu.memory_space<vmem>>
    %dma_wait3A_284 = tpu.memref_squeeze %dma_wait3A_283 : memref<1x128xi32, #tpu.memory_space<vmem>> -> memref<128xi32, #tpu.memory_space<vmem>>
    %dma_wait3A_285 = tpu.memref_slice %arg3[%multiple_of3A_200] : memref<100000xi32, #tpu.memory_space<hbm>> -> memref<128xi32, #tpu.memory_space<hbm>>
    tpu.wait_dma2 semaphore(%arg12 : memref<!tpu.dma_semaphore, #tpu.memory_space<semaphore_mem>>) src(%dma_wait3A_285 : memref<128xi32, #tpu.memory_space<hbm>>) dst(%dma_wait3A_284 : memref<128xi32, #tpu.memory_space<vmem>>)
    %add3A_286 = arith.constant 128 : i32
    %add3A_287 = arith.addi %add3A_286, %add3A : i32
    %min3A_288 = arith.constant 780 : i32
    %min3A_289 = arith.minsi %add3A_287, %min3A_288 : i32
    %mul3A_290 = arith.constant 128 : i32
    %mul3A_291 = arith.muli %min3A_289, %mul3A_290 : i32
    %multiple_of3A_292 = tpu.assume_multiple %mul3A_291, 128 : i32
    %ge3A_293 = arith.constant 781 : i32
    %ge3A_294 = arith.cmpi sge, %add3A_287, %ge3A_293 : i32
    %convert_element_type3A_295 = arith.extui %ge3A_294 : i1 to i32
    %cond3A_296 = arith.constant 0 : i32
    %cond3A_297 = arith.cmpi ne, %convert_element_type3A_295, %cond3A_296 : i32
    scf.if %cond3A_297 {
      %swap3A = arith.constant 1 : i32
      %swap3A_1489 = arith.constant 0 : i32
      %swap3A_1490 = tpu.memref_slice %arg8[%swap3A, %swap3A_1489] : memref<3x128xi32, #tpu.memory_space<vmem>> -> memref<1x128xi32, #tpu.memory_space<vmem>>
      %swap3A_1491 = tpu.memref_squeeze %swap3A_1490 : memref<1x128xi32, #tpu.memory_space<vmem>> -> memref<128xi32, #tpu.memory_space<vmem>>
      %swap3A_1492 = arith.constant 0 : index
      %swap3A_1493 = tpu.vector_load %swap3A_1491[%swap3A_1492] {strides = array<i32>} : memref<128xi32, #tpu.memory_space<vmem>>, vector<16xi32>,
      %swap3A_1494 = vector.shape_cast %swap3A_1493 : vector<16xi32> to vector<16xi32>
      %swap3A_1495 = vector.shape_cast %broadcast_in_dim3A_3 : vector<16xi32> to vector<16xi32>
      tpu.vector_store %swap3A_1491[%swap3A_1492], %swap3A_1495 {strides = array<i32>} : memref<128xi32, #tpu.memory_space<vmem>>, vector<16xi32>,
      %swap3A_1496 = arith.constant 1 : i32
      %swap3A_1497 = arith.constant 0 : i32
      %swap3A_1498 = tpu.memref_slice %arg8[%swap3A_1496, %swap3A_1497] : memref<3x128xi32, #tpu.memory_space<vmem>> -> memref<1x128xi32, #tpu.memory_space<vmem>>
      %swap3A_1499 = tpu.memref_squeeze %swap3A_1498 : memref<1x128xi32, #tpu.memory_space<vmem>> -> memref<128xi32, #tpu.memory_space<vmem>>
      %swap3A_1500 = arith.constant 16 : index
      %swap3A_1501 = tpu.vector_load %swap3A_1499[%swap3A_1500] {strides = array<i32>} : memref<128xi32, #tpu.memory_space<vmem>>, vector<16xi32>,
      %swap3A_1502 = vector.shape_cast %swap3A_1501 : vector<16xi32> to vector<16xi32>
      %swap3A_1503 = vector.shape_cast %broadcast_in_dim3A_3 : vector<16xi32> to vector<16xi32>
      tpu.vector_store %swap3A_1499[%swap3A_1500], %swap3A_1503 {strides = array<i32>} : memref<128xi32, #tpu.memory_space<vmem>>, vector<16xi32>,
      %swap3A_1504 = arith.constant 1 : i32
      %swap3A_1505 = arith.constant 0 : i32
      %swap3A_1506 = tpu.memref_slice %arg8[%swap3A_1504, %swap3A_1505] : memref<3x128xi32, #tpu.memory_space<vmem>> -> memref<1x128xi32, #tpu.memory_space<vmem>>
      %swap3A_1507 = tpu.memref_squeeze %swap3A_1506 : memref<1x128xi32, #tpu.memory_space<vmem>> -> memref<128xi32, #tpu.memory_space<vmem>>
      %swap3A_1508 = arith.constant 32 : index
      %swap3A_1509 = tpu.vector_load %swap3A_1507[%swap3A_1508] {strides = array<i32>} : memref<128xi32, #tpu.memory_space<vmem>>, vector<16xi32>,
      %swap3A_1510 = vector.shape_cast %swap3A_1509 : vector<16xi32> to vector<16xi32>
      %swap3A_1511 = vector.shape_cast %broadcast_in_dim3A_3 : vector<16xi32> to vector<16xi32>
      tpu.vector_store %swap3A_1507[%swap3A_1508], %swap3A_1511 {strides = array<i32>} : memref<128xi32, #tpu.memory_space<vmem>>, vector<16xi32>,
      %swap3A_1512 = arith.constant 1 : i32
      %swap3A_1513 = arith.constant 0 : i32
      %swap3A_1514 = tpu.memref_slice %arg8[%swap3A_1512, %swap3A_1513] : memref<3x128xi32, #tpu.memory_space<vmem>> -> memref<1x128xi32, #tpu.memory_space<vmem>>
      %swap3A_1515 = tpu.memref_squeeze %swap3A_1514 : memref<1x128xi32, #tpu.memory_space<vmem>> -> memref<128xi32, #tpu.memory_space<vmem>>
      %swap3A_1516 = arith.constant 48 : index
      %swap3A_1517 = tpu.vector_load %swap3A_1515[%swap3A_1516] {strides = array<i32>} : memref<128xi32, #tpu.memory_space<vmem>>, vector<16xi32>,
      %swap3A_1518 = vector.shape_cast %swap3A_1517 : vector<16xi32> to vector<16xi32>
      %swap3A_1519 = vector.shape_cast %broadcast_in_dim3A_3 : vector<16xi32> to vector<16xi32>
      tpu.vector_store %swap3A_1515[%swap3A_1516], %swap3A_1519 {strides = array<i32>} : memref<128xi32, #tpu.memory_space<vmem>>, vector<16xi32>,
      %swap3A_1520 = arith.constant 1 : i32
      %swap3A_1521 = arith.constant 0 : i32
      %swap3A_1522 = tpu.memref_slice %arg8[%swap3A_1520, %swap3A_1521] : memref<3x128xi32, #tpu.memory_space<vmem>> -> memref<1x128xi32, #tpu.memory_space<vmem>>
      %swap3A_1523 = tpu.memref_squeeze %swap3A_1522 : memref<1x128xi32, #tpu.memory_space<vmem>> -> memref<128xi32, #tpu.memory_space<vmem>>
      %swap3A_1524 = arith.constant 64 : index
      %swap3A_1525 = tpu.vector_load %swap3A_1523[%swap3A_1524] {strides = array<i32>} : memref<128xi32, #tpu.memory_space<vmem>>, vector<16xi32>,
      %swap3A_1526 = vector.shape_cast %swap3A_1525 : vector<16xi32> to vector<16xi32>
      %swap3A_1527 = vector.shape_cast %broadcast_in_dim3A_3 : vector<16xi32> to vector<16xi32>
      tpu.vector_store %swap3A_1523[%swap3A_1524], %swap3A_1527 {strides = array<i32>} : memref<128xi32, #tpu.memory_space<vmem>>, vector<16xi32>,
      %swap3A_1528 = arith.constant 1 : i32
      %swap3A_1529 = arith.constant 0 : i32
      %swap3A_1530 = tpu.memref_slice %arg8[%swap3A_1528, %swap3A_1529] : memref<3x128xi32, #tpu.memory_space<vmem>> -> memref<1x128xi32, #tpu.memory_space<vmem>>
      %swap3A_1531 = tpu.memref_squeeze %swap3A_1530 : memref<1x128xi32, #tpu.memory_space<vmem>> -> memref<128xi32, #tpu.memory_space<vmem>>
      %swap3A_1532 = arith.constant 80 : index
      %swap3A_1533 = tpu.vector_load %swap3A_1531[%swap3A_1532] {strides = array<i32>} : memref<128xi32, #tpu.memory_space<vmem>>, vector<16xi32>,
      %swap3A_1534 = vector.shape_cast %swap3A_1533 : vector<16xi32> to vector<16xi32>
      %swap3A_1535 = vector.shape_cast %broadcast_in_dim3A_3 : vector<16xi32> to vector<16xi32>
      tpu.vector_store %swap3A_1531[%swap3A_1532], %swap3A_1535 {strides = array<i32>} : memref<128xi32, #tpu.memory_space<vmem>>, vector<16xi32>,
      %swap3A_1536 = arith.constant 1 : i32
      %swap3A_1537 = arith.constant 0 : i32
      %swap3A_1538 = tpu.memref_slice %arg8[%swap3A_1536, %swap3A_1537] : memref<3x128xi32, #tpu.memory_space<vmem>> -> memref<1x128xi32, #tpu.memory_space<vmem>>
      %swap3A_1539 = tpu.memref_squeeze %swap3A_1538 : memref<1x128xi32, #tpu.memory_space<vmem>> -> memref<128xi32, #tpu.memory_space<vmem>>
      %swap3A_1540 = arith.constant 96 : index
      %swap3A_1541 = tpu.vector_load %swap3A_1539[%swap3A_1540] {strides = array<i32>} : memref<128xi32, #tpu.memory_space<vmem>>, vector<16xi32>,
      %swap3A_1542 = vector.shape_cast %swap3A_1541 : vector<16xi32> to vector<16xi32>
      %swap3A_1543 = vector.shape_cast %broadcast_in_dim3A_3 : vector<16xi32> to vector<16xi32>
      tpu.vector_store %swap3A_1539[%swap3A_1540], %swap3A_1543 {strides = array<i32>} : memref<128xi32, #tpu.memory_space<vmem>>, vector<16xi32>,
      %swap3A_1544 = arith.constant 1 : i32
      %swap3A_1545 = arith.constant 0 : i32
      %swap3A_1546 = tpu.memref_slice %arg8[%swap3A_1544, %swap3A_1545] : memref<3x128xi32, #tpu.memory_space<vmem>> -> memref<1x128xi32, #tpu.memory_space<vmem>>
      %swap3A_1547 = tpu.memref_squeeze %swap3A_1546 : memref<1x128xi32, #tpu.memory_space<vmem>> -> memref<128xi32, #tpu.memory_space<vmem>>
      %swap3A_1548 = arith.constant 112 : index
      %swap3A_1549 = tpu.vector_load %swap3A_1547[%swap3A_1548] {strides = array<i32>} : memref<128xi32, #tpu.memory_space<vmem>>, vector<16xi32>,
      %swap3A_1550 = vector.shape_cast %swap3A_1549 : vector<16xi32> to vector<16xi32>
      %swap3A_1551 = vector.shape_cast %broadcast_in_dim3A_3 : vector<16xi32> to vector<16xi32>
      tpu.vector_store %swap3A_1547[%swap3A_1548], %swap3A_1551 {strides = array<i32>} : memref<128xi32, #tpu.memory_space<vmem>>, vector<16xi32>,
    } else {
    }
    %dma_start3A_298 = arith.constant 1 : i32
    %dma_start3A_299 = arith.constant 0 : i32
    %dma_start3A_300 = tpu.memref_slice %arg8[%dma_start3A_298, %dma_start3A_299] : memref<3x128xi32, #tpu.memory_space<vmem>> -> memref<1x128xi32, #tpu.memory_space<vmem>>
    %dma_start3A_301 = tpu.memref_squeeze %dma_start3A_300 : memref<1x128xi32, #tpu.memory_space<vmem>> -> memref<128xi32, #tpu.memory_space<vmem>>
    %dma_start3A_302 = arith.constant 0 : i32
    %dma_start3A_303 = arith.constant 0 : i32
    %dma_start3A_304 = tpu.memref_slice %arg10[%dma_start3A_302, %dma_start3A_303] : memref<520x128xf32, #tpu.memory_space<vmem_shared>> -> memref<520x128xf32, #tpu.memory_space<vmem_shared>>
    tpu.enqueue_indirect_dma source(%arg6 : memref<128x128xf32, #tpu.memory_space<vmem>>) target(%dma_start3A_304 : memref<520x128xf32, #tpu.memory_space<vmem_shared>>) offsets(%dma_start3A_301 : memref<128xi32, #tpu.memory_space<vmem>>) semaphore(%arg15 : memref<!tpu.dma_semaphore, #tpu.memory_space<semaphore_mem>>) {add = true}
    %dma_wait3A_305 = arith.constant 0 : i32
    %dma_wait3A_306 = arith.constant 0 : i32
    %dma_wait3A_307 = tpu.memref_slice %arg8[%dma_wait3A_305, %dma_wait3A_306] : memref<3x128xi32, #tpu.memory_space<vmem>> -> memref<1x128xi32, #tpu.memory_space<vmem>>
    %dma_wait3A_308 = tpu.memref_squeeze %dma_wait3A_307 : memref<1x128xi32, #tpu.memory_space<vmem>> -> memref<128xi32, #tpu.memory_space<vmem>>
    %dma_wait3A_309 = arith.constant 0 : i32
    %dma_wait3A_310 = arith.constant 0 : i32
    %dma_wait3A_311 = tpu.memref_slice %arg10[%dma_wait3A_309, %dma_wait3A_310] : memref<520x128xf32, #tpu.memory_space<vmem_shared>> -> memref<520x128xf32, #tpu.memory_space<vmem_shared>>
    tpu.wait_indirect_dma semaphore(%arg14 : memref<!tpu.dma_semaphore, #tpu.memory_space<semaphore_mem>>) src(%arg5 : memref<128x128xf32, #tpu.memory_space<vmem>>) dst(%dma_wait3A_311 : memref<520x128xf32, #tpu.memory_space<vmem_shared>>)
    %add3A_312 = arith.constant 192 : i32
    %add3A_313 = arith.addi %add3A_312, %add3A : i32
    %min3A_314 = arith.constant 780 : i32
    %min3A_315 = arith.minsi %add3A_313, %min3A_314 : i32
    %mul3A_316 = arith.constant 128 : i32
    %mul3A_317 = arith.muli %min3A_315, %mul3A_316 : i32
    %multiple_of3A_318 = tpu.assume_multiple %mul3A_317, 128 : i32
    %dma_start3A_319 = arith.constant 0 : i32
    %dma_start3A_320 = tpu.memref_slice %arg2[%multiple_of3A_318, %dma_start3A_319] : memref<100000x128xf32, #tpu.memory_space<hbm>> -> memref<128x128xf32, #tpu.memory_space<hbm>>
    %dma_start3A_321 = arith.constant 0 : i32
    %dma_start3A_322 = tpu.memref_slice %arg2[%multiple_of3A_318, %dma_start3A_321] : memref<100000x128xf32, #tpu.memory_space<hbm>> -> memref<128x128xf32, #tpu.memory_space<hbm>>
    tpu.enqueue_dma source(%dma_start3A_322 : memref<128x128xf32, #tpu.memory_space<hbm>>) target(%arg5 : memref<128x128xf32, #tpu.memory_space<vmem>>) target_semaphore(%arg11 : memref<!tpu.dma_semaphore, #tpu.memory_space<semaphore_mem>>)
    %dma_start3A_323 = arith.constant 0 : i32
    %dma_start3A_324 = arith.constant 0 : i32
    %dma_start3A_325 = tpu.memref_slice %arg8[%dma_start3A_323, %dma_start3A_324] : memref<3x128xi32, #tpu.memory_space<vmem>> -> memref<1x128xi32, #tpu.memory_space<vmem>>
    %dma_start3A_326 = tpu.memref_squeeze %dma_start3A_325 : memref<1x128xi32, #tpu.memory_space<vmem>> -> memref<128xi32, #tpu.memory_space<vmem>>
    %dma_start3A_327 = tpu.memref_slice %arg3[%multiple_of3A_318] : memref<100000xi32, #tpu.memory_space<hbm>> -> memref<128xi32, #tpu.memory_space<hbm>>
    %dma_start3A_328 = arith.constant 0 : i32
    %dma_start3A_329 = tpu.memref_slice %arg8[%dma_start3A_323, %dma_start3A_328] : memref<3x128xi32, #tpu.memory_space<vmem>> -> memref<1x128xi32, #tpu.memory_space<vmem>>
    %dma_start3A_330 = tpu.memref_squeeze %dma_start3A_329 : memref<1x128xi32, #tpu.memory_space<vmem>> -> memref<128xi32, #tpu.memory_space<vmem>>
    %dma_start3A_331 = tpu.memref_slice %arg3[%multiple_of3A_318] : memref<100000xi32, #tpu.memory_space<hbm>> -> memref<128xi32, #tpu.memory_space<hbm>>
    tpu.enqueue_dma source(%dma_start3A_331 : memref<128xi32, #tpu.memory_space<hbm>>) target(%dma_start3A_330 : memref<128xi32, #tpu.memory_space<vmem>>) target_semaphore(%arg11 : memref<!tpu.dma_semaphore, #tpu.memory_space<semaphore_mem>>)
    %dma_wait3A_332 = arith.constant 0 : i32
    %dma_wait3A_333 = tpu.memref_slice %arg2[%multiple_of3A_259, %dma_wait3A_332] : memref<100000x128xf32, #tpu.memory_space<hbm>> -> memref<128x128xf32, #tpu.memory_space<hbm>>
    %dma_wait3A_334 = arith.constant 0 : i32
    %dma_wait3A_335 = tpu.memref_slice %arg2[%multiple_of3A_259, %dma_wait3A_334] : memref<100000x128xf32, #tpu.memory_space<hbm>> -> memref<128x128xf32, #tpu.memory_space<hbm>>
    tpu.wait_dma2 semaphore(%arg13 : memref<!tpu.dma_semaphore, #tpu.memory_space<semaphore_mem>>) src(%dma_wait3A_335 : memref<128x128xf32, #tpu.memory_space<hbm>>) dst(%arg7 : memref<128x128xf32, #tpu.memory_space<vmem>>)
    %dma_wait3A_336 = arith.constant 2 : i32
    %dma_wait3A_337 = arith.constant 0 : i32
    %dma_wait3A_338 = tpu.memref_slice %arg8[%dma_wait3A_336, %dma_wait3A_337] : memref<3x128xi32, #tpu.memory_space<vmem>> -> memref<1x128xi32, #tpu.memory_space<vmem>>
    %dma_wait3A_339 = tpu.memref_squeeze %dma_wait3A_338 : memref<1x128xi32, #tpu.memory_space<vmem>> -> memref<128xi32, #tpu.memory_space<vmem>>
    %dma_wait3A_340 = tpu.memref_slice %arg3[%multiple_of3A_259] : memref<100000xi32, #tpu.memory_space<hbm>> -> memref<128xi32, #tpu.memory_space<hbm>>
    %dma_wait3A_341 = arith.constant 0 : i32
    %dma_wait3A_342 = tpu.memref_slice %arg8[%dma_wait3A_336, %dma_wait3A_341] : memref<3x128xi32, #tpu.memory_space<vmem>> -> memref<1x128xi32, #tpu.memory_space<vmem>>
    %dma_wait3A_343 = tpu.memref_squeeze %dma_wait3A_342 : memref<1x128xi32, #tpu.memory_space<vmem>> -> memref<128xi32, #tpu.memory_space<vmem>>
    %dma_wait3A_344 = tpu.memref_slice %arg3[%multiple_of3A_259] : memref<100000xi32, #tpu.memory_space<hbm>> -> memref<128xi32, #tpu.memory_space<hbm>>
    tpu.wait_dma2 semaphore(%arg13 : memref<!tpu.dma_semaphore, #tpu.memory_space<semaphore_mem>>) src(%dma_wait3A_344 : memref<128xi32, #tpu.memory_space<hbm>>) dst(%dma_wait3A_343 : memref<128xi32, #tpu.memory_space<vmem>>)
    %add3A_345 = arith.constant 160 : i32
    %add3A_346 = arith.addi %add3A_345, %add3A : i32
    %min3A_347 = arith.constant 780 : i32
    %min3A_348 = arith.minsi %add3A_346, %min3A_347 : i32
    %mul3A_349 = arith.constant 128 : i32
    %mul3A_350 = arith.muli %min3A_348, %mul3A_349 : i32
    %multiple_of3A_351 = tpu.assume_multiple %mul3A_350, 128 : i32
    %ge3A_352 = arith.constant 781 : i32
    %ge3A_353 = arith.cmpi sge, %add3A_346, %ge3A_352 : i32
    %convert_element_type3A_354 = arith.extui %ge3A_353 : i1 to i32
    %cond3A_355 = arith.constant 0 : i32
    %cond3A_356 = arith.cmpi ne, %convert_element_type3A_354, %cond3A_355 : i32
    scf.if %cond3A_356 {
      %swap3A = arith.constant 2 : i32
      %swap3A_1489 = arith.constant 0 : i32
      %swap3A_1490 = tpu.memref_slice %arg8[%swap3A, %swap3A_1489] : memref<3x128xi32, #tpu.memory_space<vmem>> -> memref<1x128xi32, #tpu.memory_space<vmem>>
      %swap3A_1491 = tpu.memref_squeeze %swap3A_1490 : memref<1x128xi32, #tpu.memory_space<vmem>> -> memref<128xi32, #tpu.memory_space<vmem>>
      %swap3A_1492 = arith.constant 0 : index
      %swap3A_1493 = tpu.vector_load %swap3A_1491[%swap3A_1492] {strides = array<i32>} : memref<128xi32, #tpu.memory_space<vmem>>, vector<16xi32>,
      %swap3A_1494 = vector.shape_cast %swap3A_1493 : vector<16xi32> to vector<16xi32>
      %swap3A_1495 = vector.shape_cast %broadcast_in_dim3A_3 : vector<16xi32> to vector<16xi32>
      tpu.vector_store %swap3A_1491[%swap3A_1492], %swap3A_1495 {strides = array<i32>} : memref<128xi32, #tpu.memory_space<vmem>>, vector<16xi32>,
      %swap3A_1496 = arith.constant 2 : i32
      %swap3A_1497 = arith.constant 0 : i32
      %swap3A_1498 = tpu.memref_slice %arg8[%swap3A_1496, %swap3A_1497] : memref<3x128xi32, #tpu.memory_space<vmem>> -> memref<1x128xi32, #tpu.memory_space<vmem>>
      %swap3A_1499 = tpu.memref_squeeze %swap3A_1498 : memref<1x128xi32, #tpu.memory_space<vmem>> -> memref<128xi32, #tpu.memory_space<vmem>>
      %swap3A_1500 = arith.constant 16 : index
      %swap3A_1501 = tpu.vector_load %swap3A_1499[%swap3A_1500] {strides = array<i32>} : memref<128xi32, #tpu.memory_space<vmem>>, vector<16xi32>,
      %swap3A_1502 = vector.shape_cast %swap3A_1501 : vector<16xi32> to vector<16xi32>
      %swap3A_1503 = vector.shape_cast %broadcast_in_dim3A_3 : vector<16xi32> to vector<16xi32>
      tpu.vector_store %swap3A_1499[%swap3A_1500], %swap3A_1503 {strides = array<i32>} : memref<128xi32, #tpu.memory_space<vmem>>, vector<16xi32>,
      %swap3A_1504 = arith.constant 2 : i32
      %swap3A_1505 = arith.constant 0 : i32
      %swap3A_1506 = tpu.memref_slice %arg8[%swap3A_1504, %swap3A_1505] : memref<3x128xi32, #tpu.memory_space<vmem>> -> memref<1x128xi32, #tpu.memory_space<vmem>>
      %swap3A_1507 = tpu.memref_squeeze %swap3A_1506 : memref<1x128xi32, #tpu.memory_space<vmem>> -> memref<128xi32, #tpu.memory_space<vmem>>
      %swap3A_1508 = arith.constant 32 : index
      %swap3A_1509 = tpu.vector_load %swap3A_1507[%swap3A_1508] {strides = array<i32>} : memref<128xi32, #tpu.memory_space<vmem>>, vector<16xi32>,
      %swap3A_1510 = vector.shape_cast %swap3A_1509 : vector<16xi32> to vector<16xi32>
      %swap3A_1511 = vector.shape_cast %broadcast_in_dim3A_3 : vector<16xi32> to vector<16xi32>
      tpu.vector_store %swap3A_1507[%swap3A_1508], %swap3A_1511 {strides = array<i32>} : memref<128xi32, #tpu.memory_space<vmem>>, vector<16xi32>,
      %swap3A_1512 = arith.constant 2 : i32
      %swap3A_1513 = arith.constant 0 : i32
      %swap3A_1514 = tpu.memref_slice %arg8[%swap3A_1512, %swap3A_1513] : memref<3x128xi32, #tpu.memory_space<vmem>> -> memref<1x128xi32, #tpu.memory_space<vmem>>
      %swap3A_1515 = tpu.memref_squeeze %swap3A_1514 : memref<1x128xi32, #tpu.memory_space<vmem>> -> memref<128xi32, #tpu.memory_space<vmem>>
      %swap3A_1516 = arith.constant 48 : index
      %swap3A_1517 = tpu.vector_load %swap3A_1515[%swap3A_1516] {strides = array<i32>} : memref<128xi32, #tpu.memory_space<vmem>>, vector<16xi32>,
      %swap3A_1518 = vector.shape_cast %swap3A_1517 : vector<16xi32> to vector<16xi32>
      %swap3A_1519 = vector.shape_cast %broadcast_in_dim3A_3 : vector<16xi32> to vector<16xi32>
      tpu.vector_store %swap3A_1515[%swap3A_1516], %swap3A_1519 {strides = array<i32>} : memref<128xi32, #tpu.memory_space<vmem>>, vector<16xi32>,
      %swap3A_1520 = arith.constant 2 : i32
      %swap3A_1521 = arith.constant 0 : i32
      %swap3A_1522 = tpu.memref_slice %arg8[%swap3A_1520, %swap3A_1521] : memref<3x128xi32, #tpu.memory_space<vmem>> -> memref<1x128xi32, #tpu.memory_space<vmem>>
      %swap3A_1523 = tpu.memref_squeeze %swap3A_1522 : memref<1x128xi32, #tpu.memory_space<vmem>> -> memref<128xi32, #tpu.memory_space<vmem>>
      %swap3A_1524 = arith.constant 64 : index
      %swap3A_1525 = tpu.vector_load %swap3A_1523[%swap3A_1524] {strides = array<i32>} : memref<128xi32, #tpu.memory_space<vmem>>, vector<16xi32>,
      %swap3A_1526 = vector.shape_cast %swap3A_1525 : vector<16xi32> to vector<16xi32>
      %swap3A_1527 = vector.shape_cast %broadcast_in_dim3A_3 : vector<16xi32> to vector<16xi32>
      tpu.vector_store %swap3A_1523[%swap3A_1524], %swap3A_1527 {strides = array<i32>} : memref<128xi32, #tpu.memory_space<vmem>>, vector<16xi32>,
      %swap3A_1528 = arith.constant 2 : i32
      %swap3A_1529 = arith.constant 0 : i32
      %swap3A_1530 = tpu.memref_slice %arg8[%swap3A_1528, %swap3A_1529] : memref<3x128xi32, #tpu.memory_space<vmem>> -> memref<1x128xi32, #tpu.memory_space<vmem>>
      %swap3A_1531 = tpu.memref_squeeze %swap3A_1530 : memref<1x128xi32, #tpu.memory_space<vmem>> -> memref<128xi32, #tpu.memory_space<vmem>>
      %swap3A_1532 = arith.constant 80 : index
      %swap3A_1533 = tpu.vector_load %swap3A_1531[%swap3A_1532] {strides = array<i32>} : memref<128xi32, #tpu.memory_space<vmem>>, vector<16xi32>,
      %swap3A_1534 = vector.shape_cast %swap3A_1533 : vector<16xi32> to vector<16xi32>
      %swap3A_1535 = vector.shape_cast %broadcast_in_dim3A_3 : vector<16xi32> to vector<16xi32>
      tpu.vector_store %swap3A_1531[%swap3A_1532], %swap3A_1535 {strides = array<i32>} : memref<128xi32, #tpu.memory_space<vmem>>, vector<16xi32>,
      %swap3A_1536 = arith.constant 2 : i32
      %swap3A_1537 = arith.constant 0 : i32
      %swap3A_1538 = tpu.memref_slice %arg8[%swap3A_1536, %swap3A_1537] : memref<3x128xi32, #tpu.memory_space<vmem>> -> memref<1x128xi32, #tpu.memory_space<vmem>>
      %swap3A_1539 = tpu.memref_squeeze %swap3A_1538 : memref<1x128xi32, #tpu.memory_space<vmem>> -> memref<128xi32, #tpu.memory_space<vmem>>
      %swap3A_1540 = arith.constant 96 : index
      %swap3A_1541 = tpu.vector_load %swap3A_1539[%swap3A_1540] {strides = array<i32>} : memref<128xi32, #tpu.memory_space<vmem>>, vector<16xi32>,
      %swap3A_1542 = vector.shape_cast %swap3A_1541 : vector<16xi32> to vector<16xi32>
      %swap3A_1543 = vector.shape_cast %broadcast_in_dim3A_3 : vector<16xi32> to vector<16xi32>
      tpu.vector_store %swap3A_1539[%swap3A_1540], %swap3A_1543 {strides = array<i32>} : memref<128xi32, #tpu.memory_space<vmem>>, vector<16xi32>,
      %swap3A_1544 = arith.constant 2 : i32
      %swap3A_1545 = arith.constant 0 : i32
      %swap3A_1546 = tpu.memref_slice %arg8[%swap3A_1544, %swap3A_1545] : memref<3x128xi32, #tpu.memory_space<vmem>> -> memref<1x128xi32, #tpu.memory_space<vmem>>
      %swap3A_1547 = tpu.memref_squeeze %swap3A_1546 : memref<1x128xi32, #tpu.memory_space<vmem>> -> memref<128xi32, #tpu.memory_space<vmem>>
      %swap3A_1548 = arith.constant 112 : index
      %swap3A_1549 = tpu.vector_load %swap3A_1547[%swap3A_1548] {strides = array<i32>} : memref<128xi32, #tpu.memory_space<vmem>>, vector<16xi32>,
      %swap3A_1550 = vector.shape_cast %swap3A_1549 : vector<16xi32> to vector<16xi32>
      %swap3A_1551 = vector.shape_cast %broadcast_in_dim3A_3 : vector<16xi32> to vector<16xi32>
      tpu.vector_store %swap3A_1547[%swap3A_1548], %swap3A_1551 {strides = array<i32>} : memref<128xi32, #tpu.memory_space<vmem>>, vector<16xi32>,
    } else {
    }
    %dma_start3A_357 = arith.constant 2 : i32
    %dma_start3A_358 = arith.constant 0 : i32
    %dma_start3A_359 = tpu.memref_slice %arg8[%dma_start3A_357, %dma_start3A_358] : memref<3x128xi32, #tpu.memory_space<vmem>> -> memref<1x128xi32, #tpu.memory_space<vmem>>
    %dma_start3A_360 = tpu.memref_squeeze %dma_start3A_359 : memref<1x128xi32, #tpu.memory_space<vmem>> -> memref<128xi32, #tpu.memory_space<vmem>>
    %dma_start3A_361 = arith.constant 0 : i32
    %dma_start3A_362 = arith.constant 0 : i32
    %dma_start3A_363 = tpu.memref_slice %arg10[%dma_start3A_361, %dma_start3A_362] : memref<520x128xf32, #tpu.memory_space<vmem_shared>> -> memref<520x128xf32, #tpu.memory_space<vmem_shared>>
    tpu.enqueue_indirect_dma source(%arg7 : memref<128x128xf32, #tpu.memory_space<vmem>>) target(%dma_start3A_363 : memref<520x128xf32, #tpu.memory_space<vmem_shared>>) offsets(%dma_start3A_360 : memref<128xi32, #tpu.memory_space<vmem>>) semaphore(%arg16 : memref<!tpu.dma_semaphore, #tpu.memory_space<semaphore_mem>>) {add = true}
    %dma_wait3A_364 = arith.constant 1 : i32
    %dma_wait3A_365 = arith.constant 0 : i32
    %dma_wait3A_366 = tpu.memref_slice %arg8[%dma_wait3A_364, %dma_wait3A_365] : memref<3x128xi32, #tpu.memory_space<vmem>> -> memref<1x128xi32, #tpu.memory_space<vmem>>
    %dma_wait3A_367 = tpu.memref_squeeze %dma_wait3A_366 : memref<1x128xi32, #tpu.memory_space<vmem>> -> memref<128xi32, #tpu.memory_space<vmem>>
    %dma_wait3A_368 = arith.constant 0 : i32
    %dma_wait3A_369 = arith.constant 0 : i32
    %dma_wait3A_370 = tpu.memref_slice %arg10[%dma_wait3A_368, %dma_wait3A_369] : memref<520x128xf32, #tpu.memory_space<vmem_shared>> -> memref<520x128xf32, #tpu.memory_space<vmem_shared>>
    tpu.wait_indirect_dma semaphore(%arg15 : memref<!tpu.dma_semaphore, #tpu.memory_space<semaphore_mem>>) src(%arg6 : memref<128x128xf32, #tpu.memory_space<vmem>>) dst(%dma_wait3A_370 : memref<520x128xf32, #tpu.memory_space<vmem_shared>>)
    %add3A_371 = arith.constant 224 : i32
    %add3A_372 = arith.addi %add3A_371, %add3A : i32
    %min3A_373 = arith.constant 780 : i32
    %min3A_374 = arith.minsi %add3A_372, %min3A_373 : i32
    %mul3A_375 = arith.constant 128 : i32
    %mul3A_376 = arith.muli %min3A_374, %mul3A_375 : i32
    %multiple_of3A_377 = tpu.assume_multiple %mul3A_376, 128 : i32
    %dma_start3A_378 = arith.constant 0 : i32
    %dma_start3A_379 = tpu.memref_slice %arg2[%multiple_of3A_377, %dma_start3A_378] : memref<100000x128xf32, #tpu.memory_space<hbm>> -> memref<128x128xf32, #tpu.memory_space<hbm>>
    %dma_start3A_380 = arith.constant 0 : i32
    %dma_start3A_381 = tpu.memref_slice %arg2[%multiple_of3A_377, %dma_start3A_380] : memref<100000x128xf32, #tpu.memory_space<hbm>> -> memref<128x128xf32, #tpu.memory_space<hbm>>
    tpu.enqueue_dma source(%dma_start3A_381 : memref<128x128xf32, #tpu.memory_space<hbm>>) target(%arg6 : memref<128x128xf32, #tpu.memory_space<vmem>>) target_semaphore(%arg12 : memref<!tpu.dma_semaphore, #tpu.memory_space<semaphore_mem>>)
    %dma_start3A_382 = arith.constant 1 : i32
    %dma_start3A_383 = arith.constant 0 : i32
    %dma_start3A_384 = tpu.memref_slice %arg8[%dma_start3A_382, %dma_start3A_383] : memref<3x128xi32, #tpu.memory_space<vmem>> -> memref<1x128xi32, #tpu.memory_space<vmem>>
    %dma_start3A_385 = tpu.memref_squeeze %dma_start3A_384 : memref<1x128xi32, #tpu.memory_space<vmem>> -> memref<128xi32, #tpu.memory_space<vmem>>
    %dma_start3A_386 = tpu.memref_slice %arg3[%multiple_of3A_377] : memref<100000xi32, #tpu.memory_space<hbm>> -> memref<128xi32, #tpu.memory_space<hbm>>
    %dma_start3A_387 = arith.constant 0 : i32
    %dma_start3A_388 = tpu.memref_slice %arg8[%dma_start3A_382, %dma_start3A_387] : memref<3x128xi32, #tpu.memory_space<vmem>> -> memref<1x128xi32, #tpu.memory_space<vmem>>
    %dma_start3A_389 = tpu.memref_squeeze %dma_start3A_388 : memref<1x128xi32, #tpu.memory_space<vmem>> -> memref<128xi32, #tpu.memory_space<vmem>>
    %dma_start3A_390 = tpu.memref_slice %arg3[%multiple_of3A_377] : memref<100000xi32, #tpu.memory_space<hbm>> -> memref<128xi32, #tpu.memory_space<hbm>>
    tpu.enqueue_dma source(%dma_start3A_390 : memref<128xi32, #tpu.memory_space<hbm>>) target(%dma_start3A_389 : memref<128xi32, #tpu.memory_space<vmem>>) target_semaphore(%arg12 : memref<!tpu.dma_semaphore, #tpu.memory_space<semaphore_mem>>)
    %dma_wait3A_391 = arith.constant 0 : i32
    %dma_wait3A_392 = tpu.memref_slice %arg2[%multiple_of3A_318, %dma_wait3A_391] : memref<100000x128xf32, #tpu.memory_space<hbm>> -> memref<128x128xf32, #tpu.memory_space<hbm>>
    %dma_wait3A_393 = arith.constant 0 : i32
    %dma_wait3A_394 = tpu.memref_slice %arg2[%multiple_of3A_318, %dma_wait3A_393] : memref<100000x128xf32, #tpu.memory_space<hbm>> -> memref<128x128xf32, #tpu.memory_space<hbm>>
    tpu.wait_dma2 semaphore(%arg11 : memref<!tpu.dma_semaphore, #tpu.memory_space<semaphore_mem>>) src(%dma_wait3A_394 : memref<128x128xf32, #tpu.memory_space<hbm>>) dst(%arg5 : memref<128x128xf32, #tpu.memory_space<vmem>>)
    %dma_wait3A_395 = arith.constant 0 : i32
    %dma_wait3A_396 = arith.constant 0 : i32
    %dma_wait3A_397 = tpu.memref_slice %arg8[%dma_wait3A_395, %dma_wait3A_396] : memref<3x128xi32, #tpu.memory_space<vmem>> -> memref<1x128xi32, #tpu.memory_space<vmem>>
    %dma_wait3A_398 = tpu.memref_squeeze %dma_wait3A_397 : memref<1x128xi32, #tpu.memory_space<vmem>> -> memref<128xi32, #tpu.memory_space<vmem>>
    %dma_wait3A_399 = tpu.memref_slice %arg3[%multiple_of3A_318] : memref<100000xi32, #tpu.memory_space<hbm>> -> memref<128xi32, #tpu.memory_space<hbm>>
    %dma_wait3A_400 = arith.constant 0 : i32
    %dma_wait3A_401 = tpu.memref_slice %arg8[%dma_wait3A_395, %dma_wait3A_400] : memref<3x128xi32, #tpu.memory_space<vmem>> -> memref<1x128xi32, #tpu.memory_space<vmem>>
    %dma_wait3A_402 = tpu.memref_squeeze %dma_wait3A_401 : memref<1x128xi32, #tpu.memory_space<vmem>> -> memref<128xi32, #tpu.memory_space<vmem>>
    %dma_wait3A_403 = tpu.memref_slice %arg3[%multiple_of3A_318] : memref<100000xi32, #tpu.memory_space<hbm>> -> memref<128xi32, #tpu.memory_space<hbm>>
    tpu.wait_dma2 semaphore(%arg11 : memref<!tpu.dma_semaphore, #tpu.memory_space<semaphore_mem>>) src(%dma_wait3A_403 : memref<128xi32, #tpu.memory_space<hbm>>) dst(%dma_wait3A_402 : memref<128xi32, #tpu.memory_space<vmem>>)
    %add3A_404 = arith.constant 192 : i32
    %add3A_405 = arith.addi %add3A_404, %add3A : i32
    %min3A_406 = arith.constant 780 : i32
    %min3A_407 = arith.minsi %add3A_405, %min3A_406 : i32
    %mul3A_408 = arith.constant 128 : i32
    %mul3A_409 = arith.muli %min3A_407, %mul3A_408 : i32
    %multiple_of3A_410 = tpu.assume_multiple %mul3A_409, 128 : i32
    %ge3A_411 = arith.constant 781 : i32
    %ge3A_412 = arith.cmpi sge, %add3A_405, %ge3A_411 : i32
    %convert_element_type3A_413 = arith.extui %ge3A_412 : i1 to i32
    %cond3A_414 = arith.constant 0 : i32
    %cond3A_415 = arith.cmpi ne, %convert_element_type3A_413, %cond3A_414 : i32
    scf.if %cond3A_415 {
      %swap3A = arith.constant 0 : i32
      %swap3A_1489 = arith.constant 0 : i32
      %swap3A_1490 = tpu.memref_slice %arg8[%swap3A, %swap3A_1489] : memref<3x128xi32, #tpu.memory_space<vmem>> -> memref<1x128xi32, #tpu.memory_space<vmem>>
      %swap3A_1491 = tpu.memref_squeeze %swap3A_1490 : memref<1x128xi32, #tpu.memory_space<vmem>> -> memref<128xi32, #tpu.memory_space<vmem>>
      %swap3A_1492 = arith.constant 0 : index
      %swap3A_1493 = tpu.vector_load %swap3A_1491[%swap3A_1492] {strides = array<i32>} : memref<128xi32, #tpu.memory_space<vmem>>, vector<16xi32>,
      %swap3A_1494 = vector.shape_cast %swap3A_1493 : vector<16xi32> to vector<16xi32>
      %swap3A_1495 = vector.shape_cast %broadcast_in_dim3A_3 : vector<16xi32> to vector<16xi32>
      tpu.vector_store %swap3A_1491[%swap3A_1492], %swap3A_1495 {strides = array<i32>} : memref<128xi32, #tpu.memory_space<vmem>>, vector<16xi32>,
      %swap3A_1496 = arith.constant 0 : i32
      %swap3A_1497 = arith.constant 0 : i32
      %swap3A_1498 = tpu.memref_slice %arg8[%swap3A_1496, %swap3A_1497] : memref<3x128xi32, #tpu.memory_space<vmem>> -> memref<1x128xi32, #tpu.memory_space<vmem>>
      %swap3A_1499 = tpu.memref_squeeze %swap3A_1498 : memref<1x128xi32, #tpu.memory_space<vmem>> -> memref<128xi32, #tpu.memory_space<vmem>>
      %swap3A_1500 = arith.constant 16 : index
      %swap3A_1501 = tpu.vector_load %swap3A_1499[%swap3A_1500] {strides = array<i32>} : memref<128xi32, #tpu.memory_space<vmem>>, vector<16xi32>,
      %swap3A_1502 = vector.shape_cast %swap3A_1501 : vector<16xi32> to vector<16xi32>
      %swap3A_1503 = vector.shape_cast %broadcast_in_dim3A_3 : vector<16xi32> to vector<16xi32>
      tpu.vector_store %swap3A_1499[%swap3A_1500], %swap3A_1503 {strides = array<i32>} : memref<128xi32, #tpu.memory_space<vmem>>, vector<16xi32>,
      %swap3A_1504 = arith.constant 0 : i32
      %swap3A_1505 = arith.constant 0 : i32
      %swap3A_1506 = tpu.memref_slice %arg8[%swap3A_1504, %swap3A_1505] : memref<3x128xi32, #tpu.memory_space<vmem>> -> memref<1x128xi32, #tpu.memory_space<vmem>>
      %swap3A_1507 = tpu.memref_squeeze %swap3A_1506 : memref<1x128xi32, #tpu.memory_space<vmem>> -> memref<128xi32, #tpu.memory_space<vmem>>
      %swap3A_1508 = arith.constant 32 : index
      %swap3A_1509 = tpu.vector_load %swap3A_1507[%swap3A_1508] {strides = array<i32>} : memref<128xi32, #tpu.memory_space<vmem>>, vector<16xi32>,
      %swap3A_1510 = vector.shape_cast %swap3A_1509 : vector<16xi32> to vector<16xi32>
      %swap3A_1511 = vector.shape_cast %broadcast_in_dim3A_3 : vector<16xi32> to vector<16xi32>
      tpu.vector_store %swap3A_1507[%swap3A_1508], %swap3A_1511 {strides = array<i32>} : memref<128xi32, #tpu.memory_space<vmem>>, vector<16xi32>,
      %swap3A_1512 = arith.constant 0 : i32
      %swap3A_1513 = arith.constant 0 : i32
      %swap3A_1514 = tpu.memref_slice %arg8[%swap3A_1512, %swap3A_1513] : memref<3x128xi32, #tpu.memory_space<vmem>> -> memref<1x128xi32, #tpu.memory_space<vmem>>
      %swap3A_1515 = tpu.memref_squeeze %swap3A_1514 : memref<1x128xi32, #tpu.memory_space<vmem>> -> memref<128xi32, #tpu.memory_space<vmem>>
      %swap3A_1516 = arith.constant 48 : index
      %swap3A_1517 = tpu.vector_load %swap3A_1515[%swap3A_1516] {strides = array<i32>} : memref<128xi32, #tpu.memory_space<vmem>>, vector<16xi32>,
      %swap3A_1518 = vector.shape_cast %swap3A_1517 : vector<16xi32> to vector<16xi32>
      %swap3A_1519 = vector.shape_cast %broadcast_in_dim3A_3 : vector<16xi32> to vector<16xi32>
      tpu.vector_store %swap3A_1515[%swap3A_1516], %swap3A_1519 {strides = array<i32>} : memref<128xi32, #tpu.memory_space<vmem>>, vector<16xi32>,
      %swap3A_1520 = arith.constant 0 : i32
      %swap3A_1521 = arith.constant 0 : i32
      %swap3A_1522 = tpu.memref_slice %arg8[%swap3A_1520, %swap3A_1521] : memref<3x128xi32, #tpu.memory_space<vmem>> -> memref<1x128xi32, #tpu.memory_space<vmem>>
      %swap3A_1523 = tpu.memref_squeeze %swap3A_1522 : memref<1x128xi32, #tpu.memory_space<vmem>> -> memref<128xi32, #tpu.memory_space<vmem>>
      %swap3A_1524 = arith.constant 64 : index
      %swap3A_1525 = tpu.vector_load %swap3A_1523[%swap3A_1524] {strides = array<i32>} : memref<128xi32, #tpu.memory_space<vmem>>, vector<16xi32>,
      %swap3A_1526 = vector.shape_cast %swap3A_1525 : vector<16xi32> to vector<16xi32>
      %swap3A_1527 = vector.shape_cast %broadcast_in_dim3A_3 : vector<16xi32> to vector<16xi32>
      tpu.vector_store %swap3A_1523[%swap3A_1524], %swap3A_1527 {strides = array<i32>} : memref<128xi32, #tpu.memory_space<vmem>>, vector<16xi32>,
      %swap3A_1528 = arith.constant 0 : i32
      %swap3A_1529 = arith.constant 0 : i32
      %swap3A_1530 = tpu.memref_slice %arg8[%swap3A_1528, %swap3A_1529] : memref<3x128xi32, #tpu.memory_space<vmem>> -> memref<1x128xi32, #tpu.memory_space<vmem>>
      %swap3A_1531 = tpu.memref_squeeze %swap3A_1530 : memref<1x128xi32, #tpu.memory_space<vmem>> -> memref<128xi32, #tpu.memory_space<vmem>>
      %swap3A_1532 = arith.constant 80 : index
      %swap3A_1533 = tpu.vector_load %swap3A_1531[%swap3A_1532] {strides = array<i32>} : memref<128xi32, #tpu.memory_space<vmem>>, vector<16xi32>,
      %swap3A_1534 = vector.shape_cast %swap3A_1533 : vector<16xi32> to vector<16xi32>
      %swap3A_1535 = vector.shape_cast %broadcast_in_dim3A_3 : vector<16xi32> to vector<16xi32>
      tpu.vector_store %swap3A_1531[%swap3A_1532], %swap3A_1535 {strides = array<i32>} : memref<128xi32, #tpu.memory_space<vmem>>, vector<16xi32>,
      %swap3A_1536 = arith.constant 0 : i32
      %swap3A_1537 = arith.constant 0 : i32
      %swap3A_1538 = tpu.memref_slice %arg8[%swap3A_1536, %swap3A_1537] : memref<3x128xi32, #tpu.memory_space<vmem>> -> memref<1x128xi32, #tpu.memory_space<vmem>>
      %swap3A_1539 = tpu.memref_squeeze %swap3A_1538 : memref<1x128xi32, #tpu.memory_space<vmem>> -> memref<128xi32, #tpu.memory_space<vmem>>
      %swap3A_1540 = arith.constant 96 : index
      %swap3A_1541 = tpu.vector_load %swap3A_1539[%swap3A_1540] {strides = array<i32>} : memref<128xi32, #tpu.memory_space<vmem>>, vector<16xi32>,
      %swap3A_1542 = vector.shape_cast %swap3A_1541 : vector<16xi32> to vector<16xi32>
      %swap3A_1543 = vector.shape_cast %broadcast_in_dim3A_3 : vector<16xi32> to vector<16xi32>
      tpu.vector_store %swap3A_1539[%swap3A_1540], %swap3A_1543 {strides = array<i32>} : memref<128xi32, #tpu.memory_space<vmem>>, vector<16xi32>,
      %swap3A_1544 = arith.constant 0 : i32
      %swap3A_1545 = arith.constant 0 : i32
      %swap3A_1546 = tpu.memref_slice %arg8[%swap3A_1544, %swap3A_1545] : memref<3x128xi32, #tpu.memory_space<vmem>> -> memref<1x128xi32, #tpu.memory_space<vmem>>
      %swap3A_1547 = tpu.memref_squeeze %swap3A_1546 : memref<1x128xi32, #tpu.memory_space<vmem>> -> memref<128xi32, #tpu.memory_space<vmem>>
      %swap3A_1548 = arith.constant 112 : index
      %swap3A_1549 = tpu.vector_load %swap3A_1547[%swap3A_1548] {strides = array<i32>} : memref<128xi32, #tpu.memory_space<vmem>>, vector<16xi32>,
      %swap3A_1550 = vector.shape_cast %swap3A_1549 : vector<16xi32> to vector<16xi32>
      %swap3A_1551 = vector.shape_cast %broadcast_in_dim3A_3 : vector<16xi32> to vector<16xi32>
      tpu.vector_store %swap3A_1547[%swap3A_1548], %swap3A_1551 {strides = array<i32>} : memref<128xi32, #tpu.memory_space<vmem>>, vector<16xi32>,
    } else {
    }
    %dma_start3A_416 = arith.constant 0 : i32
    %dma_start3A_417 = arith.constant 0 : i32
    %dma_start3A_418 = tpu.memref_slice %arg8[%dma_start3A_416, %dma_start3A_417] : memref<3x128xi32, #tpu.memory_space<vmem>> -> memref<1x128xi32, #tpu.memory_space<vmem>>
    %dma_start3A_419 = tpu.memref_squeeze %dma_start3A_418 : memref<1x128xi32, #tpu.memory_space<vmem>> -> memref<128xi32, #tpu.memory_space<vmem>>
    %dma_start3A_420 = arith.constant 0 : i32
    %dma_start3A_421 = arith.constant 0 : i32
    %dma_start3A_422 = tpu.memref_slice %arg10[%dma_start3A_420, %dma_start3A_421] : memref<520x128xf32, #tpu.memory_space<vmem_shared>> -> memref<520x128xf32, #tpu.memory_space<vmem_shared>>
    tpu.enqueue_indirect_dma source(%arg5 : memref<128x128xf32, #tpu.memory_space<vmem>>) target(%dma_start3A_422 : memref<520x128xf32, #tpu.memory_space<vmem_shared>>) offsets(%dma_start3A_419 : memref<128xi32, #tpu.memory_space<vmem>>) semaphore(%arg14 : memref<!tpu.dma_semaphore, #tpu.memory_space<semaphore_mem>>) {add = true}
    %dma_wait3A_423 = arith.constant 2 : i32
    %dma_wait3A_424 = arith.constant 0 : i32
    %dma_wait3A_425 = tpu.memref_slice %arg8[%dma_wait3A_423, %dma_wait3A_424] : memref<3x128xi32, #tpu.memory_space<vmem>> -> memref<1x128xi32, #tpu.memory_space<vmem>>
    %dma_wait3A_426 = tpu.memref_squeeze %dma_wait3A_425 : memref<1x128xi32, #tpu.memory_space<vmem>> -> memref<128xi32, #tpu.memory_space<vmem>>
    %dma_wait3A_427 = arith.constant 0 : i32
    %dma_wait3A_428 = arith.constant 0 : i32
    %dma_wait3A_429 = tpu.memref_slice %arg10[%dma_wait3A_427, %dma_wait3A_428] : memref<520x128xf32, #tpu.memory_space<vmem_shared>> -> memref<520x128xf32, #tpu.memory_space<vmem_shared>>
    tpu.wait_indirect_dma semaphore(%arg16 : memref<!tpu.dma_semaphore, #tpu.memory_space<semaphore_mem>>) src(%arg7 : memref<128x128xf32, #tpu.memory_space<vmem>>) dst(%dma_wait3A_429 : memref<520x128xf32, #tpu.memory_space<vmem_shared>>)
    %add3A_430 = arith.constant 256 : i32
    %add3A_431 = arith.addi %add3A_430, %add3A : i32
    %min3A_432 = arith.constant 780 : i32
    %min3A_433 = arith.minsi %add3A_431, %min3A_432 : i32
    %mul3A_434 = arith.constant 128 : i32
    %mul3A_435 = arith.muli %min3A_433, %mul3A_434 : i32
    %multiple_of3A_436 = tpu.assume_multiple %mul3A_435, 128 : i32
    %dma_start3A_437 = arith.constant 0 : i32
    %dma_start3A_438 = tpu.memref_slice %arg2[%multiple_of3A_436, %dma_start3A_437] : memref<100000x128xf32, #tpu.memory_space<hbm>> -> memref<128x128xf32, #tpu.memory_space<hbm>>
    %dma_start3A_439 = arith.constant 0 : i32
    %dma_start3A_440 = tpu.memref_slice %arg2[%multiple_of3A_436, %dma_start3A_439] : memref<100000x128xf32, #tpu.memory_space<hbm>> -> memref<128x128xf32, #tpu.memory_space<hbm>>
    tpu.enqueue_dma source(%dma_start3A_440 : memref<128x128xf32, #tpu.memory_space<hbm>>) target(%arg7 : memref<128x128xf32, #tpu.memory_space<vmem>>) target_semaphore(%arg13 : memref<!tpu.dma_semaphore, #tpu.memory_space<semaphore_mem>>)
    %dma_start3A_441 = arith.constant 2 : i32
    %dma_start3A_442 = arith.constant 0 : i32
    %dma_start3A_443 = tpu.memref_slice %arg8[%dma_start3A_441, %dma_start3A_442] : memref<3x128xi32, #tpu.memory_space<vmem>> -> memref<1x128xi32, #tpu.memory_space<vmem>>
    %dma_start3A_444 = tpu.memref_squeeze %dma_start3A_443 : memref<1x128xi32, #tpu.memory_space<vmem>> -> memref<128xi32, #tpu.memory_space<vmem>>
    %dma_start3A_445 = tpu.memref_slice %arg3[%multiple_of3A_436] : memref<100000xi32, #tpu.memory_space<hbm>> -> memref<128xi32, #tpu.memory_space<hbm>>
    %dma_start3A_446 = arith.constant 0 : i32
    %dma_start3A_447 = tpu.memref_slice %arg8[%dma_start3A_441, %dma_start3A_446] : memref<3x128xi32, #tpu.memory_space<vmem>> -> memref<1x128xi32, #tpu.memory_space<vmem>>
    %dma_start3A_448 = tpu.memref_squeeze %dma_start3A_447 : memref<1x128xi32, #tpu.memory_space<vmem>> -> memref<128xi32, #tpu.memory_space<vmem>>
    %dma_start3A_449 = tpu.memref_slice %arg3[%multiple_of3A_436] : memref<100000xi32, #tpu.memory_space<hbm>> -> memref<128xi32, #tpu.memory_space<hbm>>
    tpu.enqueue_dma source(%dma_start3A_449 : memref<128xi32, #tpu.memory_space<hbm>>) target(%dma_start3A_448 : memref<128xi32, #tpu.memory_space<vmem>>) target_semaphore(%arg13 : memref<!tpu.dma_semaphore, #tpu.memory_space<semaphore_mem>>)
    %dma_wait3A_450 = arith.constant 0 : i32
    %dma_wait3A_451 = tpu.memref_slice %arg2[%multiple_of3A_377, %dma_wait3A_450] : memref<100000x128xf32, #tpu.memory_space<hbm>> -> memref<128x128xf32, #tpu.memory_space<hbm>>
    %dma_wait3A_452 = arith.constant 0 : i32
    %dma_wait3A_453 = tpu.memref_slice %arg2[%multiple_of3A_377, %dma_wait3A_452] : memref<100000x128xf32, #tpu.memory_space<hbm>> -> memref<128x128xf32, #tpu.memory_space<hbm>>
    tpu.wait_dma2 semaphore(%arg12 : memref<!tpu.dma_semaphore, #tpu.memory_space<semaphore_mem>>) src(%dma_wait3A_453 : memref<128x128xf32, #tpu.memory_space<hbm>>) dst(%arg6 : memref<128x128xf32, #tpu.memory_space<vmem>>)
    %dma_wait3A_454 = arith.constant 1 : i32
    %dma_wait3A_455 = arith.constant 0 : i32
    %dma_wait3A_456 = tpu.memref_slice %arg8[%dma_wait3A_454, %dma_wait3A_455] : memref<3x128xi32, #tpu.memory_space<vmem>> -> memref<1x128xi32, #tpu.memory_space<vmem>>
    %dma_wait3A_457 = tpu.memref_squeeze %dma_wait3A_456 : memref<1x128xi32, #tpu.memory_space<vmem>> -> memref<128xi32, #tpu.memory_space<vmem>>
    %dma_wait3A_458 = tpu.memref_slice %arg3[%multiple_of3A_377] : memref<100000xi32, #tpu.memory_space<hbm>> -> memref<128xi32, #tpu.memory_space<hbm>>
    %dma_wait3A_459 = arith.constant 0 : i32
    %dma_wait3A_460 = tpu.memref_slice %arg8[%dma_wait3A_454, %dma_wait3A_459] : memref<3x128xi32, #tpu.memory_space<vmem>> -> memref<1x128xi32, #tpu.memory_space<vmem>>
    %dma_wait3A_461 = tpu.memref_squeeze %dma_wait3A_460 : memref<1x128xi32, #tpu.memory_space<vmem>> -> memref<128xi32, #tpu.memory_space<vmem>>
    %dma_wait3A_462 = tpu.memref_slice %arg3[%multiple_of3A_377] : memref<100000xi32, #tpu.memory_space<hbm>> -> memref<128xi32, #tpu.memory_space<hbm>>
    tpu.wait_dma2 semaphore(%arg12 : memref<!tpu.dma_semaphore, #tpu.memory_space<semaphore_mem>>) src(%dma_wait3A_462 : memref<128xi32, #tpu.memory_space<hbm>>) dst(%dma_wait3A_461 : memref<128xi32, #tpu.memory_space<vmem>>)
    %add3A_463 = arith.constant 224 : i32
    %add3A_464 = arith.addi %add3A_463, %add3A : i32
    %min3A_465 = arith.constant 780 : i32
    %min3A_466 = arith.minsi %add3A_464, %min3A_465 : i32
    %mul3A_467 = arith.constant 128 : i32
    %mul3A_468 = arith.muli %min3A_466, %mul3A_467 : i32
    %multiple_of3A_469 = tpu.assume_multiple %mul3A_468, 128 : i32
    %ge3A_470 = arith.constant 781 : i32
    %ge3A_471 = arith.cmpi sge, %add3A_464, %ge3A_470 : i32
    %convert_element_type3A_472 = arith.extui %ge3A_471 : i1 to i32
    %cond3A_473 = arith.constant 0 : i32
    %cond3A_474 = arith.cmpi ne, %convert_element_type3A_472, %cond3A_473 : i32
    scf.if %cond3A_474 {
      %swap3A = arith.constant 1 : i32
      %swap3A_1489 = arith.constant 0 : i32
      %swap3A_1490 = tpu.memref_slice %arg8[%swap3A, %swap3A_1489] : memref<3x128xi32, #tpu.memory_space<vmem>> -> memref<1x128xi32, #tpu.memory_space<vmem>>
      %swap3A_1491 = tpu.memref_squeeze %swap3A_1490 : memref<1x128xi32, #tpu.memory_space<vmem>> -> memref<128xi32, #tpu.memory_space<vmem>>
      %swap3A_1492 = arith.constant 0 : index
      %swap3A_1493 = tpu.vector_load %swap3A_1491[%swap3A_1492] {strides = array<i32>} : memref<128xi32, #tpu.memory_space<vmem>>, vector<16xi32>,
      %swap3A_1494 = vector.shape_cast %swap3A_1493 : vector<16xi32> to vector<16xi32>
      %swap3A_1495 = vector.shape_cast %broadcast_in_dim3A_3 : vector<16xi32> to vector<16xi32>
      tpu.vector_store %swap3A_1491[%swap3A_1492], %swap3A_1495 {strides = array<i32>} : memref<128xi32, #tpu.memory_space<vmem>>, vector<16xi32>,
      %swap3A_1496 = arith.constant 1 : i32
      %swap3A_1497 = arith.constant 0 : i32
      %swap3A_1498 = tpu.memref_slice %arg8[%swap3A_1496, %swap3A_1497] : memref<3x128xi32, #tpu.memory_space<vmem>> -> memref<1x128xi32, #tpu.memory_space<vmem>>
      %swap3A_1499 = tpu.memref_squeeze %swap3A_1498 : memref<1x128xi32, #tpu.memory_space<vmem>> -> memref<128xi32, #tpu.memory_space<vmem>>
      %swap3A_1500 = arith.constant 16 : index
      %swap3A_1501 = tpu.vector_load %swap3A_1499[%swap3A_1500] {strides = array<i32>} : memref<128xi32, #tpu.memory_space<vmem>>, vector<16xi32>,
      %swap3A_1502 = vector.shape_cast %swap3A_1501 : vector<16xi32> to vector<16xi32>
      %swap3A_1503 = vector.shape_cast %broadcast_in_dim3A_3 : vector<16xi32> to vector<16xi32>
      tpu.vector_store %swap3A_1499[%swap3A_1500], %swap3A_1503 {strides = array<i32>} : memref<128xi32, #tpu.memory_space<vmem>>, vector<16xi32>,
      %swap3A_1504 = arith.constant 1 : i32
      %swap3A_1505 = arith.constant 0 : i32
      %swap3A_1506 = tpu.memref_slice %arg8[%swap3A_1504, %swap3A_1505] : memref<3x128xi32, #tpu.memory_space<vmem>> -> memref<1x128xi32, #tpu.memory_space<vmem>>
      %swap3A_1507 = tpu.memref_squeeze %swap3A_1506 : memref<1x128xi32, #tpu.memory_space<vmem>> -> memref<128xi32, #tpu.memory_space<vmem>>
      %swap3A_1508 = arith.constant 32 : index
      %swap3A_1509 = tpu.vector_load %swap3A_1507[%swap3A_1508] {strides = array<i32>} : memref<128xi32, #tpu.memory_space<vmem>>, vector<16xi32>,
      %swap3A_1510 = vector.shape_cast %swap3A_1509 : vector<16xi32> to vector<16xi32>
      %swap3A_1511 = vector.shape_cast %broadcast_in_dim3A_3 : vector<16xi32> to vector<16xi32>
      tpu.vector_store %swap3A_1507[%swap3A_1508], %swap3A_1511 {strides = array<i32>} : memref<128xi32, #tpu.memory_space<vmem>>, vector<16xi32>,
      %swap3A_1512 = arith.constant 1 : i32
      %swap3A_1513 = arith.constant 0 : i32
      %swap3A_1514 = tpu.memref_slice %arg8[%swap3A_1512, %swap3A_1513] : memref<3x128xi32, #tpu.memory_space<vmem>> -> memref<1x128xi32, #tpu.memory_space<vmem>>
      %swap3A_1515 = tpu.memref_squeeze %swap3A_1514 : memref<1x128xi32, #tpu.memory_space<vmem>> -> memref<128xi32, #tpu.memory_space<vmem>>
      %swap3A_1516 = arith.constant 48 : index
      %swap3A_1517 = tpu.vector_load %swap3A_1515[%swap3A_1516] {strides = array<i32>} : memref<128xi32, #tpu.memory_space<vmem>>, vector<16xi32>,
      %swap3A_1518 = vector.shape_cast %swap3A_1517 : vector<16xi32> to vector<16xi32>
      %swap3A_1519 = vector.shape_cast %broadcast_in_dim3A_3 : vector<16xi32> to vector<16xi32>
      tpu.vector_store %swap3A_1515[%swap3A_1516], %swap3A_1519 {strides = array<i32>} : memref<128xi32, #tpu.memory_space<vmem>>, vector<16xi32>,
      %swap3A_1520 = arith.constant 1 : i32
      %swap3A_1521 = arith.constant 0 : i32
      %swap3A_1522 = tpu.memref_slice %arg8[%swap3A_1520, %swap3A_1521] : memref<3x128xi32, #tpu.memory_space<vmem>> -> memref<1x128xi32, #tpu.memory_space<vmem>>
      %swap3A_1523 = tpu.memref_squeeze %swap3A_1522 : memref<1x128xi32, #tpu.memory_space<vmem>> -> memref<128xi32, #tpu.memory_space<vmem>>
      %swap3A_1524 = arith.constant 64 : index
      %swap3A_1525 = tpu.vector_load %swap3A_1523[%swap3A_1524] {strides = array<i32>} : memref<128xi32, #tpu.memory_space<vmem>>, vector<16xi32>,
      %swap3A_1526 = vector.shape_cast %swap3A_1525 : vector<16xi32> to vector<16xi32>
      %swap3A_1527 = vector.shape_cast %broadcast_in_dim3A_3 : vector<16xi32> to vector<16xi32>
      tpu.vector_store %swap3A_1523[%swap3A_1524], %swap3A_1527 {strides = array<i32>} : memref<128xi32, #tpu.memory_space<vmem>>, vector<16xi32>,
      %swap3A_1528 = arith.constant 1 : i32
      %swap3A_1529 = arith.constant 0 : i32
      %swap3A_1530 = tpu.memref_slice %arg8[%swap3A_1528, %swap3A_1529] : memref<3x128xi32, #tpu.memory_space<vmem>> -> memref<1x128xi32, #tpu.memory_space<vmem>>
      %swap3A_1531 = tpu.memref_squeeze %swap3A_1530 : memref<1x128xi32, #tpu.memory_space<vmem>> -> memref<128xi32, #tpu.memory_space<vmem>>
      %swap3A_1532 = arith.constant 80 : index
      %swap3A_1533 = tpu.vector_load %swap3A_1531[%swap3A_1532] {strides = array<i32>} : memref<128xi32, #tpu.memory_space<vmem>>, vector<16xi32>,
      %swap3A_1534 = vector.shape_cast %swap3A_1533 : vector<16xi32> to vector<16xi32>
      %swap3A_1535 = vector.shape_cast %broadcast_in_dim3A_3 : vector<16xi32> to vector<16xi32>
      tpu.vector_store %swap3A_1531[%swap3A_1532], %swap3A_1535 {strides = array<i32>} : memref<128xi32, #tpu.memory_space<vmem>>, vector<16xi32>,
      %swap3A_1536 = arith.constant 1 : i32
      %swap3A_1537 = arith.constant 0 : i32
      %swap3A_1538 = tpu.memref_slice %arg8[%swap3A_1536, %swap3A_1537] : memref<3x128xi32, #tpu.memory_space<vmem>> -> memref<1x128xi32, #tpu.memory_space<vmem>>
      %swap3A_1539 = tpu.memref_squeeze %swap3A_1538 : memref<1x128xi32, #tpu.memory_space<vmem>> -> memref<128xi32, #tpu.memory_space<vmem>>
      %swap3A_1540 = arith.constant 96 : index
      %swap3A_1541 = tpu.vector_load %swap3A_1539[%swap3A_1540] {strides = array<i32>} : memref<128xi32, #tpu.memory_space<vmem>>, vector<16xi32>,
      %swap3A_1542 = vector.shape_cast %swap3A_1541 : vector<16xi32> to vector<16xi32>
      %swap3A_1543 = vector.shape_cast %broadcast_in_dim3A_3 : vector<16xi32> to vector<16xi32>
      tpu.vector_store %swap3A_1539[%swap3A_1540], %swap3A_1543 {strides = array<i32>} : memref<128xi32, #tpu.memory_space<vmem>>, vector<16xi32>,
      %swap3A_1544 = arith.constant 1 : i32
      %swap3A_1545 = arith.constant 0 : i32
      %swap3A_1546 = tpu.memref_slice %arg8[%swap3A_1544, %swap3A_1545] : memref<3x128xi32, #tpu.memory_space<vmem>> -> memref<1x128xi32, #tpu.memory_space<vmem>>
      %swap3A_1547 = tpu.memref_squeeze %swap3A_1546 : memref<1x128xi32, #tpu.memory_space<vmem>> -> memref<128xi32, #tpu.memory_space<vmem>>
      %swap3A_1548 = arith.constant 112 : index
      %swap3A_1549 = tpu.vector_load %swap3A_1547[%swap3A_1548] {strides = array<i32>} : memref<128xi32, #tpu.memory_space<vmem>>, vector<16xi32>,
      %swap3A_1550 = vector.shape_cast %swap3A_1549 : vector<16xi32> to vector<16xi32>
      %swap3A_1551 = vector.shape_cast %broadcast_in_dim3A_3 : vector<16xi32> to vector<16xi32>
      tpu.vector_store %swap3A_1547[%swap3A_1548], %swap3A_1551 {strides = array<i32>} : memref<128xi32, #tpu.memory_space<vmem>>, vector<16xi32>,
    } else {
    }
    %dma_start3A_475 = arith.constant 1 : i32
    %dma_start3A_476 = arith.constant 0 : i32
    %dma_start3A_477 = tpu.memref_slice %arg8[%dma_start3A_475, %dma_start3A_476] : memref<3x128xi32, #tpu.memory_space<vmem>> -> memref<1x128xi32, #tpu.memory_space<vmem>>
    %dma_start3A_478 = tpu.memref_squeeze %dma_start3A_477 : memref<1x128xi32, #tpu.memory_space<vmem>> -> memref<128xi32, #tpu.memory_space<vmem>>
    %dma_start3A_479 = arith.constant 0 : i32
    %dma_start3A_480 = arith.constant 0 : i32
    %dma_start3A_481 = tpu.memref_slice %arg10[%dma_start3A_479, %dma_start3A_480] : memref<520x128xf32, #tpu.memory_space<vmem_shared>> -> memref<520x128xf32, #tpu.memory_space<vmem_shared>>
    tpu.enqueue_indirect_dma source(%arg6 : memref<128x128xf32, #tpu.memory_space<vmem>>) target(%dma_start3A_481 : memref<520x128xf32, #tpu.memory_space<vmem_shared>>) offsets(%dma_start3A_478 : memref<128xi32, #tpu.memory_space<vmem>>) semaphore(%arg15 : memref<!tpu.dma_semaphore, #tpu.memory_space<semaphore_mem>>) {add = true}
    %dma_wait3A_482 = arith.constant 0 : i32
    %dma_wait3A_483 = arith.constant 0 : i32
    %dma_wait3A_484 = tpu.memref_slice %arg8[%dma_wait3A_482, %dma_wait3A_483] : memref<3x128xi32, #tpu.memory_space<vmem>> -> memref<1x128xi32, #tpu.memory_space<vmem>>
    %dma_wait3A_485 = tpu.memref_squeeze %dma_wait3A_484 : memref<1x128xi32, #tpu.memory_space<vmem>> -> memref<128xi32, #tpu.memory_space<vmem>>
    %dma_wait3A_486 = arith.constant 0 : i32
    %dma_wait3A_487 = arith.constant 0 : i32
    %dma_wait3A_488 = tpu.memref_slice %arg10[%dma_wait3A_486, %dma_wait3A_487] : memref<520x128xf32, #tpu.memory_space<vmem_shared>> -> memref<520x128xf32, #tpu.memory_space<vmem_shared>>
    tpu.wait_indirect_dma semaphore(%arg14 : memref<!tpu.dma_semaphore, #tpu.memory_space<semaphore_mem>>) src(%arg5 : memref<128x128xf32, #tpu.memory_space<vmem>>) dst(%dma_wait3A_488 : memref<520x128xf32, #tpu.memory_space<vmem_shared>>)
    %add3A_489 = arith.constant 288 : i32
    %add3A_490 = arith.addi %add3A_489, %add3A : i32
    %min3A_491 = arith.constant 780 : i32
    %min3A_492 = arith.minsi %add3A_490, %min3A_491 : i32
    %mul3A_493 = arith.constant 128 : i32
    %mul3A_494 = arith.muli %min3A_492, %mul3A_493 : i32
    %multiple_of3A_495 = tpu.assume_multiple %mul3A_494, 128 : i32
    %dma_start3A_496 = arith.constant 0 : i32
    %dma_start3A_497 = tpu.memref_slice %arg2[%multiple_of3A_495, %dma_start3A_496] : memref<100000x128xf32, #tpu.memory_space<hbm>> -> memref<128x128xf32, #tpu.memory_space<hbm>>
    %dma_start3A_498 = arith.constant 0 : i32
    %dma_start3A_499 = tpu.memref_slice %arg2[%multiple_of3A_495, %dma_start3A_498] : memref<100000x128xf32, #tpu.memory_space<hbm>> -> memref<128x128xf32, #tpu.memory_space<hbm>>
    tpu.enqueue_dma source(%dma_start3A_499 : memref<128x128xf32, #tpu.memory_space<hbm>>) target(%arg5 : memref<128x128xf32, #tpu.memory_space<vmem>>) target_semaphore(%arg11 : memref<!tpu.dma_semaphore, #tpu.memory_space<semaphore_mem>>)
    %dma_start3A_500 = arith.constant 0 : i32
    %dma_start3A_501 = arith.constant 0 : i32
    %dma_start3A_502 = tpu.memref_slice %arg8[%dma_start3A_500, %dma_start3A_501] : memref<3x128xi32, #tpu.memory_space<vmem>> -> memref<1x128xi32, #tpu.memory_space<vmem>>
    %dma_start3A_503 = tpu.memref_squeeze %dma_start3A_502 : memref<1x128xi32, #tpu.memory_space<vmem>> -> memref<128xi32, #tpu.memory_space<vmem>>
    %dma_start3A_504 = tpu.memref_slice %arg3[%multiple_of3A_495] : memref<100000xi32, #tpu.memory_space<hbm>> -> memref<128xi32, #tpu.memory_space<hbm>>
    %dma_start3A_505 = arith.constant 0 : i32
    %dma_start3A_506 = tpu.memref_slice %arg8[%dma_start3A_500, %dma_start3A_505] : memref<3x128xi32, #tpu.memory_space<vmem>> -> memref<1x128xi32, #tpu.memory_space<vmem>>
    %dma_start3A_507 = tpu.memref_squeeze %dma_start3A_506 : memref<1x128xi32, #tpu.memory_space<vmem>> -> memref<128xi32, #tpu.memory_space<vmem>>
    %dma_start3A_508 = tpu.memref_slice %arg3[%multiple_of3A_495] : memref<100000xi32, #tpu.memory_space<hbm>> -> memref<128xi32, #tpu.memory_space<hbm>>
    tpu.enqueue_dma source(%dma_start3A_508 : memref<128xi32, #tpu.memory_space<hbm>>) target(%dma_start3A_507 : memref<128xi32, #tpu.memory_space<vmem>>) target_semaphore(%arg11 : memref<!tpu.dma_semaphore, #tpu.memory_space<semaphore_mem>>)
    %dma_wait3A_509 = arith.constant 0 : i32
    %dma_wait3A_510 = tpu.memref_slice %arg2[%multiple_of3A_436, %dma_wait3A_509] : memref<100000x128xf32, #tpu.memory_space<hbm>> -> memref<128x128xf32, #tpu.memory_space<hbm>>
    %dma_wait3A_511 = arith.constant 0 : i32
    %dma_wait3A_512 = tpu.memref_slice %arg2[%multiple_of3A_436, %dma_wait3A_511] : memref<100000x128xf32, #tpu.memory_space<hbm>> -> memref<128x128xf32, #tpu.memory_space<hbm>>
    tpu.wait_dma2 semaphore(%arg13 : memref<!tpu.dma_semaphore, #tpu.memory_space<semaphore_mem>>) src(%dma_wait3A_512 : memref<128x128xf32, #tpu.memory_space<hbm>>) dst(%arg7 : memref<128x128xf32, #tpu.memory_space<vmem>>)
    %dma_wait3A_513 = arith.constant 2 : i32
    %dma_wait3A_514 = arith.constant 0 : i32
    %dma_wait3A_515 = tpu.memref_slice %arg8[%dma_wait3A_513, %dma_wait3A_514] : memref<3x128xi32, #tpu.memory_space<vmem>> -> memref<1x128xi32, #tpu.memory_space<vmem>>
    %dma_wait3A_516 = tpu.memref_squeeze %dma_wait3A_515 : memref<1x128xi32, #tpu.memory_space<vmem>> -> memref<128xi32, #tpu.memory_space<vmem>>
    %dma_wait3A_517 = tpu.memref_slice %arg3[%multiple_of3A_436] : memref<100000xi32, #tpu.memory_space<hbm>> -> memref<128xi32, #tpu.memory_space<hbm>>
    %dma_wait3A_518 = arith.constant 0 : i32
    %dma_wait3A_519 = tpu.memref_slice %arg8[%dma_wait3A_513, %dma_wait3A_518] : memref<3x128xi32, #tpu.memory_space<vmem>> -> memref<1x128xi32, #tpu.memory_space<vmem>>
    %dma_wait3A_520 = tpu.memref_squeeze %dma_wait3A_519 : memref<1x128xi32, #tpu.memory_space<vmem>> -> memref<128xi32, #tpu.memory_space<vmem>>
    %dma_wait3A_521 = tpu.memref_slice %arg3[%multiple_of3A_436] : memref<100000xi32, #tpu.memory_space<hbm>> -> memref<128xi32, #tpu.memory_space<hbm>>
    tpu.wait_dma2 semaphore(%arg13 : memref<!tpu.dma_semaphore, #tpu.memory_space<semaphore_mem>>) src(%dma_wait3A_521 : memref<128xi32, #tpu.memory_space<hbm>>) dst(%dma_wait3A_520 : memref<128xi32, #tpu.memory_space<vmem>>)
    %add3A_522 = arith.constant 256 : i32
    %add3A_523 = arith.addi %add3A_522, %add3A : i32
    %min3A_524 = arith.constant 780 : i32
    %min3A_525 = arith.minsi %add3A_523, %min3A_524 : i32
    %mul3A_526 = arith.constant 128 : i32
    %mul3A_527 = arith.muli %min3A_525, %mul3A_526 : i32
    %multiple_of3A_528 = tpu.assume_multiple %mul3A_527, 128 : i32
    %ge3A_529 = arith.constant 781 : i32
    %ge3A_530 = arith.cmpi sge, %add3A_523, %ge3A_529 : i32
    %convert_element_type3A_531 = arith.extui %ge3A_530 : i1 to i32
    %cond3A_532 = arith.constant 0 : i32
    %cond3A_533 = arith.cmpi ne, %convert_element_type3A_531, %cond3A_532 : i32
    scf.if %cond3A_533 {
      %swap3A = arith.constant 2 : i32
      %swap3A_1489 = arith.constant 0 : i32
      %swap3A_1490 = tpu.memref_slice %arg8[%swap3A, %swap3A_1489] : memref<3x128xi32, #tpu.memory_space<vmem>> -> memref<1x128xi32, #tpu.memory_space<vmem>>
      %swap3A_1491 = tpu.memref_squeeze %swap3A_1490 : memref<1x128xi32, #tpu.memory_space<vmem>> -> memref<128xi32, #tpu.memory_space<vmem>>
      %swap3A_1492 = arith.constant 0 : index
      %swap3A_1493 = tpu.vector_load %swap3A_1491[%swap3A_1492] {strides = array<i32>} : memref<128xi32, #tpu.memory_space<vmem>>, vector<16xi32>,
      %swap3A_1494 = vector.shape_cast %swap3A_1493 : vector<16xi32> to vector<16xi32>
      %swap3A_1495 = vector.shape_cast %broadcast_in_dim3A_3 : vector<16xi32> to vector<16xi32>
      tpu.vector_store %swap3A_1491[%swap3A_1492], %swap3A_1495 {strides = array<i32>} : memref<128xi32, #tpu.memory_space<vmem>>, vector<16xi32>,
      %swap3A_1496 = arith.constant 2 : i32
      %swap3A_1497 = arith.constant 0 : i32
      %swap3A_1498 = tpu.memref_slice %arg8[%swap3A_1496, %swap3A_1497] : memref<3x128xi32, #tpu.memory_space<vmem>> -> memref<1x128xi32, #tpu.memory_space<vmem>>
      %swap3A_1499 = tpu.memref_squeeze %swap3A_1498 : memref<1x128xi32, #tpu.memory_space<vmem>> -> memref<128xi32, #tpu.memory_space<vmem>>
      %swap3A_1500 = arith.constant 16 : index
      %swap3A_1501 = tpu.vector_load %swap3A_1499[%swap3A_1500] {strides = array<i32>} : memref<128xi32, #tpu.memory_space<vmem>>, vector<16xi32>,
      %swap3A_1502 = vector.shape_cast %swap3A_1501 : vector<16xi32> to vector<16xi32>
      %swap3A_1503 = vector.shape_cast %broadcast_in_dim3A_3 : vector<16xi32> to vector<16xi32>
      tpu.vector_store %swap3A_1499[%swap3A_1500], %swap3A_1503 {strides = array<i32>} : memref<128xi32, #tpu.memory_space<vmem>>, vector<16xi32>,
      %swap3A_1504 = arith.constant 2 : i32
      %swap3A_1505 = arith.constant 0 : i32
      %swap3A_1506 = tpu.memref_slice %arg8[%swap3A_1504, %swap3A_1505] : memref<3x128xi32, #tpu.memory_space<vmem>> -> memref<1x128xi32, #tpu.memory_space<vmem>>
      %swap3A_1507 = tpu.memref_squeeze %swap3A_1506 : memref<1x128xi32, #tpu.memory_space<vmem>> -> memref<128xi32, #tpu.memory_space<vmem>>
      %swap3A_1508 = arith.constant 32 : index
      %swap3A_1509 = tpu.vector_load %swap3A_1507[%swap3A_1508] {strides = array<i32>} : memref<128xi32, #tpu.memory_space<vmem>>, vector<16xi32>,
      %swap3A_1510 = vector.shape_cast %swap3A_1509 : vector<16xi32> to vector<16xi32>
      %swap3A_1511 = vector.shape_cast %broadcast_in_dim3A_3 : vector<16xi32> to vector<16xi32>
      tpu.vector_store %swap3A_1507[%swap3A_1508], %swap3A_1511 {strides = array<i32>} : memref<128xi32, #tpu.memory_space<vmem>>, vector<16xi32>,
      %swap3A_1512 = arith.constant 2 : i32
      %swap3A_1513 = arith.constant 0 : i32
      %swap3A_1514 = tpu.memref_slice %arg8[%swap3A_1512, %swap3A_1513] : memref<3x128xi32, #tpu.memory_space<vmem>> -> memref<1x128xi32, #tpu.memory_space<vmem>>
      %swap3A_1515 = tpu.memref_squeeze %swap3A_1514 : memref<1x128xi32, #tpu.memory_space<vmem>> -> memref<128xi32, #tpu.memory_space<vmem>>
      %swap3A_1516 = arith.constant 48 : index
      %swap3A_1517 = tpu.vector_load %swap3A_1515[%swap3A_1516] {strides = array<i32>} : memref<128xi32, #tpu.memory_space<vmem>>, vector<16xi32>,
      %swap3A_1518 = vector.shape_cast %swap3A_1517 : vector<16xi32> to vector<16xi32>
      %swap3A_1519 = vector.shape_cast %broadcast_in_dim3A_3 : vector<16xi32> to vector<16xi32>
      tpu.vector_store %swap3A_1515[%swap3A_1516], %swap3A_1519 {strides = array<i32>} : memref<128xi32, #tpu.memory_space<vmem>>, vector<16xi32>,
      %swap3A_1520 = arith.constant 2 : i32
      %swap3A_1521 = arith.constant 0 : i32
      %swap3A_1522 = tpu.memref_slice %arg8[%swap3A_1520, %swap3A_1521] : memref<3x128xi32, #tpu.memory_space<vmem>> -> memref<1x128xi32, #tpu.memory_space<vmem>>
      %swap3A_1523 = tpu.memref_squeeze %swap3A_1522 : memref<1x128xi32, #tpu.memory_space<vmem>> -> memref<128xi32, #tpu.memory_space<vmem>>
      %swap3A_1524 = arith.constant 64 : index
      %swap3A_1525 = tpu.vector_load %swap3A_1523[%swap3A_1524] {strides = array<i32>} : memref<128xi32, #tpu.memory_space<vmem>>, vector<16xi32>,
      %swap3A_1526 = vector.shape_cast %swap3A_1525 : vector<16xi32> to vector<16xi32>
      %swap3A_1527 = vector.shape_cast %broadcast_in_dim3A_3 : vector<16xi32> to vector<16xi32>
      tpu.vector_store %swap3A_1523[%swap3A_1524], %swap3A_1527 {strides = array<i32>} : memref<128xi32, #tpu.memory_space<vmem>>, vector<16xi32>,
      %swap3A_1528 = arith.constant 2 : i32
      %swap3A_1529 = arith.constant 0 : i32
      %swap3A_1530 = tpu.memref_slice %arg8[%swap3A_1528, %swap3A_1529] : memref<3x128xi32, #tpu.memory_space<vmem>> -> memref<1x128xi32, #tpu.memory_space<vmem>>
      %swap3A_1531 = tpu.memref_squeeze %swap3A_1530 : memref<1x128xi32, #tpu.memory_space<vmem>> -> memref<128xi32, #tpu.memory_space<vmem>>
      %swap3A_1532 = arith.constant 80 : index
      %swap3A_1533 = tpu.vector_load %swap3A_1531[%swap3A_1532] {strides = array<i32>} : memref<128xi32, #tpu.memory_space<vmem>>, vector<16xi32>,
      %swap3A_1534 = vector.shape_cast %swap3A_1533 : vector<16xi32> to vector<16xi32>
      %swap3A_1535 = vector.shape_cast %broadcast_in_dim3A_3 : vector<16xi32> to vector<16xi32>
      tpu.vector_store %swap3A_1531[%swap3A_1532], %swap3A_1535 {strides = array<i32>} : memref<128xi32, #tpu.memory_space<vmem>>, vector<16xi32>,
      %swap3A_1536 = arith.constant 2 : i32
      %swap3A_1537 = arith.constant 0 : i32
      %swap3A_1538 = tpu.memref_slice %arg8[%swap3A_1536, %swap3A_1537] : memref<3x128xi32, #tpu.memory_space<vmem>> -> memref<1x128xi32, #tpu.memory_space<vmem>>
      %swap3A_1539 = tpu.memref_squeeze %swap3A_1538 : memref<1x128xi32, #tpu.memory_space<vmem>> -> memref<128xi32, #tpu.memory_space<vmem>>
      %swap3A_1540 = arith.constant 96 : index
      %swap3A_1541 = tpu.vector_load %swap3A_1539[%swap3A_1540] {strides = array<i32>} : memref<128xi32, #tpu.memory_space<vmem>>, vector<16xi32>,
      %swap3A_1542 = vector.shape_cast %swap3A_1541 : vector<16xi32> to vector<16xi32>
      %swap3A_1543 = vector.shape_cast %broadcast_in_dim3A_3 : vector<16xi32> to vector<16xi32>
      tpu.vector_store %swap3A_1539[%swap3A_1540], %swap3A_1543 {strides = array<i32>} : memref<128xi32, #tpu.memory_space<vmem>>, vector<16xi32>,
      %swap3A_1544 = arith.constant 2 : i32
      %swap3A_1545 = arith.constant 0 : i32
      %swap3A_1546 = tpu.memref_slice %arg8[%swap3A_1544, %swap3A_1545] : memref<3x128xi32, #tpu.memory_space<vmem>> -> memref<1x128xi32, #tpu.memory_space<vmem>>
      %swap3A_1547 = tpu.memref_squeeze %swap3A_1546 : memref<1x128xi32, #tpu.memory_space<vmem>> -> memref<128xi32, #tpu.memory_space<vmem>>
      %swap3A_1548 = arith.constant 112 : index
      %swap3A_1549 = tpu.vector_load %swap3A_1547[%swap3A_1548] {strides = array<i32>} : memref<128xi32, #tpu.memory_space<vmem>>, vector<16xi32>,
      %swap3A_1550 = vector.shape_cast %swap3A_1549 : vector<16xi32> to vector<16xi32>
      %swap3A_1551 = vector.shape_cast %broadcast_in_dim3A_3 : vector<16xi32> to vector<16xi32>
      tpu.vector_store %swap3A_1547[%swap3A_1548], %swap3A_1551 {strides = array<i32>} : memref<128xi32, #tpu.memory_space<vmem>>, vector<16xi32>,
    } else {
    }
    %dma_start3A_534 = arith.constant 2 : i32
    %dma_start3A_535 = arith.constant 0 : i32
    %dma_start3A_536 = tpu.memref_slice %arg8[%dma_start3A_534, %dma_start3A_535] : memref<3x128xi32, #tpu.memory_space<vmem>> -> memref<1x128xi32, #tpu.memory_space<vmem>>
    %dma_start3A_537 = tpu.memref_squeeze %dma_start3A_536 : memref<1x128xi32, #tpu.memory_space<vmem>> -> memref<128xi32, #tpu.memory_space<vmem>>
    %dma_start3A_538 = arith.constant 0 : i32
    %dma_start3A_539 = arith.constant 0 : i32
    %dma_start3A_540 = tpu.memref_slice %arg10[%dma_start3A_538, %dma_start3A_539] : memref<520x128xf32, #tpu.memory_space<vmem_shared>> -> memref<520x128xf32, #tpu.memory_space<vmem_shared>>
    tpu.enqueue_indirect_dma source(%arg7 : memref<128x128xf32, #tpu.memory_space<vmem>>) target(%dma_start3A_540 : memref<520x128xf32, #tpu.memory_space<vmem_shared>>) offsets(%dma_start3A_537 : memref<128xi32, #tpu.memory_space<vmem>>) semaphore(%arg16 : memref<!tpu.dma_semaphore, #tpu.memory_space<semaphore_mem>>) {add = true}
    %dma_wait3A_541 = arith.constant 1 : i32
    %dma_wait3A_542 = arith.constant 0 : i32
    %dma_wait3A_543 = tpu.memref_slice %arg8[%dma_wait3A_541, %dma_wait3A_542] : memref<3x128xi32, #tpu.memory_space<vmem>> -> memref<1x128xi32, #tpu.memory_space<vmem>>
    %dma_wait3A_544 = tpu.memref_squeeze %dma_wait3A_543 : memref<1x128xi32, #tpu.memory_space<vmem>> -> memref<128xi32, #tpu.memory_space<vmem>>
    %dma_wait3A_545 = arith.constant 0 : i32
    %dma_wait3A_546 = arith.constant 0 : i32
    %dma_wait3A_547 = tpu.memref_slice %arg10[%dma_wait3A_545, %dma_wait3A_546] : memref<520x128xf32, #tpu.memory_space<vmem_shared>> -> memref<520x128xf32, #tpu.memory_space<vmem_shared>>
    tpu.wait_indirect_dma semaphore(%arg15 : memref<!tpu.dma_semaphore, #tpu.memory_space<semaphore_mem>>) src(%arg6 : memref<128x128xf32, #tpu.memory_space<vmem>>) dst(%dma_wait3A_547 : memref<520x128xf32, #tpu.memory_space<vmem_shared>>)
    %add3A_548 = arith.constant 320 : i32
    %add3A_549 = arith.addi %add3A_548, %add3A : i32
    %min3A_550 = arith.constant 780 : i32
    %min3A_551 = arith.minsi %add3A_549, %min3A_550 : i32
    %mul3A_552 = arith.constant 128 : i32
    %mul3A_553 = arith.muli %min3A_551, %mul3A_552 : i32
    %multiple_of3A_554 = tpu.assume_multiple %mul3A_553, 128 : i32
    %dma_start3A_555 = arith.constant 0 : i32
    %dma_start3A_556 = tpu.memref_slice %arg2[%multiple_of3A_554, %dma_start3A_555] : memref<100000x128xf32, #tpu.memory_space<hbm>> -> memref<128x128xf32, #tpu.memory_space<hbm>>
    %dma_start3A_557 = arith.constant 0 : i32
    %dma_start3A_558 = tpu.memref_slice %arg2[%multiple_of3A_554, %dma_start3A_557] : memref<100000x128xf32, #tpu.memory_space<hbm>> -> memref<128x128xf32, #tpu.memory_space<hbm>>
    tpu.enqueue_dma source(%dma_start3A_558 : memref<128x128xf32, #tpu.memory_space<hbm>>) target(%arg6 : memref<128x128xf32, #tpu.memory_space<vmem>>) target_semaphore(%arg12 : memref<!tpu.dma_semaphore, #tpu.memory_space<semaphore_mem>>)
    %dma_start3A_559 = arith.constant 1 : i32
    %dma_start3A_560 = arith.constant 0 : i32
    %dma_start3A_561 = tpu.memref_slice %arg8[%dma_start3A_559, %dma_start3A_560] : memref<3x128xi32, #tpu.memory_space<vmem>> -> memref<1x128xi32, #tpu.memory_space<vmem>>
    %dma_start3A_562 = tpu.memref_squeeze %dma_start3A_561 : memref<1x128xi32, #tpu.memory_space<vmem>> -> memref<128xi32, #tpu.memory_space<vmem>>
    %dma_start3A_563 = tpu.memref_slice %arg3[%multiple_of3A_554] : memref<100000xi32, #tpu.memory_space<hbm>> -> memref<128xi32, #tpu.memory_space<hbm>>
    %dma_start3A_564 = arith.constant 0 : i32
    %dma_start3A_565 = tpu.memref_slice %arg8[%dma_start3A_559, %dma_start3A_564] : memref<3x128xi32, #tpu.memory_space<vmem>> -> memref<1x128xi32, #tpu.memory_space<vmem>>
    %dma_start3A_566 = tpu.memref_squeeze %dma_start3A_565 : memref<1x128xi32, #tpu.memory_space<vmem>> -> memref<128xi32, #tpu.memory_space<vmem>>
    %dma_start3A_567 = tpu.memref_slice %arg3[%multiple_of3A_554] : memref<100000xi32, #tpu.memory_space<hbm>> -> memref<128xi32, #tpu.memory_space<hbm>>
    tpu.enqueue_dma source(%dma_start3A_567 : memref<128xi32, #tpu.memory_space<hbm>>) target(%dma_start3A_566 : memref<128xi32, #tpu.memory_space<vmem>>) target_semaphore(%arg12 : memref<!tpu.dma_semaphore, #tpu.memory_space<semaphore_mem>>)
    %dma_wait3A_568 = arith.constant 0 : i32
    %dma_wait3A_569 = tpu.memref_slice %arg2[%multiple_of3A_495, %dma_wait3A_568] : memref<100000x128xf32, #tpu.memory_space<hbm>> -> memref<128x128xf32, #tpu.memory_space<hbm>>
    %dma_wait3A_570 = arith.constant 0 : i32
    %dma_wait3A_571 = tpu.memref_slice %arg2[%multiple_of3A_495, %dma_wait3A_570] : memref<100000x128xf32, #tpu.memory_space<hbm>> -> memref<128x128xf32, #tpu.memory_space<hbm>>
    tpu.wait_dma2 semaphore(%arg11 : memref<!tpu.dma_semaphore, #tpu.memory_space<semaphore_mem>>) src(%dma_wait3A_571 : memref<128x128xf32, #tpu.memory_space<hbm>>) dst(%arg5 : memref<128x128xf32, #tpu.memory_space<vmem>>)
    %dma_wait3A_572 = arith.constant 0 : i32
    %dma_wait3A_573 = arith.constant 0 : i32
    %dma_wait3A_574 = tpu.memref_slice %arg8[%dma_wait3A_572, %dma_wait3A_573] : memref<3x128xi32, #tpu.memory_space<vmem>> -> memref<1x128xi32, #tpu.memory_space<vmem>>
    %dma_wait3A_575 = tpu.memref_squeeze %dma_wait3A_574 : memref<1x128xi32, #tpu.memory_space<vmem>> -> memref<128xi32, #tpu.memory_space<vmem>>
    %dma_wait3A_576 = tpu.memref_slice %arg3[%multiple_of3A_495] : memref<100000xi32, #tpu.memory_space<hbm>> -> memref<128xi32, #tpu.memory_space<hbm>>
    %dma_wait3A_577 = arith.constant 0 : i32
    %dma_wait3A_578 = tpu.memref_slice %arg8[%dma_wait3A_572, %dma_wait3A_577] : memref<3x128xi32, #tpu.memory_space<vmem>> -> memref<1x128xi32, #tpu.memory_space<vmem>>
    %dma_wait3A_579 = tpu.memref_squeeze %dma_wait3A_578 : memref<1x128xi32, #tpu.memory_space<vmem>> -> memref<128xi32, #tpu.memory_space<vmem>>
    %dma_wait3A_580 = tpu.memref_slice %arg3[%multiple_of3A_495] : memref<100000xi32, #tpu.memory_space<hbm>> -> memref<128xi32, #tpu.memory_space<hbm>>
    tpu.wait_dma2 semaphore(%arg11 : memref<!tpu.dma_semaphore, #tpu.memory_space<semaphore_mem>>) src(%dma_wait3A_580 : memref<128xi32, #tpu.memory_space<hbm>>) dst(%dma_wait3A_579 : memref<128xi32, #tpu.memory_space<vmem>>)
    %add3A_581 = arith.constant 288 : i32
    %add3A_582 = arith.addi %add3A_581, %add3A : i32
    %min3A_583 = arith.constant 780 : i32
    %min3A_584 = arith.minsi %add3A_582, %min3A_583 : i32
    %mul3A_585 = arith.constant 128 : i32
    %mul3A_586 = arith.muli %min3A_584, %mul3A_585 : i32
    %multiple_of3A_587 = tpu.assume_multiple %mul3A_586, 128 : i32
    %ge3A_588 = arith.constant 781 : i32
    %ge3A_589 = arith.cmpi sge, %add3A_582, %ge3A_588 : i32
    %convert_element_type3A_590 = arith.extui %ge3A_589 : i1 to i32
    %cond3A_591 = arith.constant 0 : i32
    %cond3A_592 = arith.cmpi ne, %convert_element_type3A_590, %cond3A_591 : i32
    scf.if %cond3A_592 {
      %swap3A = arith.constant 0 : i32
      %swap3A_1489 = arith.constant 0 : i32
      %swap3A_1490 = tpu.memref_slice %arg8[%swap3A, %swap3A_1489] : memref<3x128xi32, #tpu.memory_space<vmem>> -> memref<1x128xi32, #tpu.memory_space<vmem>>
      %swap3A_1491 = tpu.memref_squeeze %swap3A_1490 : memref<1x128xi32, #tpu.memory_space<vmem>> -> memref<128xi32, #tpu.memory_space<vmem>>
      %swap3A_1492 = arith.constant 0 : index
      %swap3A_1493 = tpu.vector_load %swap3A_1491[%swap3A_1492] {strides = array<i32>} : memref<128xi32, #tpu.memory_space<vmem>>, vector<16xi32>,
      %swap3A_1494 = vector.shape_cast %swap3A_1493 : vector<16xi32> to vector<16xi32>
      %swap3A_1495 = vector.shape_cast %broadcast_in_dim3A_3 : vector<16xi32> to vector<16xi32>
      tpu.vector_store %swap3A_1491[%swap3A_1492], %swap3A_1495 {strides = array<i32>} : memref<128xi32, #tpu.memory_space<vmem>>, vector<16xi32>,
      %swap3A_1496 = arith.constant 0 : i32
      %swap3A_1497 = arith.constant 0 : i32
      %swap3A_1498 = tpu.memref_slice %arg8[%swap3A_1496, %swap3A_1497] : memref<3x128xi32, #tpu.memory_space<vmem>> -> memref<1x128xi32, #tpu.memory_space<vmem>>
      %swap3A_1499 = tpu.memref_squeeze %swap3A_1498 : memref<1x128xi32, #tpu.memory_space<vmem>> -> memref<128xi32, #tpu.memory_space<vmem>>
      %swap3A_1500 = arith.constant 16 : index
      %swap3A_1501 = tpu.vector_load %swap3A_1499[%swap3A_1500] {strides = array<i32>} : memref<128xi32, #tpu.memory_space<vmem>>, vector<16xi32>,
      %swap3A_1502 = vector.shape_cast %swap3A_1501 : vector<16xi32> to vector<16xi32>
      %swap3A_1503 = vector.shape_cast %broadcast_in_dim3A_3 : vector<16xi32> to vector<16xi32>
      tpu.vector_store %swap3A_1499[%swap3A_1500], %swap3A_1503 {strides = array<i32>} : memref<128xi32, #tpu.memory_space<vmem>>, vector<16xi32>,
      %swap3A_1504 = arith.constant 0 : i32
      %swap3A_1505 = arith.constant 0 : i32
      %swap3A_1506 = tpu.memref_slice %arg8[%swap3A_1504, %swap3A_1505] : memref<3x128xi32, #tpu.memory_space<vmem>> -> memref<1x128xi32, #tpu.memory_space<vmem>>
      %swap3A_1507 = tpu.memref_squeeze %swap3A_1506 : memref<1x128xi32, #tpu.memory_space<vmem>> -> memref<128xi32, #tpu.memory_space<vmem>>
      %swap3A_1508 = arith.constant 32 : index
      %swap3A_1509 = tpu.vector_load %swap3A_1507[%swap3A_1508] {strides = array<i32>} : memref<128xi32, #tpu.memory_space<vmem>>, vector<16xi32>,
      %swap3A_1510 = vector.shape_cast %swap3A_1509 : vector<16xi32> to vector<16xi32>
      %swap3A_1511 = vector.shape_cast %broadcast_in_dim3A_3 : vector<16xi32> to vector<16xi32>
      tpu.vector_store %swap3A_1507[%swap3A_1508], %swap3A_1511 {strides = array<i32>} : memref<128xi32, #tpu.memory_space<vmem>>, vector<16xi32>,
      %swap3A_1512 = arith.constant 0 : i32
      %swap3A_1513 = arith.constant 0 : i32
      %swap3A_1514 = tpu.memref_slice %arg8[%swap3A_1512, %swap3A_1513] : memref<3x128xi32, #tpu.memory_space<vmem>> -> memref<1x128xi32, #tpu.memory_space<vmem>>
      %swap3A_1515 = tpu.memref_squeeze %swap3A_1514 : memref<1x128xi32, #tpu.memory_space<vmem>> -> memref<128xi32, #tpu.memory_space<vmem>>
      %swap3A_1516 = arith.constant 48 : index
      %swap3A_1517 = tpu.vector_load %swap3A_1515[%swap3A_1516] {strides = array<i32>} : memref<128xi32, #tpu.memory_space<vmem>>, vector<16xi32>,
      %swap3A_1518 = vector.shape_cast %swap3A_1517 : vector<16xi32> to vector<16xi32>
      %swap3A_1519 = vector.shape_cast %broadcast_in_dim3A_3 : vector<16xi32> to vector<16xi32>
      tpu.vector_store %swap3A_1515[%swap3A_1516], %swap3A_1519 {strides = array<i32>} : memref<128xi32, #tpu.memory_space<vmem>>, vector<16xi32>,
      %swap3A_1520 = arith.constant 0 : i32
      %swap3A_1521 = arith.constant 0 : i32
      %swap3A_1522 = tpu.memref_slice %arg8[%swap3A_1520, %swap3A_1521] : memref<3x128xi32, #tpu.memory_space<vmem>> -> memref<1x128xi32, #tpu.memory_space<vmem>>
      %swap3A_1523 = tpu.memref_squeeze %swap3A_1522 : memref<1x128xi32, #tpu.memory_space<vmem>> -> memref<128xi32, #tpu.memory_space<vmem>>
      %swap3A_1524 = arith.constant 64 : index
      %swap3A_1525 = tpu.vector_load %swap3A_1523[%swap3A_1524] {strides = array<i32>} : memref<128xi32, #tpu.memory_space<vmem>>, vector<16xi32>,
      %swap3A_1526 = vector.shape_cast %swap3A_1525 : vector<16xi32> to vector<16xi32>
      %swap3A_1527 = vector.shape_cast %broadcast_in_dim3A_3 : vector<16xi32> to vector<16xi32>
      tpu.vector_store %swap3A_1523[%swap3A_1524], %swap3A_1527 {strides = array<i32>} : memref<128xi32, #tpu.memory_space<vmem>>, vector<16xi32>,
      %swap3A_1528 = arith.constant 0 : i32
      %swap3A_1529 = arith.constant 0 : i32
      %swap3A_1530 = tpu.memref_slice %arg8[%swap3A_1528, %swap3A_1529] : memref<3x128xi32, #tpu.memory_space<vmem>> -> memref<1x128xi32, #tpu.memory_space<vmem>>
      %swap3A_1531 = tpu.memref_squeeze %swap3A_1530 : memref<1x128xi32, #tpu.memory_space<vmem>> -> memref<128xi32, #tpu.memory_space<vmem>>
      %swap3A_1532 = arith.constant 80 : index
      %swap3A_1533 = tpu.vector_load %swap3A_1531[%swap3A_1532] {strides = array<i32>} : memref<128xi32, #tpu.memory_space<vmem>>, vector<16xi32>,
      %swap3A_1534 = vector.shape_cast %swap3A_1533 : vector<16xi32> to vector<16xi32>
      %swap3A_1535 = vector.shape_cast %broadcast_in_dim3A_3 : vector<16xi32> to vector<16xi32>
      tpu.vector_store %swap3A_1531[%swap3A_1532], %swap3A_1535 {strides = array<i32>} : memref<128xi32, #tpu.memory_space<vmem>>, vector<16xi32>,
      %swap3A_1536 = arith.constant 0 : i32
      %swap3A_1537 = arith.constant 0 : i32
      %swap3A_1538 = tpu.memref_slice %arg8[%swap3A_1536, %swap3A_1537] : memref<3x128xi32, #tpu.memory_space<vmem>> -> memref<1x128xi32, #tpu.memory_space<vmem>>
      %swap3A_1539 = tpu.memref_squeeze %swap3A_1538 : memref<1x128xi32, #tpu.memory_space<vmem>> -> memref<128xi32, #tpu.memory_space<vmem>>
      %swap3A_1540 = arith.constant 96 : index
      %swap3A_1541 = tpu.vector_load %swap3A_1539[%swap3A_1540] {strides = array<i32>} : memref<128xi32, #tpu.memory_space<vmem>>, vector<16xi32>,
      %swap3A_1542 = vector.shape_cast %swap3A_1541 : vector<16xi32> to vector<16xi32>
      %swap3A_1543 = vector.shape_cast %broadcast_in_dim3A_3 : vector<16xi32> to vector<16xi32>
      tpu.vector_store %swap3A_1539[%swap3A_1540], %swap3A_1543 {strides = array<i32>} : memref<128xi32, #tpu.memory_space<vmem>>, vector<16xi32>,
      %swap3A_1544 = arith.constant 0 : i32
      %swap3A_1545 = arith.constant 0 : i32
      %swap3A_1546 = tpu.memref_slice %arg8[%swap3A_1544, %swap3A_1545] : memref<3x128xi32, #tpu.memory_space<vmem>> -> memref<1x128xi32, #tpu.memory_space<vmem>>
      %swap3A_1547 = tpu.memref_squeeze %swap3A_1546 : memref<1x128xi32, #tpu.memory_space<vmem>> -> memref<128xi32, #tpu.memory_space<vmem>>
      %swap3A_1548 = arith.constant 112 : index
      %swap3A_1549 = tpu.vector_load %swap3A_1547[%swap3A_1548] {strides = array<i32>} : memref<128xi32, #tpu.memory_space<vmem>>, vector<16xi32>,
      %swap3A_1550 = vector.shape_cast %swap3A_1549 : vector<16xi32> to vector<16xi32>
      %swap3A_1551 = vector.shape_cast %broadcast_in_dim3A_3 : vector<16xi32> to vector<16xi32>
      tpu.vector_store %swap3A_1547[%swap3A_1548], %swap3A_1551 {strides = array<i32>} : memref<128xi32, #tpu.memory_space<vmem>>, vector<16xi32>,
    } else {
    }
    %dma_start3A_593 = arith.constant 0 : i32
    %dma_start3A_594 = arith.constant 0 : i32
    %dma_start3A_595 = tpu.memref_slice %arg8[%dma_start3A_593, %dma_start3A_594] : memref<3x128xi32, #tpu.memory_space<vmem>> -> memref<1x128xi32, #tpu.memory_space<vmem>>
    %dma_start3A_596 = tpu.memref_squeeze %dma_start3A_595 : memref<1x128xi32, #tpu.memory_space<vmem>> -> memref<128xi32, #tpu.memory_space<vmem>>
    %dma_start3A_597 = arith.constant 0 : i32
    %dma_start3A_598 = arith.constant 0 : i32
    %dma_start3A_599 = tpu.memref_slice %arg10[%dma_start3A_597, %dma_start3A_598] : memref<520x128xf32, #tpu.memory_space<vmem_shared>> -> memref<520x128xf32, #tpu.memory_space<vmem_shared>>
    tpu.enqueue_indirect_dma source(%arg5 : memref<128x128xf32, #tpu.memory_space<vmem>>) target(%dma_start3A_599 : memref<520x128xf32, #tpu.memory_space<vmem_shared>>) offsets(%dma_start3A_596 : memref<128xi32, #tpu.memory_space<vmem>>) semaphore(%arg14 : memref<!tpu.dma_semaphore, #tpu.memory_space<semaphore_mem>>) {add = true}
    %dma_wait3A_600 = arith.constant 2 : i32
    %dma_wait3A_601 = arith.constant 0 : i32
    %dma_wait3A_602 = tpu.memref_slice %arg8[%dma_wait3A_600, %dma_wait3A_601] : memref<3x128xi32, #tpu.memory_space<vmem>> -> memref<1x128xi32, #tpu.memory_space<vmem>>
    %dma_wait3A_603 = tpu.memref_squeeze %dma_wait3A_602 : memref<1x128xi32, #tpu.memory_space<vmem>> -> memref<128xi32, #tpu.memory_space<vmem>>
    %dma_wait3A_604 = arith.constant 0 : i32
    %dma_wait3A_605 = arith.constant 0 : i32
    %dma_wait3A_606 = tpu.memref_slice %arg10[%dma_wait3A_604, %dma_wait3A_605] : memref<520x128xf32, #tpu.memory_space<vmem_shared>> -> memref<520x128xf32, #tpu.memory_space<vmem_shared>>
    tpu.wait_indirect_dma semaphore(%arg16 : memref<!tpu.dma_semaphore, #tpu.memory_space<semaphore_mem>>) src(%arg7 : memref<128x128xf32, #tpu.memory_space<vmem>>) dst(%dma_wait3A_606 : memref<520x128xf32, #tpu.memory_space<vmem_shared>>)
    %add3A_607 = arith.constant 352 : i32
    %add3A_608 = arith.addi %add3A_607, %add3A : i32
    %min3A_609 = arith.constant 780 : i32
    %min3A_610 = arith.minsi %add3A_608, %min3A_609 : i32
    %mul3A_611 = arith.constant 128 : i32
    %mul3A_612 = arith.muli %min3A_610, %mul3A_611 : i32
    %multiple_of3A_613 = tpu.assume_multiple %mul3A_612, 128 : i32
    %dma_start3A_614 = arith.constant 0 : i32
    %dma_start3A_615 = tpu.memref_slice %arg2[%multiple_of3A_613, %dma_start3A_614] : memref<100000x128xf32, #tpu.memory_space<hbm>> -> memref<128x128xf32, #tpu.memory_space<hbm>>
    %dma_start3A_616 = arith.constant 0 : i32
    %dma_start3A_617 = tpu.memref_slice %arg2[%multiple_of3A_613, %dma_start3A_616] : memref<100000x128xf32, #tpu.memory_space<hbm>> -> memref<128x128xf32, #tpu.memory_space<hbm>>
    tpu.enqueue_dma source(%dma_start3A_617 : memref<128x128xf32, #tpu.memory_space<hbm>>) target(%arg7 : memref<128x128xf32, #tpu.memory_space<vmem>>) target_semaphore(%arg13 : memref<!tpu.dma_semaphore, #tpu.memory_space<semaphore_mem>>)
    %dma_start3A_618 = arith.constant 2 : i32
    %dma_start3A_619 = arith.constant 0 : i32
    %dma_start3A_620 = tpu.memref_slice %arg8[%dma_start3A_618, %dma_start3A_619] : memref<3x128xi32, #tpu.memory_space<vmem>> -> memref<1x128xi32, #tpu.memory_space<vmem>>
    %dma_start3A_621 = tpu.memref_squeeze %dma_start3A_620 : memref<1x128xi32, #tpu.memory_space<vmem>> -> memref<128xi32, #tpu.memory_space<vmem>>
    %dma_start3A_622 = tpu.memref_slice %arg3[%multiple_of3A_613] : memref<100000xi32, #tpu.memory_space<hbm>> -> memref<128xi32, #tpu.memory_space<hbm>>
    %dma_start3A_623 = arith.constant 0 : i32
    %dma_start3A_624 = tpu.memref_slice %arg8[%dma_start3A_618, %dma_start3A_623] : memref<3x128xi32, #tpu.memory_space<vmem>> -> memref<1x128xi32, #tpu.memory_space<vmem>>
    %dma_start3A_625 = tpu.memref_squeeze %dma_start3A_624 : memref<1x128xi32, #tpu.memory_space<vmem>> -> memref<128xi32, #tpu.memory_space<vmem>>
    %dma_start3A_626 = tpu.memref_slice %arg3[%multiple_of3A_613] : memref<100000xi32, #tpu.memory_space<hbm>> -> memref<128xi32, #tpu.memory_space<hbm>>
    tpu.enqueue_dma source(%dma_start3A_626 : memref<128xi32, #tpu.memory_space<hbm>>) target(%dma_start3A_625 : memref<128xi32, #tpu.memory_space<vmem>>) target_semaphore(%arg13 : memref<!tpu.dma_semaphore, #tpu.memory_space<semaphore_mem>>)
    %dma_wait3A_627 = arith.constant 0 : i32
    %dma_wait3A_628 = tpu.memref_slice %arg2[%multiple_of3A_554, %dma_wait3A_627] : memref<100000x128xf32, #tpu.memory_space<hbm>> -> memref<128x128xf32, #tpu.memory_space<hbm>>
    %dma_wait3A_629 = arith.constant 0 : i32
    %dma_wait3A_630 = tpu.memref_slice %arg2[%multiple_of3A_554, %dma_wait3A_629] : memref<100000x128xf32, #tpu.memory_space<hbm>> -> memref<128x128xf32, #tpu.memory_space<hbm>>
    tpu.wait_dma2 semaphore(%arg12 : memref<!tpu.dma_semaphore, #tpu.memory_space<semaphore_mem>>) src(%dma_wait3A_630 : memref<128x128xf32, #tpu.memory_space<hbm>>) dst(%arg6 : memref<128x128xf32, #tpu.memory_space<vmem>>)
    %dma_wait3A_631 = arith.constant 1 : i32
    %dma_wait3A_632 = arith.constant 0 : i32
    %dma_wait3A_633 = tpu.memref_slice %arg8[%dma_wait3A_631, %dma_wait3A_632] : memref<3x128xi32, #tpu.memory_space<vmem>> -> memref<1x128xi32, #tpu.memory_space<vmem>>
    %dma_wait3A_634 = tpu.memref_squeeze %dma_wait3A_633 : memref<1x128xi32, #tpu.memory_space<vmem>> -> memref<128xi32, #tpu.memory_space<vmem>>
    %dma_wait3A_635 = tpu.memref_slice %arg3[%multiple_of3A_554] : memref<100000xi32, #tpu.memory_space<hbm>> -> memref<128xi32, #tpu.memory_space<hbm>>
    %dma_wait3A_636 = arith.constant 0 : i32
    %dma_wait3A_637 = tpu.memref_slice %arg8[%dma_wait3A_631, %dma_wait3A_636] : memref<3x128xi32, #tpu.memory_space<vmem>> -> memref<1x128xi32, #tpu.memory_space<vmem>>
    %dma_wait3A_638 = tpu.memref_squeeze %dma_wait3A_637 : memref<1x128xi32, #tpu.memory_space<vmem>> -> memref<128xi32, #tpu.memory_space<vmem>>
    %dma_wait3A_639 = tpu.memref_slice %arg3[%multiple_of3A_554] : memref<100000xi32, #tpu.memory_space<hbm>> -> memref<128xi32, #tpu.memory_space<hbm>>
    tpu.wait_dma2 semaphore(%arg12 : memref<!tpu.dma_semaphore, #tpu.memory_space<semaphore_mem>>) src(%dma_wait3A_639 : memref<128xi32, #tpu.memory_space<hbm>>) dst(%dma_wait3A_638 : memref<128xi32, #tpu.memory_space<vmem>>)
    %add3A_640 = arith.constant 320 : i32
    %add3A_641 = arith.addi %add3A_640, %add3A : i32
    %min3A_642 = arith.constant 780 : i32
    %min3A_643 = arith.minsi %add3A_641, %min3A_642 : i32
    %mul3A_644 = arith.constant 128 : i32
    %mul3A_645 = arith.muli %min3A_643, %mul3A_644 : i32
    %multiple_of3A_646 = tpu.assume_multiple %mul3A_645, 128 : i32
    %ge3A_647 = arith.constant 781 : i32
    %ge3A_648 = arith.cmpi sge, %add3A_641, %ge3A_647 : i32
    %convert_element_type3A_649 = arith.extui %ge3A_648 : i1 to i32
    %cond3A_650 = arith.constant 0 : i32
    %cond3A_651 = arith.cmpi ne, %convert_element_type3A_649, %cond3A_650 : i32
    scf.if %cond3A_651 {
      %swap3A = arith.constant 1 : i32
      %swap3A_1489 = arith.constant 0 : i32
      %swap3A_1490 = tpu.memref_slice %arg8[%swap3A, %swap3A_1489] : memref<3x128xi32, #tpu.memory_space<vmem>> -> memref<1x128xi32, #tpu.memory_space<vmem>>
      %swap3A_1491 = tpu.memref_squeeze %swap3A_1490 : memref<1x128xi32, #tpu.memory_space<vmem>> -> memref<128xi32, #tpu.memory_space<vmem>>
      %swap3A_1492 = arith.constant 0 : index
      %swap3A_1493 = tpu.vector_load %swap3A_1491[%swap3A_1492] {strides = array<i32>} : memref<128xi32, #tpu.memory_space<vmem>>, vector<16xi32>,
      %swap3A_1494 = vector.shape_cast %swap3A_1493 : vector<16xi32> to vector<16xi32>
      %swap3A_1495 = vector.shape_cast %broadcast_in_dim3A_3 : vector<16xi32> to vector<16xi32>
      tpu.vector_store %swap3A_1491[%swap3A_1492], %swap3A_1495 {strides = array<i32>} : memref<128xi32, #tpu.memory_space<vmem>>, vector<16xi32>,
      %swap3A_1496 = arith.constant 1 : i32
      %swap3A_1497 = arith.constant 0 : i32
      %swap3A_1498 = tpu.memref_slice %arg8[%swap3A_1496, %swap3A_1497] : memref<3x128xi32, #tpu.memory_space<vmem>> -> memref<1x128xi32, #tpu.memory_space<vmem>>
      %swap3A_1499 = tpu.memref_squeeze %swap3A_1498 : memref<1x128xi32, #tpu.memory_space<vmem>> -> memref<128xi32, #tpu.memory_space<vmem>>
      %swap3A_1500 = arith.constant 16 : index
      %swap3A_1501 = tpu.vector_load %swap3A_1499[%swap3A_1500] {strides = array<i32>} : memref<128xi32, #tpu.memory_space<vmem>>, vector<16xi32>,
      %swap3A_1502 = vector.shape_cast %swap3A_1501 : vector<16xi32> to vector<16xi32>
      %swap3A_1503 = vector.shape_cast %broadcast_in_dim3A_3 : vector<16xi32> to vector<16xi32>
      tpu.vector_store %swap3A_1499[%swap3A_1500], %swap3A_1503 {strides = array<i32>} : memref<128xi32, #tpu.memory_space<vmem>>, vector<16xi32>,
      %swap3A_1504 = arith.constant 1 : i32
      %swap3A_1505 = arith.constant 0 : i32
      %swap3A_1506 = tpu.memref_slice %arg8[%swap3A_1504, %swap3A_1505] : memref<3x128xi32, #tpu.memory_space<vmem>> -> memref<1x128xi32, #tpu.memory_space<vmem>>
      %swap3A_1507 = tpu.memref_squeeze %swap3A_1506 : memref<1x128xi32, #tpu.memory_space<vmem>> -> memref<128xi32, #tpu.memory_space<vmem>>
      %swap3A_1508 = arith.constant 32 : index
      %swap3A_1509 = tpu.vector_load %swap3A_1507[%swap3A_1508] {strides = array<i32>} : memref<128xi32, #tpu.memory_space<vmem>>, vector<16xi32>,
      %swap3A_1510 = vector.shape_cast %swap3A_1509 : vector<16xi32> to vector<16xi32>
      %swap3A_1511 = vector.shape_cast %broadcast_in_dim3A_3 : vector<16xi32> to vector<16xi32>
      tpu.vector_store %swap3A_1507[%swap3A_1508], %swap3A_1511 {strides = array<i32>} : memref<128xi32, #tpu.memory_space<vmem>>, vector<16xi32>,
      %swap3A_1512 = arith.constant 1 : i32
      %swap3A_1513 = arith.constant 0 : i32
      %swap3A_1514 = tpu.memref_slice %arg8[%swap3A_1512, %swap3A_1513] : memref<3x128xi32, #tpu.memory_space<vmem>> -> memref<1x128xi32, #tpu.memory_space<vmem>>
      %swap3A_1515 = tpu.memref_squeeze %swap3A_1514 : memref<1x128xi32, #tpu.memory_space<vmem>> -> memref<128xi32, #tpu.memory_space<vmem>>
      %swap3A_1516 = arith.constant 48 : index
      %swap3A_1517 = tpu.vector_load %swap3A_1515[%swap3A_1516] {strides = array<i32>} : memref<128xi32, #tpu.memory_space<vmem>>, vector<16xi32>,
      %swap3A_1518 = vector.shape_cast %swap3A_1517 : vector<16xi32> to vector<16xi32>
      %swap3A_1519 = vector.shape_cast %broadcast_in_dim3A_3 : vector<16xi32> to vector<16xi32>
      tpu.vector_store %swap3A_1515[%swap3A_1516], %swap3A_1519 {strides = array<i32>} : memref<128xi32, #tpu.memory_space<vmem>>, vector<16xi32>,
      %swap3A_1520 = arith.constant 1 : i32
      %swap3A_1521 = arith.constant 0 : i32
      %swap3A_1522 = tpu.memref_slice %arg8[%swap3A_1520, %swap3A_1521] : memref<3x128xi32, #tpu.memory_space<vmem>> -> memref<1x128xi32, #tpu.memory_space<vmem>>
      %swap3A_1523 = tpu.memref_squeeze %swap3A_1522 : memref<1x128xi32, #tpu.memory_space<vmem>> -> memref<128xi32, #tpu.memory_space<vmem>>
      %swap3A_1524 = arith.constant 64 : index
      %swap3A_1525 = tpu.vector_load %swap3A_1523[%swap3A_1524] {strides = array<i32>} : memref<128xi32, #tpu.memory_space<vmem>>, vector<16xi32>,
      %swap3A_1526 = vector.shape_cast %swap3A_1525 : vector<16xi32> to vector<16xi32>
      %swap3A_1527 = vector.shape_cast %broadcast_in_dim3A_3 : vector<16xi32> to vector<16xi32>
      tpu.vector_store %swap3A_1523[%swap3A_1524], %swap3A_1527 {strides = array<i32>} : memref<128xi32, #tpu.memory_space<vmem>>, vector<16xi32>,
      %swap3A_1528 = arith.constant 1 : i32
      %swap3A_1529 = arith.constant 0 : i32
      %swap3A_1530 = tpu.memref_slice %arg8[%swap3A_1528, %swap3A_1529] : memref<3x128xi32, #tpu.memory_space<vmem>> -> memref<1x128xi32, #tpu.memory_space<vmem>>
      %swap3A_1531 = tpu.memref_squeeze %swap3A_1530 : memref<1x128xi32, #tpu.memory_space<vmem>> -> memref<128xi32, #tpu.memory_space<vmem>>
      %swap3A_1532 = arith.constant 80 : index
      %swap3A_1533 = tpu.vector_load %swap3A_1531[%swap3A_1532] {strides = array<i32>} : memref<128xi32, #tpu.memory_space<vmem>>, vector<16xi32>,
      %swap3A_1534 = vector.shape_cast %swap3A_1533 : vector<16xi32> to vector<16xi32>
      %swap3A_1535 = vector.shape_cast %broadcast_in_dim3A_3 : vector<16xi32> to vector<16xi32>
      tpu.vector_store %swap3A_1531[%swap3A_1532], %swap3A_1535 {strides = array<i32>} : memref<128xi32, #tpu.memory_space<vmem>>, vector<16xi32>,
      %swap3A_1536 = arith.constant 1 : i32
      %swap3A_1537 = arith.constant 0 : i32
      %swap3A_1538 = tpu.memref_slice %arg8[%swap3A_1536, %swap3A_1537] : memref<3x128xi32, #tpu.memory_space<vmem>> -> memref<1x128xi32, #tpu.memory_space<vmem>>
      %swap3A_1539 = tpu.memref_squeeze %swap3A_1538 : memref<1x128xi32, #tpu.memory_space<vmem>> -> memref<128xi32, #tpu.memory_space<vmem>>
      %swap3A_1540 = arith.constant 96 : index
      %swap3A_1541 = tpu.vector_load %swap3A_1539[%swap3A_1540] {strides = array<i32>} : memref<128xi32, #tpu.memory_space<vmem>>, vector<16xi32>,
      %swap3A_1542 = vector.shape_cast %swap3A_1541 : vector<16xi32> to vector<16xi32>
      %swap3A_1543 = vector.shape_cast %broadcast_in_dim3A_3 : vector<16xi32> to vector<16xi32>
      tpu.vector_store %swap3A_1539[%swap3A_1540], %swap3A_1543 {strides = array<i32>} : memref<128xi32, #tpu.memory_space<vmem>>, vector<16xi32>,
      %swap3A_1544 = arith.constant 1 : i32
      %swap3A_1545 = arith.constant 0 : i32
      %swap3A_1546 = tpu.memref_slice %arg8[%swap3A_1544, %swap3A_1545] : memref<3x128xi32, #tpu.memory_space<vmem>> -> memref<1x128xi32, #tpu.memory_space<vmem>>
      %swap3A_1547 = tpu.memref_squeeze %swap3A_1546 : memref<1x128xi32, #tpu.memory_space<vmem>> -> memref<128xi32, #tpu.memory_space<vmem>>
      %swap3A_1548 = arith.constant 112 : index
      %swap3A_1549 = tpu.vector_load %swap3A_1547[%swap3A_1548] {strides = array<i32>} : memref<128xi32, #tpu.memory_space<vmem>>, vector<16xi32>,
      %swap3A_1550 = vector.shape_cast %swap3A_1549 : vector<16xi32> to vector<16xi32>
      %swap3A_1551 = vector.shape_cast %broadcast_in_dim3A_3 : vector<16xi32> to vector<16xi32>
      tpu.vector_store %swap3A_1547[%swap3A_1548], %swap3A_1551 {strides = array<i32>} : memref<128xi32, #tpu.memory_space<vmem>>, vector<16xi32>,
    } else {
    }
    %dma_start3A_652 = arith.constant 1 : i32
    %dma_start3A_653 = arith.constant 0 : i32
    %dma_start3A_654 = tpu.memref_slice %arg8[%dma_start3A_652, %dma_start3A_653] : memref<3x128xi32, #tpu.memory_space<vmem>> -> memref<1x128xi32, #tpu.memory_space<vmem>>
    %dma_start3A_655 = tpu.memref_squeeze %dma_start3A_654 : memref<1x128xi32, #tpu.memory_space<vmem>> -> memref<128xi32, #tpu.memory_space<vmem>>
    %dma_start3A_656 = arith.constant 0 : i32
    %dma_start3A_657 = arith.constant 0 : i32
    %dma_start3A_658 = tpu.memref_slice %arg10[%dma_start3A_656, %dma_start3A_657] : memref<520x128xf32, #tpu.memory_space<vmem_shared>> -> memref<520x128xf32, #tpu.memory_space<vmem_shared>>
    tpu.enqueue_indirect_dma source(%arg6 : memref<128x128xf32, #tpu.memory_space<vmem>>) target(%dma_start3A_658 : memref<520x128xf32, #tpu.memory_space<vmem_shared>>) offsets(%dma_start3A_655 : memref<128xi32, #tpu.memory_space<vmem>>) semaphore(%arg15 : memref<!tpu.dma_semaphore, #tpu.memory_space<semaphore_mem>>) {add = true}
    %dma_wait3A_659 = arith.constant 0 : i32
    %dma_wait3A_660 = arith.constant 0 : i32
    %dma_wait3A_661 = tpu.memref_slice %arg8[%dma_wait3A_659, %dma_wait3A_660] : memref<3x128xi32, #tpu.memory_space<vmem>> -> memref<1x128xi32, #tpu.memory_space<vmem>>
    %dma_wait3A_662 = tpu.memref_squeeze %dma_wait3A_661 : memref<1x128xi32, #tpu.memory_space<vmem>> -> memref<128xi32, #tpu.memory_space<vmem>>
    %dma_wait3A_663 = arith.constant 0 : i32
    %dma_wait3A_664 = arith.constant 0 : i32
    %dma_wait3A_665 = tpu.memref_slice %arg10[%dma_wait3A_663, %dma_wait3A_664] : memref<520x128xf32, #tpu.memory_space<vmem_shared>> -> memref<520x128xf32, #tpu.memory_space<vmem_shared>>
    tpu.wait_indirect_dma semaphore(%arg14 : memref<!tpu.dma_semaphore, #tpu.memory_space<semaphore_mem>>) src(%arg5 : memref<128x128xf32, #tpu.memory_space<vmem>>) dst(%dma_wait3A_665 : memref<520x128xf32, #tpu.memory_space<vmem_shared>>)
    %add3A_666 = arith.constant 384 : i32
    %add3A_667 = arith.addi %add3A_666, %add3A : i32
    %min3A_668 = arith.constant 780 : i32
    %min3A_669 = arith.minsi %add3A_667, %min3A_668 : i32
    %mul3A_670 = arith.constant 128 : i32
    %mul3A_671 = arith.muli %min3A_669, %mul3A_670 : i32
    %multiple_of3A_672 = tpu.assume_multiple %mul3A_671, 128 : i32
    %dma_start3A_673 = arith.constant 0 : i32
    %dma_start3A_674 = tpu.memref_slice %arg2[%multiple_of3A_672, %dma_start3A_673] : memref<100000x128xf32, #tpu.memory_space<hbm>> -> memref<128x128xf32, #tpu.memory_space<hbm>>
    %dma_start3A_675 = arith.constant 0 : i32
    %dma_start3A_676 = tpu.memref_slice %arg2[%multiple_of3A_672, %dma_start3A_675] : memref<100000x128xf32, #tpu.memory_space<hbm>> -> memref<128x128xf32, #tpu.memory_space<hbm>>
    tpu.enqueue_dma source(%dma_start3A_676 : memref<128x128xf32, #tpu.memory_space<hbm>>) target(%arg5 : memref<128x128xf32, #tpu.memory_space<vmem>>) target_semaphore(%arg11 : memref<!tpu.dma_semaphore, #tpu.memory_space<semaphore_mem>>)
    %dma_start3A_677 = arith.constant 0 : i32
    %dma_start3A_678 = arith.constant 0 : i32
    %dma_start3A_679 = tpu.memref_slice %arg8[%dma_start3A_677, %dma_start3A_678] : memref<3x128xi32, #tpu.memory_space<vmem>> -> memref<1x128xi32, #tpu.memory_space<vmem>>
    %dma_start3A_680 = tpu.memref_squeeze %dma_start3A_679 : memref<1x128xi32, #tpu.memory_space<vmem>> -> memref<128xi32, #tpu.memory_space<vmem>>
    %dma_start3A_681 = tpu.memref_slice %arg3[%multiple_of3A_672] : memref<100000xi32, #tpu.memory_space<hbm>> -> memref<128xi32, #tpu.memory_space<hbm>>
    %dma_start3A_682 = arith.constant 0 : i32
    %dma_start3A_683 = tpu.memref_slice %arg8[%dma_start3A_677, %dma_start3A_682] : memref<3x128xi32, #tpu.memory_space<vmem>> -> memref<1x128xi32, #tpu.memory_space<vmem>>
    %dma_start3A_684 = tpu.memref_squeeze %dma_start3A_683 : memref<1x128xi32, #tpu.memory_space<vmem>> -> memref<128xi32, #tpu.memory_space<vmem>>
    %dma_start3A_685 = tpu.memref_slice %arg3[%multiple_of3A_672] : memref<100000xi32, #tpu.memory_space<hbm>> -> memref<128xi32, #tpu.memory_space<hbm>>
    tpu.enqueue_dma source(%dma_start3A_685 : memref<128xi32, #tpu.memory_space<hbm>>) target(%dma_start3A_684 : memref<128xi32, #tpu.memory_space<vmem>>) target_semaphore(%arg11 : memref<!tpu.dma_semaphore, #tpu.memory_space<semaphore_mem>>)
    %dma_wait3A_686 = arith.constant 0 : i32
    %dma_wait3A_687 = tpu.memref_slice %arg2[%multiple_of3A_613, %dma_wait3A_686] : memref<100000x128xf32, #tpu.memory_space<hbm>> -> memref<128x128xf32, #tpu.memory_space<hbm>>
    %dma_wait3A_688 = arith.constant 0 : i32
    %dma_wait3A_689 = tpu.memref_slice %arg2[%multiple_of3A_613, %dma_wait3A_688] : memref<100000x128xf32, #tpu.memory_space<hbm>> -> memref<128x128xf32, #tpu.memory_space<hbm>>
    tpu.wait_dma2 semaphore(%arg13 : memref<!tpu.dma_semaphore, #tpu.memory_space<semaphore_mem>>) src(%dma_wait3A_689 : memref<128x128xf32, #tpu.memory_space<hbm>>) dst(%arg7 : memref<128x128xf32, #tpu.memory_space<vmem>>)
    %dma_wait3A_690 = arith.constant 2 : i32
    %dma_wait3A_691 = arith.constant 0 : i32
    %dma_wait3A_692 = tpu.memref_slice %arg8[%dma_wait3A_690, %dma_wait3A_691] : memref<3x128xi32, #tpu.memory_space<vmem>> -> memref<1x128xi32, #tpu.memory_space<vmem>>
    %dma_wait3A_693 = tpu.memref_squeeze %dma_wait3A_692 : memref<1x128xi32, #tpu.memory_space<vmem>> -> memref<128xi32, #tpu.memory_space<vmem>>
    %dma_wait3A_694 = tpu.memref_slice %arg3[%multiple_of3A_613] : memref<100000xi32, #tpu.memory_space<hbm>> -> memref<128xi32, #tpu.memory_space<hbm>>
    %dma_wait3A_695 = arith.constant 0 : i32
    %dma_wait3A_696 = tpu.memref_slice %arg8[%dma_wait3A_690, %dma_wait3A_695] : memref<3x128xi32, #tpu.memory_space<vmem>> -> memref<1x128xi32, #tpu.memory_space<vmem>>
    %dma_wait3A_697 = tpu.memref_squeeze %dma_wait3A_696 : memref<1x128xi32, #tpu.memory_space<vmem>> -> memref<128xi32, #tpu.memory_space<vmem>>
    %dma_wait3A_698 = tpu.memref_slice %arg3[%multiple_of3A_613] : memref<100000xi32, #tpu.memory_space<hbm>> -> memref<128xi32, #tpu.memory_space<hbm>>
    tpu.wait_dma2 semaphore(%arg13 : memref<!tpu.dma_semaphore, #tpu.memory_space<semaphore_mem>>) src(%dma_wait3A_698 : memref<128xi32, #tpu.memory_space<hbm>>) dst(%dma_wait3A_697 : memref<128xi32, #tpu.memory_space<vmem>>)
    %add3A_699 = arith.constant 352 : i32
    %add3A_700 = arith.addi %add3A_699, %add3A : i32
    %min3A_701 = arith.constant 780 : i32
    %min3A_702 = arith.minsi %add3A_700, %min3A_701 : i32
    %mul3A_703 = arith.constant 128 : i32
    %mul3A_704 = arith.muli %min3A_702, %mul3A_703 : i32
    %multiple_of3A_705 = tpu.assume_multiple %mul3A_704, 128 : i32
    %ge3A_706 = arith.constant 781 : i32
    %ge3A_707 = arith.cmpi sge, %add3A_700, %ge3A_706 : i32
    %convert_element_type3A_708 = arith.extui %ge3A_707 : i1 to i32
    %cond3A_709 = arith.constant 0 : i32
    %cond3A_710 = arith.cmpi ne, %convert_element_type3A_708, %cond3A_709 : i32
    scf.if %cond3A_710 {
      %swap3A = arith.constant 2 : i32
      %swap3A_1489 = arith.constant 0 : i32
      %swap3A_1490 = tpu.memref_slice %arg8[%swap3A, %swap3A_1489] : memref<3x128xi32, #tpu.memory_space<vmem>> -> memref<1x128xi32, #tpu.memory_space<vmem>>
      %swap3A_1491 = tpu.memref_squeeze %swap3A_1490 : memref<1x128xi32, #tpu.memory_space<vmem>> -> memref<128xi32, #tpu.memory_space<vmem>>
      %swap3A_1492 = arith.constant 0 : index
      %swap3A_1493 = tpu.vector_load %swap3A_1491[%swap3A_1492] {strides = array<i32>} : memref<128xi32, #tpu.memory_space<vmem>>, vector<16xi32>,
      %swap3A_1494 = vector.shape_cast %swap3A_1493 : vector<16xi32> to vector<16xi32>
      %swap3A_1495 = vector.shape_cast %broadcast_in_dim3A_3 : vector<16xi32> to vector<16xi32>
      tpu.vector_store %swap3A_1491[%swap3A_1492], %swap3A_1495 {strides = array<i32>} : memref<128xi32, #tpu.memory_space<vmem>>, vector<16xi32>,
      %swap3A_1496 = arith.constant 2 : i32
      %swap3A_1497 = arith.constant 0 : i32
      %swap3A_1498 = tpu.memref_slice %arg8[%swap3A_1496, %swap3A_1497] : memref<3x128xi32, #tpu.memory_space<vmem>> -> memref<1x128xi32, #tpu.memory_space<vmem>>
      %swap3A_1499 = tpu.memref_squeeze %swap3A_1498 : memref<1x128xi32, #tpu.memory_space<vmem>> -> memref<128xi32, #tpu.memory_space<vmem>>
      %swap3A_1500 = arith.constant 16 : index
      %swap3A_1501 = tpu.vector_load %swap3A_1499[%swap3A_1500] {strides = array<i32>} : memref<128xi32, #tpu.memory_space<vmem>>, vector<16xi32>,
      %swap3A_1502 = vector.shape_cast %swap3A_1501 : vector<16xi32> to vector<16xi32>
      %swap3A_1503 = vector.shape_cast %broadcast_in_dim3A_3 : vector<16xi32> to vector<16xi32>
      tpu.vector_store %swap3A_1499[%swap3A_1500], %swap3A_1503 {strides = array<i32>} : memref<128xi32, #tpu.memory_space<vmem>>, vector<16xi32>,
      %swap3A_1504 = arith.constant 2 : i32
      %swap3A_1505 = arith.constant 0 : i32
      %swap3A_1506 = tpu.memref_slice %arg8[%swap3A_1504, %swap3A_1505] : memref<3x128xi32, #tpu.memory_space<vmem>> -> memref<1x128xi32, #tpu.memory_space<vmem>>
      %swap3A_1507 = tpu.memref_squeeze %swap3A_1506 : memref<1x128xi32, #tpu.memory_space<vmem>> -> memref<128xi32, #tpu.memory_space<vmem>>
      %swap3A_1508 = arith.constant 32 : index
      %swap3A_1509 = tpu.vector_load %swap3A_1507[%swap3A_1508] {strides = array<i32>} : memref<128xi32, #tpu.memory_space<vmem>>, vector<16xi32>,
      %swap3A_1510 = vector.shape_cast %swap3A_1509 : vector<16xi32> to vector<16xi32>
      %swap3A_1511 = vector.shape_cast %broadcast_in_dim3A_3 : vector<16xi32> to vector<16xi32>
      tpu.vector_store %swap3A_1507[%swap3A_1508], %swap3A_1511 {strides = array<i32>} : memref<128xi32, #tpu.memory_space<vmem>>, vector<16xi32>,
      %swap3A_1512 = arith.constant 2 : i32
      %swap3A_1513 = arith.constant 0 : i32
      %swap3A_1514 = tpu.memref_slice %arg8[%swap3A_1512, %swap3A_1513] : memref<3x128xi32, #tpu.memory_space<vmem>> -> memref<1x128xi32, #tpu.memory_space<vmem>>
      %swap3A_1515 = tpu.memref_squeeze %swap3A_1514 : memref<1x128xi32, #tpu.memory_space<vmem>> -> memref<128xi32, #tpu.memory_space<vmem>>
      %swap3A_1516 = arith.constant 48 : index
      %swap3A_1517 = tpu.vector_load %swap3A_1515[%swap3A_1516] {strides = array<i32>} : memref<128xi32, #tpu.memory_space<vmem>>, vector<16xi32>,
      %swap3A_1518 = vector.shape_cast %swap3A_1517 : vector<16xi32> to vector<16xi32>
      %swap3A_1519 = vector.shape_cast %broadcast_in_dim3A_3 : vector<16xi32> to vector<16xi32>
      tpu.vector_store %swap3A_1515[%swap3A_1516], %swap3A_1519 {strides = array<i32>} : memref<128xi32, #tpu.memory_space<vmem>>, vector<16xi32>,
      %swap3A_1520 = arith.constant 2 : i32
      %swap3A_1521 = arith.constant 0 : i32
      %swap3A_1522 = tpu.memref_slice %arg8[%swap3A_1520, %swap3A_1521] : memref<3x128xi32, #tpu.memory_space<vmem>> -> memref<1x128xi32, #tpu.memory_space<vmem>>
      %swap3A_1523 = tpu.memref_squeeze %swap3A_1522 : memref<1x128xi32, #tpu.memory_space<vmem>> -> memref<128xi32, #tpu.memory_space<vmem>>
      %swap3A_1524 = arith.constant 64 : index
      %swap3A_1525 = tpu.vector_load %swap3A_1523[%swap3A_1524] {strides = array<i32>} : memref<128xi32, #tpu.memory_space<vmem>>, vector<16xi32>,
      %swap3A_1526 = vector.shape_cast %swap3A_1525 : vector<16xi32> to vector<16xi32>
      %swap3A_1527 = vector.shape_cast %broadcast_in_dim3A_3 : vector<16xi32> to vector<16xi32>
      tpu.vector_store %swap3A_1523[%swap3A_1524], %swap3A_1527 {strides = array<i32>} : memref<128xi32, #tpu.memory_space<vmem>>, vector<16xi32>,
      %swap3A_1528 = arith.constant 2 : i32
      %swap3A_1529 = arith.constant 0 : i32
      %swap3A_1530 = tpu.memref_slice %arg8[%swap3A_1528, %swap3A_1529] : memref<3x128xi32, #tpu.memory_space<vmem>> -> memref<1x128xi32, #tpu.memory_space<vmem>>
      %swap3A_1531 = tpu.memref_squeeze %swap3A_1530 : memref<1x128xi32, #tpu.memory_space<vmem>> -> memref<128xi32, #tpu.memory_space<vmem>>
      %swap3A_1532 = arith.constant 80 : index
      %swap3A_1533 = tpu.vector_load %swap3A_1531[%swap3A_1532] {strides = array<i32>} : memref<128xi32, #tpu.memory_space<vmem>>, vector<16xi32>,
      %swap3A_1534 = vector.shape_cast %swap3A_1533 : vector<16xi32> to vector<16xi32>
      %swap3A_1535 = vector.shape_cast %broadcast_in_dim3A_3 : vector<16xi32> to vector<16xi32>
      tpu.vector_store %swap3A_1531[%swap3A_1532], %swap3A_1535 {strides = array<i32>} : memref<128xi32, #tpu.memory_space<vmem>>, vector<16xi32>,
      %swap3A_1536 = arith.constant 2 : i32
      %swap3A_1537 = arith.constant 0 : i32
      %swap3A_1538 = tpu.memref_slice %arg8[%swap3A_1536, %swap3A_1537] : memref<3x128xi32, #tpu.memory_space<vmem>> -> memref<1x128xi32, #tpu.memory_space<vmem>>
      %swap3A_1539 = tpu.memref_squeeze %swap3A_1538 : memref<1x128xi32, #tpu.memory_space<vmem>> -> memref<128xi32, #tpu.memory_space<vmem>>
      %swap3A_1540 = arith.constant 96 : index
      %swap3A_1541 = tpu.vector_load %swap3A_1539[%swap3A_1540] {strides = array<i32>} : memref<128xi32, #tpu.memory_space<vmem>>, vector<16xi32>,
      %swap3A_1542 = vector.shape_cast %swap3A_1541 : vector<16xi32> to vector<16xi32>
      %swap3A_1543 = vector.shape_cast %broadcast_in_dim3A_3 : vector<16xi32> to vector<16xi32>
      tpu.vector_store %swap3A_1539[%swap3A_1540], %swap3A_1543 {strides = array<i32>} : memref<128xi32, #tpu.memory_space<vmem>>, vector<16xi32>,
      %swap3A_1544 = arith.constant 2 : i32
      %swap3A_1545 = arith.constant 0 : i32
      %swap3A_1546 = tpu.memref_slice %arg8[%swap3A_1544, %swap3A_1545] : memref<3x128xi32, #tpu.memory_space<vmem>> -> memref<1x128xi32, #tpu.memory_space<vmem>>
      %swap3A_1547 = tpu.memref_squeeze %swap3A_1546 : memref<1x128xi32, #tpu.memory_space<vmem>> -> memref<128xi32, #tpu.memory_space<vmem>>
      %swap3A_1548 = arith.constant 112 : index
      %swap3A_1549 = tpu.vector_load %swap3A_1547[%swap3A_1548] {strides = array<i32>} : memref<128xi32, #tpu.memory_space<vmem>>, vector<16xi32>,
      %swap3A_1550 = vector.shape_cast %swap3A_1549 : vector<16xi32> to vector<16xi32>
      %swap3A_1551 = vector.shape_cast %broadcast_in_dim3A_3 : vector<16xi32> to vector<16xi32>
      tpu.vector_store %swap3A_1547[%swap3A_1548], %swap3A_1551 {strides = array<i32>} : memref<128xi32, #tpu.memory_space<vmem>>, vector<16xi32>,
    } else {
    }
    %dma_start3A_711 = arith.constant 2 : i32
    %dma_start3A_712 = arith.constant 0 : i32
    %dma_start3A_713 = tpu.memref_slice %arg8[%dma_start3A_711, %dma_start3A_712] : memref<3x128xi32, #tpu.memory_space<vmem>> -> memref<1x128xi32, #tpu.memory_space<vmem>>
    %dma_start3A_714 = tpu.memref_squeeze %dma_start3A_713 : memref<1x128xi32, #tpu.memory_space<vmem>> -> memref<128xi32, #tpu.memory_space<vmem>>
    %dma_start3A_715 = arith.constant 0 : i32
    %dma_start3A_716 = arith.constant 0 : i32
    %dma_start3A_717 = tpu.memref_slice %arg10[%dma_start3A_715, %dma_start3A_716] : memref<520x128xf32, #tpu.memory_space<vmem_shared>> -> memref<520x128xf32, #tpu.memory_space<vmem_shared>>
    tpu.enqueue_indirect_dma source(%arg7 : memref<128x128xf32, #tpu.memory_space<vmem>>) target(%dma_start3A_717 : memref<520x128xf32, #tpu.memory_space<vmem_shared>>) offsets(%dma_start3A_714 : memref<128xi32, #tpu.memory_space<vmem>>) semaphore(%arg16 : memref<!tpu.dma_semaphore, #tpu.memory_space<semaphore_mem>>) {add = true}
    %dma_wait3A_718 = arith.constant 1 : i32
    %dma_wait3A_719 = arith.constant 0 : i32
    %dma_wait3A_720 = tpu.memref_slice %arg8[%dma_wait3A_718, %dma_wait3A_719] : memref<3x128xi32, #tpu.memory_space<vmem>> -> memref<1x128xi32, #tpu.memory_space<vmem>>
    %dma_wait3A_721 = tpu.memref_squeeze %dma_wait3A_720 : memref<1x128xi32, #tpu.memory_space<vmem>> -> memref<128xi32, #tpu.memory_space<vmem>>
    %dma_wait3A_722 = arith.constant 0 : i32
    %dma_wait3A_723 = arith.constant 0 : i32
    %dma_wait3A_724 = tpu.memref_slice %arg10[%dma_wait3A_722, %dma_wait3A_723] : memref<520x128xf32, #tpu.memory_space<vmem_shared>> -> memref<520x128xf32, #tpu.memory_space<vmem_shared>>
    tpu.wait_indirect_dma semaphore(%arg15 : memref<!tpu.dma_semaphore, #tpu.memory_space<semaphore_mem>>) src(%arg6 : memref<128x128xf32, #tpu.memory_space<vmem>>) dst(%dma_wait3A_724 : memref<520x128xf32, #tpu.memory_space<vmem_shared>>)
    %add3A_725 = arith.constant 416 : i32
    %add3A_726 = arith.addi %add3A_725, %add3A : i32
    %min3A_727 = arith.constant 780 : i32
    %min3A_728 = arith.minsi %add3A_726, %min3A_727 : i32
    %mul3A_729 = arith.constant 128 : i32
    %mul3A_730 = arith.muli %min3A_728, %mul3A_729 : i32
    %multiple_of3A_731 = tpu.assume_multiple %mul3A_730, 128 : i32
    %dma_start3A_732 = arith.constant 0 : i32
    %dma_start3A_733 = tpu.memref_slice %arg2[%multiple_of3A_731, %dma_start3A_732] : memref<100000x128xf32, #tpu.memory_space<hbm>> -> memref<128x128xf32, #tpu.memory_space<hbm>>
    %dma_start3A_734 = arith.constant 0 : i32
    %dma_start3A_735 = tpu.memref_slice %arg2[%multiple_of3A_731, %dma_start3A_734] : memref<100000x128xf32, #tpu.memory_space<hbm>> -> memref<128x128xf32, #tpu.memory_space<hbm>>
    tpu.enqueue_dma source(%dma_start3A_735 : memref<128x128xf32, #tpu.memory_space<hbm>>) target(%arg6 : memref<128x128xf32, #tpu.memory_space<vmem>>) target_semaphore(%arg12 : memref<!tpu.dma_semaphore, #tpu.memory_space<semaphore_mem>>)
    %dma_start3A_736 = arith.constant 1 : i32
    %dma_start3A_737 = arith.constant 0 : i32
    %dma_start3A_738 = tpu.memref_slice %arg8[%dma_start3A_736, %dma_start3A_737] : memref<3x128xi32, #tpu.memory_space<vmem>> -> memref<1x128xi32, #tpu.memory_space<vmem>>
    %dma_start3A_739 = tpu.memref_squeeze %dma_start3A_738 : memref<1x128xi32, #tpu.memory_space<vmem>> -> memref<128xi32, #tpu.memory_space<vmem>>
    %dma_start3A_740 = tpu.memref_slice %arg3[%multiple_of3A_731] : memref<100000xi32, #tpu.memory_space<hbm>> -> memref<128xi32, #tpu.memory_space<hbm>>
    %dma_start3A_741 = arith.constant 0 : i32
    %dma_start3A_742 = tpu.memref_slice %arg8[%dma_start3A_736, %dma_start3A_741] : memref<3x128xi32, #tpu.memory_space<vmem>> -> memref<1x128xi32, #tpu.memory_space<vmem>>
    %dma_start3A_743 = tpu.memref_squeeze %dma_start3A_742 : memref<1x128xi32, #tpu.memory_space<vmem>> -> memref<128xi32, #tpu.memory_space<vmem>>
    %dma_start3A_744 = tpu.memref_slice %arg3[%multiple_of3A_731] : memref<100000xi32, #tpu.memory_space<hbm>> -> memref<128xi32, #tpu.memory_space<hbm>>
    tpu.enqueue_dma source(%dma_start3A_744 : memref<128xi32, #tpu.memory_space<hbm>>) target(%dma_start3A_743 : memref<128xi32, #tpu.memory_space<vmem>>) target_semaphore(%arg12 : memref<!tpu.dma_semaphore, #tpu.memory_space<semaphore_mem>>)
    %dma_wait3A_745 = arith.constant 0 : i32
    %dma_wait3A_746 = tpu.memref_slice %arg2[%multiple_of3A_672, %dma_wait3A_745] : memref<100000x128xf32, #tpu.memory_space<hbm>> -> memref<128x128xf32, #tpu.memory_space<hbm>>
    %dma_wait3A_747 = arith.constant 0 : i32
    %dma_wait3A_748 = tpu.memref_slice %arg2[%multiple_of3A_672, %dma_wait3A_747] : memref<100000x128xf32, #tpu.memory_space<hbm>> -> memref<128x128xf32, #tpu.memory_space<hbm>>
    tpu.wait_dma2 semaphore(%arg11 : memref<!tpu.dma_semaphore, #tpu.memory_space<semaphore_mem>>) src(%dma_wait3A_748 : memref<128x128xf32, #tpu.memory_space<hbm>>) dst(%arg5 : memref<128x128xf32, #tpu.memory_space<vmem>>)
    %dma_wait3A_749 = arith.constant 0 : i32
    %dma_wait3A_750 = arith.constant 0 : i32
    %dma_wait3A_751 = tpu.memref_slice %arg8[%dma_wait3A_749, %dma_wait3A_750] : memref<3x128xi32, #tpu.memory_space<vmem>> -> memref<1x128xi32, #tpu.memory_space<vmem>>
    %dma_wait3A_752 = tpu.memref_squeeze %dma_wait3A_751 : memref<1x128xi32, #tpu.memory_space<vmem>> -> memref<128xi32, #tpu.memory_space<vmem>>
    %dma_wait3A_753 = tpu.memref_slice %arg3[%multiple_of3A_672] : memref<100000xi32, #tpu.memory_space<hbm>> -> memref<128xi32, #tpu.memory_space<hbm>>
    %dma_wait3A_754 = arith.constant 0 : i32
    %dma_wait3A_755 = tpu.memref_slice %arg8[%dma_wait3A_749, %dma_wait3A_754] : memref<3x128xi32, #tpu.memory_space<vmem>> -> memref<1x128xi32, #tpu.memory_space<vmem>>
    %dma_wait3A_756 = tpu.memref_squeeze %dma_wait3A_755 : memref<1x128xi32, #tpu.memory_space<vmem>> -> memref<128xi32, #tpu.memory_space<vmem>>
    %dma_wait3A_757 = tpu.memref_slice %arg3[%multiple_of3A_672] : memref<100000xi32, #tpu.memory_space<hbm>> -> memref<128xi32, #tpu.memory_space<hbm>>
    tpu.wait_dma2 semaphore(%arg11 : memref<!tpu.dma_semaphore, #tpu.memory_space<semaphore_mem>>) src(%dma_wait3A_757 : memref<128xi32, #tpu.memory_space<hbm>>) dst(%dma_wait3A_756 : memref<128xi32, #tpu.memory_space<vmem>>)
    %add3A_758 = arith.constant 384 : i32
    %add3A_759 = arith.addi %add3A_758, %add3A : i32
    %min3A_760 = arith.constant 780 : i32
    %min3A_761 = arith.minsi %add3A_759, %min3A_760 : i32
    %mul3A_762 = arith.constant 128 : i32
    %mul3A_763 = arith.muli %min3A_761, %mul3A_762 : i32
    %multiple_of3A_764 = tpu.assume_multiple %mul3A_763, 128 : i32
    %ge3A_765 = arith.constant 781 : i32
    %ge3A_766 = arith.cmpi sge, %add3A_759, %ge3A_765 : i32
    %convert_element_type3A_767 = arith.extui %ge3A_766 : i1 to i32
    %cond3A_768 = arith.constant 0 : i32
    %cond3A_769 = arith.cmpi ne, %convert_element_type3A_767, %cond3A_768 : i32
    scf.if %cond3A_769 {
      %swap3A = arith.constant 0 : i32
      %swap3A_1489 = arith.constant 0 : i32
      %swap3A_1490 = tpu.memref_slice %arg8[%swap3A, %swap3A_1489] : memref<3x128xi32, #tpu.memory_space<vmem>> -> memref<1x128xi32, #tpu.memory_space<vmem>>
      %swap3A_1491 = tpu.memref_squeeze %swap3A_1490 : memref<1x128xi32, #tpu.memory_space<vmem>> -> memref<128xi32, #tpu.memory_space<vmem>>
      %swap3A_1492 = arith.constant 0 : index
      %swap3A_1493 = tpu.vector_load %swap3A_1491[%swap3A_1492] {strides = array<i32>} : memref<128xi32, #tpu.memory_space<vmem>>, vector<16xi32>,
      %swap3A_1494 = vector.shape_cast %swap3A_1493 : vector<16xi32> to vector<16xi32>
      %swap3A_1495 = vector.shape_cast %broadcast_in_dim3A_3 : vector<16xi32> to vector<16xi32>
      tpu.vector_store %swap3A_1491[%swap3A_1492], %swap3A_1495 {strides = array<i32>} : memref<128xi32, #tpu.memory_space<vmem>>, vector<16xi32>,
      %swap3A_1496 = arith.constant 0 : i32
      %swap3A_1497 = arith.constant 0 : i32
      %swap3A_1498 = tpu.memref_slice %arg8[%swap3A_1496, %swap3A_1497] : memref<3x128xi32, #tpu.memory_space<vmem>> -> memref<1x128xi32, #tpu.memory_space<vmem>>
      %swap3A_1499 = tpu.memref_squeeze %swap3A_1498 : memref<1x128xi32, #tpu.memory_space<vmem>> -> memref<128xi32, #tpu.memory_space<vmem>>
      %swap3A_1500 = arith.constant 16 : index
      %swap3A_1501 = tpu.vector_load %swap3A_1499[%swap3A_1500] {strides = array<i32>} : memref<128xi32, #tpu.memory_space<vmem>>, vector<16xi32>,
      %swap3A_1502 = vector.shape_cast %swap3A_1501 : vector<16xi32> to vector<16xi32>
      %swap3A_1503 = vector.shape_cast %broadcast_in_dim3A_3 : vector<16xi32> to vector<16xi32>
      tpu.vector_store %swap3A_1499[%swap3A_1500], %swap3A_1503 {strides = array<i32>} : memref<128xi32, #tpu.memory_space<vmem>>, vector<16xi32>,
      %swap3A_1504 = arith.constant 0 : i32
      %swap3A_1505 = arith.constant 0 : i32
      %swap3A_1506 = tpu.memref_slice %arg8[%swap3A_1504, %swap3A_1505] : memref<3x128xi32, #tpu.memory_space<vmem>> -> memref<1x128xi32, #tpu.memory_space<vmem>>
      %swap3A_1507 = tpu.memref_squeeze %swap3A_1506 : memref<1x128xi32, #tpu.memory_space<vmem>> -> memref<128xi32, #tpu.memory_space<vmem>>
      %swap3A_1508 = arith.constant 32 : index
      %swap3A_1509 = tpu.vector_load %swap3A_1507[%swap3A_1508] {strides = array<i32>} : memref<128xi32, #tpu.memory_space<vmem>>, vector<16xi32>,
      %swap3A_1510 = vector.shape_cast %swap3A_1509 : vector<16xi32> to vector<16xi32>
      %swap3A_1511 = vector.shape_cast %broadcast_in_dim3A_3 : vector<16xi32> to vector<16xi32>
      tpu.vector_store %swap3A_1507[%swap3A_1508], %swap3A_1511 {strides = array<i32>} : memref<128xi32, #tpu.memory_space<vmem>>, vector<16xi32>,
      %swap3A_1512 = arith.constant 0 : i32
      %swap3A_1513 = arith.constant 0 : i32
      %swap3A_1514 = tpu.memref_slice %arg8[%swap3A_1512, %swap3A_1513] : memref<3x128xi32, #tpu.memory_space<vmem>> -> memref<1x128xi32, #tpu.memory_space<vmem>>
      %swap3A_1515 = tpu.memref_squeeze %swap3A_1514 : memref<1x128xi32, #tpu.memory_space<vmem>> -> memref<128xi32, #tpu.memory_space<vmem>>
      %swap3A_1516 = arith.constant 48 : index
      %swap3A_1517 = tpu.vector_load %swap3A_1515[%swap3A_1516] {strides = array<i32>} : memref<128xi32, #tpu.memory_space<vmem>>, vector<16xi32>,
      %swap3A_1518 = vector.shape_cast %swap3A_1517 : vector<16xi32> to vector<16xi32>
      %swap3A_1519 = vector.shape_cast %broadcast_in_dim3A_3 : vector<16xi32> to vector<16xi32>
      tpu.vector_store %swap3A_1515[%swap3A_1516], %swap3A_1519 {strides = array<i32>} : memref<128xi32, #tpu.memory_space<vmem>>, vector<16xi32>,
      %swap3A_1520 = arith.constant 0 : i32
      %swap3A_1521 = arith.constant 0 : i32
      %swap3A_1522 = tpu.memref_slice %arg8[%swap3A_1520, %swap3A_1521] : memref<3x128xi32, #tpu.memory_space<vmem>> -> memref<1x128xi32, #tpu.memory_space<vmem>>
      %swap3A_1523 = tpu.memref_squeeze %swap3A_1522 : memref<1x128xi32, #tpu.memory_space<vmem>> -> memref<128xi32, #tpu.memory_space<vmem>>
      %swap3A_1524 = arith.constant 64 : index
      %swap3A_1525 = tpu.vector_load %swap3A_1523[%swap3A_1524] {strides = array<i32>} : memref<128xi32, #tpu.memory_space<vmem>>, vector<16xi32>,
      %swap3A_1526 = vector.shape_cast %swap3A_1525 : vector<16xi32> to vector<16xi32>
      %swap3A_1527 = vector.shape_cast %broadcast_in_dim3A_3 : vector<16xi32> to vector<16xi32>
      tpu.vector_store %swap3A_1523[%swap3A_1524], %swap3A_1527 {strides = array<i32>} : memref<128xi32, #tpu.memory_space<vmem>>, vector<16xi32>,
      %swap3A_1528 = arith.constant 0 : i32
      %swap3A_1529 = arith.constant 0 : i32
      %swap3A_1530 = tpu.memref_slice %arg8[%swap3A_1528, %swap3A_1529] : memref<3x128xi32, #tpu.memory_space<vmem>> -> memref<1x128xi32, #tpu.memory_space<vmem>>
      %swap3A_1531 = tpu.memref_squeeze %swap3A_1530 : memref<1x128xi32, #tpu.memory_space<vmem>> -> memref<128xi32, #tpu.memory_space<vmem>>
      %swap3A_1532 = arith.constant 80 : index
      %swap3A_1533 = tpu.vector_load %swap3A_1531[%swap3A_1532] {strides = array<i32>} : memref<128xi32, #tpu.memory_space<vmem>>, vector<16xi32>,
      %swap3A_1534 = vector.shape_cast %swap3A_1533 : vector<16xi32> to vector<16xi32>
      %swap3A_1535 = vector.shape_cast %broadcast_in_dim3A_3 : vector<16xi32> to vector<16xi32>
      tpu.vector_store %swap3A_1531[%swap3A_1532], %swap3A_1535 {strides = array<i32>} : memref<128xi32, #tpu.memory_space<vmem>>, vector<16xi32>,
      %swap3A_1536 = arith.constant 0 : i32
      %swap3A_1537 = arith.constant 0 : i32
      %swap3A_1538 = tpu.memref_slice %arg8[%swap3A_1536, %swap3A_1537] : memref<3x128xi32, #tpu.memory_space<vmem>> -> memref<1x128xi32, #tpu.memory_space<vmem>>
      %swap3A_1539 = tpu.memref_squeeze %swap3A_1538 : memref<1x128xi32, #tpu.memory_space<vmem>> -> memref<128xi32, #tpu.memory_space<vmem>>
      %swap3A_1540 = arith.constant 96 : index
      %swap3A_1541 = tpu.vector_load %swap3A_1539[%swap3A_1540] {strides = array<i32>} : memref<128xi32, #tpu.memory_space<vmem>>, vector<16xi32>,
      %swap3A_1542 = vector.shape_cast %swap3A_1541 : vector<16xi32> to vector<16xi32>
      %swap3A_1543 = vector.shape_cast %broadcast_in_dim3A_3 : vector<16xi32> to vector<16xi32>
      tpu.vector_store %swap3A_1539[%swap3A_1540], %swap3A_1543 {strides = array<i32>} : memref<128xi32, #tpu.memory_space<vmem>>, vector<16xi32>,
      %swap3A_1544 = arith.constant 0 : i32
      %swap3A_1545 = arith.constant 0 : i32
      %swap3A_1546 = tpu.memref_slice %arg8[%swap3A_1544, %swap3A_1545] : memref<3x128xi32, #tpu.memory_space<vmem>> -> memref<1x128xi32, #tpu.memory_space<vmem>>
      %swap3A_1547 = tpu.memref_squeeze %swap3A_1546 : memref<1x128xi32, #tpu.memory_space<vmem>> -> memref<128xi32, #tpu.memory_space<vmem>>
      %swap3A_1548 = arith.constant 112 : index
      %swap3A_1549 = tpu.vector_load %swap3A_1547[%swap3A_1548] {strides = array<i32>} : memref<128xi32, #tpu.memory_space<vmem>>, vector<16xi32>,
      %swap3A_1550 = vector.shape_cast %swap3A_1549 : vector<16xi32> to vector<16xi32>
      %swap3A_1551 = vector.shape_cast %broadcast_in_dim3A_3 : vector<16xi32> to vector<16xi32>
      tpu.vector_store %swap3A_1547[%swap3A_1548], %swap3A_1551 {strides = array<i32>} : memref<128xi32, #tpu.memory_space<vmem>>, vector<16xi32>,
    } else {
    }
    %dma_start3A_770 = arith.constant 0 : i32
    %dma_start3A_771 = arith.constant 0 : i32
    %dma_start3A_772 = tpu.memref_slice %arg8[%dma_start3A_770, %dma_start3A_771] : memref<3x128xi32, #tpu.memory_space<vmem>> -> memref<1x128xi32, #tpu.memory_space<vmem>>
    %dma_start3A_773 = tpu.memref_squeeze %dma_start3A_772 : memref<1x128xi32, #tpu.memory_space<vmem>> -> memref<128xi32, #tpu.memory_space<vmem>>
    %dma_start3A_774 = arith.constant 0 : i32
    %dma_start3A_775 = arith.constant 0 : i32
    %dma_start3A_776 = tpu.memref_slice %arg10[%dma_start3A_774, %dma_start3A_775] : memref<520x128xf32, #tpu.memory_space<vmem_shared>> -> memref<520x128xf32, #tpu.memory_space<vmem_shared>>
    tpu.enqueue_indirect_dma source(%arg5 : memref<128x128xf32, #tpu.memory_space<vmem>>) target(%dma_start3A_776 : memref<520x128xf32, #tpu.memory_space<vmem_shared>>) offsets(%dma_start3A_773 : memref<128xi32, #tpu.memory_space<vmem>>) semaphore(%arg14 : memref<!tpu.dma_semaphore, #tpu.memory_space<semaphore_mem>>) {add = true}
    %dma_wait3A_777 = arith.constant 2 : i32
    %dma_wait3A_778 = arith.constant 0 : i32
    %dma_wait3A_779 = tpu.memref_slice %arg8[%dma_wait3A_777, %dma_wait3A_778] : memref<3x128xi32, #tpu.memory_space<vmem>> -> memref<1x128xi32, #tpu.memory_space<vmem>>
    %dma_wait3A_780 = tpu.memref_squeeze %dma_wait3A_779 : memref<1x128xi32, #tpu.memory_space<vmem>> -> memref<128xi32, #tpu.memory_space<vmem>>
    %dma_wait3A_781 = arith.constant 0 : i32
    %dma_wait3A_782 = arith.constant 0 : i32
    %dma_wait3A_783 = tpu.memref_slice %arg10[%dma_wait3A_781, %dma_wait3A_782] : memref<520x128xf32, #tpu.memory_space<vmem_shared>> -> memref<520x128xf32, #tpu.memory_space<vmem_shared>>
    tpu.wait_indirect_dma semaphore(%arg16 : memref<!tpu.dma_semaphore, #tpu.memory_space<semaphore_mem>>) src(%arg7 : memref<128x128xf32, #tpu.memory_space<vmem>>) dst(%dma_wait3A_783 : memref<520x128xf32, #tpu.memory_space<vmem_shared>>)
    %add3A_784 = arith.constant 448 : i32
    %add3A_785 = arith.addi %add3A_784, %add3A : i32
    %min3A_786 = arith.constant 780 : i32
    %min3A_787 = arith.minsi %add3A_785, %min3A_786 : i32
    %mul3A_788 = arith.constant 128 : i32
    %mul3A_789 = arith.muli %min3A_787, %mul3A_788 : i32
    %multiple_of3A_790 = tpu.assume_multiple %mul3A_789, 128 : i32
    %dma_start3A_791 = arith.constant 0 : i32
    %dma_start3A_792 = tpu.memref_slice %arg2[%multiple_of3A_790, %dma_start3A_791] : memref<100000x128xf32, #tpu.memory_space<hbm>> -> memref<128x128xf32, #tpu.memory_space<hbm>>
    %dma_start3A_793 = arith.constant 0 : i32
    %dma_start3A_794 = tpu.memref_slice %arg2[%multiple_of3A_790, %dma_start3A_793] : memref<100000x128xf32, #tpu.memory_space<hbm>> -> memref<128x128xf32, #tpu.memory_space<hbm>>
    tpu.enqueue_dma source(%dma_start3A_794 : memref<128x128xf32, #tpu.memory_space<hbm>>) target(%arg7 : memref<128x128xf32, #tpu.memory_space<vmem>>) target_semaphore(%arg13 : memref<!tpu.dma_semaphore, #tpu.memory_space<semaphore_mem>>)
    %dma_start3A_795 = arith.constant 2 : i32
    %dma_start3A_796 = arith.constant 0 : i32
    %dma_start3A_797 = tpu.memref_slice %arg8[%dma_start3A_795, %dma_start3A_796] : memref<3x128xi32, #tpu.memory_space<vmem>> -> memref<1x128xi32, #tpu.memory_space<vmem>>
    %dma_start3A_798 = tpu.memref_squeeze %dma_start3A_797 : memref<1x128xi32, #tpu.memory_space<vmem>> -> memref<128xi32, #tpu.memory_space<vmem>>
    %dma_start3A_799 = tpu.memref_slice %arg3[%multiple_of3A_790] : memref<100000xi32, #tpu.memory_space<hbm>> -> memref<128xi32, #tpu.memory_space<hbm>>
    %dma_start3A_800 = arith.constant 0 : i32
    %dma_start3A_801 = tpu.memref_slice %arg8[%dma_start3A_795, %dma_start3A_800] : memref<3x128xi32, #tpu.memory_space<vmem>> -> memref<1x128xi32, #tpu.memory_space<vmem>>
    %dma_start3A_802 = tpu.memref_squeeze %dma_start3A_801 : memref<1x128xi32, #tpu.memory_space<vmem>> -> memref<128xi32, #tpu.memory_space<vmem>>
    %dma_start3A_803 = tpu.memref_slice %arg3[%multiple_of3A_790] : memref<100000xi32, #tpu.memory_space<hbm>> -> memref<128xi32, #tpu.memory_space<hbm>>
    tpu.enqueue_dma source(%dma_start3A_803 : memref<128xi32, #tpu.memory_space<hbm>>) target(%dma_start3A_802 : memref<128xi32, #tpu.memory_space<vmem>>) target_semaphore(%arg13 : memref<!tpu.dma_semaphore, #tpu.memory_space<semaphore_mem>>)
    %dma_wait3A_804 = arith.constant 0 : i32
    %dma_wait3A_805 = tpu.memref_slice %arg2[%multiple_of3A_731, %dma_wait3A_804] : memref<100000x128xf32, #tpu.memory_space<hbm>> -> memref<128x128xf32, #tpu.memory_space<hbm>>
    %dma_wait3A_806 = arith.constant 0 : i32
    %dma_wait3A_807 = tpu.memref_slice %arg2[%multiple_of3A_731, %dma_wait3A_806] : memref<100000x128xf32, #tpu.memory_space<hbm>> -> memref<128x128xf32, #tpu.memory_space<hbm>>
    tpu.wait_dma2 semaphore(%arg12 : memref<!tpu.dma_semaphore, #tpu.memory_space<semaphore_mem>>) src(%dma_wait3A_807 : memref<128x128xf32, #tpu.memory_space<hbm>>) dst(%arg6 : memref<128x128xf32, #tpu.memory_space<vmem>>)
    %dma_wait3A_808 = arith.constant 1 : i32
    %dma_wait3A_809 = arith.constant 0 : i32
    %dma_wait3A_810 = tpu.memref_slice %arg8[%dma_wait3A_808, %dma_wait3A_809] : memref<3x128xi32, #tpu.memory_space<vmem>> -> memref<1x128xi32, #tpu.memory_space<vmem>>
    %dma_wait3A_811 = tpu.memref_squeeze %dma_wait3A_810 : memref<1x128xi32, #tpu.memory_space<vmem>> -> memref<128xi32, #tpu.memory_space<vmem>>
    %dma_wait3A_812 = tpu.memref_slice %arg3[%multiple_of3A_731] : memref<100000xi32, #tpu.memory_space<hbm>> -> memref<128xi32, #tpu.memory_space<hbm>>
    %dma_wait3A_813 = arith.constant 0 : i32
    %dma_wait3A_814 = tpu.memref_slice %arg8[%dma_wait3A_808, %dma_wait3A_813] : memref<3x128xi32, #tpu.memory_space<vmem>> -> memref<1x128xi32, #tpu.memory_space<vmem>>
    %dma_wait3A_815 = tpu.memref_squeeze %dma_wait3A_814 : memref<1x128xi32, #tpu.memory_space<vmem>> -> memref<128xi32, #tpu.memory_space<vmem>>
    %dma_wait3A_816 = tpu.memref_slice %arg3[%multiple_of3A_731] : memref<100000xi32, #tpu.memory_space<hbm>> -> memref<128xi32, #tpu.memory_space<hbm>>
    tpu.wait_dma2 semaphore(%arg12 : memref<!tpu.dma_semaphore, #tpu.memory_space<semaphore_mem>>) src(%dma_wait3A_816 : memref<128xi32, #tpu.memory_space<hbm>>) dst(%dma_wait3A_815 : memref<128xi32, #tpu.memory_space<vmem>>)
    %add3A_817 = arith.constant 416 : i32
    %add3A_818 = arith.addi %add3A_817, %add3A : i32
    %min3A_819 = arith.constant 780 : i32
    %min3A_820 = arith.minsi %add3A_818, %min3A_819 : i32
    %mul3A_821 = arith.constant 128 : i32
    %mul3A_822 = arith.muli %min3A_820, %mul3A_821 : i32
    %multiple_of3A_823 = tpu.assume_multiple %mul3A_822, 128 : i32
    %ge3A_824 = arith.constant 781 : i32
    %ge3A_825 = arith.cmpi sge, %add3A_818, %ge3A_824 : i32
    %convert_element_type3A_826 = arith.extui %ge3A_825 : i1 to i32
    %cond3A_827 = arith.constant 0 : i32
    %cond3A_828 = arith.cmpi ne, %convert_element_type3A_826, %cond3A_827 : i32
    scf.if %cond3A_828 {
      %swap3A = arith.constant 1 : i32
      %swap3A_1489 = arith.constant 0 : i32
      %swap3A_1490 = tpu.memref_slice %arg8[%swap3A, %swap3A_1489] : memref<3x128xi32, #tpu.memory_space<vmem>> -> memref<1x128xi32, #tpu.memory_space<vmem>>
      %swap3A_1491 = tpu.memref_squeeze %swap3A_1490 : memref<1x128xi32, #tpu.memory_space<vmem>> -> memref<128xi32, #tpu.memory_space<vmem>>
      %swap3A_1492 = arith.constant 0 : index
      %swap3A_1493 = tpu.vector_load %swap3A_1491[%swap3A_1492] {strides = array<i32>} : memref<128xi32, #tpu.memory_space<vmem>>, vector<16xi32>,
      %swap3A_1494 = vector.shape_cast %swap3A_1493 : vector<16xi32> to vector<16xi32>
      %swap3A_1495 = vector.shape_cast %broadcast_in_dim3A_3 : vector<16xi32> to vector<16xi32>
      tpu.vector_store %swap3A_1491[%swap3A_1492], %swap3A_1495 {strides = array<i32>} : memref<128xi32, #tpu.memory_space<vmem>>, vector<16xi32>,
      %swap3A_1496 = arith.constant 1 : i32
      %swap3A_1497 = arith.constant 0 : i32
      %swap3A_1498 = tpu.memref_slice %arg8[%swap3A_1496, %swap3A_1497] : memref<3x128xi32, #tpu.memory_space<vmem>> -> memref<1x128xi32, #tpu.memory_space<vmem>>
      %swap3A_1499 = tpu.memref_squeeze %swap3A_1498 : memref<1x128xi32, #tpu.memory_space<vmem>> -> memref<128xi32, #tpu.memory_space<vmem>>
      %swap3A_1500 = arith.constant 16 : index
      %swap3A_1501 = tpu.vector_load %swap3A_1499[%swap3A_1500] {strides = array<i32>} : memref<128xi32, #tpu.memory_space<vmem>>, vector<16xi32>,
      %swap3A_1502 = vector.shape_cast %swap3A_1501 : vector<16xi32> to vector<16xi32>
      %swap3A_1503 = vector.shape_cast %broadcast_in_dim3A_3 : vector<16xi32> to vector<16xi32>
      tpu.vector_store %swap3A_1499[%swap3A_1500], %swap3A_1503 {strides = array<i32>} : memref<128xi32, #tpu.memory_space<vmem>>, vector<16xi32>,
      %swap3A_1504 = arith.constant 1 : i32
      %swap3A_1505 = arith.constant 0 : i32
      %swap3A_1506 = tpu.memref_slice %arg8[%swap3A_1504, %swap3A_1505] : memref<3x128xi32, #tpu.memory_space<vmem>> -> memref<1x128xi32, #tpu.memory_space<vmem>>
      %swap3A_1507 = tpu.memref_squeeze %swap3A_1506 : memref<1x128xi32, #tpu.memory_space<vmem>> -> memref<128xi32, #tpu.memory_space<vmem>>
      %swap3A_1508 = arith.constant 32 : index
      %swap3A_1509 = tpu.vector_load %swap3A_1507[%swap3A_1508] {strides = array<i32>} : memref<128xi32, #tpu.memory_space<vmem>>, vector<16xi32>,
      %swap3A_1510 = vector.shape_cast %swap3A_1509 : vector<16xi32> to vector<16xi32>
      %swap3A_1511 = vector.shape_cast %broadcast_in_dim3A_3 : vector<16xi32> to vector<16xi32>
      tpu.vector_store %swap3A_1507[%swap3A_1508], %swap3A_1511 {strides = array<i32>} : memref<128xi32, #tpu.memory_space<vmem>>, vector<16xi32>,
      %swap3A_1512 = arith.constant 1 : i32
      %swap3A_1513 = arith.constant 0 : i32
      %swap3A_1514 = tpu.memref_slice %arg8[%swap3A_1512, %swap3A_1513] : memref<3x128xi32, #tpu.memory_space<vmem>> -> memref<1x128xi32, #tpu.memory_space<vmem>>
      %swap3A_1515 = tpu.memref_squeeze %swap3A_1514 : memref<1x128xi32, #tpu.memory_space<vmem>> -> memref<128xi32, #tpu.memory_space<vmem>>
      %swap3A_1516 = arith.constant 48 : index
      %swap3A_1517 = tpu.vector_load %swap3A_1515[%swap3A_1516] {strides = array<i32>} : memref<128xi32, #tpu.memory_space<vmem>>, vector<16xi32>,
      %swap3A_1518 = vector.shape_cast %swap3A_1517 : vector<16xi32> to vector<16xi32>
      %swap3A_1519 = vector.shape_cast %broadcast_in_dim3A_3 : vector<16xi32> to vector<16xi32>
      tpu.vector_store %swap3A_1515[%swap3A_1516], %swap3A_1519 {strides = array<i32>} : memref<128xi32, #tpu.memory_space<vmem>>, vector<16xi32>,
      %swap3A_1520 = arith.constant 1 : i32
      %swap3A_1521 = arith.constant 0 : i32
      %swap3A_1522 = tpu.memref_slice %arg8[%swap3A_1520, %swap3A_1521] : memref<3x128xi32, #tpu.memory_space<vmem>> -> memref<1x128xi32, #tpu.memory_space<vmem>>
      %swap3A_1523 = tpu.memref_squeeze %swap3A_1522 : memref<1x128xi32, #tpu.memory_space<vmem>> -> memref<128xi32, #tpu.memory_space<vmem>>
      %swap3A_1524 = arith.constant 64 : index
      %swap3A_1525 = tpu.vector_load %swap3A_1523[%swap3A_1524] {strides = array<i32>} : memref<128xi32, #tpu.memory_space<vmem>>, vector<16xi32>,
      %swap3A_1526 = vector.shape_cast %swap3A_1525 : vector<16xi32> to vector<16xi32>
      %swap3A_1527 = vector.shape_cast %broadcast_in_dim3A_3 : vector<16xi32> to vector<16xi32>
      tpu.vector_store %swap3A_1523[%swap3A_1524], %swap3A_1527 {strides = array<i32>} : memref<128xi32, #tpu.memory_space<vmem>>, vector<16xi32>,
      %swap3A_1528 = arith.constant 1 : i32
      %swap3A_1529 = arith.constant 0 : i32
      %swap3A_1530 = tpu.memref_slice %arg8[%swap3A_1528, %swap3A_1529] : memref<3x128xi32, #tpu.memory_space<vmem>> -> memref<1x128xi32, #tpu.memory_space<vmem>>
      %swap3A_1531 = tpu.memref_squeeze %swap3A_1530 : memref<1x128xi32, #tpu.memory_space<vmem>> -> memref<128xi32, #tpu.memory_space<vmem>>
      %swap3A_1532 = arith.constant 80 : index
      %swap3A_1533 = tpu.vector_load %swap3A_1531[%swap3A_1532] {strides = array<i32>} : memref<128xi32, #tpu.memory_space<vmem>>, vector<16xi32>,
      %swap3A_1534 = vector.shape_cast %swap3A_1533 : vector<16xi32> to vector<16xi32>
      %swap3A_1535 = vector.shape_cast %broadcast_in_dim3A_3 : vector<16xi32> to vector<16xi32>
      tpu.vector_store %swap3A_1531[%swap3A_1532], %swap3A_1535 {strides = array<i32>} : memref<128xi32, #tpu.memory_space<vmem>>, vector<16xi32>,
      %swap3A_1536 = arith.constant 1 : i32
      %swap3A_1537 = arith.constant 0 : i32
      %swap3A_1538 = tpu.memref_slice %arg8[%swap3A_1536, %swap3A_1537] : memref<3x128xi32, #tpu.memory_space<vmem>> -> memref<1x128xi32, #tpu.memory_space<vmem>>
      %swap3A_1539 = tpu.memref_squeeze %swap3A_1538 : memref<1x128xi32, #tpu.memory_space<vmem>> -> memref<128xi32, #tpu.memory_space<vmem>>
      %swap3A_1540 = arith.constant 96 : index
      %swap3A_1541 = tpu.vector_load %swap3A_1539[%swap3A_1540] {strides = array<i32>} : memref<128xi32, #tpu.memory_space<vmem>>, vector<16xi32>,
      %swap3A_1542 = vector.shape_cast %swap3A_1541 : vector<16xi32> to vector<16xi32>
      %swap3A_1543 = vector.shape_cast %broadcast_in_dim3A_3 : vector<16xi32> to vector<16xi32>
      tpu.vector_store %swap3A_1539[%swap3A_1540], %swap3A_1543 {strides = array<i32>} : memref<128xi32, #tpu.memory_space<vmem>>, vector<16xi32>,
      %swap3A_1544 = arith.constant 1 : i32
      %swap3A_1545 = arith.constant 0 : i32
      %swap3A_1546 = tpu.memref_slice %arg8[%swap3A_1544, %swap3A_1545] : memref<3x128xi32, #tpu.memory_space<vmem>> -> memref<1x128xi32, #tpu.memory_space<vmem>>
      %swap3A_1547 = tpu.memref_squeeze %swap3A_1546 : memref<1x128xi32, #tpu.memory_space<vmem>> -> memref<128xi32, #tpu.memory_space<vmem>>
      %swap3A_1548 = arith.constant 112 : index
      %swap3A_1549 = tpu.vector_load %swap3A_1547[%swap3A_1548] {strides = array<i32>} : memref<128xi32, #tpu.memory_space<vmem>>, vector<16xi32>,
      %swap3A_1550 = vector.shape_cast %swap3A_1549 : vector<16xi32> to vector<16xi32>
      %swap3A_1551 = vector.shape_cast %broadcast_in_dim3A_3 : vector<16xi32> to vector<16xi32>
      tpu.vector_store %swap3A_1547[%swap3A_1548], %swap3A_1551 {strides = array<i32>} : memref<128xi32, #tpu.memory_space<vmem>>, vector<16xi32>,
    } else {
    }
    %dma_start3A_829 = arith.constant 1 : i32
    %dma_start3A_830 = arith.constant 0 : i32
    %dma_start3A_831 = tpu.memref_slice %arg8[%dma_start3A_829, %dma_start3A_830] : memref<3x128xi32, #tpu.memory_space<vmem>> -> memref<1x128xi32, #tpu.memory_space<vmem>>
    %dma_start3A_832 = tpu.memref_squeeze %dma_start3A_831 : memref<1x128xi32, #tpu.memory_space<vmem>> -> memref<128xi32, #tpu.memory_space<vmem>>
    %dma_start3A_833 = arith.constant 0 : i32
    %dma_start3A_834 = arith.constant 0 : i32
    %dma_start3A_835 = tpu.memref_slice %arg10[%dma_start3A_833, %dma_start3A_834] : memref<520x128xf32, #tpu.memory_space<vmem_shared>> -> memref<520x128xf32, #tpu.memory_space<vmem_shared>>
    tpu.enqueue_indirect_dma source(%arg6 : memref<128x128xf32, #tpu.memory_space<vmem>>) target(%dma_start3A_835 : memref<520x128xf32, #tpu.memory_space<vmem_shared>>) offsets(%dma_start3A_832 : memref<128xi32, #tpu.memory_space<vmem>>) semaphore(%arg15 : memref<!tpu.dma_semaphore, #tpu.memory_space<semaphore_mem>>) {add = true}
    %dma_wait3A_836 = arith.constant 0 : i32
    %dma_wait3A_837 = arith.constant 0 : i32
    %dma_wait3A_838 = tpu.memref_slice %arg8[%dma_wait3A_836, %dma_wait3A_837] : memref<3x128xi32, #tpu.memory_space<vmem>> -> memref<1x128xi32, #tpu.memory_space<vmem>>
    %dma_wait3A_839 = tpu.memref_squeeze %dma_wait3A_838 : memref<1x128xi32, #tpu.memory_space<vmem>> -> memref<128xi32, #tpu.memory_space<vmem>>
    %dma_wait3A_840 = arith.constant 0 : i32
    %dma_wait3A_841 = arith.constant 0 : i32
    %dma_wait3A_842 = tpu.memref_slice %arg10[%dma_wait3A_840, %dma_wait3A_841] : memref<520x128xf32, #tpu.memory_space<vmem_shared>> -> memref<520x128xf32, #tpu.memory_space<vmem_shared>>
    tpu.wait_indirect_dma semaphore(%arg14 : memref<!tpu.dma_semaphore, #tpu.memory_space<semaphore_mem>>) src(%arg5 : memref<128x128xf32, #tpu.memory_space<vmem>>) dst(%dma_wait3A_842 : memref<520x128xf32, #tpu.memory_space<vmem_shared>>)
    %add3A_843 = arith.constant 480 : i32
    %add3A_844 = arith.addi %add3A_843, %add3A : i32
    %min3A_845 = arith.constant 780 : i32
    %min3A_846 = arith.minsi %add3A_844, %min3A_845 : i32
    %mul3A_847 = arith.constant 128 : i32
    %mul3A_848 = arith.muli %min3A_846, %mul3A_847 : i32
    %multiple_of3A_849 = tpu.assume_multiple %mul3A_848, 128 : i32
    %dma_start3A_850 = arith.constant 0 : i32
    %dma_start3A_851 = tpu.memref_slice %arg2[%multiple_of3A_849, %dma_start3A_850] : memref<100000x128xf32, #tpu.memory_space<hbm>> -> memref<128x128xf32, #tpu.memory_space<hbm>>
    %dma_start3A_852 = arith.constant 0 : i32
    %dma_start3A_853 = tpu.memref_slice %arg2[%multiple_of3A_849, %dma_start3A_852] : memref<100000x128xf32, #tpu.memory_space<hbm>> -> memref<128x128xf32, #tpu.memory_space<hbm>>
    tpu.enqueue_dma source(%dma_start3A_853 : memref<128x128xf32, #tpu.memory_space<hbm>>) target(%arg5 : memref<128x128xf32, #tpu.memory_space<vmem>>) target_semaphore(%arg11 : memref<!tpu.dma_semaphore, #tpu.memory_space<semaphore_mem>>)
    %dma_start3A_854 = arith.constant 0 : i32
    %dma_start3A_855 = arith.constant 0 : i32
    %dma_start3A_856 = tpu.memref_slice %arg8[%dma_start3A_854, %dma_start3A_855] : memref<3x128xi32, #tpu.memory_space<vmem>> -> memref<1x128xi32, #tpu.memory_space<vmem>>
    %dma_start3A_857 = tpu.memref_squeeze %dma_start3A_856 : memref<1x128xi32, #tpu.memory_space<vmem>> -> memref<128xi32, #tpu.memory_space<vmem>>
    %dma_start3A_858 = tpu.memref_slice %arg3[%multiple_of3A_849] : memref<100000xi32, #tpu.memory_space<hbm>> -> memref<128xi32, #tpu.memory_space<hbm>>
    %dma_start3A_859 = arith.constant 0 : i32
    %dma_start3A_860 = tpu.memref_slice %arg8[%dma_start3A_854, %dma_start3A_859] : memref<3x128xi32, #tpu.memory_space<vmem>> -> memref<1x128xi32, #tpu.memory_space<vmem>>
    %dma_start3A_861 = tpu.memref_squeeze %dma_start3A_860 : memref<1x128xi32, #tpu.memory_space<vmem>> -> memref<128xi32, #tpu.memory_space<vmem>>
    %dma_start3A_862 = tpu.memref_slice %arg3[%multiple_of3A_849] : memref<100000xi32, #tpu.memory_space<hbm>> -> memref<128xi32, #tpu.memory_space<hbm>>
    tpu.enqueue_dma source(%dma_start3A_862 : memref<128xi32, #tpu.memory_space<hbm>>) target(%dma_start3A_861 : memref<128xi32, #tpu.memory_space<vmem>>) target_semaphore(%arg11 : memref<!tpu.dma_semaphore, #tpu.memory_space<semaphore_mem>>)
    %dma_wait3A_863 = arith.constant 0 : i32
    %dma_wait3A_864 = tpu.memref_slice %arg2[%multiple_of3A_790, %dma_wait3A_863] : memref<100000x128xf32, #tpu.memory_space<hbm>> -> memref<128x128xf32, #tpu.memory_space<hbm>>
    %dma_wait3A_865 = arith.constant 0 : i32
    %dma_wait3A_866 = tpu.memref_slice %arg2[%multiple_of3A_790, %dma_wait3A_865] : memref<100000x128xf32, #tpu.memory_space<hbm>> -> memref<128x128xf32, #tpu.memory_space<hbm>>
    tpu.wait_dma2 semaphore(%arg13 : memref<!tpu.dma_semaphore, #tpu.memory_space<semaphore_mem>>) src(%dma_wait3A_866 : memref<128x128xf32, #tpu.memory_space<hbm>>) dst(%arg7 : memref<128x128xf32, #tpu.memory_space<vmem>>)
    %dma_wait3A_867 = arith.constant 2 : i32
    %dma_wait3A_868 = arith.constant 0 : i32
    %dma_wait3A_869 = tpu.memref_slice %arg8[%dma_wait3A_867, %dma_wait3A_868] : memref<3x128xi32, #tpu.memory_space<vmem>> -> memref<1x128xi32, #tpu.memory_space<vmem>>
    %dma_wait3A_870 = tpu.memref_squeeze %dma_wait3A_869 : memref<1x128xi32, #tpu.memory_space<vmem>> -> memref<128xi32, #tpu.memory_space<vmem>>
    %dma_wait3A_871 = tpu.memref_slice %arg3[%multiple_of3A_790] : memref<100000xi32, #tpu.memory_space<hbm>> -> memref<128xi32, #tpu.memory_space<hbm>>
    %dma_wait3A_872 = arith.constant 0 : i32
    %dma_wait3A_873 = tpu.memref_slice %arg8[%dma_wait3A_867, %dma_wait3A_872] : memref<3x128xi32, #tpu.memory_space<vmem>> -> memref<1x128xi32, #tpu.memory_space<vmem>>
    %dma_wait3A_874 = tpu.memref_squeeze %dma_wait3A_873 : memref<1x128xi32, #tpu.memory_space<vmem>> -> memref<128xi32, #tpu.memory_space<vmem>>
    %dma_wait3A_875 = tpu.memref_slice %arg3[%multiple_of3A_790] : memref<100000xi32, #tpu.memory_space<hbm>> -> memref<128xi32, #tpu.memory_space<hbm>>
    tpu.wait_dma2 semaphore(%arg13 : memref<!tpu.dma_semaphore, #tpu.memory_space<semaphore_mem>>) src(%dma_wait3A_875 : memref<128xi32, #tpu.memory_space<hbm>>) dst(%dma_wait3A_874 : memref<128xi32, #tpu.memory_space<vmem>>)
    %add3A_876 = arith.constant 448 : i32
    %add3A_877 = arith.addi %add3A_876, %add3A : i32
    %min3A_878 = arith.constant 780 : i32
    %min3A_879 = arith.minsi %add3A_877, %min3A_878 : i32
    %mul3A_880 = arith.constant 128 : i32
    %mul3A_881 = arith.muli %min3A_879, %mul3A_880 : i32
    %multiple_of3A_882 = tpu.assume_multiple %mul3A_881, 128 : i32
    %ge3A_883 = arith.constant 781 : i32
    %ge3A_884 = arith.cmpi sge, %add3A_877, %ge3A_883 : i32
    %convert_element_type3A_885 = arith.extui %ge3A_884 : i1 to i32
    %cond3A_886 = arith.constant 0 : i32
    %cond3A_887 = arith.cmpi ne, %convert_element_type3A_885, %cond3A_886 : i32
    scf.if %cond3A_887 {
      %swap3A = arith.constant 2 : i32
      %swap3A_1489 = arith.constant 0 : i32
      %swap3A_1490 = tpu.memref_slice %arg8[%swap3A, %swap3A_1489] : memref<3x128xi32, #tpu.memory_space<vmem>> -> memref<1x128xi32, #tpu.memory_space<vmem>>
      %swap3A_1491 = tpu.memref_squeeze %swap3A_1490 : memref<1x128xi32, #tpu.memory_space<vmem>> -> memref<128xi32, #tpu.memory_space<vmem>>
      %swap3A_1492 = arith.constant 0 : index
      %swap3A_1493 = tpu.vector_load %swap3A_1491[%swap3A_1492] {strides = array<i32>} : memref<128xi32, #tpu.memory_space<vmem>>, vector<16xi32>,
      %swap3A_1494 = vector.shape_cast %swap3A_1493 : vector<16xi32> to vector<16xi32>
      %swap3A_1495 = vector.shape_cast %broadcast_in_dim3A_3 : vector<16xi32> to vector<16xi32>
      tpu.vector_store %swap3A_1491[%swap3A_1492], %swap3A_1495 {strides = array<i32>} : memref<128xi32, #tpu.memory_space<vmem>>, vector<16xi32>,
      %swap3A_1496 = arith.constant 2 : i32
      %swap3A_1497 = arith.constant 0 : i32
      %swap3A_1498 = tpu.memref_slice %arg8[%swap3A_1496, %swap3A_1497] : memref<3x128xi32, #tpu.memory_space<vmem>> -> memref<1x128xi32, #tpu.memory_space<vmem>>
      %swap3A_1499 = tpu.memref_squeeze %swap3A_1498 : memref<1x128xi32, #tpu.memory_space<vmem>> -> memref<128xi32, #tpu.memory_space<vmem>>
      %swap3A_1500 = arith.constant 16 : index
      %swap3A_1501 = tpu.vector_load %swap3A_1499[%swap3A_1500] {strides = array<i32>} : memref<128xi32, #tpu.memory_space<vmem>>, vector<16xi32>,
      %swap3A_1502 = vector.shape_cast %swap3A_1501 : vector<16xi32> to vector<16xi32>
      %swap3A_1503 = vector.shape_cast %broadcast_in_dim3A_3 : vector<16xi32> to vector<16xi32>
      tpu.vector_store %swap3A_1499[%swap3A_1500], %swap3A_1503 {strides = array<i32>} : memref<128xi32, #tpu.memory_space<vmem>>, vector<16xi32>,
      %swap3A_1504 = arith.constant 2 : i32
      %swap3A_1505 = arith.constant 0 : i32
      %swap3A_1506 = tpu.memref_slice %arg8[%swap3A_1504, %swap3A_1505] : memref<3x128xi32, #tpu.memory_space<vmem>> -> memref<1x128xi32, #tpu.memory_space<vmem>>
      %swap3A_1507 = tpu.memref_squeeze %swap3A_1506 : memref<1x128xi32, #tpu.memory_space<vmem>> -> memref<128xi32, #tpu.memory_space<vmem>>
      %swap3A_1508 = arith.constant 32 : index
      %swap3A_1509 = tpu.vector_load %swap3A_1507[%swap3A_1508] {strides = array<i32>} : memref<128xi32, #tpu.memory_space<vmem>>, vector<16xi32>,
      %swap3A_1510 = vector.shape_cast %swap3A_1509 : vector<16xi32> to vector<16xi32>
      %swap3A_1511 = vector.shape_cast %broadcast_in_dim3A_3 : vector<16xi32> to vector<16xi32>
      tpu.vector_store %swap3A_1507[%swap3A_1508], %swap3A_1511 {strides = array<i32>} : memref<128xi32, #tpu.memory_space<vmem>>, vector<16xi32>,
      %swap3A_1512 = arith.constant 2 : i32
      %swap3A_1513 = arith.constant 0 : i32
      %swap3A_1514 = tpu.memref_slice %arg8[%swap3A_1512, %swap3A_1513] : memref<3x128xi32, #tpu.memory_space<vmem>> -> memref<1x128xi32, #tpu.memory_space<vmem>>
      %swap3A_1515 = tpu.memref_squeeze %swap3A_1514 : memref<1x128xi32, #tpu.memory_space<vmem>> -> memref<128xi32, #tpu.memory_space<vmem>>
      %swap3A_1516 = arith.constant 48 : index
      %swap3A_1517 = tpu.vector_load %swap3A_1515[%swap3A_1516] {strides = array<i32>} : memref<128xi32, #tpu.memory_space<vmem>>, vector<16xi32>,
      %swap3A_1518 = vector.shape_cast %swap3A_1517 : vector<16xi32> to vector<16xi32>
      %swap3A_1519 = vector.shape_cast %broadcast_in_dim3A_3 : vector<16xi32> to vector<16xi32>
      tpu.vector_store %swap3A_1515[%swap3A_1516], %swap3A_1519 {strides = array<i32>} : memref<128xi32, #tpu.memory_space<vmem>>, vector<16xi32>,
      %swap3A_1520 = arith.constant 2 : i32
      %swap3A_1521 = arith.constant 0 : i32
      %swap3A_1522 = tpu.memref_slice %arg8[%swap3A_1520, %swap3A_1521] : memref<3x128xi32, #tpu.memory_space<vmem>> -> memref<1x128xi32, #tpu.memory_space<vmem>>
      %swap3A_1523 = tpu.memref_squeeze %swap3A_1522 : memref<1x128xi32, #tpu.memory_space<vmem>> -> memref<128xi32, #tpu.memory_space<vmem>>
      %swap3A_1524 = arith.constant 64 : index
      %swap3A_1525 = tpu.vector_load %swap3A_1523[%swap3A_1524] {strides = array<i32>} : memref<128xi32, #tpu.memory_space<vmem>>, vector<16xi32>,
      %swap3A_1526 = vector.shape_cast %swap3A_1525 : vector<16xi32> to vector<16xi32>
      %swap3A_1527 = vector.shape_cast %broadcast_in_dim3A_3 : vector<16xi32> to vector<16xi32>
      tpu.vector_store %swap3A_1523[%swap3A_1524], %swap3A_1527 {strides = array<i32>} : memref<128xi32, #tpu.memory_space<vmem>>, vector<16xi32>,
      %swap3A_1528 = arith.constant 2 : i32
      %swap3A_1529 = arith.constant 0 : i32
      %swap3A_1530 = tpu.memref_slice %arg8[%swap3A_1528, %swap3A_1529] : memref<3x128xi32, #tpu.memory_space<vmem>> -> memref<1x128xi32, #tpu.memory_space<vmem>>
      %swap3A_1531 = tpu.memref_squeeze %swap3A_1530 : memref<1x128xi32, #tpu.memory_space<vmem>> -> memref<128xi32, #tpu.memory_space<vmem>>
      %swap3A_1532 = arith.constant 80 : index
      %swap3A_1533 = tpu.vector_load %swap3A_1531[%swap3A_1532] {strides = array<i32>} : memref<128xi32, #tpu.memory_space<vmem>>, vector<16xi32>,
      %swap3A_1534 = vector.shape_cast %swap3A_1533 : vector<16xi32> to vector<16xi32>
      %swap3A_1535 = vector.shape_cast %broadcast_in_dim3A_3 : vector<16xi32> to vector<16xi32>
      tpu.vector_store %swap3A_1531[%swap3A_1532], %swap3A_1535 {strides = array<i32>} : memref<128xi32, #tpu.memory_space<vmem>>, vector<16xi32>,
      %swap3A_1536 = arith.constant 2 : i32
      %swap3A_1537 = arith.constant 0 : i32
      %swap3A_1538 = tpu.memref_slice %arg8[%swap3A_1536, %swap3A_1537] : memref<3x128xi32, #tpu.memory_space<vmem>> -> memref<1x128xi32, #tpu.memory_space<vmem>>
      %swap3A_1539 = tpu.memref_squeeze %swap3A_1538 : memref<1x128xi32, #tpu.memory_space<vmem>> -> memref<128xi32, #tpu.memory_space<vmem>>
      %swap3A_1540 = arith.constant 96 : index
      %swap3A_1541 = tpu.vector_load %swap3A_1539[%swap3A_1540] {strides = array<i32>} : memref<128xi32, #tpu.memory_space<vmem>>, vector<16xi32>,
      %swap3A_1542 = vector.shape_cast %swap3A_1541 : vector<16xi32> to vector<16xi32>
      %swap3A_1543 = vector.shape_cast %broadcast_in_dim3A_3 : vector<16xi32> to vector<16xi32>
      tpu.vector_store %swap3A_1539[%swap3A_1540], %swap3A_1543 {strides = array<i32>} : memref<128xi32, #tpu.memory_space<vmem>>, vector<16xi32>,
      %swap3A_1544 = arith.constant 2 : i32
      %swap3A_1545 = arith.constant 0 : i32
      %swap3A_1546 = tpu.memref_slice %arg8[%swap3A_1544, %swap3A_1545] : memref<3x128xi32, #tpu.memory_space<vmem>> -> memref<1x128xi32, #tpu.memory_space<vmem>>
      %swap3A_1547 = tpu.memref_squeeze %swap3A_1546 : memref<1x128xi32, #tpu.memory_space<vmem>> -> memref<128xi32, #tpu.memory_space<vmem>>
      %swap3A_1548 = arith.constant 112 : index
      %swap3A_1549 = tpu.vector_load %swap3A_1547[%swap3A_1548] {strides = array<i32>} : memref<128xi32, #tpu.memory_space<vmem>>, vector<16xi32>,
      %swap3A_1550 = vector.shape_cast %swap3A_1549 : vector<16xi32> to vector<16xi32>
      %swap3A_1551 = vector.shape_cast %broadcast_in_dim3A_3 : vector<16xi32> to vector<16xi32>
      tpu.vector_store %swap3A_1547[%swap3A_1548], %swap3A_1551 {strides = array<i32>} : memref<128xi32, #tpu.memory_space<vmem>>, vector<16xi32>,
    } else {
    }
    %dma_start3A_888 = arith.constant 2 : i32
    %dma_start3A_889 = arith.constant 0 : i32
    %dma_start3A_890 = tpu.memref_slice %arg8[%dma_start3A_888, %dma_start3A_889] : memref<3x128xi32, #tpu.memory_space<vmem>> -> memref<1x128xi32, #tpu.memory_space<vmem>>
    %dma_start3A_891 = tpu.memref_squeeze %dma_start3A_890 : memref<1x128xi32, #tpu.memory_space<vmem>> -> memref<128xi32, #tpu.memory_space<vmem>>
    %dma_start3A_892 = arith.constant 0 : i32
    %dma_start3A_893 = arith.constant 0 : i32
    %dma_start3A_894 = tpu.memref_slice %arg10[%dma_start3A_892, %dma_start3A_893] : memref<520x128xf32, #tpu.memory_space<vmem_shared>> -> memref<520x128xf32, #tpu.memory_space<vmem_shared>>
    tpu.enqueue_indirect_dma source(%arg7 : memref<128x128xf32, #tpu.memory_space<vmem>>) target(%dma_start3A_894 : memref<520x128xf32, #tpu.memory_space<vmem_shared>>) offsets(%dma_start3A_891 : memref<128xi32, #tpu.memory_space<vmem>>) semaphore(%arg16 : memref<!tpu.dma_semaphore, #tpu.memory_space<semaphore_mem>>) {add = true}
    %dma_wait3A_895 = arith.constant 1 : i32
    %dma_wait3A_896 = arith.constant 0 : i32
    %dma_wait3A_897 = tpu.memref_slice %arg8[%dma_wait3A_895, %dma_wait3A_896] : memref<3x128xi32, #tpu.memory_space<vmem>> -> memref<1x128xi32, #tpu.memory_space<vmem>>
    %dma_wait3A_898 = tpu.memref_squeeze %dma_wait3A_897 : memref<1x128xi32, #tpu.memory_space<vmem>> -> memref<128xi32, #tpu.memory_space<vmem>>
    %dma_wait3A_899 = arith.constant 0 : i32
    %dma_wait3A_900 = arith.constant 0 : i32
    %dma_wait3A_901 = tpu.memref_slice %arg10[%dma_wait3A_899, %dma_wait3A_900] : memref<520x128xf32, #tpu.memory_space<vmem_shared>> -> memref<520x128xf32, #tpu.memory_space<vmem_shared>>
    tpu.wait_indirect_dma semaphore(%arg15 : memref<!tpu.dma_semaphore, #tpu.memory_space<semaphore_mem>>) src(%arg6 : memref<128x128xf32, #tpu.memory_space<vmem>>) dst(%dma_wait3A_901 : memref<520x128xf32, #tpu.memory_space<vmem_shared>>)
    %add3A_902 = arith.constant 512 : i32
    %add3A_903 = arith.addi %add3A_902, %add3A : i32
    %min3A_904 = arith.constant 780 : i32
    %min3A_905 = arith.minsi %add3A_903, %min3A_904 : i32
    %mul3A_906 = arith.constant 128 : i32
    %mul3A_907 = arith.muli %min3A_905, %mul3A_906 : i32
    %multiple_of3A_908 = tpu.assume_multiple %mul3A_907, 128 : i32
    %dma_start3A_909 = arith.constant 0 : i32
    %dma_start3A_910 = tpu.memref_slice %arg2[%multiple_of3A_908, %dma_start3A_909] : memref<100000x128xf32, #tpu.memory_space<hbm>> -> memref<128x128xf32, #tpu.memory_space<hbm>>
    %dma_start3A_911 = arith.constant 0 : i32
    %dma_start3A_912 = tpu.memref_slice %arg2[%multiple_of3A_908, %dma_start3A_911] : memref<100000x128xf32, #tpu.memory_space<hbm>> -> memref<128x128xf32, #tpu.memory_space<hbm>>
    tpu.enqueue_dma source(%dma_start3A_912 : memref<128x128xf32, #tpu.memory_space<hbm>>) target(%arg6 : memref<128x128xf32, #tpu.memory_space<vmem>>) target_semaphore(%arg12 : memref<!tpu.dma_semaphore, #tpu.memory_space<semaphore_mem>>)
    %dma_start3A_913 = arith.constant 1 : i32
    %dma_start3A_914 = arith.constant 0 : i32
    %dma_start3A_915 = tpu.memref_slice %arg8[%dma_start3A_913, %dma_start3A_914] : memref<3x128xi32, #tpu.memory_space<vmem>> -> memref<1x128xi32, #tpu.memory_space<vmem>>
    %dma_start3A_916 = tpu.memref_squeeze %dma_start3A_915 : memref<1x128xi32, #tpu.memory_space<vmem>> -> memref<128xi32, #tpu.memory_space<vmem>>
    %dma_start3A_917 = tpu.memref_slice %arg3[%multiple_of3A_908] : memref<100000xi32, #tpu.memory_space<hbm>> -> memref<128xi32, #tpu.memory_space<hbm>>
    %dma_start3A_918 = arith.constant 0 : i32
    %dma_start3A_919 = tpu.memref_slice %arg8[%dma_start3A_913, %dma_start3A_918] : memref<3x128xi32, #tpu.memory_space<vmem>> -> memref<1x128xi32, #tpu.memory_space<vmem>>
    %dma_start3A_920 = tpu.memref_squeeze %dma_start3A_919 : memref<1x128xi32, #tpu.memory_space<vmem>> -> memref<128xi32, #tpu.memory_space<vmem>>
    %dma_start3A_921 = tpu.memref_slice %arg3[%multiple_of3A_908] : memref<100000xi32, #tpu.memory_space<hbm>> -> memref<128xi32, #tpu.memory_space<hbm>>
    tpu.enqueue_dma source(%dma_start3A_921 : memref<128xi32, #tpu.memory_space<hbm>>) target(%dma_start3A_920 : memref<128xi32, #tpu.memory_space<vmem>>) target_semaphore(%arg12 : memref<!tpu.dma_semaphore, #tpu.memory_space<semaphore_mem>>)
    %dma_wait3A_922 = arith.constant 0 : i32
    %dma_wait3A_923 = tpu.memref_slice %arg2[%multiple_of3A_849, %dma_wait3A_922] : memref<100000x128xf32, #tpu.memory_space<hbm>> -> memref<128x128xf32, #tpu.memory_space<hbm>>
    %dma_wait3A_924 = arith.constant 0 : i32
    %dma_wait3A_925 = tpu.memref_slice %arg2[%multiple_of3A_849, %dma_wait3A_924] : memref<100000x128xf32, #tpu.memory_space<hbm>> -> memref<128x128xf32, #tpu.memory_space<hbm>>
    tpu.wait_dma2 semaphore(%arg11 : memref<!tpu.dma_semaphore, #tpu.memory_space<semaphore_mem>>) src(%dma_wait3A_925 : memref<128x128xf32, #tpu.memory_space<hbm>>) dst(%arg5 : memref<128x128xf32, #tpu.memory_space<vmem>>)
    %dma_wait3A_926 = arith.constant 0 : i32
    %dma_wait3A_927 = arith.constant 0 : i32
    %dma_wait3A_928 = tpu.memref_slice %arg8[%dma_wait3A_926, %dma_wait3A_927] : memref<3x128xi32, #tpu.memory_space<vmem>> -> memref<1x128xi32, #tpu.memory_space<vmem>>
    %dma_wait3A_929 = tpu.memref_squeeze %dma_wait3A_928 : memref<1x128xi32, #tpu.memory_space<vmem>> -> memref<128xi32, #tpu.memory_space<vmem>>
    %dma_wait3A_930 = tpu.memref_slice %arg3[%multiple_of3A_849] : memref<100000xi32, #tpu.memory_space<hbm>> -> memref<128xi32, #tpu.memory_space<hbm>>
    %dma_wait3A_931 = arith.constant 0 : i32
    %dma_wait3A_932 = tpu.memref_slice %arg8[%dma_wait3A_926, %dma_wait3A_931] : memref<3x128xi32, #tpu.memory_space<vmem>> -> memref<1x128xi32, #tpu.memory_space<vmem>>
    %dma_wait3A_933 = tpu.memref_squeeze %dma_wait3A_932 : memref<1x128xi32, #tpu.memory_space<vmem>> -> memref<128xi32, #tpu.memory_space<vmem>>
    %dma_wait3A_934 = tpu.memref_slice %arg3[%multiple_of3A_849] : memref<100000xi32, #tpu.memory_space<hbm>> -> memref<128xi32, #tpu.memory_space<hbm>>
    tpu.wait_dma2 semaphore(%arg11 : memref<!tpu.dma_semaphore, #tpu.memory_space<semaphore_mem>>) src(%dma_wait3A_934 : memref<128xi32, #tpu.memory_space<hbm>>) dst(%dma_wait3A_933 : memref<128xi32, #tpu.memory_space<vmem>>)
    %add3A_935 = arith.constant 480 : i32
    %add3A_936 = arith.addi %add3A_935, %add3A : i32
    %min3A_937 = arith.constant 780 : i32
    %min3A_938 = arith.minsi %add3A_936, %min3A_937 : i32
    %mul3A_939 = arith.constant 128 : i32
    %mul3A_940 = arith.muli %min3A_938, %mul3A_939 : i32
    %multiple_of3A_941 = tpu.assume_multiple %mul3A_940, 128 : i32
    %ge3A_942 = arith.constant 781 : i32
    %ge3A_943 = arith.cmpi sge, %add3A_936, %ge3A_942 : i32
    %convert_element_type3A_944 = arith.extui %ge3A_943 : i1 to i32
    %cond3A_945 = arith.constant 0 : i32
    %cond3A_946 = arith.cmpi ne, %convert_element_type3A_944, %cond3A_945 : i32
    scf.if %cond3A_946 {
      %swap3A = arith.constant 0 : i32
      %swap3A_1489 = arith.constant 0 : i32
      %swap3A_1490 = tpu.memref_slice %arg8[%swap3A, %swap3A_1489] : memref<3x128xi32, #tpu.memory_space<vmem>> -> memref<1x128xi32, #tpu.memory_space<vmem>>
      %swap3A_1491 = tpu.memref_squeeze %swap3A_1490 : memref<1x128xi32, #tpu.memory_space<vmem>> -> memref<128xi32, #tpu.memory_space<vmem>>
      %swap3A_1492 = arith.constant 0 : index
      %swap3A_1493 = tpu.vector_load %swap3A_1491[%swap3A_1492] {strides = array<i32>} : memref<128xi32, #tpu.memory_space<vmem>>, vector<16xi32>,
      %swap3A_1494 = vector.shape_cast %swap3A_1493 : vector<16xi32> to vector<16xi32>
      %swap3A_1495 = vector.shape_cast %broadcast_in_dim3A_3 : vector<16xi32> to vector<16xi32>
      tpu.vector_store %swap3A_1491[%swap3A_1492], %swap3A_1495 {strides = array<i32>} : memref<128xi32, #tpu.memory_space<vmem>>, vector<16xi32>,
      %swap3A_1496 = arith.constant 0 : i32
      %swap3A_1497 = arith.constant 0 : i32
      %swap3A_1498 = tpu.memref_slice %arg8[%swap3A_1496, %swap3A_1497] : memref<3x128xi32, #tpu.memory_space<vmem>> -> memref<1x128xi32, #tpu.memory_space<vmem>>
      %swap3A_1499 = tpu.memref_squeeze %swap3A_1498 : memref<1x128xi32, #tpu.memory_space<vmem>> -> memref<128xi32, #tpu.memory_space<vmem>>
      %swap3A_1500 = arith.constant 16 : index
      %swap3A_1501 = tpu.vector_load %swap3A_1499[%swap3A_1500] {strides = array<i32>} : memref<128xi32, #tpu.memory_space<vmem>>, vector<16xi32>,
      %swap3A_1502 = vector.shape_cast %swap3A_1501 : vector<16xi32> to vector<16xi32>
      %swap3A_1503 = vector.shape_cast %broadcast_in_dim3A_3 : vector<16xi32> to vector<16xi32>
      tpu.vector_store %swap3A_1499[%swap3A_1500], %swap3A_1503 {strides = array<i32>} : memref<128xi32, #tpu.memory_space<vmem>>, vector<16xi32>,
      %swap3A_1504 = arith.constant 0 : i32
      %swap3A_1505 = arith.constant 0 : i32
      %swap3A_1506 = tpu.memref_slice %arg8[%swap3A_1504, %swap3A_1505] : memref<3x128xi32, #tpu.memory_space<vmem>> -> memref<1x128xi32, #tpu.memory_space<vmem>>
      %swap3A_1507 = tpu.memref_squeeze %swap3A_1506 : memref<1x128xi32, #tpu.memory_space<vmem>> -> memref<128xi32, #tpu.memory_space<vmem>>
      %swap3A_1508 = arith.constant 32 : index
      %swap3A_1509 = tpu.vector_load %swap3A_1507[%swap3A_1508] {strides = array<i32>} : memref<128xi32, #tpu.memory_space<vmem>>, vector<16xi32>,
      %swap3A_1510 = vector.shape_cast %swap3A_1509 : vector<16xi32> to vector<16xi32>
      %swap3A_1511 = vector.shape_cast %broadcast_in_dim3A_3 : vector<16xi32> to vector<16xi32>
      tpu.vector_store %swap3A_1507[%swap3A_1508], %swap3A_1511 {strides = array<i32>} : memref<128xi32, #tpu.memory_space<vmem>>, vector<16xi32>,
      %swap3A_1512 = arith.constant 0 : i32
      %swap3A_1513 = arith.constant 0 : i32
      %swap3A_1514 = tpu.memref_slice %arg8[%swap3A_1512, %swap3A_1513] : memref<3x128xi32, #tpu.memory_space<vmem>> -> memref<1x128xi32, #tpu.memory_space<vmem>>
      %swap3A_1515 = tpu.memref_squeeze %swap3A_1514 : memref<1x128xi32, #tpu.memory_space<vmem>> -> memref<128xi32, #tpu.memory_space<vmem>>
      %swap3A_1516 = arith.constant 48 : index
      %swap3A_1517 = tpu.vector_load %swap3A_1515[%swap3A_1516] {strides = array<i32>} : memref<128xi32, #tpu.memory_space<vmem>>, vector<16xi32>,
      %swap3A_1518 = vector.shape_cast %swap3A_1517 : vector<16xi32> to vector<16xi32>
      %swap3A_1519 = vector.shape_cast %broadcast_in_dim3A_3 : vector<16xi32> to vector<16xi32>
      tpu.vector_store %swap3A_1515[%swap3A_1516], %swap3A_1519 {strides = array<i32>} : memref<128xi32, #tpu.memory_space<vmem>>, vector<16xi32>,
      %swap3A_1520 = arith.constant 0 : i32
      %swap3A_1521 = arith.constant 0 : i32
      %swap3A_1522 = tpu.memref_slice %arg8[%swap3A_1520, %swap3A_1521] : memref<3x128xi32, #tpu.memory_space<vmem>> -> memref<1x128xi32, #tpu.memory_space<vmem>>
      %swap3A_1523 = tpu.memref_squeeze %swap3A_1522 : memref<1x128xi32, #tpu.memory_space<vmem>> -> memref<128xi32, #tpu.memory_space<vmem>>
      %swap3A_1524 = arith.constant 64 : index
      %swap3A_1525 = tpu.vector_load %swap3A_1523[%swap3A_1524] {strides = array<i32>} : memref<128xi32, #tpu.memory_space<vmem>>, vector<16xi32>,
      %swap3A_1526 = vector.shape_cast %swap3A_1525 : vector<16xi32> to vector<16xi32>
      %swap3A_1527 = vector.shape_cast %broadcast_in_dim3A_3 : vector<16xi32> to vector<16xi32>
      tpu.vector_store %swap3A_1523[%swap3A_1524], %swap3A_1527 {strides = array<i32>} : memref<128xi32, #tpu.memory_space<vmem>>, vector<16xi32>,
      %swap3A_1528 = arith.constant 0 : i32
      %swap3A_1529 = arith.constant 0 : i32
      %swap3A_1530 = tpu.memref_slice %arg8[%swap3A_1528, %swap3A_1529] : memref<3x128xi32, #tpu.memory_space<vmem>> -> memref<1x128xi32, #tpu.memory_space<vmem>>
      %swap3A_1531 = tpu.memref_squeeze %swap3A_1530 : memref<1x128xi32, #tpu.memory_space<vmem>> -> memref<128xi32, #tpu.memory_space<vmem>>
      %swap3A_1532 = arith.constant 80 : index
      %swap3A_1533 = tpu.vector_load %swap3A_1531[%swap3A_1532] {strides = array<i32>} : memref<128xi32, #tpu.memory_space<vmem>>, vector<16xi32>,
      %swap3A_1534 = vector.shape_cast %swap3A_1533 : vector<16xi32> to vector<16xi32>
      %swap3A_1535 = vector.shape_cast %broadcast_in_dim3A_3 : vector<16xi32> to vector<16xi32>
      tpu.vector_store %swap3A_1531[%swap3A_1532], %swap3A_1535 {strides = array<i32>} : memref<128xi32, #tpu.memory_space<vmem>>, vector<16xi32>,
      %swap3A_1536 = arith.constant 0 : i32
      %swap3A_1537 = arith.constant 0 : i32
      %swap3A_1538 = tpu.memref_slice %arg8[%swap3A_1536, %swap3A_1537] : memref<3x128xi32, #tpu.memory_space<vmem>> -> memref<1x128xi32, #tpu.memory_space<vmem>>
      %swap3A_1539 = tpu.memref_squeeze %swap3A_1538 : memref<1x128xi32, #tpu.memory_space<vmem>> -> memref<128xi32, #tpu.memory_space<vmem>>
      %swap3A_1540 = arith.constant 96 : index
      %swap3A_1541 = tpu.vector_load %swap3A_1539[%swap3A_1540] {strides = array<i32>} : memref<128xi32, #tpu.memory_space<vmem>>, vector<16xi32>,
      %swap3A_1542 = vector.shape_cast %swap3A_1541 : vector<16xi32> to vector<16xi32>
      %swap3A_1543 = vector.shape_cast %broadcast_in_dim3A_3 : vector<16xi32> to vector<16xi32>
      tpu.vector_store %swap3A_1539[%swap3A_1540], %swap3A_1543 {strides = array<i32>} : memref<128xi32, #tpu.memory_space<vmem>>, vector<16xi32>,
      %swap3A_1544 = arith.constant 0 : i32
      %swap3A_1545 = arith.constant 0 : i32
      %swap3A_1546 = tpu.memref_slice %arg8[%swap3A_1544, %swap3A_1545] : memref<3x128xi32, #tpu.memory_space<vmem>> -> memref<1x128xi32, #tpu.memory_space<vmem>>
      %swap3A_1547 = tpu.memref_squeeze %swap3A_1546 : memref<1x128xi32, #tpu.memory_space<vmem>> -> memref<128xi32, #tpu.memory_space<vmem>>
      %swap3A_1548 = arith.constant 112 : index
      %swap3A_1549 = tpu.vector_load %swap3A_1547[%swap3A_1548] {strides = array<i32>} : memref<128xi32, #tpu.memory_space<vmem>>, vector<16xi32>,
      %swap3A_1550 = vector.shape_cast %swap3A_1549 : vector<16xi32> to vector<16xi32>
      %swap3A_1551 = vector.shape_cast %broadcast_in_dim3A_3 : vector<16xi32> to vector<16xi32>
      tpu.vector_store %swap3A_1547[%swap3A_1548], %swap3A_1551 {strides = array<i32>} : memref<128xi32, #tpu.memory_space<vmem>>, vector<16xi32>,
    } else {
    }
    %dma_start3A_947 = arith.constant 0 : i32
    %dma_start3A_948 = arith.constant 0 : i32
    %dma_start3A_949 = tpu.memref_slice %arg8[%dma_start3A_947, %dma_start3A_948] : memref<3x128xi32, #tpu.memory_space<vmem>> -> memref<1x128xi32, #tpu.memory_space<vmem>>
    %dma_start3A_950 = tpu.memref_squeeze %dma_start3A_949 : memref<1x128xi32, #tpu.memory_space<vmem>> -> memref<128xi32, #tpu.memory_space<vmem>>
    %dma_start3A_951 = arith.constant 0 : i32
    %dma_start3A_952 = arith.constant 0 : i32
    %dma_start3A_953 = tpu.memref_slice %arg10[%dma_start3A_951, %dma_start3A_952] : memref<520x128xf32, #tpu.memory_space<vmem_shared>> -> memref<520x128xf32, #tpu.memory_space<vmem_shared>>
    tpu.enqueue_indirect_dma source(%arg5 : memref<128x128xf32, #tpu.memory_space<vmem>>) target(%dma_start3A_953 : memref<520x128xf32, #tpu.memory_space<vmem_shared>>) offsets(%dma_start3A_950 : memref<128xi32, #tpu.memory_space<vmem>>) semaphore(%arg14 : memref<!tpu.dma_semaphore, #tpu.memory_space<semaphore_mem>>) {add = true}
    %dma_wait3A_954 = arith.constant 2 : i32
    %dma_wait3A_955 = arith.constant 0 : i32
    %dma_wait3A_956 = tpu.memref_slice %arg8[%dma_wait3A_954, %dma_wait3A_955] : memref<3x128xi32, #tpu.memory_space<vmem>> -> memref<1x128xi32, #tpu.memory_space<vmem>>
    %dma_wait3A_957 = tpu.memref_squeeze %dma_wait3A_956 : memref<1x128xi32, #tpu.memory_space<vmem>> -> memref<128xi32, #tpu.memory_space<vmem>>
    %dma_wait3A_958 = arith.constant 0 : i32
    %dma_wait3A_959 = arith.constant 0 : i32
    %dma_wait3A_960 = tpu.memref_slice %arg10[%dma_wait3A_958, %dma_wait3A_959] : memref<520x128xf32, #tpu.memory_space<vmem_shared>> -> memref<520x128xf32, #tpu.memory_space<vmem_shared>>
    tpu.wait_indirect_dma semaphore(%arg16 : memref<!tpu.dma_semaphore, #tpu.memory_space<semaphore_mem>>) src(%arg7 : memref<128x128xf32, #tpu.memory_space<vmem>>) dst(%dma_wait3A_960 : memref<520x128xf32, #tpu.memory_space<vmem_shared>>)
    %add3A_961 = arith.constant 544 : i32
    %add3A_962 = arith.addi %add3A_961, %add3A : i32
    %min3A_963 = arith.constant 780 : i32
    %min3A_964 = arith.minsi %add3A_962, %min3A_963 : i32
    %mul3A_965 = arith.constant 128 : i32
    %mul3A_966 = arith.muli %min3A_964, %mul3A_965 : i32
    %multiple_of3A_967 = tpu.assume_multiple %mul3A_966, 128 : i32
    %dma_start3A_968 = arith.constant 0 : i32
    %dma_start3A_969 = tpu.memref_slice %arg2[%multiple_of3A_967, %dma_start3A_968] : memref<100000x128xf32, #tpu.memory_space<hbm>> -> memref<128x128xf32, #tpu.memory_space<hbm>>
    %dma_start3A_970 = arith.constant 0 : i32
    %dma_start3A_971 = tpu.memref_slice %arg2[%multiple_of3A_967, %dma_start3A_970] : memref<100000x128xf32, #tpu.memory_space<hbm>> -> memref<128x128xf32, #tpu.memory_space<hbm>>
    tpu.enqueue_dma source(%dma_start3A_971 : memref<128x128xf32, #tpu.memory_space<hbm>>) target(%arg7 : memref<128x128xf32, #tpu.memory_space<vmem>>) target_semaphore(%arg13 : memref<!tpu.dma_semaphore, #tpu.memory_space<semaphore_mem>>)
    %dma_start3A_972 = arith.constant 2 : i32
    %dma_start3A_973 = arith.constant 0 : i32
    %dma_start3A_974 = tpu.memref_slice %arg8[%dma_start3A_972, %dma_start3A_973] : memref<3x128xi32, #tpu.memory_space<vmem>> -> memref<1x128xi32, #tpu.memory_space<vmem>>
    %dma_start3A_975 = tpu.memref_squeeze %dma_start3A_974 : memref<1x128xi32, #tpu.memory_space<vmem>> -> memref<128xi32, #tpu.memory_space<vmem>>
    %dma_start3A_976 = tpu.memref_slice %arg3[%multiple_of3A_967] : memref<100000xi32, #tpu.memory_space<hbm>> -> memref<128xi32, #tpu.memory_space<hbm>>
    %dma_start3A_977 = arith.constant 0 : i32
    %dma_start3A_978 = tpu.memref_slice %arg8[%dma_start3A_972, %dma_start3A_977] : memref<3x128xi32, #tpu.memory_space<vmem>> -> memref<1x128xi32, #tpu.memory_space<vmem>>
    %dma_start3A_979 = tpu.memref_squeeze %dma_start3A_978 : memref<1x128xi32, #tpu.memory_space<vmem>> -> memref<128xi32, #tpu.memory_space<vmem>>
    %dma_start3A_980 = tpu.memref_slice %arg3[%multiple_of3A_967] : memref<100000xi32, #tpu.memory_space<hbm>> -> memref<128xi32, #tpu.memory_space<hbm>>
    tpu.enqueue_dma source(%dma_start3A_980 : memref<128xi32, #tpu.memory_space<hbm>>) target(%dma_start3A_979 : memref<128xi32, #tpu.memory_space<vmem>>) target_semaphore(%arg13 : memref<!tpu.dma_semaphore, #tpu.memory_space<semaphore_mem>>)
    %dma_wait3A_981 = arith.constant 0 : i32
    %dma_wait3A_982 = tpu.memref_slice %arg2[%multiple_of3A_908, %dma_wait3A_981] : memref<100000x128xf32, #tpu.memory_space<hbm>> -> memref<128x128xf32, #tpu.memory_space<hbm>>
    %dma_wait3A_983 = arith.constant 0 : i32
    %dma_wait3A_984 = tpu.memref_slice %arg2[%multiple_of3A_908, %dma_wait3A_983] : memref<100000x128xf32, #tpu.memory_space<hbm>> -> memref<128x128xf32, #tpu.memory_space<hbm>>
    tpu.wait_dma2 semaphore(%arg12 : memref<!tpu.dma_semaphore, #tpu.memory_space<semaphore_mem>>) src(%dma_wait3A_984 : memref<128x128xf32, #tpu.memory_space<hbm>>) dst(%arg6 : memref<128x128xf32, #tpu.memory_space<vmem>>)
    %dma_wait3A_985 = arith.constant 1 : i32
    %dma_wait3A_986 = arith.constant 0 : i32
    %dma_wait3A_987 = tpu.memref_slice %arg8[%dma_wait3A_985, %dma_wait3A_986] : memref<3x128xi32, #tpu.memory_space<vmem>> -> memref<1x128xi32, #tpu.memory_space<vmem>>
    %dma_wait3A_988 = tpu.memref_squeeze %dma_wait3A_987 : memref<1x128xi32, #tpu.memory_space<vmem>> -> memref<128xi32, #tpu.memory_space<vmem>>
    %dma_wait3A_989 = tpu.memref_slice %arg3[%multiple_of3A_908] : memref<100000xi32, #tpu.memory_space<hbm>> -> memref<128xi32, #tpu.memory_space<hbm>>
    %dma_wait3A_990 = arith.constant 0 : i32
    %dma_wait3A_991 = tpu.memref_slice %arg8[%dma_wait3A_985, %dma_wait3A_990] : memref<3x128xi32, #tpu.memory_space<vmem>> -> memref<1x128xi32, #tpu.memory_space<vmem>>
    %dma_wait3A_992 = tpu.memref_squeeze %dma_wait3A_991 : memref<1x128xi32, #tpu.memory_space<vmem>> -> memref<128xi32, #tpu.memory_space<vmem>>
    %dma_wait3A_993 = tpu.memref_slice %arg3[%multiple_of3A_908] : memref<100000xi32, #tpu.memory_space<hbm>> -> memref<128xi32, #tpu.memory_space<hbm>>
    tpu.wait_dma2 semaphore(%arg12 : memref<!tpu.dma_semaphore, #tpu.memory_space<semaphore_mem>>) src(%dma_wait3A_993 : memref<128xi32, #tpu.memory_space<hbm>>) dst(%dma_wait3A_992 : memref<128xi32, #tpu.memory_space<vmem>>)
    %add3A_994 = arith.constant 512 : i32
    %add3A_995 = arith.addi %add3A_994, %add3A : i32
    %min3A_996 = arith.constant 780 : i32
    %min3A_997 = arith.minsi %add3A_995, %min3A_996 : i32
    %mul3A_998 = arith.constant 128 : i32
    %mul3A_999 = arith.muli %min3A_997, %mul3A_998 : i32
    %multiple_of3A_1000 = tpu.assume_multiple %mul3A_999, 128 : i32
    %ge3A_1001 = arith.constant 781 : i32
    %ge3A_1002 = arith.cmpi sge, %add3A_995, %ge3A_1001 : i32
    %convert_element_type3A_1003 = arith.extui %ge3A_1002 : i1 to i32
    %cond3A_1004 = arith.constant 0 : i32
    %cond3A_1005 = arith.cmpi ne, %convert_element_type3A_1003, %cond3A_1004 : i32
    scf.if %cond3A_1005 {
      %swap3A = arith.constant 1 : i32
      %swap3A_1489 = arith.constant 0 : i32
      %swap3A_1490 = tpu.memref_slice %arg8[%swap3A, %swap3A_1489] : memref<3x128xi32, #tpu.memory_space<vmem>> -> memref<1x128xi32, #tpu.memory_space<vmem>>
      %swap3A_1491 = tpu.memref_squeeze %swap3A_1490 : memref<1x128xi32, #tpu.memory_space<vmem>> -> memref<128xi32, #tpu.memory_space<vmem>>
      %swap3A_1492 = arith.constant 0 : index
      %swap3A_1493 = tpu.vector_load %swap3A_1491[%swap3A_1492] {strides = array<i32>} : memref<128xi32, #tpu.memory_space<vmem>>, vector<16xi32>,
      %swap3A_1494 = vector.shape_cast %swap3A_1493 : vector<16xi32> to vector<16xi32>
      %swap3A_1495 = vector.shape_cast %broadcast_in_dim3A_3 : vector<16xi32> to vector<16xi32>
      tpu.vector_store %swap3A_1491[%swap3A_1492], %swap3A_1495 {strides = array<i32>} : memref<128xi32, #tpu.memory_space<vmem>>, vector<16xi32>,
      %swap3A_1496 = arith.constant 1 : i32
      %swap3A_1497 = arith.constant 0 : i32
      %swap3A_1498 = tpu.memref_slice %arg8[%swap3A_1496, %swap3A_1497] : memref<3x128xi32, #tpu.memory_space<vmem>> -> memref<1x128xi32, #tpu.memory_space<vmem>>
      %swap3A_1499 = tpu.memref_squeeze %swap3A_1498 : memref<1x128xi32, #tpu.memory_space<vmem>> -> memref<128xi32, #tpu.memory_space<vmem>>
      %swap3A_1500 = arith.constant 16 : index
      %swap3A_1501 = tpu.vector_load %swap3A_1499[%swap3A_1500] {strides = array<i32>} : memref<128xi32, #tpu.memory_space<vmem>>, vector<16xi32>,
      %swap3A_1502 = vector.shape_cast %swap3A_1501 : vector<16xi32> to vector<16xi32>
      %swap3A_1503 = vector.shape_cast %broadcast_in_dim3A_3 : vector<16xi32> to vector<16xi32>
      tpu.vector_store %swap3A_1499[%swap3A_1500], %swap3A_1503 {strides = array<i32>} : memref<128xi32, #tpu.memory_space<vmem>>, vector<16xi32>,
      %swap3A_1504 = arith.constant 1 : i32
      %swap3A_1505 = arith.constant 0 : i32
      %swap3A_1506 = tpu.memref_slice %arg8[%swap3A_1504, %swap3A_1505] : memref<3x128xi32, #tpu.memory_space<vmem>> -> memref<1x128xi32, #tpu.memory_space<vmem>>
      %swap3A_1507 = tpu.memref_squeeze %swap3A_1506 : memref<1x128xi32, #tpu.memory_space<vmem>> -> memref<128xi32, #tpu.memory_space<vmem>>
      %swap3A_1508 = arith.constant 32 : index
      %swap3A_1509 = tpu.vector_load %swap3A_1507[%swap3A_1508] {strides = array<i32>} : memref<128xi32, #tpu.memory_space<vmem>>, vector<16xi32>,
      %swap3A_1510 = vector.shape_cast %swap3A_1509 : vector<16xi32> to vector<16xi32>
      %swap3A_1511 = vector.shape_cast %broadcast_in_dim3A_3 : vector<16xi32> to vector<16xi32>
      tpu.vector_store %swap3A_1507[%swap3A_1508], %swap3A_1511 {strides = array<i32>} : memref<128xi32, #tpu.memory_space<vmem>>, vector<16xi32>,
      %swap3A_1512 = arith.constant 1 : i32
      %swap3A_1513 = arith.constant 0 : i32
      %swap3A_1514 = tpu.memref_slice %arg8[%swap3A_1512, %swap3A_1513] : memref<3x128xi32, #tpu.memory_space<vmem>> -> memref<1x128xi32, #tpu.memory_space<vmem>>
      %swap3A_1515 = tpu.memref_squeeze %swap3A_1514 : memref<1x128xi32, #tpu.memory_space<vmem>> -> memref<128xi32, #tpu.memory_space<vmem>>
      %swap3A_1516 = arith.constant 48 : index
      %swap3A_1517 = tpu.vector_load %swap3A_1515[%swap3A_1516] {strides = array<i32>} : memref<128xi32, #tpu.memory_space<vmem>>, vector<16xi32>,
      %swap3A_1518 = vector.shape_cast %swap3A_1517 : vector<16xi32> to vector<16xi32>
      %swap3A_1519 = vector.shape_cast %broadcast_in_dim3A_3 : vector<16xi32> to vector<16xi32>
      tpu.vector_store %swap3A_1515[%swap3A_1516], %swap3A_1519 {strides = array<i32>} : memref<128xi32, #tpu.memory_space<vmem>>, vector<16xi32>,
      %swap3A_1520 = arith.constant 1 : i32
      %swap3A_1521 = arith.constant 0 : i32
      %swap3A_1522 = tpu.memref_slice %arg8[%swap3A_1520, %swap3A_1521] : memref<3x128xi32, #tpu.memory_space<vmem>> -> memref<1x128xi32, #tpu.memory_space<vmem>>
      %swap3A_1523 = tpu.memref_squeeze %swap3A_1522 : memref<1x128xi32, #tpu.memory_space<vmem>> -> memref<128xi32, #tpu.memory_space<vmem>>
      %swap3A_1524 = arith.constant 64 : index
      %swap3A_1525 = tpu.vector_load %swap3A_1523[%swap3A_1524] {strides = array<i32>} : memref<128xi32, #tpu.memory_space<vmem>>, vector<16xi32>,
      %swap3A_1526 = vector.shape_cast %swap3A_1525 : vector<16xi32> to vector<16xi32>
      %swap3A_1527 = vector.shape_cast %broadcast_in_dim3A_3 : vector<16xi32> to vector<16xi32>
      tpu.vector_store %swap3A_1523[%swap3A_1524], %swap3A_1527 {strides = array<i32>} : memref<128xi32, #tpu.memory_space<vmem>>, vector<16xi32>,
      %swap3A_1528 = arith.constant 1 : i32
      %swap3A_1529 = arith.constant 0 : i32
      %swap3A_1530 = tpu.memref_slice %arg8[%swap3A_1528, %swap3A_1529] : memref<3x128xi32, #tpu.memory_space<vmem>> -> memref<1x128xi32, #tpu.memory_space<vmem>>
      %swap3A_1531 = tpu.memref_squeeze %swap3A_1530 : memref<1x128xi32, #tpu.memory_space<vmem>> -> memref<128xi32, #tpu.memory_space<vmem>>
      %swap3A_1532 = arith.constant 80 : index
      %swap3A_1533 = tpu.vector_load %swap3A_1531[%swap3A_1532] {strides = array<i32>} : memref<128xi32, #tpu.memory_space<vmem>>, vector<16xi32>,
      %swap3A_1534 = vector.shape_cast %swap3A_1533 : vector<16xi32> to vector<16xi32>
      %swap3A_1535 = vector.shape_cast %broadcast_in_dim3A_3 : vector<16xi32> to vector<16xi32>
      tpu.vector_store %swap3A_1531[%swap3A_1532], %swap3A_1535 {strides = array<i32>} : memref<128xi32, #tpu.memory_space<vmem>>, vector<16xi32>,
      %swap3A_1536 = arith.constant 1 : i32
      %swap3A_1537 = arith.constant 0 : i32
      %swap3A_1538 = tpu.memref_slice %arg8[%swap3A_1536, %swap3A_1537] : memref<3x128xi32, #tpu.memory_space<vmem>> -> memref<1x128xi32, #tpu.memory_space<vmem>>
      %swap3A_1539 = tpu.memref_squeeze %swap3A_1538 : memref<1x128xi32, #tpu.memory_space<vmem>> -> memref<128xi32, #tpu.memory_space<vmem>>
      %swap3A_1540 = arith.constant 96 : index
      %swap3A_1541 = tpu.vector_load %swap3A_1539[%swap3A_1540] {strides = array<i32>} : memref<128xi32, #tpu.memory_space<vmem>>, vector<16xi32>,
      %swap3A_1542 = vector.shape_cast %swap3A_1541 : vector<16xi32> to vector<16xi32>
      %swap3A_1543 = vector.shape_cast %broadcast_in_dim3A_3 : vector<16xi32> to vector<16xi32>
      tpu.vector_store %swap3A_1539[%swap3A_1540], %swap3A_1543 {strides = array<i32>} : memref<128xi32, #tpu.memory_space<vmem>>, vector<16xi32>,
      %swap3A_1544 = arith.constant 1 : i32
      %swap3A_1545 = arith.constant 0 : i32
      %swap3A_1546 = tpu.memref_slice %arg8[%swap3A_1544, %swap3A_1545] : memref<3x128xi32, #tpu.memory_space<vmem>> -> memref<1x128xi32, #tpu.memory_space<vmem>>
      %swap3A_1547 = tpu.memref_squeeze %swap3A_1546 : memref<1x128xi32, #tpu.memory_space<vmem>> -> memref<128xi32, #tpu.memory_space<vmem>>
      %swap3A_1548 = arith.constant 112 : index
      %swap3A_1549 = tpu.vector_load %swap3A_1547[%swap3A_1548] {strides = array<i32>} : memref<128xi32, #tpu.memory_space<vmem>>, vector<16xi32>,
      %swap3A_1550 = vector.shape_cast %swap3A_1549 : vector<16xi32> to vector<16xi32>
      %swap3A_1551 = vector.shape_cast %broadcast_in_dim3A_3 : vector<16xi32> to vector<16xi32>
      tpu.vector_store %swap3A_1547[%swap3A_1548], %swap3A_1551 {strides = array<i32>} : memref<128xi32, #tpu.memory_space<vmem>>, vector<16xi32>,
    } else {
    }
    %dma_start3A_1006 = arith.constant 1 : i32
    %dma_start3A_1007 = arith.constant 0 : i32
    %dma_start3A_1008 = tpu.memref_slice %arg8[%dma_start3A_1006, %dma_start3A_1007] : memref<3x128xi32, #tpu.memory_space<vmem>> -> memref<1x128xi32, #tpu.memory_space<vmem>>
    %dma_start3A_1009 = tpu.memref_squeeze %dma_start3A_1008 : memref<1x128xi32, #tpu.memory_space<vmem>> -> memref<128xi32, #tpu.memory_space<vmem>>
    %dma_start3A_1010 = arith.constant 0 : i32
    %dma_start3A_1011 = arith.constant 0 : i32
    %dma_start3A_1012 = tpu.memref_slice %arg10[%dma_start3A_1010, %dma_start3A_1011] : memref<520x128xf32, #tpu.memory_space<vmem_shared>> -> memref<520x128xf32, #tpu.memory_space<vmem_shared>>
    tpu.enqueue_indirect_dma source(%arg6 : memref<128x128xf32, #tpu.memory_space<vmem>>) target(%dma_start3A_1012 : memref<520x128xf32, #tpu.memory_space<vmem_shared>>) offsets(%dma_start3A_1009 : memref<128xi32, #tpu.memory_space<vmem>>) semaphore(%arg15 : memref<!tpu.dma_semaphore, #tpu.memory_space<semaphore_mem>>) {add = true}
    %dma_wait3A_1013 = arith.constant 0 : i32
    %dma_wait3A_1014 = arith.constant 0 : i32
    %dma_wait3A_1015 = tpu.memref_slice %arg8[%dma_wait3A_1013, %dma_wait3A_1014] : memref<3x128xi32, #tpu.memory_space<vmem>> -> memref<1x128xi32, #tpu.memory_space<vmem>>
    %dma_wait3A_1016 = tpu.memref_squeeze %dma_wait3A_1015 : memref<1x128xi32, #tpu.memory_space<vmem>> -> memref<128xi32, #tpu.memory_space<vmem>>
    %dma_wait3A_1017 = arith.constant 0 : i32
    %dma_wait3A_1018 = arith.constant 0 : i32
    %dma_wait3A_1019 = tpu.memref_slice %arg10[%dma_wait3A_1017, %dma_wait3A_1018] : memref<520x128xf32, #tpu.memory_space<vmem_shared>> -> memref<520x128xf32, #tpu.memory_space<vmem_shared>>
    tpu.wait_indirect_dma semaphore(%arg14 : memref<!tpu.dma_semaphore, #tpu.memory_space<semaphore_mem>>) src(%arg5 : memref<128x128xf32, #tpu.memory_space<vmem>>) dst(%dma_wait3A_1019 : memref<520x128xf32, #tpu.memory_space<vmem_shared>>)
    %add3A_1020 = arith.constant 576 : i32
    %add3A_1021 = arith.addi %add3A_1020, %add3A : i32
    %min3A_1022 = arith.constant 780 : i32
    %min3A_1023 = arith.minsi %add3A_1021, %min3A_1022 : i32
    %mul3A_1024 = arith.constant 128 : i32
    %mul3A_1025 = arith.muli %min3A_1023, %mul3A_1024 : i32
    %multiple_of3A_1026 = tpu.assume_multiple %mul3A_1025, 128 : i32
    %dma_start3A_1027 = arith.constant 0 : i32
    %dma_start3A_1028 = tpu.memref_slice %arg2[%multiple_of3A_1026, %dma_start3A_1027] : memref<100000x128xf32, #tpu.memory_space<hbm>> -> memref<128x128xf32, #tpu.memory_space<hbm>>
    %dma_start3A_1029 = arith.constant 0 : i32
    %dma_start3A_1030 = tpu.memref_slice %arg2[%multiple_of3A_1026, %dma_start3A_1029] : memref<100000x128xf32, #tpu.memory_space<hbm>> -> memref<128x128xf32, #tpu.memory_space<hbm>>
    tpu.enqueue_dma source(%dma_start3A_1030 : memref<128x128xf32, #tpu.memory_space<hbm>>) target(%arg5 : memref<128x128xf32, #tpu.memory_space<vmem>>) target_semaphore(%arg11 : memref<!tpu.dma_semaphore, #tpu.memory_space<semaphore_mem>>)
    %dma_start3A_1031 = arith.constant 0 : i32
    %dma_start3A_1032 = arith.constant 0 : i32
    %dma_start3A_1033 = tpu.memref_slice %arg8[%dma_start3A_1031, %dma_start3A_1032] : memref<3x128xi32, #tpu.memory_space<vmem>> -> memref<1x128xi32, #tpu.memory_space<vmem>>
    %dma_start3A_1034 = tpu.memref_squeeze %dma_start3A_1033 : memref<1x128xi32, #tpu.memory_space<vmem>> -> memref<128xi32, #tpu.memory_space<vmem>>
    %dma_start3A_1035 = tpu.memref_slice %arg3[%multiple_of3A_1026] : memref<100000xi32, #tpu.memory_space<hbm>> -> memref<128xi32, #tpu.memory_space<hbm>>
    %dma_start3A_1036 = arith.constant 0 : i32
    %dma_start3A_1037 = tpu.memref_slice %arg8[%dma_start3A_1031, %dma_start3A_1036] : memref<3x128xi32, #tpu.memory_space<vmem>> -> memref<1x128xi32, #tpu.memory_space<vmem>>
    %dma_start3A_1038 = tpu.memref_squeeze %dma_start3A_1037 : memref<1x128xi32, #tpu.memory_space<vmem>> -> memref<128xi32, #tpu.memory_space<vmem>>
    %dma_start3A_1039 = tpu.memref_slice %arg3[%multiple_of3A_1026] : memref<100000xi32, #tpu.memory_space<hbm>> -> memref<128xi32, #tpu.memory_space<hbm>>
    tpu.enqueue_dma source(%dma_start3A_1039 : memref<128xi32, #tpu.memory_space<hbm>>) target(%dma_start3A_1038 : memref<128xi32, #tpu.memory_space<vmem>>) target_semaphore(%arg11 : memref<!tpu.dma_semaphore, #tpu.memory_space<semaphore_mem>>)
    %dma_wait3A_1040 = arith.constant 0 : i32
    %dma_wait3A_1041 = tpu.memref_slice %arg2[%multiple_of3A_967, %dma_wait3A_1040] : memref<100000x128xf32, #tpu.memory_space<hbm>> -> memref<128x128xf32, #tpu.memory_space<hbm>>
    %dma_wait3A_1042 = arith.constant 0 : i32
    %dma_wait3A_1043 = tpu.memref_slice %arg2[%multiple_of3A_967, %dma_wait3A_1042] : memref<100000x128xf32, #tpu.memory_space<hbm>> -> memref<128x128xf32, #tpu.memory_space<hbm>>
    tpu.wait_dma2 semaphore(%arg13 : memref<!tpu.dma_semaphore, #tpu.memory_space<semaphore_mem>>) src(%dma_wait3A_1043 : memref<128x128xf32, #tpu.memory_space<hbm>>) dst(%arg7 : memref<128x128xf32, #tpu.memory_space<vmem>>)
    %dma_wait3A_1044 = arith.constant 2 : i32
    %dma_wait3A_1045 = arith.constant 0 : i32
    %dma_wait3A_1046 = tpu.memref_slice %arg8[%dma_wait3A_1044, %dma_wait3A_1045] : memref<3x128xi32, #tpu.memory_space<vmem>> -> memref<1x128xi32, #tpu.memory_space<vmem>>
    %dma_wait3A_1047 = tpu.memref_squeeze %dma_wait3A_1046 : memref<1x128xi32, #tpu.memory_space<vmem>> -> memref<128xi32, #tpu.memory_space<vmem>>
    %dma_wait3A_1048 = tpu.memref_slice %arg3[%multiple_of3A_967] : memref<100000xi32, #tpu.memory_space<hbm>> -> memref<128xi32, #tpu.memory_space<hbm>>
    %dma_wait3A_1049 = arith.constant 0 : i32
    %dma_wait3A_1050 = tpu.memref_slice %arg8[%dma_wait3A_1044, %dma_wait3A_1049] : memref<3x128xi32, #tpu.memory_space<vmem>> -> memref<1x128xi32, #tpu.memory_space<vmem>>
    %dma_wait3A_1051 = tpu.memref_squeeze %dma_wait3A_1050 : memref<1x128xi32, #tpu.memory_space<vmem>> -> memref<128xi32, #tpu.memory_space<vmem>>
    %dma_wait3A_1052 = tpu.memref_slice %arg3[%multiple_of3A_967] : memref<100000xi32, #tpu.memory_space<hbm>> -> memref<128xi32, #tpu.memory_space<hbm>>
    tpu.wait_dma2 semaphore(%arg13 : memref<!tpu.dma_semaphore, #tpu.memory_space<semaphore_mem>>) src(%dma_wait3A_1052 : memref<128xi32, #tpu.memory_space<hbm>>) dst(%dma_wait3A_1051 : memref<128xi32, #tpu.memory_space<vmem>>)
    %add3A_1053 = arith.constant 544 : i32
    %add3A_1054 = arith.addi %add3A_1053, %add3A : i32
    %min3A_1055 = arith.constant 780 : i32
    %min3A_1056 = arith.minsi %add3A_1054, %min3A_1055 : i32
    %mul3A_1057 = arith.constant 128 : i32
    %mul3A_1058 = arith.muli %min3A_1056, %mul3A_1057 : i32
    %multiple_of3A_1059 = tpu.assume_multiple %mul3A_1058, 128 : i32
    %ge3A_1060 = arith.constant 781 : i32
    %ge3A_1061 = arith.cmpi sge, %add3A_1054, %ge3A_1060 : i32
    %convert_element_type3A_1062 = arith.extui %ge3A_1061 : i1 to i32
    %cond3A_1063 = arith.constant 0 : i32
    %cond3A_1064 = arith.cmpi ne, %convert_element_type3A_1062, %cond3A_1063 : i32
    scf.if %cond3A_1064 {
      %swap3A = arith.constant 2 : i32
      %swap3A_1489 = arith.constant 0 : i32
      %swap3A_1490 = tpu.memref_slice %arg8[%swap3A, %swap3A_1489] : memref<3x128xi32, #tpu.memory_space<vmem>> -> memref<1x128xi32, #tpu.memory_space<vmem>>
      %swap3A_1491 = tpu.memref_squeeze %swap3A_1490 : memref<1x128xi32, #tpu.memory_space<vmem>> -> memref<128xi32, #tpu.memory_space<vmem>>
      %swap3A_1492 = arith.constant 0 : index
      %swap3A_1493 = tpu.vector_load %swap3A_1491[%swap3A_1492] {strides = array<i32>} : memref<128xi32, #tpu.memory_space<vmem>>, vector<16xi32>,
      %swap3A_1494 = vector.shape_cast %swap3A_1493 : vector<16xi32> to vector<16xi32>
      %swap3A_1495 = vector.shape_cast %broadcast_in_dim3A_3 : vector<16xi32> to vector<16xi32>
      tpu.vector_store %swap3A_1491[%swap3A_1492], %swap3A_1495 {strides = array<i32>} : memref<128xi32, #tpu.memory_space<vmem>>, vector<16xi32>,
      %swap3A_1496 = arith.constant 2 : i32
      %swap3A_1497 = arith.constant 0 : i32
      %swap3A_1498 = tpu.memref_slice %arg8[%swap3A_1496, %swap3A_1497] : memref<3x128xi32, #tpu.memory_space<vmem>> -> memref<1x128xi32, #tpu.memory_space<vmem>>
      %swap3A_1499 = tpu.memref_squeeze %swap3A_1498 : memref<1x128xi32, #tpu.memory_space<vmem>> -> memref<128xi32, #tpu.memory_space<vmem>>
      %swap3A_1500 = arith.constant 16 : index
      %swap3A_1501 = tpu.vector_load %swap3A_1499[%swap3A_1500] {strides = array<i32>} : memref<128xi32, #tpu.memory_space<vmem>>, vector<16xi32>,
      %swap3A_1502 = vector.shape_cast %swap3A_1501 : vector<16xi32> to vector<16xi32>
      %swap3A_1503 = vector.shape_cast %broadcast_in_dim3A_3 : vector<16xi32> to vector<16xi32>
      tpu.vector_store %swap3A_1499[%swap3A_1500], %swap3A_1503 {strides = array<i32>} : memref<128xi32, #tpu.memory_space<vmem>>, vector<16xi32>,
      %swap3A_1504 = arith.constant 2 : i32
      %swap3A_1505 = arith.constant 0 : i32
      %swap3A_1506 = tpu.memref_slice %arg8[%swap3A_1504, %swap3A_1505] : memref<3x128xi32, #tpu.memory_space<vmem>> -> memref<1x128xi32, #tpu.memory_space<vmem>>
      %swap3A_1507 = tpu.memref_squeeze %swap3A_1506 : memref<1x128xi32, #tpu.memory_space<vmem>> -> memref<128xi32, #tpu.memory_space<vmem>>
      %swap3A_1508 = arith.constant 32 : index
      %swap3A_1509 = tpu.vector_load %swap3A_1507[%swap3A_1508] {strides = array<i32>} : memref<128xi32, #tpu.memory_space<vmem>>, vector<16xi32>,
      %swap3A_1510 = vector.shape_cast %swap3A_1509 : vector<16xi32> to vector<16xi32>
      %swap3A_1511 = vector.shape_cast %broadcast_in_dim3A_3 : vector<16xi32> to vector<16xi32>
      tpu.vector_store %swap3A_1507[%swap3A_1508], %swap3A_1511 {strides = array<i32>} : memref<128xi32, #tpu.memory_space<vmem>>, vector<16xi32>,
      %swap3A_1512 = arith.constant 2 : i32
      %swap3A_1513 = arith.constant 0 : i32
      %swap3A_1514 = tpu.memref_slice %arg8[%swap3A_1512, %swap3A_1513] : memref<3x128xi32, #tpu.memory_space<vmem>> -> memref<1x128xi32, #tpu.memory_space<vmem>>
      %swap3A_1515 = tpu.memref_squeeze %swap3A_1514 : memref<1x128xi32, #tpu.memory_space<vmem>> -> memref<128xi32, #tpu.memory_space<vmem>>
      %swap3A_1516 = arith.constant 48 : index
      %swap3A_1517 = tpu.vector_load %swap3A_1515[%swap3A_1516] {strides = array<i32>} : memref<128xi32, #tpu.memory_space<vmem>>, vector<16xi32>,
      %swap3A_1518 = vector.shape_cast %swap3A_1517 : vector<16xi32> to vector<16xi32>
      %swap3A_1519 = vector.shape_cast %broadcast_in_dim3A_3 : vector<16xi32> to vector<16xi32>
      tpu.vector_store %swap3A_1515[%swap3A_1516], %swap3A_1519 {strides = array<i32>} : memref<128xi32, #tpu.memory_space<vmem>>, vector<16xi32>,
      %swap3A_1520 = arith.constant 2 : i32
      %swap3A_1521 = arith.constant 0 : i32
      %swap3A_1522 = tpu.memref_slice %arg8[%swap3A_1520, %swap3A_1521] : memref<3x128xi32, #tpu.memory_space<vmem>> -> memref<1x128xi32, #tpu.memory_space<vmem>>
      %swap3A_1523 = tpu.memref_squeeze %swap3A_1522 : memref<1x128xi32, #tpu.memory_space<vmem>> -> memref<128xi32, #tpu.memory_space<vmem>>
      %swap3A_1524 = arith.constant 64 : index
      %swap3A_1525 = tpu.vector_load %swap3A_1523[%swap3A_1524] {strides = array<i32>} : memref<128xi32, #tpu.memory_space<vmem>>, vector<16xi32>,
      %swap3A_1526 = vector.shape_cast %swap3A_1525 : vector<16xi32> to vector<16xi32>
      %swap3A_1527 = vector.shape_cast %broadcast_in_dim3A_3 : vector<16xi32> to vector<16xi32>
      tpu.vector_store %swap3A_1523[%swap3A_1524], %swap3A_1527 {strides = array<i32>} : memref<128xi32, #tpu.memory_space<vmem>>, vector<16xi32>,
      %swap3A_1528 = arith.constant 2 : i32
      %swap3A_1529 = arith.constant 0 : i32
      %swap3A_1530 = tpu.memref_slice %arg8[%swap3A_1528, %swap3A_1529] : memref<3x128xi32, #tpu.memory_space<vmem>> -> memref<1x128xi32, #tpu.memory_space<vmem>>
      %swap3A_1531 = tpu.memref_squeeze %swap3A_1530 : memref<1x128xi32, #tpu.memory_space<vmem>> -> memref<128xi32, #tpu.memory_space<vmem>>
      %swap3A_1532 = arith.constant 80 : index
      %swap3A_1533 = tpu.vector_load %swap3A_1531[%swap3A_1532] {strides = array<i32>} : memref<128xi32, #tpu.memory_space<vmem>>, vector<16xi32>,
      %swap3A_1534 = vector.shape_cast %swap3A_1533 : vector<16xi32> to vector<16xi32>
      %swap3A_1535 = vector.shape_cast %broadcast_in_dim3A_3 : vector<16xi32> to vector<16xi32>
      tpu.vector_store %swap3A_1531[%swap3A_1532], %swap3A_1535 {strides = array<i32>} : memref<128xi32, #tpu.memory_space<vmem>>, vector<16xi32>,
      %swap3A_1536 = arith.constant 2 : i32
      %swap3A_1537 = arith.constant 0 : i32
      %swap3A_1538 = tpu.memref_slice %arg8[%swap3A_1536, %swap3A_1537] : memref<3x128xi32, #tpu.memory_space<vmem>> -> memref<1x128xi32, #tpu.memory_space<vmem>>
      %swap3A_1539 = tpu.memref_squeeze %swap3A_1538 : memref<1x128xi32, #tpu.memory_space<vmem>> -> memref<128xi32, #tpu.memory_space<vmem>>
      %swap3A_1540 = arith.constant 96 : index
      %swap3A_1541 = tpu.vector_load %swap3A_1539[%swap3A_1540] {strides = array<i32>} : memref<128xi32, #tpu.memory_space<vmem>>, vector<16xi32>,
      %swap3A_1542 = vector.shape_cast %swap3A_1541 : vector<16xi32> to vector<16xi32>
      %swap3A_1543 = vector.shape_cast %broadcast_in_dim3A_3 : vector<16xi32> to vector<16xi32>
      tpu.vector_store %swap3A_1539[%swap3A_1540], %swap3A_1543 {strides = array<i32>} : memref<128xi32, #tpu.memory_space<vmem>>, vector<16xi32>,
      %swap3A_1544 = arith.constant 2 : i32
      %swap3A_1545 = arith.constant 0 : i32
      %swap3A_1546 = tpu.memref_slice %arg8[%swap3A_1544, %swap3A_1545] : memref<3x128xi32, #tpu.memory_space<vmem>> -> memref<1x128xi32, #tpu.memory_space<vmem>>
      %swap3A_1547 = tpu.memref_squeeze %swap3A_1546 : memref<1x128xi32, #tpu.memory_space<vmem>> -> memref<128xi32, #tpu.memory_space<vmem>>
      %swap3A_1548 = arith.constant 112 : index
      %swap3A_1549 = tpu.vector_load %swap3A_1547[%swap3A_1548] {strides = array<i32>} : memref<128xi32, #tpu.memory_space<vmem>>, vector<16xi32>,
      %swap3A_1550 = vector.shape_cast %swap3A_1549 : vector<16xi32> to vector<16xi32>
      %swap3A_1551 = vector.shape_cast %broadcast_in_dim3A_3 : vector<16xi32> to vector<16xi32>
      tpu.vector_store %swap3A_1547[%swap3A_1548], %swap3A_1551 {strides = array<i32>} : memref<128xi32, #tpu.memory_space<vmem>>, vector<16xi32>,
    } else {
    }
    %dma_start3A_1065 = arith.constant 2 : i32
    %dma_start3A_1066 = arith.constant 0 : i32
    %dma_start3A_1067 = tpu.memref_slice %arg8[%dma_start3A_1065, %dma_start3A_1066] : memref<3x128xi32, #tpu.memory_space<vmem>> -> memref<1x128xi32, #tpu.memory_space<vmem>>
    %dma_start3A_1068 = tpu.memref_squeeze %dma_start3A_1067 : memref<1x128xi32, #tpu.memory_space<vmem>> -> memref<128xi32, #tpu.memory_space<vmem>>
    %dma_start3A_1069 = arith.constant 0 : i32
    %dma_start3A_1070 = arith.constant 0 : i32
    %dma_start3A_1071 = tpu.memref_slice %arg10[%dma_start3A_1069, %dma_start3A_1070] : memref<520x128xf32, #tpu.memory_space<vmem_shared>> -> memref<520x128xf32, #tpu.memory_space<vmem_shared>>
    tpu.enqueue_indirect_dma source(%arg7 : memref<128x128xf32, #tpu.memory_space<vmem>>) target(%dma_start3A_1071 : memref<520x128xf32, #tpu.memory_space<vmem_shared>>) offsets(%dma_start3A_1068 : memref<128xi32, #tpu.memory_space<vmem>>) semaphore(%arg16 : memref<!tpu.dma_semaphore, #tpu.memory_space<semaphore_mem>>) {add = true}
    %dma_wait3A_1072 = arith.constant 1 : i32
    %dma_wait3A_1073 = arith.constant 0 : i32
    %dma_wait3A_1074 = tpu.memref_slice %arg8[%dma_wait3A_1072, %dma_wait3A_1073] : memref<3x128xi32, #tpu.memory_space<vmem>> -> memref<1x128xi32, #tpu.memory_space<vmem>>
    %dma_wait3A_1075 = tpu.memref_squeeze %dma_wait3A_1074 : memref<1x128xi32, #tpu.memory_space<vmem>> -> memref<128xi32, #tpu.memory_space<vmem>>
    %dma_wait3A_1076 = arith.constant 0 : i32
    %dma_wait3A_1077 = arith.constant 0 : i32
    %dma_wait3A_1078 = tpu.memref_slice %arg10[%dma_wait3A_1076, %dma_wait3A_1077] : memref<520x128xf32, #tpu.memory_space<vmem_shared>> -> memref<520x128xf32, #tpu.memory_space<vmem_shared>>
    tpu.wait_indirect_dma semaphore(%arg15 : memref<!tpu.dma_semaphore, #tpu.memory_space<semaphore_mem>>) src(%arg6 : memref<128x128xf32, #tpu.memory_space<vmem>>) dst(%dma_wait3A_1078 : memref<520x128xf32, #tpu.memory_space<vmem_shared>>)
    %add3A_1079 = arith.constant 608 : i32
    %add3A_1080 = arith.addi %add3A_1079, %add3A : i32
    %min3A_1081 = arith.constant 780 : i32
    %min3A_1082 = arith.minsi %add3A_1080, %min3A_1081 : i32
    %mul3A_1083 = arith.constant 128 : i32
    %mul3A_1084 = arith.muli %min3A_1082, %mul3A_1083 : i32
    %multiple_of3A_1085 = tpu.assume_multiple %mul3A_1084, 128 : i32
    %dma_start3A_1086 = arith.constant 0 : i32
    %dma_start3A_1087 = tpu.memref_slice %arg2[%multiple_of3A_1085, %dma_start3A_1086] : memref<100000x128xf32, #tpu.memory_space<hbm>> -> memref<128x128xf32, #tpu.memory_space<hbm>>
    %dma_start3A_1088 = arith.constant 0 : i32
    %dma_start3A_1089 = tpu.memref_slice %arg2[%multiple_of3A_1085, %dma_start3A_1088] : memref<100000x128xf32, #tpu.memory_space<hbm>> -> memref<128x128xf32, #tpu.memory_space<hbm>>
    tpu.enqueue_dma source(%dma_start3A_1089 : memref<128x128xf32, #tpu.memory_space<hbm>>) target(%arg6 : memref<128x128xf32, #tpu.memory_space<vmem>>) target_semaphore(%arg12 : memref<!tpu.dma_semaphore, #tpu.memory_space<semaphore_mem>>)
    %dma_start3A_1090 = arith.constant 1 : i32
    %dma_start3A_1091 = arith.constant 0 : i32
    %dma_start3A_1092 = tpu.memref_slice %arg8[%dma_start3A_1090, %dma_start3A_1091] : memref<3x128xi32, #tpu.memory_space<vmem>> -> memref<1x128xi32, #tpu.memory_space<vmem>>
    %dma_start3A_1093 = tpu.memref_squeeze %dma_start3A_1092 : memref<1x128xi32, #tpu.memory_space<vmem>> -> memref<128xi32, #tpu.memory_space<vmem>>
    %dma_start3A_1094 = tpu.memref_slice %arg3[%multiple_of3A_1085] : memref<100000xi32, #tpu.memory_space<hbm>> -> memref<128xi32, #tpu.memory_space<hbm>>
    %dma_start3A_1095 = arith.constant 0 : i32
    %dma_start3A_1096 = tpu.memref_slice %arg8[%dma_start3A_1090, %dma_start3A_1095] : memref<3x128xi32, #tpu.memory_space<vmem>> -> memref<1x128xi32, #tpu.memory_space<vmem>>
    %dma_start3A_1097 = tpu.memref_squeeze %dma_start3A_1096 : memref<1x128xi32, #tpu.memory_space<vmem>> -> memref<128xi32, #tpu.memory_space<vmem>>
    %dma_start3A_1098 = tpu.memref_slice %arg3[%multiple_of3A_1085] : memref<100000xi32, #tpu.memory_space<hbm>> -> memref<128xi32, #tpu.memory_space<hbm>>
    tpu.enqueue_dma source(%dma_start3A_1098 : memref<128xi32, #tpu.memory_space<hbm>>) target(%dma_start3A_1097 : memref<128xi32, #tpu.memory_space<vmem>>) target_semaphore(%arg12 : memref<!tpu.dma_semaphore, #tpu.memory_space<semaphore_mem>>)
    %dma_wait3A_1099 = arith.constant 0 : i32
    %dma_wait3A_1100 = tpu.memref_slice %arg2[%multiple_of3A_1026, %dma_wait3A_1099] : memref<100000x128xf32, #tpu.memory_space<hbm>> -> memref<128x128xf32, #tpu.memory_space<hbm>>
    %dma_wait3A_1101 = arith.constant 0 : i32
    %dma_wait3A_1102 = tpu.memref_slice %arg2[%multiple_of3A_1026, %dma_wait3A_1101] : memref<100000x128xf32, #tpu.memory_space<hbm>> -> memref<128x128xf32, #tpu.memory_space<hbm>>
    tpu.wait_dma2 semaphore(%arg11 : memref<!tpu.dma_semaphore, #tpu.memory_space<semaphore_mem>>) src(%dma_wait3A_1102 : memref<128x128xf32, #tpu.memory_space<hbm>>) dst(%arg5 : memref<128x128xf32, #tpu.memory_space<vmem>>)
    %dma_wait3A_1103 = arith.constant 0 : i32
    %dma_wait3A_1104 = arith.constant 0 : i32
    %dma_wait3A_1105 = tpu.memref_slice %arg8[%dma_wait3A_1103, %dma_wait3A_1104] : memref<3x128xi32, #tpu.memory_space<vmem>> -> memref<1x128xi32, #tpu.memory_space<vmem>>
    %dma_wait3A_1106 = tpu.memref_squeeze %dma_wait3A_1105 : memref<1x128xi32, #tpu.memory_space<vmem>> -> memref<128xi32, #tpu.memory_space<vmem>>
    %dma_wait3A_1107 = tpu.memref_slice %arg3[%multiple_of3A_1026] : memref<100000xi32, #tpu.memory_space<hbm>> -> memref<128xi32, #tpu.memory_space<hbm>>
    %dma_wait3A_1108 = arith.constant 0 : i32
    %dma_wait3A_1109 = tpu.memref_slice %arg8[%dma_wait3A_1103, %dma_wait3A_1108] : memref<3x128xi32, #tpu.memory_space<vmem>> -> memref<1x128xi32, #tpu.memory_space<vmem>>
    %dma_wait3A_1110 = tpu.memref_squeeze %dma_wait3A_1109 : memref<1x128xi32, #tpu.memory_space<vmem>> -> memref<128xi32, #tpu.memory_space<vmem>>
    %dma_wait3A_1111 = tpu.memref_slice %arg3[%multiple_of3A_1026] : memref<100000xi32, #tpu.memory_space<hbm>> -> memref<128xi32, #tpu.memory_space<hbm>>
    tpu.wait_dma2 semaphore(%arg11 : memref<!tpu.dma_semaphore, #tpu.memory_space<semaphore_mem>>) src(%dma_wait3A_1111 : memref<128xi32, #tpu.memory_space<hbm>>) dst(%dma_wait3A_1110 : memref<128xi32, #tpu.memory_space<vmem>>)
    %add3A_1112 = arith.constant 576 : i32
    %add3A_1113 = arith.addi %add3A_1112, %add3A : i32
    %min3A_1114 = arith.constant 780 : i32
    %min3A_1115 = arith.minsi %add3A_1113, %min3A_1114 : i32
    %mul3A_1116 = arith.constant 128 : i32
    %mul3A_1117 = arith.muli %min3A_1115, %mul3A_1116 : i32
    %multiple_of3A_1118 = tpu.assume_multiple %mul3A_1117, 128 : i32
    %ge3A_1119 = arith.constant 781 : i32
    %ge3A_1120 = arith.cmpi sge, %add3A_1113, %ge3A_1119 : i32
    %convert_element_type3A_1121 = arith.extui %ge3A_1120 : i1 to i32
    %cond3A_1122 = arith.constant 0 : i32
    %cond3A_1123 = arith.cmpi ne, %convert_element_type3A_1121, %cond3A_1122 : i32
    scf.if %cond3A_1123 {
      %swap3A = arith.constant 0 : i32
      %swap3A_1489 = arith.constant 0 : i32
      %swap3A_1490 = tpu.memref_slice %arg8[%swap3A, %swap3A_1489] : memref<3x128xi32, #tpu.memory_space<vmem>> -> memref<1x128xi32, #tpu.memory_space<vmem>>
      %swap3A_1491 = tpu.memref_squeeze %swap3A_1490 : memref<1x128xi32, #tpu.memory_space<vmem>> -> memref<128xi32, #tpu.memory_space<vmem>>
      %swap3A_1492 = arith.constant 0 : index
      %swap3A_1493 = tpu.vector_load %swap3A_1491[%swap3A_1492] {strides = array<i32>} : memref<128xi32, #tpu.memory_space<vmem>>, vector<16xi32>,
      %swap3A_1494 = vector.shape_cast %swap3A_1493 : vector<16xi32> to vector<16xi32>
      %swap3A_1495 = vector.shape_cast %broadcast_in_dim3A_3 : vector<16xi32> to vector<16xi32>
      tpu.vector_store %swap3A_1491[%swap3A_1492], %swap3A_1495 {strides = array<i32>} : memref<128xi32, #tpu.memory_space<vmem>>, vector<16xi32>,
      %swap3A_1496 = arith.constant 0 : i32
      %swap3A_1497 = arith.constant 0 : i32
      %swap3A_1498 = tpu.memref_slice %arg8[%swap3A_1496, %swap3A_1497] : memref<3x128xi32, #tpu.memory_space<vmem>> -> memref<1x128xi32, #tpu.memory_space<vmem>>
      %swap3A_1499 = tpu.memref_squeeze %swap3A_1498 : memref<1x128xi32, #tpu.memory_space<vmem>> -> memref<128xi32, #tpu.memory_space<vmem>>
      %swap3A_1500 = arith.constant 16 : index
      %swap3A_1501 = tpu.vector_load %swap3A_1499[%swap3A_1500] {strides = array<i32>} : memref<128xi32, #tpu.memory_space<vmem>>, vector<16xi32>,
      %swap3A_1502 = vector.shape_cast %swap3A_1501 : vector<16xi32> to vector<16xi32>
      %swap3A_1503 = vector.shape_cast %broadcast_in_dim3A_3 : vector<16xi32> to vector<16xi32>
      tpu.vector_store %swap3A_1499[%swap3A_1500], %swap3A_1503 {strides = array<i32>} : memref<128xi32, #tpu.memory_space<vmem>>, vector<16xi32>,
      %swap3A_1504 = arith.constant 0 : i32
      %swap3A_1505 = arith.constant 0 : i32
      %swap3A_1506 = tpu.memref_slice %arg8[%swap3A_1504, %swap3A_1505] : memref<3x128xi32, #tpu.memory_space<vmem>> -> memref<1x128xi32, #tpu.memory_space<vmem>>
      %swap3A_1507 = tpu.memref_squeeze %swap3A_1506 : memref<1x128xi32, #tpu.memory_space<vmem>> -> memref<128xi32, #tpu.memory_space<vmem>>
      %swap3A_1508 = arith.constant 32 : index
      %swap3A_1509 = tpu.vector_load %swap3A_1507[%swap3A_1508] {strides = array<i32>} : memref<128xi32, #tpu.memory_space<vmem>>, vector<16xi32>,
      %swap3A_1510 = vector.shape_cast %swap3A_1509 : vector<16xi32> to vector<16xi32>
      %swap3A_1511 = vector.shape_cast %broadcast_in_dim3A_3 : vector<16xi32> to vector<16xi32>
      tpu.vector_store %swap3A_1507[%swap3A_1508], %swap3A_1511 {strides = array<i32>} : memref<128xi32, #tpu.memory_space<vmem>>, vector<16xi32>,
      %swap3A_1512 = arith.constant 0 : i32
      %swap3A_1513 = arith.constant 0 : i32
      %swap3A_1514 = tpu.memref_slice %arg8[%swap3A_1512, %swap3A_1513] : memref<3x128xi32, #tpu.memory_space<vmem>> -> memref<1x128xi32, #tpu.memory_space<vmem>>
      %swap3A_1515 = tpu.memref_squeeze %swap3A_1514 : memref<1x128xi32, #tpu.memory_space<vmem>> -> memref<128xi32, #tpu.memory_space<vmem>>
      %swap3A_1516 = arith.constant 48 : index
      %swap3A_1517 = tpu.vector_load %swap3A_1515[%swap3A_1516] {strides = array<i32>} : memref<128xi32, #tpu.memory_space<vmem>>, vector<16xi32>,
      %swap3A_1518 = vector.shape_cast %swap3A_1517 : vector<16xi32> to vector<16xi32>
      %swap3A_1519 = vector.shape_cast %broadcast_in_dim3A_3 : vector<16xi32> to vector<16xi32>
      tpu.vector_store %swap3A_1515[%swap3A_1516], %swap3A_1519 {strides = array<i32>} : memref<128xi32, #tpu.memory_space<vmem>>, vector<16xi32>,
      %swap3A_1520 = arith.constant 0 : i32
      %swap3A_1521 = arith.constant 0 : i32
      %swap3A_1522 = tpu.memref_slice %arg8[%swap3A_1520, %swap3A_1521] : memref<3x128xi32, #tpu.memory_space<vmem>> -> memref<1x128xi32, #tpu.memory_space<vmem>>
      %swap3A_1523 = tpu.memref_squeeze %swap3A_1522 : memref<1x128xi32, #tpu.memory_space<vmem>> -> memref<128xi32, #tpu.memory_space<vmem>>
      %swap3A_1524 = arith.constant 64 : index
      %swap3A_1525 = tpu.vector_load %swap3A_1523[%swap3A_1524] {strides = array<i32>} : memref<128xi32, #tpu.memory_space<vmem>>, vector<16xi32>,
      %swap3A_1526 = vector.shape_cast %swap3A_1525 : vector<16xi32> to vector<16xi32>
      %swap3A_1527 = vector.shape_cast %broadcast_in_dim3A_3 : vector<16xi32> to vector<16xi32>
      tpu.vector_store %swap3A_1523[%swap3A_1524], %swap3A_1527 {strides = array<i32>} : memref<128xi32, #tpu.memory_space<vmem>>, vector<16xi32>,
      %swap3A_1528 = arith.constant 0 : i32
      %swap3A_1529 = arith.constant 0 : i32
      %swap3A_1530 = tpu.memref_slice %arg8[%swap3A_1528, %swap3A_1529] : memref<3x128xi32, #tpu.memory_space<vmem>> -> memref<1x128xi32, #tpu.memory_space<vmem>>
      %swap3A_1531 = tpu.memref_squeeze %swap3A_1530 : memref<1x128xi32, #tpu.memory_space<vmem>> -> memref<128xi32, #tpu.memory_space<vmem>>
      %swap3A_1532 = arith.constant 80 : index
      %swap3A_1533 = tpu.vector_load %swap3A_1531[%swap3A_1532] {strides = array<i32>} : memref<128xi32, #tpu.memory_space<vmem>>, vector<16xi32>,
      %swap3A_1534 = vector.shape_cast %swap3A_1533 : vector<16xi32> to vector<16xi32>
      %swap3A_1535 = vector.shape_cast %broadcast_in_dim3A_3 : vector<16xi32> to vector<16xi32>
      tpu.vector_store %swap3A_1531[%swap3A_1532], %swap3A_1535 {strides = array<i32>} : memref<128xi32, #tpu.memory_space<vmem>>, vector<16xi32>,
      %swap3A_1536 = arith.constant 0 : i32
      %swap3A_1537 = arith.constant 0 : i32
      %swap3A_1538 = tpu.memref_slice %arg8[%swap3A_1536, %swap3A_1537] : memref<3x128xi32, #tpu.memory_space<vmem>> -> memref<1x128xi32, #tpu.memory_space<vmem>>
      %swap3A_1539 = tpu.memref_squeeze %swap3A_1538 : memref<1x128xi32, #tpu.memory_space<vmem>> -> memref<128xi32, #tpu.memory_space<vmem>>
      %swap3A_1540 = arith.constant 96 : index
      %swap3A_1541 = tpu.vector_load %swap3A_1539[%swap3A_1540] {strides = array<i32>} : memref<128xi32, #tpu.memory_space<vmem>>, vector<16xi32>,
      %swap3A_1542 = vector.shape_cast %swap3A_1541 : vector<16xi32> to vector<16xi32>
      %swap3A_1543 = vector.shape_cast %broadcast_in_dim3A_3 : vector<16xi32> to vector<16xi32>
      tpu.vector_store %swap3A_1539[%swap3A_1540], %swap3A_1543 {strides = array<i32>} : memref<128xi32, #tpu.memory_space<vmem>>, vector<16xi32>,
      %swap3A_1544 = arith.constant 0 : i32
      %swap3A_1545 = arith.constant 0 : i32
      %swap3A_1546 = tpu.memref_slice %arg8[%swap3A_1544, %swap3A_1545] : memref<3x128xi32, #tpu.memory_space<vmem>> -> memref<1x128xi32, #tpu.memory_space<vmem>>
      %swap3A_1547 = tpu.memref_squeeze %swap3A_1546 : memref<1x128xi32, #tpu.memory_space<vmem>> -> memref<128xi32, #tpu.memory_space<vmem>>
      %swap3A_1548 = arith.constant 112 : index
      %swap3A_1549 = tpu.vector_load %swap3A_1547[%swap3A_1548] {strides = array<i32>} : memref<128xi32, #tpu.memory_space<vmem>>, vector<16xi32>,
      %swap3A_1550 = vector.shape_cast %swap3A_1549 : vector<16xi32> to vector<16xi32>
      %swap3A_1551 = vector.shape_cast %broadcast_in_dim3A_3 : vector<16xi32> to vector<16xi32>
      tpu.vector_store %swap3A_1547[%swap3A_1548], %swap3A_1551 {strides = array<i32>} : memref<128xi32, #tpu.memory_space<vmem>>, vector<16xi32>,
    } else {
    }
    %dma_start3A_1124 = arith.constant 0 : i32
    %dma_start3A_1125 = arith.constant 0 : i32
    %dma_start3A_1126 = tpu.memref_slice %arg8[%dma_start3A_1124, %dma_start3A_1125] : memref<3x128xi32, #tpu.memory_space<vmem>> -> memref<1x128xi32, #tpu.memory_space<vmem>>
    %dma_start3A_1127 = tpu.memref_squeeze %dma_start3A_1126 : memref<1x128xi32, #tpu.memory_space<vmem>> -> memref<128xi32, #tpu.memory_space<vmem>>
    %dma_start3A_1128 = arith.constant 0 : i32
    %dma_start3A_1129 = arith.constant 0 : i32
    %dma_start3A_1130 = tpu.memref_slice %arg10[%dma_start3A_1128, %dma_start3A_1129] : memref<520x128xf32, #tpu.memory_space<vmem_shared>> -> memref<520x128xf32, #tpu.memory_space<vmem_shared>>
    tpu.enqueue_indirect_dma source(%arg5 : memref<128x128xf32, #tpu.memory_space<vmem>>) target(%dma_start3A_1130 : memref<520x128xf32, #tpu.memory_space<vmem_shared>>) offsets(%dma_start3A_1127 : memref<128xi32, #tpu.memory_space<vmem>>) semaphore(%arg14 : memref<!tpu.dma_semaphore, #tpu.memory_space<semaphore_mem>>) {add = true}
    %dma_wait3A_1131 = arith.constant 2 : i32
    %dma_wait3A_1132 = arith.constant 0 : i32
    %dma_wait3A_1133 = tpu.memref_slice %arg8[%dma_wait3A_1131, %dma_wait3A_1132] : memref<3x128xi32, #tpu.memory_space<vmem>> -> memref<1x128xi32, #tpu.memory_space<vmem>>
    %dma_wait3A_1134 = tpu.memref_squeeze %dma_wait3A_1133 : memref<1x128xi32, #tpu.memory_space<vmem>> -> memref<128xi32, #tpu.memory_space<vmem>>
    %dma_wait3A_1135 = arith.constant 0 : i32
    %dma_wait3A_1136 = arith.constant 0 : i32
    %dma_wait3A_1137 = tpu.memref_slice %arg10[%dma_wait3A_1135, %dma_wait3A_1136] : memref<520x128xf32, #tpu.memory_space<vmem_shared>> -> memref<520x128xf32, #tpu.memory_space<vmem_shared>>
    tpu.wait_indirect_dma semaphore(%arg16 : memref<!tpu.dma_semaphore, #tpu.memory_space<semaphore_mem>>) src(%arg7 : memref<128x128xf32, #tpu.memory_space<vmem>>) dst(%dma_wait3A_1137 : memref<520x128xf32, #tpu.memory_space<vmem_shared>>)
    %add3A_1138 = arith.constant 640 : i32
    %add3A_1139 = arith.addi %add3A_1138, %add3A : i32
    %min3A_1140 = arith.constant 780 : i32
    %min3A_1141 = arith.minsi %add3A_1139, %min3A_1140 : i32
    %mul3A_1142 = arith.constant 128 : i32
    %mul3A_1143 = arith.muli %min3A_1141, %mul3A_1142 : i32
    %multiple_of3A_1144 = tpu.assume_multiple %mul3A_1143, 128 : i32
    %dma_start3A_1145 = arith.constant 0 : i32
    %dma_start3A_1146 = tpu.memref_slice %arg2[%multiple_of3A_1144, %dma_start3A_1145] : memref<100000x128xf32, #tpu.memory_space<hbm>> -> memref<128x128xf32, #tpu.memory_space<hbm>>
    %dma_start3A_1147 = arith.constant 0 : i32
    %dma_start3A_1148 = tpu.memref_slice %arg2[%multiple_of3A_1144, %dma_start3A_1147] : memref<100000x128xf32, #tpu.memory_space<hbm>> -> memref<128x128xf32, #tpu.memory_space<hbm>>
    tpu.enqueue_dma source(%dma_start3A_1148 : memref<128x128xf32, #tpu.memory_space<hbm>>) target(%arg7 : memref<128x128xf32, #tpu.memory_space<vmem>>) target_semaphore(%arg13 : memref<!tpu.dma_semaphore, #tpu.memory_space<semaphore_mem>>)
    %dma_start3A_1149 = arith.constant 2 : i32
    %dma_start3A_1150 = arith.constant 0 : i32
    %dma_start3A_1151 = tpu.memref_slice %arg8[%dma_start3A_1149, %dma_start3A_1150] : memref<3x128xi32, #tpu.memory_space<vmem>> -> memref<1x128xi32, #tpu.memory_space<vmem>>
    %dma_start3A_1152 = tpu.memref_squeeze %dma_start3A_1151 : memref<1x128xi32, #tpu.memory_space<vmem>> -> memref<128xi32, #tpu.memory_space<vmem>>
    %dma_start3A_1153 = tpu.memref_slice %arg3[%multiple_of3A_1144] : memref<100000xi32, #tpu.memory_space<hbm>> -> memref<128xi32, #tpu.memory_space<hbm>>
    %dma_start3A_1154 = arith.constant 0 : i32
    %dma_start3A_1155 = tpu.memref_slice %arg8[%dma_start3A_1149, %dma_start3A_1154] : memref<3x128xi32, #tpu.memory_space<vmem>> -> memref<1x128xi32, #tpu.memory_space<vmem>>
    %dma_start3A_1156 = tpu.memref_squeeze %dma_start3A_1155 : memref<1x128xi32, #tpu.memory_space<vmem>> -> memref<128xi32, #tpu.memory_space<vmem>>
    %dma_start3A_1157 = tpu.memref_slice %arg3[%multiple_of3A_1144] : memref<100000xi32, #tpu.memory_space<hbm>> -> memref<128xi32, #tpu.memory_space<hbm>>
    tpu.enqueue_dma source(%dma_start3A_1157 : memref<128xi32, #tpu.memory_space<hbm>>) target(%dma_start3A_1156 : memref<128xi32, #tpu.memory_space<vmem>>) target_semaphore(%arg13 : memref<!tpu.dma_semaphore, #tpu.memory_space<semaphore_mem>>)
    %dma_wait3A_1158 = arith.constant 0 : i32
    %dma_wait3A_1159 = tpu.memref_slice %arg2[%multiple_of3A_1085, %dma_wait3A_1158] : memref<100000x128xf32, #tpu.memory_space<hbm>> -> memref<128x128xf32, #tpu.memory_space<hbm>>
    %dma_wait3A_1160 = arith.constant 0 : i32
    %dma_wait3A_1161 = tpu.memref_slice %arg2[%multiple_of3A_1085, %dma_wait3A_1160] : memref<100000x128xf32, #tpu.memory_space<hbm>> -> memref<128x128xf32, #tpu.memory_space<hbm>>
    tpu.wait_dma2 semaphore(%arg12 : memref<!tpu.dma_semaphore, #tpu.memory_space<semaphore_mem>>) src(%dma_wait3A_1161 : memref<128x128xf32, #tpu.memory_space<hbm>>) dst(%arg6 : memref<128x128xf32, #tpu.memory_space<vmem>>)
    %dma_wait3A_1162 = arith.constant 1 : i32
    %dma_wait3A_1163 = arith.constant 0 : i32
    %dma_wait3A_1164 = tpu.memref_slice %arg8[%dma_wait3A_1162, %dma_wait3A_1163] : memref<3x128xi32, #tpu.memory_space<vmem>> -> memref<1x128xi32, #tpu.memory_space<vmem>>
    %dma_wait3A_1165 = tpu.memref_squeeze %dma_wait3A_1164 : memref<1x128xi32, #tpu.memory_space<vmem>> -> memref<128xi32, #tpu.memory_space<vmem>>
    %dma_wait3A_1166 = tpu.memref_slice %arg3[%multiple_of3A_1085] : memref<100000xi32, #tpu.memory_space<hbm>> -> memref<128xi32, #tpu.memory_space<hbm>>
    %dma_wait3A_1167 = arith.constant 0 : i32
    %dma_wait3A_1168 = tpu.memref_slice %arg8[%dma_wait3A_1162, %dma_wait3A_1167] : memref<3x128xi32, #tpu.memory_space<vmem>> -> memref<1x128xi32, #tpu.memory_space<vmem>>
    %dma_wait3A_1169 = tpu.memref_squeeze %dma_wait3A_1168 : memref<1x128xi32, #tpu.memory_space<vmem>> -> memref<128xi32, #tpu.memory_space<vmem>>
    %dma_wait3A_1170 = tpu.memref_slice %arg3[%multiple_of3A_1085] : memref<100000xi32, #tpu.memory_space<hbm>> -> memref<128xi32, #tpu.memory_space<hbm>>
    tpu.wait_dma2 semaphore(%arg12 : memref<!tpu.dma_semaphore, #tpu.memory_space<semaphore_mem>>) src(%dma_wait3A_1170 : memref<128xi32, #tpu.memory_space<hbm>>) dst(%dma_wait3A_1169 : memref<128xi32, #tpu.memory_space<vmem>>)
    %add3A_1171 = arith.constant 608 : i32
    %add3A_1172 = arith.addi %add3A_1171, %add3A : i32
    %min3A_1173 = arith.constant 780 : i32
    %min3A_1174 = arith.minsi %add3A_1172, %min3A_1173 : i32
    %mul3A_1175 = arith.constant 128 : i32
    %mul3A_1176 = arith.muli %min3A_1174, %mul3A_1175 : i32
    %multiple_of3A_1177 = tpu.assume_multiple %mul3A_1176, 128 : i32
    %ge3A_1178 = arith.constant 781 : i32
    %ge3A_1179 = arith.cmpi sge, %add3A_1172, %ge3A_1178 : i32
    %convert_element_type3A_1180 = arith.extui %ge3A_1179 : i1 to i32
    %cond3A_1181 = arith.constant 0 : i32
    %cond3A_1182 = arith.cmpi ne, %convert_element_type3A_1180, %cond3A_1181 : i32
    scf.if %cond3A_1182 {
      %swap3A = arith.constant 1 : i32
      %swap3A_1489 = arith.constant 0 : i32
      %swap3A_1490 = tpu.memref_slice %arg8[%swap3A, %swap3A_1489] : memref<3x128xi32, #tpu.memory_space<vmem>> -> memref<1x128xi32, #tpu.memory_space<vmem>>
      %swap3A_1491 = tpu.memref_squeeze %swap3A_1490 : memref<1x128xi32, #tpu.memory_space<vmem>> -> memref<128xi32, #tpu.memory_space<vmem>>
      %swap3A_1492 = arith.constant 0 : index
      %swap3A_1493 = tpu.vector_load %swap3A_1491[%swap3A_1492] {strides = array<i32>} : memref<128xi32, #tpu.memory_space<vmem>>, vector<16xi32>,
      %swap3A_1494 = vector.shape_cast %swap3A_1493 : vector<16xi32> to vector<16xi32>
      %swap3A_1495 = vector.shape_cast %broadcast_in_dim3A_3 : vector<16xi32> to vector<16xi32>
      tpu.vector_store %swap3A_1491[%swap3A_1492], %swap3A_1495 {strides = array<i32>} : memref<128xi32, #tpu.memory_space<vmem>>, vector<16xi32>,
      %swap3A_1496 = arith.constant 1 : i32
      %swap3A_1497 = arith.constant 0 : i32
      %swap3A_1498 = tpu.memref_slice %arg8[%swap3A_1496, %swap3A_1497] : memref<3x128xi32, #tpu.memory_space<vmem>> -> memref<1x128xi32, #tpu.memory_space<vmem>>
      %swap3A_1499 = tpu.memref_squeeze %swap3A_1498 : memref<1x128xi32, #tpu.memory_space<vmem>> -> memref<128xi32, #tpu.memory_space<vmem>>
      %swap3A_1500 = arith.constant 16 : index
      %swap3A_1501 = tpu.vector_load %swap3A_1499[%swap3A_1500] {strides = array<i32>} : memref<128xi32, #tpu.memory_space<vmem>>, vector<16xi32>,
      %swap3A_1502 = vector.shape_cast %swap3A_1501 : vector<16xi32> to vector<16xi32>
      %swap3A_1503 = vector.shape_cast %broadcast_in_dim3A_3 : vector<16xi32> to vector<16xi32>
      tpu.vector_store %swap3A_1499[%swap3A_1500], %swap3A_1503 {strides = array<i32>} : memref<128xi32, #tpu.memory_space<vmem>>, vector<16xi32>,
      %swap3A_1504 = arith.constant 1 : i32
      %swap3A_1505 = arith.constant 0 : i32
      %swap3A_1506 = tpu.memref_slice %arg8[%swap3A_1504, %swap3A_1505] : memref<3x128xi32, #tpu.memory_space<vmem>> -> memref<1x128xi32, #tpu.memory_space<vmem>>
      %swap3A_1507 = tpu.memref_squeeze %swap3A_1506 : memref<1x128xi32, #tpu.memory_space<vmem>> -> memref<128xi32, #tpu.memory_space<vmem>>
      %swap3A_1508 = arith.constant 32 : index
      %swap3A_1509 = tpu.vector_load %swap3A_1507[%swap3A_1508] {strides = array<i32>} : memref<128xi32, #tpu.memory_space<vmem>>, vector<16xi32>,
      %swap3A_1510 = vector.shape_cast %swap3A_1509 : vector<16xi32> to vector<16xi32>
      %swap3A_1511 = vector.shape_cast %broadcast_in_dim3A_3 : vector<16xi32> to vector<16xi32>
      tpu.vector_store %swap3A_1507[%swap3A_1508], %swap3A_1511 {strides = array<i32>} : memref<128xi32, #tpu.memory_space<vmem>>, vector<16xi32>,
      %swap3A_1512 = arith.constant 1 : i32
      %swap3A_1513 = arith.constant 0 : i32
      %swap3A_1514 = tpu.memref_slice %arg8[%swap3A_1512, %swap3A_1513] : memref<3x128xi32, #tpu.memory_space<vmem>> -> memref<1x128xi32, #tpu.memory_space<vmem>>
      %swap3A_1515 = tpu.memref_squeeze %swap3A_1514 : memref<1x128xi32, #tpu.memory_space<vmem>> -> memref<128xi32, #tpu.memory_space<vmem>>
      %swap3A_1516 = arith.constant 48 : index
      %swap3A_1517 = tpu.vector_load %swap3A_1515[%swap3A_1516] {strides = array<i32>} : memref<128xi32, #tpu.memory_space<vmem>>, vector<16xi32>,
      %swap3A_1518 = vector.shape_cast %swap3A_1517 : vector<16xi32> to vector<16xi32>
      %swap3A_1519 = vector.shape_cast %broadcast_in_dim3A_3 : vector<16xi32> to vector<16xi32>
      tpu.vector_store %swap3A_1515[%swap3A_1516], %swap3A_1519 {strides = array<i32>} : memref<128xi32, #tpu.memory_space<vmem>>, vector<16xi32>,
      %swap3A_1520 = arith.constant 1 : i32
      %swap3A_1521 = arith.constant 0 : i32
      %swap3A_1522 = tpu.memref_slice %arg8[%swap3A_1520, %swap3A_1521] : memref<3x128xi32, #tpu.memory_space<vmem>> -> memref<1x128xi32, #tpu.memory_space<vmem>>
      %swap3A_1523 = tpu.memref_squeeze %swap3A_1522 : memref<1x128xi32, #tpu.memory_space<vmem>> -> memref<128xi32, #tpu.memory_space<vmem>>
      %swap3A_1524 = arith.constant 64 : index
      %swap3A_1525 = tpu.vector_load %swap3A_1523[%swap3A_1524] {strides = array<i32>} : memref<128xi32, #tpu.memory_space<vmem>>, vector<16xi32>,
      %swap3A_1526 = vector.shape_cast %swap3A_1525 : vector<16xi32> to vector<16xi32>
      %swap3A_1527 = vector.shape_cast %broadcast_in_dim3A_3 : vector<16xi32> to vector<16xi32>
      tpu.vector_store %swap3A_1523[%swap3A_1524], %swap3A_1527 {strides = array<i32>} : memref<128xi32, #tpu.memory_space<vmem>>, vector<16xi32>,
      %swap3A_1528 = arith.constant 1 : i32
      %swap3A_1529 = arith.constant 0 : i32
      %swap3A_1530 = tpu.memref_slice %arg8[%swap3A_1528, %swap3A_1529] : memref<3x128xi32, #tpu.memory_space<vmem>> -> memref<1x128xi32, #tpu.memory_space<vmem>>
      %swap3A_1531 = tpu.memref_squeeze %swap3A_1530 : memref<1x128xi32, #tpu.memory_space<vmem>> -> memref<128xi32, #tpu.memory_space<vmem>>
      %swap3A_1532 = arith.constant 80 : index
      %swap3A_1533 = tpu.vector_load %swap3A_1531[%swap3A_1532] {strides = array<i32>} : memref<128xi32, #tpu.memory_space<vmem>>, vector<16xi32>,
      %swap3A_1534 = vector.shape_cast %swap3A_1533 : vector<16xi32> to vector<16xi32>
      %swap3A_1535 = vector.shape_cast %broadcast_in_dim3A_3 : vector<16xi32> to vector<16xi32>
      tpu.vector_store %swap3A_1531[%swap3A_1532], %swap3A_1535 {strides = array<i32>} : memref<128xi32, #tpu.memory_space<vmem>>, vector<16xi32>,
      %swap3A_1536 = arith.constant 1 : i32
      %swap3A_1537 = arith.constant 0 : i32
      %swap3A_1538 = tpu.memref_slice %arg8[%swap3A_1536, %swap3A_1537] : memref<3x128xi32, #tpu.memory_space<vmem>> -> memref<1x128xi32, #tpu.memory_space<vmem>>
      %swap3A_1539 = tpu.memref_squeeze %swap3A_1538 : memref<1x128xi32, #tpu.memory_space<vmem>> -> memref<128xi32, #tpu.memory_space<vmem>>
      %swap3A_1540 = arith.constant 96 : index
      %swap3A_1541 = tpu.vector_load %swap3A_1539[%swap3A_1540] {strides = array<i32>} : memref<128xi32, #tpu.memory_space<vmem>>, vector<16xi32>,
      %swap3A_1542 = vector.shape_cast %swap3A_1541 : vector<16xi32> to vector<16xi32>
      %swap3A_1543 = vector.shape_cast %broadcast_in_dim3A_3 : vector<16xi32> to vector<16xi32>
      tpu.vector_store %swap3A_1539[%swap3A_1540], %swap3A_1543 {strides = array<i32>} : memref<128xi32, #tpu.memory_space<vmem>>, vector<16xi32>,
      %swap3A_1544 = arith.constant 1 : i32
      %swap3A_1545 = arith.constant 0 : i32
      %swap3A_1546 = tpu.memref_slice %arg8[%swap3A_1544, %swap3A_1545] : memref<3x128xi32, #tpu.memory_space<vmem>> -> memref<1x128xi32, #tpu.memory_space<vmem>>
      %swap3A_1547 = tpu.memref_squeeze %swap3A_1546 : memref<1x128xi32, #tpu.memory_space<vmem>> -> memref<128xi32, #tpu.memory_space<vmem>>
      %swap3A_1548 = arith.constant 112 : index
      %swap3A_1549 = tpu.vector_load %swap3A_1547[%swap3A_1548] {strides = array<i32>} : memref<128xi32, #tpu.memory_space<vmem>>, vector<16xi32>,
      %swap3A_1550 = vector.shape_cast %swap3A_1549 : vector<16xi32> to vector<16xi32>
      %swap3A_1551 = vector.shape_cast %broadcast_in_dim3A_3 : vector<16xi32> to vector<16xi32>
      tpu.vector_store %swap3A_1547[%swap3A_1548], %swap3A_1551 {strides = array<i32>} : memref<128xi32, #tpu.memory_space<vmem>>, vector<16xi32>,
    } else {
    }
    %dma_start3A_1183 = arith.constant 1 : i32
    %dma_start3A_1184 = arith.constant 0 : i32
    %dma_start3A_1185 = tpu.memref_slice %arg8[%dma_start3A_1183, %dma_start3A_1184] : memref<3x128xi32, #tpu.memory_space<vmem>> -> memref<1x128xi32, #tpu.memory_space<vmem>>
    %dma_start3A_1186 = tpu.memref_squeeze %dma_start3A_1185 : memref<1x128xi32, #tpu.memory_space<vmem>> -> memref<128xi32, #tpu.memory_space<vmem>>
    %dma_start3A_1187 = arith.constant 0 : i32
    %dma_start3A_1188 = arith.constant 0 : i32
    %dma_start3A_1189 = tpu.memref_slice %arg10[%dma_start3A_1187, %dma_start3A_1188] : memref<520x128xf32, #tpu.memory_space<vmem_shared>> -> memref<520x128xf32, #tpu.memory_space<vmem_shared>>
    tpu.enqueue_indirect_dma source(%arg6 : memref<128x128xf32, #tpu.memory_space<vmem>>) target(%dma_start3A_1189 : memref<520x128xf32, #tpu.memory_space<vmem_shared>>) offsets(%dma_start3A_1186 : memref<128xi32, #tpu.memory_space<vmem>>) semaphore(%arg15 : memref<!tpu.dma_semaphore, #tpu.memory_space<semaphore_mem>>) {add = true}
    %dma_wait3A_1190 = arith.constant 0 : i32
    %dma_wait3A_1191 = arith.constant 0 : i32
    %dma_wait3A_1192 = tpu.memref_slice %arg8[%dma_wait3A_1190, %dma_wait3A_1191] : memref<3x128xi32, #tpu.memory_space<vmem>> -> memref<1x128xi32, #tpu.memory_space<vmem>>
    %dma_wait3A_1193 = tpu.memref_squeeze %dma_wait3A_1192 : memref<1x128xi32, #tpu.memory_space<vmem>> -> memref<128xi32, #tpu.memory_space<vmem>>
    %dma_wait3A_1194 = arith.constant 0 : i32
    %dma_wait3A_1195 = arith.constant 0 : i32
    %dma_wait3A_1196 = tpu.memref_slice %arg10[%dma_wait3A_1194, %dma_wait3A_1195] : memref<520x128xf32, #tpu.memory_space<vmem_shared>> -> memref<520x128xf32, #tpu.memory_space<vmem_shared>>
    tpu.wait_indirect_dma semaphore(%arg14 : memref<!tpu.dma_semaphore, #tpu.memory_space<semaphore_mem>>) src(%arg5 : memref<128x128xf32, #tpu.memory_space<vmem>>) dst(%dma_wait3A_1196 : memref<520x128xf32, #tpu.memory_space<vmem_shared>>)
    %add3A_1197 = arith.constant 672 : i32
    %add3A_1198 = arith.addi %add3A_1197, %add3A : i32
    %min3A_1199 = arith.constant 780 : i32
    %min3A_1200 = arith.minsi %add3A_1198, %min3A_1199 : i32
    %mul3A_1201 = arith.constant 128 : i32
    %mul3A_1202 = arith.muli %min3A_1200, %mul3A_1201 : i32
    %multiple_of3A_1203 = tpu.assume_multiple %mul3A_1202, 128 : i32
    %dma_start3A_1204 = arith.constant 0 : i32
    %dma_start3A_1205 = tpu.memref_slice %arg2[%multiple_of3A_1203, %dma_start3A_1204] : memref<100000x128xf32, #tpu.memory_space<hbm>> -> memref<128x128xf32, #tpu.memory_space<hbm>>
    %dma_start3A_1206 = arith.constant 0 : i32
    %dma_start3A_1207 = tpu.memref_slice %arg2[%multiple_of3A_1203, %dma_start3A_1206] : memref<100000x128xf32, #tpu.memory_space<hbm>> -> memref<128x128xf32, #tpu.memory_space<hbm>>
    tpu.enqueue_dma source(%dma_start3A_1207 : memref<128x128xf32, #tpu.memory_space<hbm>>) target(%arg5 : memref<128x128xf32, #tpu.memory_space<vmem>>) target_semaphore(%arg11 : memref<!tpu.dma_semaphore, #tpu.memory_space<semaphore_mem>>)
    %dma_start3A_1208 = arith.constant 0 : i32
    %dma_start3A_1209 = arith.constant 0 : i32
    %dma_start3A_1210 = tpu.memref_slice %arg8[%dma_start3A_1208, %dma_start3A_1209] : memref<3x128xi32, #tpu.memory_space<vmem>> -> memref<1x128xi32, #tpu.memory_space<vmem>>
    %dma_start3A_1211 = tpu.memref_squeeze %dma_start3A_1210 : memref<1x128xi32, #tpu.memory_space<vmem>> -> memref<128xi32, #tpu.memory_space<vmem>>
    %dma_start3A_1212 = tpu.memref_slice %arg3[%multiple_of3A_1203] : memref<100000xi32, #tpu.memory_space<hbm>> -> memref<128xi32, #tpu.memory_space<hbm>>
    %dma_start3A_1213 = arith.constant 0 : i32
    %dma_start3A_1214 = tpu.memref_slice %arg8[%dma_start3A_1208, %dma_start3A_1213] : memref<3x128xi32, #tpu.memory_space<vmem>> -> memref<1x128xi32, #tpu.memory_space<vmem>>
    %dma_start3A_1215 = tpu.memref_squeeze %dma_start3A_1214 : memref<1x128xi32, #tpu.memory_space<vmem>> -> memref<128xi32, #tpu.memory_space<vmem>>
    %dma_start3A_1216 = tpu.memref_slice %arg3[%multiple_of3A_1203] : memref<100000xi32, #tpu.memory_space<hbm>> -> memref<128xi32, #tpu.memory_space<hbm>>
    tpu.enqueue_dma source(%dma_start3A_1216 : memref<128xi32, #tpu.memory_space<hbm>>) target(%dma_start3A_1215 : memref<128xi32, #tpu.memory_space<vmem>>) target_semaphore(%arg11 : memref<!tpu.dma_semaphore, #tpu.memory_space<semaphore_mem>>)
    %dma_wait3A_1217 = arith.constant 0 : i32
    %dma_wait3A_1218 = tpu.memref_slice %arg2[%multiple_of3A_1144, %dma_wait3A_1217] : memref<100000x128xf32, #tpu.memory_space<hbm>> -> memref<128x128xf32, #tpu.memory_space<hbm>>
    %dma_wait3A_1219 = arith.constant 0 : i32
    %dma_wait3A_1220 = tpu.memref_slice %arg2[%multiple_of3A_1144, %dma_wait3A_1219] : memref<100000x128xf32, #tpu.memory_space<hbm>> -> memref<128x128xf32, #tpu.memory_space<hbm>>
    tpu.wait_dma2 semaphore(%arg13 : memref<!tpu.dma_semaphore, #tpu.memory_space<semaphore_mem>>) src(%dma_wait3A_1220 : memref<128x128xf32, #tpu.memory_space<hbm>>) dst(%arg7 : memref<128x128xf32, #tpu.memory_space<vmem>>)
    %dma_wait3A_1221 = arith.constant 2 : i32
    %dma_wait3A_1222 = arith.constant 0 : i32
    %dma_wait3A_1223 = tpu.memref_slice %arg8[%dma_wait3A_1221, %dma_wait3A_1222] : memref<3x128xi32, #tpu.memory_space<vmem>> -> memref<1x128xi32, #tpu.memory_space<vmem>>
    %dma_wait3A_1224 = tpu.memref_squeeze %dma_wait3A_1223 : memref<1x128xi32, #tpu.memory_space<vmem>> -> memref<128xi32, #tpu.memory_space<vmem>>
    %dma_wait3A_1225 = tpu.memref_slice %arg3[%multiple_of3A_1144] : memref<100000xi32, #tpu.memory_space<hbm>> -> memref<128xi32, #tpu.memory_space<hbm>>
    %dma_wait3A_1226 = arith.constant 0 : i32
    %dma_wait3A_1227 = tpu.memref_slice %arg8[%dma_wait3A_1221, %dma_wait3A_1226] : memref<3x128xi32, #tpu.memory_space<vmem>> -> memref<1x128xi32, #tpu.memory_space<vmem>>
    %dma_wait3A_1228 = tpu.memref_squeeze %dma_wait3A_1227 : memref<1x128xi32, #tpu.memory_space<vmem>> -> memref<128xi32, #tpu.memory_space<vmem>>
    %dma_wait3A_1229 = tpu.memref_slice %arg3[%multiple_of3A_1144] : memref<100000xi32, #tpu.memory_space<hbm>> -> memref<128xi32, #tpu.memory_space<hbm>>
    tpu.wait_dma2 semaphore(%arg13 : memref<!tpu.dma_semaphore, #tpu.memory_space<semaphore_mem>>) src(%dma_wait3A_1229 : memref<128xi32, #tpu.memory_space<hbm>>) dst(%dma_wait3A_1228 : memref<128xi32, #tpu.memory_space<vmem>>)
    %add3A_1230 = arith.constant 640 : i32
    %add3A_1231 = arith.addi %add3A_1230, %add3A : i32
    %min3A_1232 = arith.constant 780 : i32
    %min3A_1233 = arith.minsi %add3A_1231, %min3A_1232 : i32
    %mul3A_1234 = arith.constant 128 : i32
    %mul3A_1235 = arith.muli %min3A_1233, %mul3A_1234 : i32
    %multiple_of3A_1236 = tpu.assume_multiple %mul3A_1235, 128 : i32
    %ge3A_1237 = arith.constant 781 : i32
    %ge3A_1238 = arith.cmpi sge, %add3A_1231, %ge3A_1237 : i32
    %convert_element_type3A_1239 = arith.extui %ge3A_1238 : i1 to i32
    %cond3A_1240 = arith.constant 0 : i32
    %cond3A_1241 = arith.cmpi ne, %convert_element_type3A_1239, %cond3A_1240 : i32
    scf.if %cond3A_1241 {
      %swap3A = arith.constant 2 : i32
      %swap3A_1489 = arith.constant 0 : i32
      %swap3A_1490 = tpu.memref_slice %arg8[%swap3A, %swap3A_1489] : memref<3x128xi32, #tpu.memory_space<vmem>> -> memref<1x128xi32, #tpu.memory_space<vmem>>
      %swap3A_1491 = tpu.memref_squeeze %swap3A_1490 : memref<1x128xi32, #tpu.memory_space<vmem>> -> memref<128xi32, #tpu.memory_space<vmem>>
      %swap3A_1492 = arith.constant 0 : index
      %swap3A_1493 = tpu.vector_load %swap3A_1491[%swap3A_1492] {strides = array<i32>} : memref<128xi32, #tpu.memory_space<vmem>>, vector<16xi32>,
      %swap3A_1494 = vector.shape_cast %swap3A_1493 : vector<16xi32> to vector<16xi32>
      %swap3A_1495 = vector.shape_cast %broadcast_in_dim3A_3 : vector<16xi32> to vector<16xi32>
      tpu.vector_store %swap3A_1491[%swap3A_1492], %swap3A_1495 {strides = array<i32>} : memref<128xi32, #tpu.memory_space<vmem>>, vector<16xi32>,
      %swap3A_1496 = arith.constant 2 : i32
      %swap3A_1497 = arith.constant 0 : i32
      %swap3A_1498 = tpu.memref_slice %arg8[%swap3A_1496, %swap3A_1497] : memref<3x128xi32, #tpu.memory_space<vmem>> -> memref<1x128xi32, #tpu.memory_space<vmem>>
      %swap3A_1499 = tpu.memref_squeeze %swap3A_1498 : memref<1x128xi32, #tpu.memory_space<vmem>> -> memref<128xi32, #tpu.memory_space<vmem>>
      %swap3A_1500 = arith.constant 16 : index
      %swap3A_1501 = tpu.vector_load %swap3A_1499[%swap3A_1500] {strides = array<i32>} : memref<128xi32, #tpu.memory_space<vmem>>, vector<16xi32>,
      %swap3A_1502 = vector.shape_cast %swap3A_1501 : vector<16xi32> to vector<16xi32>
      %swap3A_1503 = vector.shape_cast %broadcast_in_dim3A_3 : vector<16xi32> to vector<16xi32>
      tpu.vector_store %swap3A_1499[%swap3A_1500], %swap3A_1503 {strides = array<i32>} : memref<128xi32, #tpu.memory_space<vmem>>, vector<16xi32>,
      %swap3A_1504 = arith.constant 2 : i32
      %swap3A_1505 = arith.constant 0 : i32
      %swap3A_1506 = tpu.memref_slice %arg8[%swap3A_1504, %swap3A_1505] : memref<3x128xi32, #tpu.memory_space<vmem>> -> memref<1x128xi32, #tpu.memory_space<vmem>>
      %swap3A_1507 = tpu.memref_squeeze %swap3A_1506 : memref<1x128xi32, #tpu.memory_space<vmem>> -> memref<128xi32, #tpu.memory_space<vmem>>
      %swap3A_1508 = arith.constant 32 : index
      %swap3A_1509 = tpu.vector_load %swap3A_1507[%swap3A_1508] {strides = array<i32>} : memref<128xi32, #tpu.memory_space<vmem>>, vector<16xi32>,
      %swap3A_1510 = vector.shape_cast %swap3A_1509 : vector<16xi32> to vector<16xi32>
      %swap3A_1511 = vector.shape_cast %broadcast_in_dim3A_3 : vector<16xi32> to vector<16xi32>
      tpu.vector_store %swap3A_1507[%swap3A_1508], %swap3A_1511 {strides = array<i32>} : memref<128xi32, #tpu.memory_space<vmem>>, vector<16xi32>,
      %swap3A_1512 = arith.constant 2 : i32
      %swap3A_1513 = arith.constant 0 : i32
      %swap3A_1514 = tpu.memref_slice %arg8[%swap3A_1512, %swap3A_1513] : memref<3x128xi32, #tpu.memory_space<vmem>> -> memref<1x128xi32, #tpu.memory_space<vmem>>
      %swap3A_1515 = tpu.memref_squeeze %swap3A_1514 : memref<1x128xi32, #tpu.memory_space<vmem>> -> memref<128xi32, #tpu.memory_space<vmem>>
      %swap3A_1516 = arith.constant 48 : index
      %swap3A_1517 = tpu.vector_load %swap3A_1515[%swap3A_1516] {strides = array<i32>} : memref<128xi32, #tpu.memory_space<vmem>>, vector<16xi32>,
      %swap3A_1518 = vector.shape_cast %swap3A_1517 : vector<16xi32> to vector<16xi32>
      %swap3A_1519 = vector.shape_cast %broadcast_in_dim3A_3 : vector<16xi32> to vector<16xi32>
      tpu.vector_store %swap3A_1515[%swap3A_1516], %swap3A_1519 {strides = array<i32>} : memref<128xi32, #tpu.memory_space<vmem>>, vector<16xi32>,
      %swap3A_1520 = arith.constant 2 : i32
      %swap3A_1521 = arith.constant 0 : i32
      %swap3A_1522 = tpu.memref_slice %arg8[%swap3A_1520, %swap3A_1521] : memref<3x128xi32, #tpu.memory_space<vmem>> -> memref<1x128xi32, #tpu.memory_space<vmem>>
      %swap3A_1523 = tpu.memref_squeeze %swap3A_1522 : memref<1x128xi32, #tpu.memory_space<vmem>> -> memref<128xi32, #tpu.memory_space<vmem>>
      %swap3A_1524 = arith.constant 64 : index
      %swap3A_1525 = tpu.vector_load %swap3A_1523[%swap3A_1524] {strides = array<i32>} : memref<128xi32, #tpu.memory_space<vmem>>, vector<16xi32>,
      %swap3A_1526 = vector.shape_cast %swap3A_1525 : vector<16xi32> to vector<16xi32>
      %swap3A_1527 = vector.shape_cast %broadcast_in_dim3A_3 : vector<16xi32> to vector<16xi32>
      tpu.vector_store %swap3A_1523[%swap3A_1524], %swap3A_1527 {strides = array<i32>} : memref<128xi32, #tpu.memory_space<vmem>>, vector<16xi32>,
      %swap3A_1528 = arith.constant 2 : i32
      %swap3A_1529 = arith.constant 0 : i32
      %swap3A_1530 = tpu.memref_slice %arg8[%swap3A_1528, %swap3A_1529] : memref<3x128xi32, #tpu.memory_space<vmem>> -> memref<1x128xi32, #tpu.memory_space<vmem>>
      %swap3A_1531 = tpu.memref_squeeze %swap3A_1530 : memref<1x128xi32, #tpu.memory_space<vmem>> -> memref<128xi32, #tpu.memory_space<vmem>>
      %swap3A_1532 = arith.constant 80 : index
      %swap3A_1533 = tpu.vector_load %swap3A_1531[%swap3A_1532] {strides = array<i32>} : memref<128xi32, #tpu.memory_space<vmem>>, vector<16xi32>,
      %swap3A_1534 = vector.shape_cast %swap3A_1533 : vector<16xi32> to vector<16xi32>
      %swap3A_1535 = vector.shape_cast %broadcast_in_dim3A_3 : vector<16xi32> to vector<16xi32>
      tpu.vector_store %swap3A_1531[%swap3A_1532], %swap3A_1535 {strides = array<i32>} : memref<128xi32, #tpu.memory_space<vmem>>, vector<16xi32>,
      %swap3A_1536 = arith.constant 2 : i32
      %swap3A_1537 = arith.constant 0 : i32
      %swap3A_1538 = tpu.memref_slice %arg8[%swap3A_1536, %swap3A_1537] : memref<3x128xi32, #tpu.memory_space<vmem>> -> memref<1x128xi32, #tpu.memory_space<vmem>>
      %swap3A_1539 = tpu.memref_squeeze %swap3A_1538 : memref<1x128xi32, #tpu.memory_space<vmem>> -> memref<128xi32, #tpu.memory_space<vmem>>
      %swap3A_1540 = arith.constant 96 : index
      %swap3A_1541 = tpu.vector_load %swap3A_1539[%swap3A_1540] {strides = array<i32>} : memref<128xi32, #tpu.memory_space<vmem>>, vector<16xi32>,
      %swap3A_1542 = vector.shape_cast %swap3A_1541 : vector<16xi32> to vector<16xi32>
      %swap3A_1543 = vector.shape_cast %broadcast_in_dim3A_3 : vector<16xi32> to vector<16xi32>
      tpu.vector_store %swap3A_1539[%swap3A_1540], %swap3A_1543 {strides = array<i32>} : memref<128xi32, #tpu.memory_space<vmem>>, vector<16xi32>,
      %swap3A_1544 = arith.constant 2 : i32
      %swap3A_1545 = arith.constant 0 : i32
      %swap3A_1546 = tpu.memref_slice %arg8[%swap3A_1544, %swap3A_1545] : memref<3x128xi32, #tpu.memory_space<vmem>> -> memref<1x128xi32, #tpu.memory_space<vmem>>
      %swap3A_1547 = tpu.memref_squeeze %swap3A_1546 : memref<1x128xi32, #tpu.memory_space<vmem>> -> memref<128xi32, #tpu.memory_space<vmem>>
      %swap3A_1548 = arith.constant 112 : index
      %swap3A_1549 = tpu.vector_load %swap3A_1547[%swap3A_1548] {strides = array<i32>} : memref<128xi32, #tpu.memory_space<vmem>>, vector<16xi32>,
      %swap3A_1550 = vector.shape_cast %swap3A_1549 : vector<16xi32> to vector<16xi32>
      %swap3A_1551 = vector.shape_cast %broadcast_in_dim3A_3 : vector<16xi32> to vector<16xi32>
      tpu.vector_store %swap3A_1547[%swap3A_1548], %swap3A_1551 {strides = array<i32>} : memref<128xi32, #tpu.memory_space<vmem>>, vector<16xi32>,
    } else {
    }
    %dma_start3A_1242 = arith.constant 2 : i32
    %dma_start3A_1243 = arith.constant 0 : i32
    %dma_start3A_1244 = tpu.memref_slice %arg8[%dma_start3A_1242, %dma_start3A_1243] : memref<3x128xi32, #tpu.memory_space<vmem>> -> memref<1x128xi32, #tpu.memory_space<vmem>>
    %dma_start3A_1245 = tpu.memref_squeeze %dma_start3A_1244 : memref<1x128xi32, #tpu.memory_space<vmem>> -> memref<128xi32, #tpu.memory_space<vmem>>
    %dma_start3A_1246 = arith.constant 0 : i32
    %dma_start3A_1247 = arith.constant 0 : i32
    %dma_start3A_1248 = tpu.memref_slice %arg10[%dma_start3A_1246, %dma_start3A_1247] : memref<520x128xf32, #tpu.memory_space<vmem_shared>> -> memref<520x128xf32, #tpu.memory_space<vmem_shared>>
    tpu.enqueue_indirect_dma source(%arg7 : memref<128x128xf32, #tpu.memory_space<vmem>>) target(%dma_start3A_1248 : memref<520x128xf32, #tpu.memory_space<vmem_shared>>) offsets(%dma_start3A_1245 : memref<128xi32, #tpu.memory_space<vmem>>) semaphore(%arg16 : memref<!tpu.dma_semaphore, #tpu.memory_space<semaphore_mem>>) {add = true}
    %dma_wait3A_1249 = arith.constant 1 : i32
    %dma_wait3A_1250 = arith.constant 0 : i32
    %dma_wait3A_1251 = tpu.memref_slice %arg8[%dma_wait3A_1249, %dma_wait3A_1250] : memref<3x128xi32, #tpu.memory_space<vmem>> -> memref<1x128xi32, #tpu.memory_space<vmem>>
    %dma_wait3A_1252 = tpu.memref_squeeze %dma_wait3A_1251 : memref<1x128xi32, #tpu.memory_space<vmem>> -> memref<128xi32, #tpu.memory_space<vmem>>
    %dma_wait3A_1253 = arith.constant 0 : i32
    %dma_wait3A_1254 = arith.constant 0 : i32
    %dma_wait3A_1255 = tpu.memref_slice %arg10[%dma_wait3A_1253, %dma_wait3A_1254] : memref<520x128xf32, #tpu.memory_space<vmem_shared>> -> memref<520x128xf32, #tpu.memory_space<vmem_shared>>
    tpu.wait_indirect_dma semaphore(%arg15 : memref<!tpu.dma_semaphore, #tpu.memory_space<semaphore_mem>>) src(%arg6 : memref<128x128xf32, #tpu.memory_space<vmem>>) dst(%dma_wait3A_1255 : memref<520x128xf32, #tpu.memory_space<vmem_shared>>)
    %add3A_1256 = arith.constant 704 : i32
    %add3A_1257 = arith.addi %add3A_1256, %add3A : i32
    %min3A_1258 = arith.constant 780 : i32
    %min3A_1259 = arith.minsi %add3A_1257, %min3A_1258 : i32
    %mul3A_1260 = arith.constant 128 : i32
    %mul3A_1261 = arith.muli %min3A_1259, %mul3A_1260 : i32
    %multiple_of3A_1262 = tpu.assume_multiple %mul3A_1261, 128 : i32
    %dma_start3A_1263 = arith.constant 0 : i32
    %dma_start3A_1264 = tpu.memref_slice %arg2[%multiple_of3A_1262, %dma_start3A_1263] : memref<100000x128xf32, #tpu.memory_space<hbm>> -> memref<128x128xf32, #tpu.memory_space<hbm>>
    %dma_start3A_1265 = arith.constant 0 : i32
    %dma_start3A_1266 = tpu.memref_slice %arg2[%multiple_of3A_1262, %dma_start3A_1265] : memref<100000x128xf32, #tpu.memory_space<hbm>> -> memref<128x128xf32, #tpu.memory_space<hbm>>
    tpu.enqueue_dma source(%dma_start3A_1266 : memref<128x128xf32, #tpu.memory_space<hbm>>) target(%arg6 : memref<128x128xf32, #tpu.memory_space<vmem>>) target_semaphore(%arg12 : memref<!tpu.dma_semaphore, #tpu.memory_space<semaphore_mem>>)
    %dma_start3A_1267 = arith.constant 1 : i32
    %dma_start3A_1268 = arith.constant 0 : i32
    %dma_start3A_1269 = tpu.memref_slice %arg8[%dma_start3A_1267, %dma_start3A_1268] : memref<3x128xi32, #tpu.memory_space<vmem>> -> memref<1x128xi32, #tpu.memory_space<vmem>>
    %dma_start3A_1270 = tpu.memref_squeeze %dma_start3A_1269 : memref<1x128xi32, #tpu.memory_space<vmem>> -> memref<128xi32, #tpu.memory_space<vmem>>
    %dma_start3A_1271 = tpu.memref_slice %arg3[%multiple_of3A_1262] : memref<100000xi32, #tpu.memory_space<hbm>> -> memref<128xi32, #tpu.memory_space<hbm>>
    %dma_start3A_1272 = arith.constant 0 : i32
    %dma_start3A_1273 = tpu.memref_slice %arg8[%dma_start3A_1267, %dma_start3A_1272] : memref<3x128xi32, #tpu.memory_space<vmem>> -> memref<1x128xi32, #tpu.memory_space<vmem>>
    %dma_start3A_1274 = tpu.memref_squeeze %dma_start3A_1273 : memref<1x128xi32, #tpu.memory_space<vmem>> -> memref<128xi32, #tpu.memory_space<vmem>>
    %dma_start3A_1275 = tpu.memref_slice %arg3[%multiple_of3A_1262] : memref<100000xi32, #tpu.memory_space<hbm>> -> memref<128xi32, #tpu.memory_space<hbm>>
    tpu.enqueue_dma source(%dma_start3A_1275 : memref<128xi32, #tpu.memory_space<hbm>>) target(%dma_start3A_1274 : memref<128xi32, #tpu.memory_space<vmem>>) target_semaphore(%arg12 : memref<!tpu.dma_semaphore, #tpu.memory_space<semaphore_mem>>)
    %dma_wait3A_1276 = arith.constant 0 : i32
    %dma_wait3A_1277 = tpu.memref_slice %arg2[%multiple_of3A_1203, %dma_wait3A_1276] : memref<100000x128xf32, #tpu.memory_space<hbm>> -> memref<128x128xf32, #tpu.memory_space<hbm>>
    %dma_wait3A_1278 = arith.constant 0 : i32
    %dma_wait3A_1279 = tpu.memref_slice %arg2[%multiple_of3A_1203, %dma_wait3A_1278] : memref<100000x128xf32, #tpu.memory_space<hbm>> -> memref<128x128xf32, #tpu.memory_space<hbm>>
    tpu.wait_dma2 semaphore(%arg11 : memref<!tpu.dma_semaphore, #tpu.memory_space<semaphore_mem>>) src(%dma_wait3A_1279 : memref<128x128xf32, #tpu.memory_space<hbm>>) dst(%arg5 : memref<128x128xf32, #tpu.memory_space<vmem>>)
    %dma_wait3A_1280 = arith.constant 0 : i32
    %dma_wait3A_1281 = arith.constant 0 : i32
    %dma_wait3A_1282 = tpu.memref_slice %arg8[%dma_wait3A_1280, %dma_wait3A_1281] : memref<3x128xi32, #tpu.memory_space<vmem>> -> memref<1x128xi32, #tpu.memory_space<vmem>>
    %dma_wait3A_1283 = tpu.memref_squeeze %dma_wait3A_1282 : memref<1x128xi32, #tpu.memory_space<vmem>> -> memref<128xi32, #tpu.memory_space<vmem>>
    %dma_wait3A_1284 = tpu.memref_slice %arg3[%multiple_of3A_1203] : memref<100000xi32, #tpu.memory_space<hbm>> -> memref<128xi32, #tpu.memory_space<hbm>>
    %dma_wait3A_1285 = arith.constant 0 : i32
    %dma_wait3A_1286 = tpu.memref_slice %arg8[%dma_wait3A_1280, %dma_wait3A_1285] : memref<3x128xi32, #tpu.memory_space<vmem>> -> memref<1x128xi32, #tpu.memory_space<vmem>>
    %dma_wait3A_1287 = tpu.memref_squeeze %dma_wait3A_1286 : memref<1x128xi32, #tpu.memory_space<vmem>> -> memref<128xi32, #tpu.memory_space<vmem>>
    %dma_wait3A_1288 = tpu.memref_slice %arg3[%multiple_of3A_1203] : memref<100000xi32, #tpu.memory_space<hbm>> -> memref<128xi32, #tpu.memory_space<hbm>>
    tpu.wait_dma2 semaphore(%arg11 : memref<!tpu.dma_semaphore, #tpu.memory_space<semaphore_mem>>) src(%dma_wait3A_1288 : memref<128xi32, #tpu.memory_space<hbm>>) dst(%dma_wait3A_1287 : memref<128xi32, #tpu.memory_space<vmem>>)
    %add3A_1289 = arith.constant 672 : i32
    %add3A_1290 = arith.addi %add3A_1289, %add3A : i32
    %min3A_1291 = arith.constant 780 : i32
    %min3A_1292 = arith.minsi %add3A_1290, %min3A_1291 : i32
    %mul3A_1293 = arith.constant 128 : i32
    %mul3A_1294 = arith.muli %min3A_1292, %mul3A_1293 : i32
    %multiple_of3A_1295 = tpu.assume_multiple %mul3A_1294, 128 : i32
    %ge3A_1296 = arith.constant 781 : i32
    %ge3A_1297 = arith.cmpi sge, %add3A_1290, %ge3A_1296 : i32
    %convert_element_type3A_1298 = arith.extui %ge3A_1297 : i1 to i32
    %cond3A_1299 = arith.constant 0 : i32
    %cond3A_1300 = arith.cmpi ne, %convert_element_type3A_1298, %cond3A_1299 : i32
    scf.if %cond3A_1300 {
      %swap3A = arith.constant 0 : i32
      %swap3A_1489 = arith.constant 0 : i32
      %swap3A_1490 = tpu.memref_slice %arg8[%swap3A, %swap3A_1489] : memref<3x128xi32, #tpu.memory_space<vmem>> -> memref<1x128xi32, #tpu.memory_space<vmem>>
      %swap3A_1491 = tpu.memref_squeeze %swap3A_1490 : memref<1x128xi32, #tpu.memory_space<vmem>> -> memref<128xi32, #tpu.memory_space<vmem>>
      %swap3A_1492 = arith.constant 0 : index
      %swap3A_1493 = tpu.vector_load %swap3A_1491[%swap3A_1492] {strides = array<i32>} : memref<128xi32, #tpu.memory_space<vmem>>, vector<16xi32>,
      %swap3A_1494 = vector.shape_cast %swap3A_1493 : vector<16xi32> to vector<16xi32>
      %swap3A_1495 = vector.shape_cast %broadcast_in_dim3A_3 : vector<16xi32> to vector<16xi32>
      tpu.vector_store %swap3A_1491[%swap3A_1492], %swap3A_1495 {strides = array<i32>} : memref<128xi32, #tpu.memory_space<vmem>>, vector<16xi32>,
      %swap3A_1496 = arith.constant 0 : i32
      %swap3A_1497 = arith.constant 0 : i32
      %swap3A_1498 = tpu.memref_slice %arg8[%swap3A_1496, %swap3A_1497] : memref<3x128xi32, #tpu.memory_space<vmem>> -> memref<1x128xi32, #tpu.memory_space<vmem>>
      %swap3A_1499 = tpu.memref_squeeze %swap3A_1498 : memref<1x128xi32, #tpu.memory_space<vmem>> -> memref<128xi32, #tpu.memory_space<vmem>>
      %swap3A_1500 = arith.constant 16 : index
      %swap3A_1501 = tpu.vector_load %swap3A_1499[%swap3A_1500] {strides = array<i32>} : memref<128xi32, #tpu.memory_space<vmem>>, vector<16xi32>,
      %swap3A_1502 = vector.shape_cast %swap3A_1501 : vector<16xi32> to vector<16xi32>
      %swap3A_1503 = vector.shape_cast %broadcast_in_dim3A_3 : vector<16xi32> to vector<16xi32>
      tpu.vector_store %swap3A_1499[%swap3A_1500], %swap3A_1503 {strides = array<i32>} : memref<128xi32, #tpu.memory_space<vmem>>, vector<16xi32>,
      %swap3A_1504 = arith.constant 0 : i32
      %swap3A_1505 = arith.constant 0 : i32
      %swap3A_1506 = tpu.memref_slice %arg8[%swap3A_1504, %swap3A_1505] : memref<3x128xi32, #tpu.memory_space<vmem>> -> memref<1x128xi32, #tpu.memory_space<vmem>>
      %swap3A_1507 = tpu.memref_squeeze %swap3A_1506 : memref<1x128xi32, #tpu.memory_space<vmem>> -> memref<128xi32, #tpu.memory_space<vmem>>
      %swap3A_1508 = arith.constant 32 : index
      %swap3A_1509 = tpu.vector_load %swap3A_1507[%swap3A_1508] {strides = array<i32>} : memref<128xi32, #tpu.memory_space<vmem>>, vector<16xi32>,
      %swap3A_1510 = vector.shape_cast %swap3A_1509 : vector<16xi32> to vector<16xi32>
      %swap3A_1511 = vector.shape_cast %broadcast_in_dim3A_3 : vector<16xi32> to vector<16xi32>
      tpu.vector_store %swap3A_1507[%swap3A_1508], %swap3A_1511 {strides = array<i32>} : memref<128xi32, #tpu.memory_space<vmem>>, vector<16xi32>,
      %swap3A_1512 = arith.constant 0 : i32
      %swap3A_1513 = arith.constant 0 : i32
      %swap3A_1514 = tpu.memref_slice %arg8[%swap3A_1512, %swap3A_1513] : memref<3x128xi32, #tpu.memory_space<vmem>> -> memref<1x128xi32, #tpu.memory_space<vmem>>
      %swap3A_1515 = tpu.memref_squeeze %swap3A_1514 : memref<1x128xi32, #tpu.memory_space<vmem>> -> memref<128xi32, #tpu.memory_space<vmem>>
      %swap3A_1516 = arith.constant 48 : index
      %swap3A_1517 = tpu.vector_load %swap3A_1515[%swap3A_1516] {strides = array<i32>} : memref<128xi32, #tpu.memory_space<vmem>>, vector<16xi32>,
      %swap3A_1518 = vector.shape_cast %swap3A_1517 : vector<16xi32> to vector<16xi32>
      %swap3A_1519 = vector.shape_cast %broadcast_in_dim3A_3 : vector<16xi32> to vector<16xi32>
      tpu.vector_store %swap3A_1515[%swap3A_1516], %swap3A_1519 {strides = array<i32>} : memref<128xi32, #tpu.memory_space<vmem>>, vector<16xi32>,
      %swap3A_1520 = arith.constant 0 : i32
      %swap3A_1521 = arith.constant 0 : i32
      %swap3A_1522 = tpu.memref_slice %arg8[%swap3A_1520, %swap3A_1521] : memref<3x128xi32, #tpu.memory_space<vmem>> -> memref<1x128xi32, #tpu.memory_space<vmem>>
      %swap3A_1523 = tpu.memref_squeeze %swap3A_1522 : memref<1x128xi32, #tpu.memory_space<vmem>> -> memref<128xi32, #tpu.memory_space<vmem>>
      %swap3A_1524 = arith.constant 64 : index
      %swap3A_1525 = tpu.vector_load %swap3A_1523[%swap3A_1524] {strides = array<i32>} : memref<128xi32, #tpu.memory_space<vmem>>, vector<16xi32>,
      %swap3A_1526 = vector.shape_cast %swap3A_1525 : vector<16xi32> to vector<16xi32>
      %swap3A_1527 = vector.shape_cast %broadcast_in_dim3A_3 : vector<16xi32> to vector<16xi32>
      tpu.vector_store %swap3A_1523[%swap3A_1524], %swap3A_1527 {strides = array<i32>} : memref<128xi32, #tpu.memory_space<vmem>>, vector<16xi32>,
      %swap3A_1528 = arith.constant 0 : i32
      %swap3A_1529 = arith.constant 0 : i32
      %swap3A_1530 = tpu.memref_slice %arg8[%swap3A_1528, %swap3A_1529] : memref<3x128xi32, #tpu.memory_space<vmem>> -> memref<1x128xi32, #tpu.memory_space<vmem>>
      %swap3A_1531 = tpu.memref_squeeze %swap3A_1530 : memref<1x128xi32, #tpu.memory_space<vmem>> -> memref<128xi32, #tpu.memory_space<vmem>>
      %swap3A_1532 = arith.constant 80 : index
      %swap3A_1533 = tpu.vector_load %swap3A_1531[%swap3A_1532] {strides = array<i32>} : memref<128xi32, #tpu.memory_space<vmem>>, vector<16xi32>,
      %swap3A_1534 = vector.shape_cast %swap3A_1533 : vector<16xi32> to vector<16xi32>
      %swap3A_1535 = vector.shape_cast %broadcast_in_dim3A_3 : vector<16xi32> to vector<16xi32>
      tpu.vector_store %swap3A_1531[%swap3A_1532], %swap3A_1535 {strides = array<i32>} : memref<128xi32, #tpu.memory_space<vmem>>, vector<16xi32>,
      %swap3A_1536 = arith.constant 0 : i32
      %swap3A_1537 = arith.constant 0 : i32
      %swap3A_1538 = tpu.memref_slice %arg8[%swap3A_1536, %swap3A_1537] : memref<3x128xi32, #tpu.memory_space<vmem>> -> memref<1x128xi32, #tpu.memory_space<vmem>>
      %swap3A_1539 = tpu.memref_squeeze %swap3A_1538 : memref<1x128xi32, #tpu.memory_space<vmem>> -> memref<128xi32, #tpu.memory_space<vmem>>
      %swap3A_1540 = arith.constant 96 : index
      %swap3A_1541 = tpu.vector_load %swap3A_1539[%swap3A_1540] {strides = array<i32>} : memref<128xi32, #tpu.memory_space<vmem>>, vector<16xi32>,
      %swap3A_1542 = vector.shape_cast %swap3A_1541 : vector<16xi32> to vector<16xi32>
      %swap3A_1543 = vector.shape_cast %broadcast_in_dim3A_3 : vector<16xi32> to vector<16xi32>
      tpu.vector_store %swap3A_1539[%swap3A_1540], %swap3A_1543 {strides = array<i32>} : memref<128xi32, #tpu.memory_space<vmem>>, vector<16xi32>,
      %swap3A_1544 = arith.constant 0 : i32
      %swap3A_1545 = arith.constant 0 : i32
      %swap3A_1546 = tpu.memref_slice %arg8[%swap3A_1544, %swap3A_1545] : memref<3x128xi32, #tpu.memory_space<vmem>> -> memref<1x128xi32, #tpu.memory_space<vmem>>
      %swap3A_1547 = tpu.memref_squeeze %swap3A_1546 : memref<1x128xi32, #tpu.memory_space<vmem>> -> memref<128xi32, #tpu.memory_space<vmem>>
      %swap3A_1548 = arith.constant 112 : index
      %swap3A_1549 = tpu.vector_load %swap3A_1547[%swap3A_1548] {strides = array<i32>} : memref<128xi32, #tpu.memory_space<vmem>>, vector<16xi32>,
      %swap3A_1550 = vector.shape_cast %swap3A_1549 : vector<16xi32> to vector<16xi32>
      %swap3A_1551 = vector.shape_cast %broadcast_in_dim3A_3 : vector<16xi32> to vector<16xi32>
      tpu.vector_store %swap3A_1547[%swap3A_1548], %swap3A_1551 {strides = array<i32>} : memref<128xi32, #tpu.memory_space<vmem>>, vector<16xi32>,
    } else {
    }
    %dma_start3A_1301 = arith.constant 0 : i32
    %dma_start3A_1302 = arith.constant 0 : i32
    %dma_start3A_1303 = tpu.memref_slice %arg8[%dma_start3A_1301, %dma_start3A_1302] : memref<3x128xi32, #tpu.memory_space<vmem>> -> memref<1x128xi32, #tpu.memory_space<vmem>>
    %dma_start3A_1304 = tpu.memref_squeeze %dma_start3A_1303 : memref<1x128xi32, #tpu.memory_space<vmem>> -> memref<128xi32, #tpu.memory_space<vmem>>
    %dma_start3A_1305 = arith.constant 0 : i32
    %dma_start3A_1306 = arith.constant 0 : i32
    %dma_start3A_1307 = tpu.memref_slice %arg10[%dma_start3A_1305, %dma_start3A_1306] : memref<520x128xf32, #tpu.memory_space<vmem_shared>> -> memref<520x128xf32, #tpu.memory_space<vmem_shared>>
    tpu.enqueue_indirect_dma source(%arg5 : memref<128x128xf32, #tpu.memory_space<vmem>>) target(%dma_start3A_1307 : memref<520x128xf32, #tpu.memory_space<vmem_shared>>) offsets(%dma_start3A_1304 : memref<128xi32, #tpu.memory_space<vmem>>) semaphore(%arg14 : memref<!tpu.dma_semaphore, #tpu.memory_space<semaphore_mem>>) {add = true}
    %dma_wait3A_1308 = arith.constant 2 : i32
    %dma_wait3A_1309 = arith.constant 0 : i32
    %dma_wait3A_1310 = tpu.memref_slice %arg8[%dma_wait3A_1308, %dma_wait3A_1309] : memref<3x128xi32, #tpu.memory_space<vmem>> -> memref<1x128xi32, #tpu.memory_space<vmem>>
    %dma_wait3A_1311 = tpu.memref_squeeze %dma_wait3A_1310 : memref<1x128xi32, #tpu.memory_space<vmem>> -> memref<128xi32, #tpu.memory_space<vmem>>
    %dma_wait3A_1312 = arith.constant 0 : i32
    %dma_wait3A_1313 = arith.constant 0 : i32
    %dma_wait3A_1314 = tpu.memref_slice %arg10[%dma_wait3A_1312, %dma_wait3A_1313] : memref<520x128xf32, #tpu.memory_space<vmem_shared>> -> memref<520x128xf32, #tpu.memory_space<vmem_shared>>
    tpu.wait_indirect_dma semaphore(%arg16 : memref<!tpu.dma_semaphore, #tpu.memory_space<semaphore_mem>>) src(%arg7 : memref<128x128xf32, #tpu.memory_space<vmem>>) dst(%dma_wait3A_1314 : memref<520x128xf32, #tpu.memory_space<vmem_shared>>)
    %add3A_1315 = arith.constant 736 : i32
    %add3A_1316 = arith.addi %add3A_1315, %add3A : i32
    %min3A_1317 = arith.constant 780 : i32
    %min3A_1318 = arith.minsi %add3A_1316, %min3A_1317 : i32
    %mul3A_1319 = arith.constant 128 : i32
    %mul3A_1320 = arith.muli %min3A_1318, %mul3A_1319 : i32
    %multiple_of3A_1321 = tpu.assume_multiple %mul3A_1320, 128 : i32
    %dma_start3A_1322 = arith.constant 0 : i32
    %dma_start3A_1323 = tpu.memref_slice %arg2[%multiple_of3A_1321, %dma_start3A_1322] : memref<100000x128xf32, #tpu.memory_space<hbm>> -> memref<128x128xf32, #tpu.memory_space<hbm>>
    %dma_start3A_1324 = arith.constant 0 : i32
    %dma_start3A_1325 = tpu.memref_slice %arg2[%multiple_of3A_1321, %dma_start3A_1324] : memref<100000x128xf32, #tpu.memory_space<hbm>> -> memref<128x128xf32, #tpu.memory_space<hbm>>
    tpu.enqueue_dma source(%dma_start3A_1325 : memref<128x128xf32, #tpu.memory_space<hbm>>) target(%arg7 : memref<128x128xf32, #tpu.memory_space<vmem>>) target_semaphore(%arg13 : memref<!tpu.dma_semaphore, #tpu.memory_space<semaphore_mem>>)
    %dma_start3A_1326 = arith.constant 2 : i32
    %dma_start3A_1327 = arith.constant 0 : i32
    %dma_start3A_1328 = tpu.memref_slice %arg8[%dma_start3A_1326, %dma_start3A_1327] : memref<3x128xi32, #tpu.memory_space<vmem>> -> memref<1x128xi32, #tpu.memory_space<vmem>>
    %dma_start3A_1329 = tpu.memref_squeeze %dma_start3A_1328 : memref<1x128xi32, #tpu.memory_space<vmem>> -> memref<128xi32, #tpu.memory_space<vmem>>
    %dma_start3A_1330 = tpu.memref_slice %arg3[%multiple_of3A_1321] : memref<100000xi32, #tpu.memory_space<hbm>> -> memref<128xi32, #tpu.memory_space<hbm>>
    %dma_start3A_1331 = arith.constant 0 : i32
    %dma_start3A_1332 = tpu.memref_slice %arg8[%dma_start3A_1326, %dma_start3A_1331] : memref<3x128xi32, #tpu.memory_space<vmem>> -> memref<1x128xi32, #tpu.memory_space<vmem>>
    %dma_start3A_1333 = tpu.memref_squeeze %dma_start3A_1332 : memref<1x128xi32, #tpu.memory_space<vmem>> -> memref<128xi32, #tpu.memory_space<vmem>>
    %dma_start3A_1334 = tpu.memref_slice %arg3[%multiple_of3A_1321] : memref<100000xi32, #tpu.memory_space<hbm>> -> memref<128xi32, #tpu.memory_space<hbm>>
    tpu.enqueue_dma source(%dma_start3A_1334 : memref<128xi32, #tpu.memory_space<hbm>>) target(%dma_start3A_1333 : memref<128xi32, #tpu.memory_space<vmem>>) target_semaphore(%arg13 : memref<!tpu.dma_semaphore, #tpu.memory_space<semaphore_mem>>)
    %dma_wait3A_1335 = arith.constant 0 : i32
    %dma_wait3A_1336 = tpu.memref_slice %arg2[%multiple_of3A_1262, %dma_wait3A_1335] : memref<100000x128xf32, #tpu.memory_space<hbm>> -> memref<128x128xf32, #tpu.memory_space<hbm>>
    %dma_wait3A_1337 = arith.constant 0 : i32
    %dma_wait3A_1338 = tpu.memref_slice %arg2[%multiple_of3A_1262, %dma_wait3A_1337] : memref<100000x128xf32, #tpu.memory_space<hbm>> -> memref<128x128xf32, #tpu.memory_space<hbm>>
    tpu.wait_dma2 semaphore(%arg12 : memref<!tpu.dma_semaphore, #tpu.memory_space<semaphore_mem>>) src(%dma_wait3A_1338 : memref<128x128xf32, #tpu.memory_space<hbm>>) dst(%arg6 : memref<128x128xf32, #tpu.memory_space<vmem>>)
    %dma_wait3A_1339 = arith.constant 1 : i32
    %dma_wait3A_1340 = arith.constant 0 : i32
    %dma_wait3A_1341 = tpu.memref_slice %arg8[%dma_wait3A_1339, %dma_wait3A_1340] : memref<3x128xi32, #tpu.memory_space<vmem>> -> memref<1x128xi32, #tpu.memory_space<vmem>>
    %dma_wait3A_1342 = tpu.memref_squeeze %dma_wait3A_1341 : memref<1x128xi32, #tpu.memory_space<vmem>> -> memref<128xi32, #tpu.memory_space<vmem>>
    %dma_wait3A_1343 = tpu.memref_slice %arg3[%multiple_of3A_1262] : memref<100000xi32, #tpu.memory_space<hbm>> -> memref<128xi32, #tpu.memory_space<hbm>>
    %dma_wait3A_1344 = arith.constant 0 : i32
    %dma_wait3A_1345 = tpu.memref_slice %arg8[%dma_wait3A_1339, %dma_wait3A_1344] : memref<3x128xi32, #tpu.memory_space<vmem>> -> memref<1x128xi32, #tpu.memory_space<vmem>>
    %dma_wait3A_1346 = tpu.memref_squeeze %dma_wait3A_1345 : memref<1x128xi32, #tpu.memory_space<vmem>> -> memref<128xi32, #tpu.memory_space<vmem>>
    %dma_wait3A_1347 = tpu.memref_slice %arg3[%multiple_of3A_1262] : memref<100000xi32, #tpu.memory_space<hbm>> -> memref<128xi32, #tpu.memory_space<hbm>>
    tpu.wait_dma2 semaphore(%arg12 : memref<!tpu.dma_semaphore, #tpu.memory_space<semaphore_mem>>) src(%dma_wait3A_1347 : memref<128xi32, #tpu.memory_space<hbm>>) dst(%dma_wait3A_1346 : memref<128xi32, #tpu.memory_space<vmem>>)
    %add3A_1348 = arith.constant 704 : i32
    %add3A_1349 = arith.addi %add3A_1348, %add3A : i32
    %min3A_1350 = arith.constant 780 : i32
    %min3A_1351 = arith.minsi %add3A_1349, %min3A_1350 : i32
    %mul3A_1352 = arith.constant 128 : i32
    %mul3A_1353 = arith.muli %min3A_1351, %mul3A_1352 : i32
    %multiple_of3A_1354 = tpu.assume_multiple %mul3A_1353, 128 : i32
    %ge3A_1355 = arith.constant 781 : i32
    %ge3A_1356 = arith.cmpi sge, %add3A_1349, %ge3A_1355 : i32
    %convert_element_type3A_1357 = arith.extui %ge3A_1356 : i1 to i32
    %cond3A_1358 = arith.constant 0 : i32
    %cond3A_1359 = arith.cmpi ne, %convert_element_type3A_1357, %cond3A_1358 : i32
    scf.if %cond3A_1359 {
      %swap3A = arith.constant 1 : i32
      %swap3A_1489 = arith.constant 0 : i32
      %swap3A_1490 = tpu.memref_slice %arg8[%swap3A, %swap3A_1489] : memref<3x128xi32, #tpu.memory_space<vmem>> -> memref<1x128xi32, #tpu.memory_space<vmem>>
      %swap3A_1491 = tpu.memref_squeeze %swap3A_1490 : memref<1x128xi32, #tpu.memory_space<vmem>> -> memref<128xi32, #tpu.memory_space<vmem>>
      %swap3A_1492 = arith.constant 0 : index
      %swap3A_1493 = tpu.vector_load %swap3A_1491[%swap3A_1492] {strides = array<i32>} : memref<128xi32, #tpu.memory_space<vmem>>, vector<16xi32>,
      %swap3A_1494 = vector.shape_cast %swap3A_1493 : vector<16xi32> to vector<16xi32>
      %swap3A_1495 = vector.shape_cast %broadcast_in_dim3A_3 : vector<16xi32> to vector<16xi32>
      tpu.vector_store %swap3A_1491[%swap3A_1492], %swap3A_1495 {strides = array<i32>} : memref<128xi32, #tpu.memory_space<vmem>>, vector<16xi32>,
      %swap3A_1496 = arith.constant 1 : i32
      %swap3A_1497 = arith.constant 0 : i32
      %swap3A_1498 = tpu.memref_slice %arg8[%swap3A_1496, %swap3A_1497] : memref<3x128xi32, #tpu.memory_space<vmem>> -> memref<1x128xi32, #tpu.memory_space<vmem>>
      %swap3A_1499 = tpu.memref_squeeze %swap3A_1498 : memref<1x128xi32, #tpu.memory_space<vmem>> -> memref<128xi32, #tpu.memory_space<vmem>>
      %swap3A_1500 = arith.constant 16 : index
      %swap3A_1501 = tpu.vector_load %swap3A_1499[%swap3A_1500] {strides = array<i32>} : memref<128xi32, #tpu.memory_space<vmem>>, vector<16xi32>,
      %swap3A_1502 = vector.shape_cast %swap3A_1501 : vector<16xi32> to vector<16xi32>
      %swap3A_1503 = vector.shape_cast %broadcast_in_dim3A_3 : vector<16xi32> to vector<16xi32>
      tpu.vector_store %swap3A_1499[%swap3A_1500], %swap3A_1503 {strides = array<i32>} : memref<128xi32, #tpu.memory_space<vmem>>, vector<16xi32>,
      %swap3A_1504 = arith.constant 1 : i32
      %swap3A_1505 = arith.constant 0 : i32
      %swap3A_1506 = tpu.memref_slice %arg8[%swap3A_1504, %swap3A_1505] : memref<3x128xi32, #tpu.memory_space<vmem>> -> memref<1x128xi32, #tpu.memory_space<vmem>>
      %swap3A_1507 = tpu.memref_squeeze %swap3A_1506 : memref<1x128xi32, #tpu.memory_space<vmem>> -> memref<128xi32, #tpu.memory_space<vmem>>
      %swap3A_1508 = arith.constant 32 : index
      %swap3A_1509 = tpu.vector_load %swap3A_1507[%swap3A_1508] {strides = array<i32>} : memref<128xi32, #tpu.memory_space<vmem>>, vector<16xi32>,
      %swap3A_1510 = vector.shape_cast %swap3A_1509 : vector<16xi32> to vector<16xi32>
      %swap3A_1511 = vector.shape_cast %broadcast_in_dim3A_3 : vector<16xi32> to vector<16xi32>
      tpu.vector_store %swap3A_1507[%swap3A_1508], %swap3A_1511 {strides = array<i32>} : memref<128xi32, #tpu.memory_space<vmem>>, vector<16xi32>,
      %swap3A_1512 = arith.constant 1 : i32
      %swap3A_1513 = arith.constant 0 : i32
      %swap3A_1514 = tpu.memref_slice %arg8[%swap3A_1512, %swap3A_1513] : memref<3x128xi32, #tpu.memory_space<vmem>> -> memref<1x128xi32, #tpu.memory_space<vmem>>
      %swap3A_1515 = tpu.memref_squeeze %swap3A_1514 : memref<1x128xi32, #tpu.memory_space<vmem>> -> memref<128xi32, #tpu.memory_space<vmem>>
      %swap3A_1516 = arith.constant 48 : index
      %swap3A_1517 = tpu.vector_load %swap3A_1515[%swap3A_1516] {strides = array<i32>} : memref<128xi32, #tpu.memory_space<vmem>>, vector<16xi32>,
      %swap3A_1518 = vector.shape_cast %swap3A_1517 : vector<16xi32> to vector<16xi32>
      %swap3A_1519 = vector.shape_cast %broadcast_in_dim3A_3 : vector<16xi32> to vector<16xi32>
      tpu.vector_store %swap3A_1515[%swap3A_1516], %swap3A_1519 {strides = array<i32>} : memref<128xi32, #tpu.memory_space<vmem>>, vector<16xi32>,
      %swap3A_1520 = arith.constant 1 : i32
      %swap3A_1521 = arith.constant 0 : i32
      %swap3A_1522 = tpu.memref_slice %arg8[%swap3A_1520, %swap3A_1521] : memref<3x128xi32, #tpu.memory_space<vmem>> -> memref<1x128xi32, #tpu.memory_space<vmem>>
      %swap3A_1523 = tpu.memref_squeeze %swap3A_1522 : memref<1x128xi32, #tpu.memory_space<vmem>> -> memref<128xi32, #tpu.memory_space<vmem>>
      %swap3A_1524 = arith.constant 64 : index
      %swap3A_1525 = tpu.vector_load %swap3A_1523[%swap3A_1524] {strides = array<i32>} : memref<128xi32, #tpu.memory_space<vmem>>, vector<16xi32>,
      %swap3A_1526 = vector.shape_cast %swap3A_1525 : vector<16xi32> to vector<16xi32>
      %swap3A_1527 = vector.shape_cast %broadcast_in_dim3A_3 : vector<16xi32> to vector<16xi32>
      tpu.vector_store %swap3A_1523[%swap3A_1524], %swap3A_1527 {strides = array<i32>} : memref<128xi32, #tpu.memory_space<vmem>>, vector<16xi32>,
      %swap3A_1528 = arith.constant 1 : i32
      %swap3A_1529 = arith.constant 0 : i32
      %swap3A_1530 = tpu.memref_slice %arg8[%swap3A_1528, %swap3A_1529] : memref<3x128xi32, #tpu.memory_space<vmem>> -> memref<1x128xi32, #tpu.memory_space<vmem>>
      %swap3A_1531 = tpu.memref_squeeze %swap3A_1530 : memref<1x128xi32, #tpu.memory_space<vmem>> -> memref<128xi32, #tpu.memory_space<vmem>>
      %swap3A_1532 = arith.constant 80 : index
      %swap3A_1533 = tpu.vector_load %swap3A_1531[%swap3A_1532] {strides = array<i32>} : memref<128xi32, #tpu.memory_space<vmem>>, vector<16xi32>,
      %swap3A_1534 = vector.shape_cast %swap3A_1533 : vector<16xi32> to vector<16xi32>
      %swap3A_1535 = vector.shape_cast %broadcast_in_dim3A_3 : vector<16xi32> to vector<16xi32>
      tpu.vector_store %swap3A_1531[%swap3A_1532], %swap3A_1535 {strides = array<i32>} : memref<128xi32, #tpu.memory_space<vmem>>, vector<16xi32>,
      %swap3A_1536 = arith.constant 1 : i32
      %swap3A_1537 = arith.constant 0 : i32
      %swap3A_1538 = tpu.memref_slice %arg8[%swap3A_1536, %swap3A_1537] : memref<3x128xi32, #tpu.memory_space<vmem>> -> memref<1x128xi32, #tpu.memory_space<vmem>>
      %swap3A_1539 = tpu.memref_squeeze %swap3A_1538 : memref<1x128xi32, #tpu.memory_space<vmem>> -> memref<128xi32, #tpu.memory_space<vmem>>
      %swap3A_1540 = arith.constant 96 : index
      %swap3A_1541 = tpu.vector_load %swap3A_1539[%swap3A_1540] {strides = array<i32>} : memref<128xi32, #tpu.memory_space<vmem>>, vector<16xi32>,
      %swap3A_1542 = vector.shape_cast %swap3A_1541 : vector<16xi32> to vector<16xi32>
      %swap3A_1543 = vector.shape_cast %broadcast_in_dim3A_3 : vector<16xi32> to vector<16xi32>
      tpu.vector_store %swap3A_1539[%swap3A_1540], %swap3A_1543 {strides = array<i32>} : memref<128xi32, #tpu.memory_space<vmem>>, vector<16xi32>,
      %swap3A_1544 = arith.constant 1 : i32
      %swap3A_1545 = arith.constant 0 : i32
      %swap3A_1546 = tpu.memref_slice %arg8[%swap3A_1544, %swap3A_1545] : memref<3x128xi32, #tpu.memory_space<vmem>> -> memref<1x128xi32, #tpu.memory_space<vmem>>
      %swap3A_1547 = tpu.memref_squeeze %swap3A_1546 : memref<1x128xi32, #tpu.memory_space<vmem>> -> memref<128xi32, #tpu.memory_space<vmem>>
      %swap3A_1548 = arith.constant 112 : index
      %swap3A_1549 = tpu.vector_load %swap3A_1547[%swap3A_1548] {strides = array<i32>} : memref<128xi32, #tpu.memory_space<vmem>>, vector<16xi32>,
      %swap3A_1550 = vector.shape_cast %swap3A_1549 : vector<16xi32> to vector<16xi32>
      %swap3A_1551 = vector.shape_cast %broadcast_in_dim3A_3 : vector<16xi32> to vector<16xi32>
      tpu.vector_store %swap3A_1547[%swap3A_1548], %swap3A_1551 {strides = array<i32>} : memref<128xi32, #tpu.memory_space<vmem>>, vector<16xi32>,
    } else {
    }
    %dma_start3A_1360 = arith.constant 1 : i32
    %dma_start3A_1361 = arith.constant 0 : i32
    %dma_start3A_1362 = tpu.memref_slice %arg8[%dma_start3A_1360, %dma_start3A_1361] : memref<3x128xi32, #tpu.memory_space<vmem>> -> memref<1x128xi32, #tpu.memory_space<vmem>>
    %dma_start3A_1363 = tpu.memref_squeeze %dma_start3A_1362 : memref<1x128xi32, #tpu.memory_space<vmem>> -> memref<128xi32, #tpu.memory_space<vmem>>
    %dma_start3A_1364 = arith.constant 0 : i32
    %dma_start3A_1365 = arith.constant 0 : i32
    %dma_start3A_1366 = tpu.memref_slice %arg10[%dma_start3A_1364, %dma_start3A_1365] : memref<520x128xf32, #tpu.memory_space<vmem_shared>> -> memref<520x128xf32, #tpu.memory_space<vmem_shared>>
    tpu.enqueue_indirect_dma source(%arg6 : memref<128x128xf32, #tpu.memory_space<vmem>>) target(%dma_start3A_1366 : memref<520x128xf32, #tpu.memory_space<vmem_shared>>) offsets(%dma_start3A_1363 : memref<128xi32, #tpu.memory_space<vmem>>) semaphore(%arg15 : memref<!tpu.dma_semaphore, #tpu.memory_space<semaphore_mem>>) {add = true}
    %dma_wait3A_1367 = arith.constant 0 : i32
    %dma_wait3A_1368 = arith.constant 0 : i32
    %dma_wait3A_1369 = tpu.memref_slice %arg8[%dma_wait3A_1367, %dma_wait3A_1368] : memref<3x128xi32, #tpu.memory_space<vmem>> -> memref<1x128xi32, #tpu.memory_space<vmem>>
    %dma_wait3A_1370 = tpu.memref_squeeze %dma_wait3A_1369 : memref<1x128xi32, #tpu.memory_space<vmem>> -> memref<128xi32, #tpu.memory_space<vmem>>
    %dma_wait3A_1371 = arith.constant 0 : i32
    %dma_wait3A_1372 = arith.constant 0 : i32
    %dma_wait3A_1373 = tpu.memref_slice %arg10[%dma_wait3A_1371, %dma_wait3A_1372] : memref<520x128xf32, #tpu.memory_space<vmem_shared>> -> memref<520x128xf32, #tpu.memory_space<vmem_shared>>
    tpu.wait_indirect_dma semaphore(%arg14 : memref<!tpu.dma_semaphore, #tpu.memory_space<semaphore_mem>>) src(%arg5 : memref<128x128xf32, #tpu.memory_space<vmem>>) dst(%dma_wait3A_1373 : memref<520x128xf32, #tpu.memory_space<vmem_shared>>)
    %add3A_1374 = arith.constant 768 : i32
    %add3A_1375 = arith.addi %add3A_1374, %add3A : i32
    %min3A_1376 = arith.constant 780 : i32
    %min3A_1377 = arith.minsi %add3A_1375, %min3A_1376 : i32
    %mul3A_1378 = arith.constant 128 : i32
    %mul3A_1379 = arith.muli %min3A_1377, %mul3A_1378 : i32
    %multiple_of3A_1380 = tpu.assume_multiple %mul3A_1379, 128 : i32
    %dma_start3A_1381 = arith.constant 0 : i32
    %dma_start3A_1382 = tpu.memref_slice %arg2[%multiple_of3A_1380, %dma_start3A_1381] : memref<100000x128xf32, #tpu.memory_space<hbm>> -> memref<128x128xf32, #tpu.memory_space<hbm>>
    %dma_start3A_1383 = arith.constant 0 : i32
    %dma_start3A_1384 = tpu.memref_slice %arg2[%multiple_of3A_1380, %dma_start3A_1383] : memref<100000x128xf32, #tpu.memory_space<hbm>> -> memref<128x128xf32, #tpu.memory_space<hbm>>
    tpu.enqueue_dma source(%dma_start3A_1384 : memref<128x128xf32, #tpu.memory_space<hbm>>) target(%arg5 : memref<128x128xf32, #tpu.memory_space<vmem>>) target_semaphore(%arg11 : memref<!tpu.dma_semaphore, #tpu.memory_space<semaphore_mem>>)
    %dma_start3A_1385 = arith.constant 0 : i32
    %dma_start3A_1386 = arith.constant 0 : i32
    %dma_start3A_1387 = tpu.memref_slice %arg8[%dma_start3A_1385, %dma_start3A_1386] : memref<3x128xi32, #tpu.memory_space<vmem>> -> memref<1x128xi32, #tpu.memory_space<vmem>>
    %dma_start3A_1388 = tpu.memref_squeeze %dma_start3A_1387 : memref<1x128xi32, #tpu.memory_space<vmem>> -> memref<128xi32, #tpu.memory_space<vmem>>
    %dma_start3A_1389 = tpu.memref_slice %arg3[%multiple_of3A_1380] : memref<100000xi32, #tpu.memory_space<hbm>> -> memref<128xi32, #tpu.memory_space<hbm>>
    %dma_start3A_1390 = arith.constant 0 : i32
    %dma_start3A_1391 = tpu.memref_slice %arg8[%dma_start3A_1385, %dma_start3A_1390] : memref<3x128xi32, #tpu.memory_space<vmem>> -> memref<1x128xi32, #tpu.memory_space<vmem>>
    %dma_start3A_1392 = tpu.memref_squeeze %dma_start3A_1391 : memref<1x128xi32, #tpu.memory_space<vmem>> -> memref<128xi32, #tpu.memory_space<vmem>>
    %dma_start3A_1393 = tpu.memref_slice %arg3[%multiple_of3A_1380] : memref<100000xi32, #tpu.memory_space<hbm>> -> memref<128xi32, #tpu.memory_space<hbm>>
    tpu.enqueue_dma source(%dma_start3A_1393 : memref<128xi32, #tpu.memory_space<hbm>>) target(%dma_start3A_1392 : memref<128xi32, #tpu.memory_space<vmem>>) target_semaphore(%arg11 : memref<!tpu.dma_semaphore, #tpu.memory_space<semaphore_mem>>)
    %dma_wait3A_1394 = arith.constant 0 : i32
    %dma_wait3A_1395 = tpu.memref_slice %arg2[%multiple_of3A_1321, %dma_wait3A_1394] : memref<100000x128xf32, #tpu.memory_space<hbm>> -> memref<128x128xf32, #tpu.memory_space<hbm>>
    %dma_wait3A_1396 = arith.constant 0 : i32
    %dma_wait3A_1397 = tpu.memref_slice %arg2[%multiple_of3A_1321, %dma_wait3A_1396] : memref<100000x128xf32, #tpu.memory_space<hbm>> -> memref<128x128xf32, #tpu.memory_space<hbm>>
    tpu.wait_dma2 semaphore(%arg13 : memref<!tpu.dma_semaphore, #tpu.memory_space<semaphore_mem>>) src(%dma_wait3A_1397 : memref<128x128xf32, #tpu.memory_space<hbm>>) dst(%arg7 : memref<128x128xf32, #tpu.memory_space<vmem>>)
    %dma_wait3A_1398 = arith.constant 2 : i32
    %dma_wait3A_1399 = arith.constant 0 : i32
    %dma_wait3A_1400 = tpu.memref_slice %arg8[%dma_wait3A_1398, %dma_wait3A_1399] : memref<3x128xi32, #tpu.memory_space<vmem>> -> memref<1x128xi32, #tpu.memory_space<vmem>>
    %dma_wait3A_1401 = tpu.memref_squeeze %dma_wait3A_1400 : memref<1x128xi32, #tpu.memory_space<vmem>> -> memref<128xi32, #tpu.memory_space<vmem>>
    %dma_wait3A_1402 = tpu.memref_slice %arg3[%multiple_of3A_1321] : memref<100000xi32, #tpu.memory_space<hbm>> -> memref<128xi32, #tpu.memory_space<hbm>>
    %dma_wait3A_1403 = arith.constant 0 : i32
    %dma_wait3A_1404 = tpu.memref_slice %arg8[%dma_wait3A_1398, %dma_wait3A_1403] : memref<3x128xi32, #tpu.memory_space<vmem>> -> memref<1x128xi32, #tpu.memory_space<vmem>>
    %dma_wait3A_1405 = tpu.memref_squeeze %dma_wait3A_1404 : memref<1x128xi32, #tpu.memory_space<vmem>> -> memref<128xi32, #tpu.memory_space<vmem>>
    %dma_wait3A_1406 = tpu.memref_slice %arg3[%multiple_of3A_1321] : memref<100000xi32, #tpu.memory_space<hbm>> -> memref<128xi32, #tpu.memory_space<hbm>>
    tpu.wait_dma2 semaphore(%arg13 : memref<!tpu.dma_semaphore, #tpu.memory_space<semaphore_mem>>) src(%dma_wait3A_1406 : memref<128xi32, #tpu.memory_space<hbm>>) dst(%dma_wait3A_1405 : memref<128xi32, #tpu.memory_space<vmem>>)
    %add3A_1407 = arith.constant 736 : i32
    %add3A_1408 = arith.addi %add3A_1407, %add3A : i32
    %min3A_1409 = arith.constant 780 : i32
    %min3A_1410 = arith.minsi %add3A_1408, %min3A_1409 : i32
    %mul3A_1411 = arith.constant 128 : i32
    %mul3A_1412 = arith.muli %min3A_1410, %mul3A_1411 : i32
    %multiple_of3A_1413 = tpu.assume_multiple %mul3A_1412, 128 : i32
    %ge3A_1414 = arith.constant 781 : i32
    %ge3A_1415 = arith.cmpi sge, %add3A_1408, %ge3A_1414 : i32
    %convert_element_type3A_1416 = arith.extui %ge3A_1415 : i1 to i32
    %cond3A_1417 = arith.constant 0 : i32
    %cond3A_1418 = arith.cmpi ne, %convert_element_type3A_1416, %cond3A_1417 : i32
    scf.if %cond3A_1418 {
      %swap3A = arith.constant 2 : i32
      %swap3A_1489 = arith.constant 0 : i32
      %swap3A_1490 = tpu.memref_slice %arg8[%swap3A, %swap3A_1489] : memref<3x128xi32, #tpu.memory_space<vmem>> -> memref<1x128xi32, #tpu.memory_space<vmem>>
      %swap3A_1491 = tpu.memref_squeeze %swap3A_1490 : memref<1x128xi32, #tpu.memory_space<vmem>> -> memref<128xi32, #tpu.memory_space<vmem>>
      %swap3A_1492 = arith.constant 0 : index
      %swap3A_1493 = tpu.vector_load %swap3A_1491[%swap3A_1492] {strides = array<i32>} : memref<128xi32, #tpu.memory_space<vmem>>, vector<16xi32>,
      %swap3A_1494 = vector.shape_cast %swap3A_1493 : vector<16xi32> to vector<16xi32>
      %swap3A_1495 = vector.shape_cast %broadcast_in_dim3A_3 : vector<16xi32> to vector<16xi32>
      tpu.vector_store %swap3A_1491[%swap3A_1492], %swap3A_1495 {strides = array<i32>} : memref<128xi32, #tpu.memory_space<vmem>>, vector<16xi32>,
      %swap3A_1496 = arith.constant 2 : i32
      %swap3A_1497 = arith.constant 0 : i32
      %swap3A_1498 = tpu.memref_slice %arg8[%swap3A_1496, %swap3A_1497] : memref<3x128xi32, #tpu.memory_space<vmem>> -> memref<1x128xi32, #tpu.memory_space<vmem>>
      %swap3A_1499 = tpu.memref_squeeze %swap3A_1498 : memref<1x128xi32, #tpu.memory_space<vmem>> -> memref<128xi32, #tpu.memory_space<vmem>>
      %swap3A_1500 = arith.constant 16 : index
      %swap3A_1501 = tpu.vector_load %swap3A_1499[%swap3A_1500] {strides = array<i32>} : memref<128xi32, #tpu.memory_space<vmem>>, vector<16xi32>,
      %swap3A_1502 = vector.shape_cast %swap3A_1501 : vector<16xi32> to vector<16xi32>
      %swap3A_1503 = vector.shape_cast %broadcast_in_dim3A_3 : vector<16xi32> to vector<16xi32>
      tpu.vector_store %swap3A_1499[%swap3A_1500], %swap3A_1503 {strides = array<i32>} : memref<128xi32, #tpu.memory_space<vmem>>, vector<16xi32>,
      %swap3A_1504 = arith.constant 2 : i32
      %swap3A_1505 = arith.constant 0 : i32
      %swap3A_1506 = tpu.memref_slice %arg8[%swap3A_1504, %swap3A_1505] : memref<3x128xi32, #tpu.memory_space<vmem>> -> memref<1x128xi32, #tpu.memory_space<vmem>>
      %swap3A_1507 = tpu.memref_squeeze %swap3A_1506 : memref<1x128xi32, #tpu.memory_space<vmem>> -> memref<128xi32, #tpu.memory_space<vmem>>
      %swap3A_1508 = arith.constant 32 : index
      %swap3A_1509 = tpu.vector_load %swap3A_1507[%swap3A_1508] {strides = array<i32>} : memref<128xi32, #tpu.memory_space<vmem>>, vector<16xi32>,
      %swap3A_1510 = vector.shape_cast %swap3A_1509 : vector<16xi32> to vector<16xi32>
      %swap3A_1511 = vector.shape_cast %broadcast_in_dim3A_3 : vector<16xi32> to vector<16xi32>
      tpu.vector_store %swap3A_1507[%swap3A_1508], %swap3A_1511 {strides = array<i32>} : memref<128xi32, #tpu.memory_space<vmem>>, vector<16xi32>,
      %swap3A_1512 = arith.constant 2 : i32
      %swap3A_1513 = arith.constant 0 : i32
      %swap3A_1514 = tpu.memref_slice %arg8[%swap3A_1512, %swap3A_1513] : memref<3x128xi32, #tpu.memory_space<vmem>> -> memref<1x128xi32, #tpu.memory_space<vmem>>
      %swap3A_1515 = tpu.memref_squeeze %swap3A_1514 : memref<1x128xi32, #tpu.memory_space<vmem>> -> memref<128xi32, #tpu.memory_space<vmem>>
      %swap3A_1516 = arith.constant 48 : index
      %swap3A_1517 = tpu.vector_load %swap3A_1515[%swap3A_1516] {strides = array<i32>} : memref<128xi32, #tpu.memory_space<vmem>>, vector<16xi32>,
      %swap3A_1518 = vector.shape_cast %swap3A_1517 : vector<16xi32> to vector<16xi32>
      %swap3A_1519 = vector.shape_cast %broadcast_in_dim3A_3 : vector<16xi32> to vector<16xi32>
      tpu.vector_store %swap3A_1515[%swap3A_1516], %swap3A_1519 {strides = array<i32>} : memref<128xi32, #tpu.memory_space<vmem>>, vector<16xi32>,
      %swap3A_1520 = arith.constant 2 : i32
      %swap3A_1521 = arith.constant 0 : i32
      %swap3A_1522 = tpu.memref_slice %arg8[%swap3A_1520, %swap3A_1521] : memref<3x128xi32, #tpu.memory_space<vmem>> -> memref<1x128xi32, #tpu.memory_space<vmem>>
      %swap3A_1523 = tpu.memref_squeeze %swap3A_1522 : memref<1x128xi32, #tpu.memory_space<vmem>> -> memref<128xi32, #tpu.memory_space<vmem>>
      %swap3A_1524 = arith.constant 64 : index
      %swap3A_1525 = tpu.vector_load %swap3A_1523[%swap3A_1524] {strides = array<i32>} : memref<128xi32, #tpu.memory_space<vmem>>, vector<16xi32>,
      %swap3A_1526 = vector.shape_cast %swap3A_1525 : vector<16xi32> to vector<16xi32>
      %swap3A_1527 = vector.shape_cast %broadcast_in_dim3A_3 : vector<16xi32> to vector<16xi32>
      tpu.vector_store %swap3A_1523[%swap3A_1524], %swap3A_1527 {strides = array<i32>} : memref<128xi32, #tpu.memory_space<vmem>>, vector<16xi32>,
      %swap3A_1528 = arith.constant 2 : i32
      %swap3A_1529 = arith.constant 0 : i32
      %swap3A_1530 = tpu.memref_slice %arg8[%swap3A_1528, %swap3A_1529] : memref<3x128xi32, #tpu.memory_space<vmem>> -> memref<1x128xi32, #tpu.memory_space<vmem>>
      %swap3A_1531 = tpu.memref_squeeze %swap3A_1530 : memref<1x128xi32, #tpu.memory_space<vmem>> -> memref<128xi32, #tpu.memory_space<vmem>>
      %swap3A_1532 = arith.constant 80 : index
      %swap3A_1533 = tpu.vector_load %swap3A_1531[%swap3A_1532] {strides = array<i32>} : memref<128xi32, #tpu.memory_space<vmem>>, vector<16xi32>,
      %swap3A_1534 = vector.shape_cast %swap3A_1533 : vector<16xi32> to vector<16xi32>
      %swap3A_1535 = vector.shape_cast %broadcast_in_dim3A_3 : vector<16xi32> to vector<16xi32>
      tpu.vector_store %swap3A_1531[%swap3A_1532], %swap3A_1535 {strides = array<i32>} : memref<128xi32, #tpu.memory_space<vmem>>, vector<16xi32>,
      %swap3A_1536 = arith.constant 2 : i32
      %swap3A_1537 = arith.constant 0 : i32
      %swap3A_1538 = tpu.memref_slice %arg8[%swap3A_1536, %swap3A_1537] : memref<3x128xi32, #tpu.memory_space<vmem>> -> memref<1x128xi32, #tpu.memory_space<vmem>>
      %swap3A_1539 = tpu.memref_squeeze %swap3A_1538 : memref<1x128xi32, #tpu.memory_space<vmem>> -> memref<128xi32, #tpu.memory_space<vmem>>
      %swap3A_1540 = arith.constant 96 : index
      %swap3A_1541 = tpu.vector_load %swap3A_1539[%swap3A_1540] {strides = array<i32>} : memref<128xi32, #tpu.memory_space<vmem>>, vector<16xi32>,
      %swap3A_1542 = vector.shape_cast %swap3A_1541 : vector<16xi32> to vector<16xi32>
      %swap3A_1543 = vector.shape_cast %broadcast_in_dim3A_3 : vector<16xi32> to vector<16xi32>
      tpu.vector_store %swap3A_1539[%swap3A_1540], %swap3A_1543 {strides = array<i32>} : memref<128xi32, #tpu.memory_space<vmem>>, vector<16xi32>,
      %swap3A_1544 = arith.constant 2 : i32
      %swap3A_1545 = arith.constant 0 : i32
      %swap3A_1546 = tpu.memref_slice %arg8[%swap3A_1544, %swap3A_1545] : memref<3x128xi32, #tpu.memory_space<vmem>> -> memref<1x128xi32, #tpu.memory_space<vmem>>
      %swap3A_1547 = tpu.memref_squeeze %swap3A_1546 : memref<1x128xi32, #tpu.memory_space<vmem>> -> memref<128xi32, #tpu.memory_space<vmem>>
      %swap3A_1548 = arith.constant 112 : index
      %swap3A_1549 = tpu.vector_load %swap3A_1547[%swap3A_1548] {strides = array<i32>} : memref<128xi32, #tpu.memory_space<vmem>>, vector<16xi32>,
      %swap3A_1550 = vector.shape_cast %swap3A_1549 : vector<16xi32> to vector<16xi32>
      %swap3A_1551 = vector.shape_cast %broadcast_in_dim3A_3 : vector<16xi32> to vector<16xi32>
      tpu.vector_store %swap3A_1547[%swap3A_1548], %swap3A_1551 {strides = array<i32>} : memref<128xi32, #tpu.memory_space<vmem>>, vector<16xi32>,
    } else {
    }
    %dma_start3A_1419 = arith.constant 2 : i32
    %dma_start3A_1420 = arith.constant 0 : i32
    %dma_start3A_1421 = tpu.memref_slice %arg8[%dma_start3A_1419, %dma_start3A_1420] : memref<3x128xi32, #tpu.memory_space<vmem>> -> memref<1x128xi32, #tpu.memory_space<vmem>>
    %dma_start3A_1422 = tpu.memref_squeeze %dma_start3A_1421 : memref<1x128xi32, #tpu.memory_space<vmem>> -> memref<128xi32, #tpu.memory_space<vmem>>
    %dma_start3A_1423 = arith.constant 0 : i32
    %dma_start3A_1424 = arith.constant 0 : i32
    %dma_start3A_1425 = tpu.memref_slice %arg10[%dma_start3A_1423, %dma_start3A_1424] : memref<520x128xf32, #tpu.memory_space<vmem_shared>> -> memref<520x128xf32, #tpu.memory_space<vmem_shared>>
    tpu.enqueue_indirect_dma source(%arg7 : memref<128x128xf32, #tpu.memory_space<vmem>>) target(%dma_start3A_1425 : memref<520x128xf32, #tpu.memory_space<vmem_shared>>) offsets(%dma_start3A_1422 : memref<128xi32, #tpu.memory_space<vmem>>) semaphore(%arg16 : memref<!tpu.dma_semaphore, #tpu.memory_space<semaphore_mem>>) {add = true}
    %dma_wait3A_1426 = arith.constant 1 : i32
    %dma_wait3A_1427 = arith.constant 0 : i32
    %dma_wait3A_1428 = tpu.memref_slice %arg8[%dma_wait3A_1426, %dma_wait3A_1427] : memref<3x128xi32, #tpu.memory_space<vmem>> -> memref<1x128xi32, #tpu.memory_space<vmem>>
    %dma_wait3A_1429 = tpu.memref_squeeze %dma_wait3A_1428 : memref<1x128xi32, #tpu.memory_space<vmem>> -> memref<128xi32, #tpu.memory_space<vmem>>
    %dma_wait3A_1430 = arith.constant 0 : i32
    %dma_wait3A_1431 = arith.constant 0 : i32
    %dma_wait3A_1432 = tpu.memref_slice %arg10[%dma_wait3A_1430, %dma_wait3A_1431] : memref<520x128xf32, #tpu.memory_space<vmem_shared>> -> memref<520x128xf32, #tpu.memory_space<vmem_shared>>
    tpu.wait_indirect_dma semaphore(%arg15 : memref<!tpu.dma_semaphore, #tpu.memory_space<semaphore_mem>>) src(%arg6 : memref<128x128xf32, #tpu.memory_space<vmem>>) dst(%dma_wait3A_1432 : memref<520x128xf32, #tpu.memory_space<vmem_shared>>)
    %dma_wait3A_1433 = arith.constant 0 : i32
    %dma_wait3A_1434 = tpu.memref_slice %arg2[%multiple_of3A_1380, %dma_wait3A_1433] : memref<100000x128xf32, #tpu.memory_space<hbm>> -> memref<128x128xf32, #tpu.memory_space<hbm>>
    %dma_wait3A_1435 = arith.constant 0 : i32
    %dma_wait3A_1436 = tpu.memref_slice %arg2[%multiple_of3A_1380, %dma_wait3A_1435] : memref<100000x128xf32, #tpu.memory_space<hbm>> -> memref<128x128xf32, #tpu.memory_space<hbm>>
    tpu.wait_dma2 semaphore(%arg11 : memref<!tpu.dma_semaphore, #tpu.memory_space<semaphore_mem>>) src(%dma_wait3A_1436 : memref<128x128xf32, #tpu.memory_space<hbm>>) dst(%arg5 : memref<128x128xf32, #tpu.memory_space<vmem>>)
    %dma_wait3A_1437 = arith.constant 0 : i32
    %dma_wait3A_1438 = arith.constant 0 : i32
    %dma_wait3A_1439 = tpu.memref_slice %arg8[%dma_wait3A_1437, %dma_wait3A_1438] : memref<3x128xi32, #tpu.memory_space<vmem>> -> memref<1x128xi32, #tpu.memory_space<vmem>>
    %dma_wait3A_1440 = tpu.memref_squeeze %dma_wait3A_1439 : memref<1x128xi32, #tpu.memory_space<vmem>> -> memref<128xi32, #tpu.memory_space<vmem>>
    %dma_wait3A_1441 = tpu.memref_slice %arg3[%multiple_of3A_1380] : memref<100000xi32, #tpu.memory_space<hbm>> -> memref<128xi32, #tpu.memory_space<hbm>>
    %dma_wait3A_1442 = arith.constant 0 : i32
    %dma_wait3A_1443 = tpu.memref_slice %arg8[%dma_wait3A_1437, %dma_wait3A_1442] : memref<3x128xi32, #tpu.memory_space<vmem>> -> memref<1x128xi32, #tpu.memory_space<vmem>>
    %dma_wait3A_1444 = tpu.memref_squeeze %dma_wait3A_1443 : memref<1x128xi32, #tpu.memory_space<vmem>> -> memref<128xi32, #tpu.memory_space<vmem>>
    %dma_wait3A_1445 = tpu.memref_slice %arg3[%multiple_of3A_1380] : memref<100000xi32, #tpu.memory_space<hbm>> -> memref<128xi32, #tpu.memory_space<hbm>>
    tpu.wait_dma2 semaphore(%arg11 : memref<!tpu.dma_semaphore, #tpu.memory_space<semaphore_mem>>) src(%dma_wait3A_1445 : memref<128xi32, #tpu.memory_space<hbm>>) dst(%dma_wait3A_1444 : memref<128xi32, #tpu.memory_space<vmem>>)
    %add3A_1446 = arith.constant 768 : i32
    %add3A_1447 = arith.addi %add3A_1446, %add3A : i32
    %min3A_1448 = arith.constant 780 : i32
    %min3A_1449 = arith.minsi %add3A_1447, %min3A_1448 : i32
    %mul3A_1450 = arith.constant 128 : i32
    %mul3A_1451 = arith.muli %min3A_1449, %mul3A_1450 : i32
    %multiple_of3A_1452 = tpu.assume_multiple %mul3A_1451, 128 : i32
    %ge3A_1453 = arith.constant 781 : i32
    %ge3A_1454 = arith.cmpi sge, %add3A_1447, %ge3A_1453 : i32
    %convert_element_type3A_1455 = arith.extui %ge3A_1454 : i1 to i32
    %cond3A_1456 = arith.constant 0 : i32
    %cond3A_1457 = arith.cmpi ne, %convert_element_type3A_1455, %cond3A_1456 : i32
    scf.if %cond3A_1457 {
      %swap3A = arith.constant 0 : i32
      %swap3A_1489 = arith.constant 0 : i32
      %swap3A_1490 = tpu.memref_slice %arg8[%swap3A, %swap3A_1489] : memref<3x128xi32, #tpu.memory_space<vmem>> -> memref<1x128xi32, #tpu.memory_space<vmem>>
      %swap3A_1491 = tpu.memref_squeeze %swap3A_1490 : memref<1x128xi32, #tpu.memory_space<vmem>> -> memref<128xi32, #tpu.memory_space<vmem>>
      %swap3A_1492 = arith.constant 0 : index
      %swap3A_1493 = tpu.vector_load %swap3A_1491[%swap3A_1492] {strides = array<i32>} : memref<128xi32, #tpu.memory_space<vmem>>, vector<16xi32>,
      %swap3A_1494 = vector.shape_cast %swap3A_1493 : vector<16xi32> to vector<16xi32>
      %swap3A_1495 = vector.shape_cast %broadcast_in_dim3A_3 : vector<16xi32> to vector<16xi32>
      tpu.vector_store %swap3A_1491[%swap3A_1492], %swap3A_1495 {strides = array<i32>} : memref<128xi32, #tpu.memory_space<vmem>>, vector<16xi32>,
      %swap3A_1496 = arith.constant 0 : i32
      %swap3A_1497 = arith.constant 0 : i32
      %swap3A_1498 = tpu.memref_slice %arg8[%swap3A_1496, %swap3A_1497] : memref<3x128xi32, #tpu.memory_space<vmem>> -> memref<1x128xi32, #tpu.memory_space<vmem>>
      %swap3A_1499 = tpu.memref_squeeze %swap3A_1498 : memref<1x128xi32, #tpu.memory_space<vmem>> -> memref<128xi32, #tpu.memory_space<vmem>>
      %swap3A_1500 = arith.constant 16 : index
      %swap3A_1501 = tpu.vector_load %swap3A_1499[%swap3A_1500] {strides = array<i32>} : memref<128xi32, #tpu.memory_space<vmem>>, vector<16xi32>,
      %swap3A_1502 = vector.shape_cast %swap3A_1501 : vector<16xi32> to vector<16xi32>
      %swap3A_1503 = vector.shape_cast %broadcast_in_dim3A_3 : vector<16xi32> to vector<16xi32>
      tpu.vector_store %swap3A_1499[%swap3A_1500], %swap3A_1503 {strides = array<i32>} : memref<128xi32, #tpu.memory_space<vmem>>, vector<16xi32>,
      %swap3A_1504 = arith.constant 0 : i32
      %swap3A_1505 = arith.constant 0 : i32
      %swap3A_1506 = tpu.memref_slice %arg8[%swap3A_1504, %swap3A_1505] : memref<3x128xi32, #tpu.memory_space<vmem>> -> memref<1x128xi32, #tpu.memory_space<vmem>>
      %swap3A_1507 = tpu.memref_squeeze %swap3A_1506 : memref<1x128xi32, #tpu.memory_space<vmem>> -> memref<128xi32, #tpu.memory_space<vmem>>
      %swap3A_1508 = arith.constant 32 : index
      %swap3A_1509 = tpu.vector_load %swap3A_1507[%swap3A_1508] {strides = array<i32>} : memref<128xi32, #tpu.memory_space<vmem>>, vector<16xi32>,
      %swap3A_1510 = vector.shape_cast %swap3A_1509 : vector<16xi32> to vector<16xi32>
      %swap3A_1511 = vector.shape_cast %broadcast_in_dim3A_3 : vector<16xi32> to vector<16xi32>
      tpu.vector_store %swap3A_1507[%swap3A_1508], %swap3A_1511 {strides = array<i32>} : memref<128xi32, #tpu.memory_space<vmem>>, vector<16xi32>,
      %swap3A_1512 = arith.constant 0 : i32
      %swap3A_1513 = arith.constant 0 : i32
      %swap3A_1514 = tpu.memref_slice %arg8[%swap3A_1512, %swap3A_1513] : memref<3x128xi32, #tpu.memory_space<vmem>> -> memref<1x128xi32, #tpu.memory_space<vmem>>
      %swap3A_1515 = tpu.memref_squeeze %swap3A_1514 : memref<1x128xi32, #tpu.memory_space<vmem>> -> memref<128xi32, #tpu.memory_space<vmem>>
      %swap3A_1516 = arith.constant 48 : index
      %swap3A_1517 = tpu.vector_load %swap3A_1515[%swap3A_1516] {strides = array<i32>} : memref<128xi32, #tpu.memory_space<vmem>>, vector<16xi32>,
      %swap3A_1518 = vector.shape_cast %swap3A_1517 : vector<16xi32> to vector<16xi32>
      %swap3A_1519 = vector.shape_cast %broadcast_in_dim3A_3 : vector<16xi32> to vector<16xi32>
      tpu.vector_store %swap3A_1515[%swap3A_1516], %swap3A_1519 {strides = array<i32>} : memref<128xi32, #tpu.memory_space<vmem>>, vector<16xi32>,
      %swap3A_1520 = arith.constant 0 : i32
      %swap3A_1521 = arith.constant 0 : i32
      %swap3A_1522 = tpu.memref_slice %arg8[%swap3A_1520, %swap3A_1521] : memref<3x128xi32, #tpu.memory_space<vmem>> -> memref<1x128xi32, #tpu.memory_space<vmem>>
      %swap3A_1523 = tpu.memref_squeeze %swap3A_1522 : memref<1x128xi32, #tpu.memory_space<vmem>> -> memref<128xi32, #tpu.memory_space<vmem>>
      %swap3A_1524 = arith.constant 64 : index
      %swap3A_1525 = tpu.vector_load %swap3A_1523[%swap3A_1524] {strides = array<i32>} : memref<128xi32, #tpu.memory_space<vmem>>, vector<16xi32>,
      %swap3A_1526 = vector.shape_cast %swap3A_1525 : vector<16xi32> to vector<16xi32>
      %swap3A_1527 = vector.shape_cast %broadcast_in_dim3A_3 : vector<16xi32> to vector<16xi32>
      tpu.vector_store %swap3A_1523[%swap3A_1524], %swap3A_1527 {strides = array<i32>} : memref<128xi32, #tpu.memory_space<vmem>>, vector<16xi32>,
      %swap3A_1528 = arith.constant 0 : i32
      %swap3A_1529 = arith.constant 0 : i32
      %swap3A_1530 = tpu.memref_slice %arg8[%swap3A_1528, %swap3A_1529] : memref<3x128xi32, #tpu.memory_space<vmem>> -> memref<1x128xi32, #tpu.memory_space<vmem>>
      %swap3A_1531 = tpu.memref_squeeze %swap3A_1530 : memref<1x128xi32, #tpu.memory_space<vmem>> -> memref<128xi32, #tpu.memory_space<vmem>>
      %swap3A_1532 = arith.constant 80 : index
      %swap3A_1533 = tpu.vector_load %swap3A_1531[%swap3A_1532] {strides = array<i32>} : memref<128xi32, #tpu.memory_space<vmem>>, vector<16xi32>,
      %swap3A_1534 = vector.shape_cast %swap3A_1533 : vector<16xi32> to vector<16xi32>
      %swap3A_1535 = vector.shape_cast %broadcast_in_dim3A_3 : vector<16xi32> to vector<16xi32>
      tpu.vector_store %swap3A_1531[%swap3A_1532], %swap3A_1535 {strides = array<i32>} : memref<128xi32, #tpu.memory_space<vmem>>, vector<16xi32>,
      %swap3A_1536 = arith.constant 0 : i32
      %swap3A_1537 = arith.constant 0 : i32
      %swap3A_1538 = tpu.memref_slice %arg8[%swap3A_1536, %swap3A_1537] : memref<3x128xi32, #tpu.memory_space<vmem>> -> memref<1x128xi32, #tpu.memory_space<vmem>>
      %swap3A_1539 = tpu.memref_squeeze %swap3A_1538 : memref<1x128xi32, #tpu.memory_space<vmem>> -> memref<128xi32, #tpu.memory_space<vmem>>
      %swap3A_1540 = arith.constant 96 : index
      %swap3A_1541 = tpu.vector_load %swap3A_1539[%swap3A_1540] {strides = array<i32>} : memref<128xi32, #tpu.memory_space<vmem>>, vector<16xi32>,
      %swap3A_1542 = vector.shape_cast %swap3A_1541 : vector<16xi32> to vector<16xi32>
      %swap3A_1543 = vector.shape_cast %broadcast_in_dim3A_3 : vector<16xi32> to vector<16xi32>
      tpu.vector_store %swap3A_1539[%swap3A_1540], %swap3A_1543 {strides = array<i32>} : memref<128xi32, #tpu.memory_space<vmem>>, vector<16xi32>,
      %swap3A_1544 = arith.constant 0 : i32
      %swap3A_1545 = arith.constant 0 : i32
      %swap3A_1546 = tpu.memref_slice %arg8[%swap3A_1544, %swap3A_1545] : memref<3x128xi32, #tpu.memory_space<vmem>> -> memref<1x128xi32, #tpu.memory_space<vmem>>
      %swap3A_1547 = tpu.memref_squeeze %swap3A_1546 : memref<1x128xi32, #tpu.memory_space<vmem>> -> memref<128xi32, #tpu.memory_space<vmem>>
      %swap3A_1548 = arith.constant 112 : index
      %swap3A_1549 = tpu.vector_load %swap3A_1547[%swap3A_1548] {strides = array<i32>} : memref<128xi32, #tpu.memory_space<vmem>>, vector<16xi32>,
      %swap3A_1550 = vector.shape_cast %swap3A_1549 : vector<16xi32> to vector<16xi32>
      %swap3A_1551 = vector.shape_cast %broadcast_in_dim3A_3 : vector<16xi32> to vector<16xi32>
      tpu.vector_store %swap3A_1547[%swap3A_1548], %swap3A_1551 {strides = array<i32>} : memref<128xi32, #tpu.memory_space<vmem>>, vector<16xi32>,
    } else {
    }
    %dma_start3A_1458 = arith.constant 0 : i32
    %dma_start3A_1459 = arith.constant 0 : i32
    %dma_start3A_1460 = tpu.memref_slice %arg8[%dma_start3A_1458, %dma_start3A_1459] : memref<3x128xi32, #tpu.memory_space<vmem>> -> memref<1x128xi32, #tpu.memory_space<vmem>>
    %dma_start3A_1461 = tpu.memref_squeeze %dma_start3A_1460 : memref<1x128xi32, #tpu.memory_space<vmem>> -> memref<128xi32, #tpu.memory_space<vmem>>
    %dma_start3A_1462 = arith.constant 0 : i32
    %dma_start3A_1463 = arith.constant 0 : i32
    %dma_start3A_1464 = tpu.memref_slice %arg10[%dma_start3A_1462, %dma_start3A_1463] : memref<520x128xf32, #tpu.memory_space<vmem_shared>> -> memref<520x128xf32, #tpu.memory_space<vmem_shared>>
    tpu.enqueue_indirect_dma source(%arg5 : memref<128x128xf32, #tpu.memory_space<vmem>>) target(%dma_start3A_1464 : memref<520x128xf32, #tpu.memory_space<vmem_shared>>) offsets(%dma_start3A_1461 : memref<128xi32, #tpu.memory_space<vmem>>) semaphore(%arg14 : memref<!tpu.dma_semaphore, #tpu.memory_space<semaphore_mem>>) {add = true}
    %dma_wait3A_1465 = arith.constant 2 : i32
    %dma_wait3A_1466 = arith.constant 0 : i32
    %dma_wait3A_1467 = tpu.memref_slice %arg8[%dma_wait3A_1465, %dma_wait3A_1466] : memref<3x128xi32, #tpu.memory_space<vmem>> -> memref<1x128xi32, #tpu.memory_space<vmem>>
    %dma_wait3A_1468 = tpu.memref_squeeze %dma_wait3A_1467 : memref<1x128xi32, #tpu.memory_space<vmem>> -> memref<128xi32, #tpu.memory_space<vmem>>
    %dma_wait3A_1469 = arith.constant 0 : i32
    %dma_wait3A_1470 = arith.constant 0 : i32
    %dma_wait3A_1471 = tpu.memref_slice %arg10[%dma_wait3A_1469, %dma_wait3A_1470] : memref<520x128xf32, #tpu.memory_space<vmem_shared>> -> memref<520x128xf32, #tpu.memory_space<vmem_shared>>
    tpu.wait_indirect_dma semaphore(%arg16 : memref<!tpu.dma_semaphore, #tpu.memory_space<semaphore_mem>>) src(%arg7 : memref<128x128xf32, #tpu.memory_space<vmem>>) dst(%dma_wait3A_1471 : memref<520x128xf32, #tpu.memory_space<vmem_shared>>)
    %dma_wait3A_1472 = arith.constant 0 : i32
    %dma_wait3A_1473 = arith.constant 0 : i32
    %dma_wait3A_1474 = tpu.memref_slice %arg8[%dma_wait3A_1472, %dma_wait3A_1473] : memref<3x128xi32, #tpu.memory_space<vmem>> -> memref<1x128xi32, #tpu.memory_space<vmem>>
    %dma_wait3A_1475 = tpu.memref_squeeze %dma_wait3A_1474 : memref<1x128xi32, #tpu.memory_space<vmem>> -> memref<128xi32, #tpu.memory_space<vmem>>
    %dma_wait3A_1476 = arith.constant 0 : i32
    %dma_wait3A_1477 = arith.constant 0 : i32
    %dma_wait3A_1478 = tpu.memref_slice %arg10[%dma_wait3A_1476, %dma_wait3A_1477] : memref<520x128xf32, #tpu.memory_space<vmem_shared>> -> memref<520x128xf32, #tpu.memory_space<vmem_shared>>
    tpu.wait_indirect_dma semaphore(%arg14 : memref<!tpu.dma_semaphore, #tpu.memory_space<semaphore_mem>>) src(%arg5 : memref<128x128xf32, #tpu.memory_space<vmem>>) dst(%dma_wait3A_1478 : memref<520x128xf32, #tpu.memory_space<vmem_shared>>)
    %eq3A = arith.constant 31 : i32
    %eq3A_1479 = arith.cmpi eq, %add3A, %eq3A : i32
    %convert_element_type3A_1480 = arith.extui %eq3A_1479 : i1 to i32
    %cond3A_1481 = arith.constant 0 : i32
    %cond3A_1482 = arith.cmpi ne, %convert_element_type3A_1480, %cond3A_1481 : i32
    scf.if %cond3A_1482 {
      "tpu.region"() ({
        %run_scoped3A = tpu.sem_alloc : memref<!tpu.dma_semaphore, #tpu.memory_space<semaphore_mem>>
        %dma_start3A_1489 = arith.constant 0 : i32
        %dma_start3A_1490 = arith.constant 0 : i32
        %dma_start3A_1491 = tpu.memref_slice %arg5[%dma_start3A_1489, %dma_start3A_1490] : memref<128x128xf32, #tpu.memory_space<vmem>> -> memref<32x128xf32, #tpu.memory_space<vmem>>
        %dma_start3A_1492 = arith.constant 99968 : i32
        %dma_start3A_1493 = arith.constant 0 : i32
        %dma_start3A_1494 = tpu.memref_slice %arg2[%dma_start3A_1492, %dma_start3A_1493] : memref<100000x128xf32, #tpu.memory_space<hbm>> -> memref<32x128xf32, #tpu.memory_space<hbm>>
        %dma_start3A_1495 = arith.constant 0 : i32
        %dma_start3A_1496 = arith.constant 0 : i32
        %dma_start3A_1497 = tpu.memref_slice %arg5[%dma_start3A_1495, %dma_start3A_1496] : memref<128x128xf32, #tpu.memory_space<vmem>> -> memref<32x128xf32, #tpu.memory_space<vmem>>
        %dma_start3A_1498 = arith.constant 99968 : i32
        %dma_start3A_1499 = arith.constant 0 : i32
        %dma_start3A_1500 = tpu.memref_slice %arg2[%dma_start3A_1498, %dma_start3A_1499] : memref<100000x128xf32, #tpu.memory_space<hbm>> -> memref<32x128xf32, #tpu.memory_space<hbm>>
        tpu.enqueue_dma source(%dma_start3A_1500 : memref<32x128xf32, #tpu.memory_space<hbm>>) target(%dma_start3A_1497 : memref<32x128xf32, #tpu.memory_space<vmem>>) target_semaphore(%run_scoped3A : memref<!tpu.dma_semaphore, #tpu.memory_space<semaphore_mem>>)
        %dma_wait3A_1501 = arith.constant 0 : i32
        %dma_wait3A_1502 = arith.constant 0 : i32
        %dma_wait3A_1503 = tpu.memref_slice %arg5[%dma_wait3A_1501, %dma_wait3A_1502] : memref<128x128xf32, #tpu.memory_space<vmem>> -> memref<32x128xf32, #tpu.memory_space<vmem>>
        %dma_wait3A_1504 = arith.constant 99968 : i32
        %dma_wait3A_1505 = arith.constant 0 : i32
        %dma_wait3A_1506 = tpu.memref_slice %arg2[%dma_wait3A_1504, %dma_wait3A_1505] : memref<100000x128xf32, #tpu.memory_space<hbm>> -> memref<32x128xf32, #tpu.memory_space<hbm>>
        %dma_wait3A_1507 = arith.constant 0 : i32
        %dma_wait3A_1508 = arith.constant 0 : i32
        %dma_wait3A_1509 = tpu.memref_slice %arg5[%dma_wait3A_1507, %dma_wait3A_1508] : memref<128x128xf32, #tpu.memory_space<vmem>> -> memref<32x128xf32, #tpu.memory_space<vmem>>
        %dma_wait3A_1510 = arith.constant 99968 : i32
        %dma_wait3A_1511 = arith.constant 0 : i32
        %dma_wait3A_1512 = tpu.memref_slice %arg2[%dma_wait3A_1510, %dma_wait3A_1511] : memref<100000x128xf32, #tpu.memory_space<hbm>> -> memref<32x128xf32, #tpu.memory_space<hbm>>
        tpu.wait_dma2 semaphore(%run_scoped3A : memref<!tpu.dma_semaphore, #tpu.memory_space<semaphore_mem>>) src(%dma_wait3A_1512 : memref<32x128xf32, #tpu.memory_space<hbm>>) dst(%dma_wait3A_1509 : memref<32x128xf32, #tpu.memory_space<vmem>>)
        tpu.yield
      }) : () -> ()
      "tpu.region"() ({
        %run_scoped3A = tpu.sem_alloc : memref<!tpu.dma_semaphore, #tpu.memory_space<semaphore_mem>>
        %dma_start3A_1489 = arith.constant 99968 : i32
        %dma_start3A_1490 = tpu.memref_slice %arg3[%dma_start3A_1489] : memref<100000xi32, #tpu.memory_space<hbm>> -> memref<32xi32, #tpu.memory_space<hbm>>
        %dma_start3A_1491 = arith.constant 99968 : i32
        %dma_start3A_1492 = tpu.memref_slice %arg3[%dma_start3A_1491] : memref<100000xi32, #tpu.memory_space<hbm>> -> memref<32xi32, #tpu.memory_space<hbm>>
        tpu.enqueue_dma source(%dma_start3A_1492 : memref<32xi32, #tpu.memory_space<hbm>>) target(%arg9 : memref<32xi32, #tpu.memory_space<vmem>>) target_semaphore(%run_scoped3A : memref<!tpu.dma_semaphore, #tpu.memory_space<semaphore_mem>>)
        %dma_wait3A_1493 = arith.constant 99968 : i32
        %dma_wait3A_1494 = tpu.memref_slice %arg3[%dma_wait3A_1493] : memref<100000xi32, #tpu.memory_space<hbm>> -> memref<32xi32, #tpu.memory_space<hbm>>
        %dma_wait3A_1495 = arith.constant 99968 : i32
        %dma_wait3A_1496 = tpu.memref_slice %arg3[%dma_wait3A_1495] : memref<100000xi32, #tpu.memory_space<hbm>> -> memref<32xi32, #tpu.memory_space<hbm>>
        tpu.wait_dma2 semaphore(%run_scoped3A : memref<!tpu.dma_semaphore, #tpu.memory_space<semaphore_mem>>) src(%dma_wait3A_1496 : memref<32xi32, #tpu.memory_space<hbm>>) dst(%arg9 : memref<32xi32, #tpu.memory_space<vmem>>)
        tpu.yield
      }) : () -> ()
      "tpu.region"() ({
        %run_scoped3A = tpu.sem_alloc : memref<!tpu.dma_semaphore, #tpu.memory_space<semaphore_mem>>
        %dma_start3A_1489 = arith.constant 0 : i32
        %dma_start3A_1490 = arith.constant 0 : i32
        %dma_start3A_1491 = tpu.memref_slice %arg5[%dma_start3A_1489, %dma_start3A_1490] : memref<128x128xf32, #tpu.memory_space<vmem>> -> memref<32x128xf32, #tpu.memory_space<vmem>>
        %dma_start3A_1492 = arith.constant 0 : i32
        %dma_start3A_1493 = arith.constant 0 : i32
        %dma_start3A_1494 = tpu.memref_slice %arg10[%dma_start3A_1492, %dma_start3A_1493] : memref<520x128xf32, #tpu.memory_space<vmem_shared>> -> memref<520x128xf32, #tpu.memory_space<vmem_shared>>
        tpu.enqueue_indirect_dma source(%dma_start3A_1491 : memref<32x128xf32, #tpu.memory_space<vmem>>) target(%dma_start3A_1494 : memref<520x128xf32, #tpu.memory_space<vmem_shared>>) offsets(%arg9 : memref<32xi32, #tpu.memory_space<vmem>>) semaphore(%run_scoped3A : memref<!tpu.dma_semaphore, #tpu.memory_space<semaphore_mem>>) {add = true}
        %dma_wait3A_1495 = arith.constant 0 : i32
        %dma_wait3A_1496 = arith.constant 0 : i32
        %dma_wait3A_1497 = tpu.memref_slice %arg5[%dma_wait3A_1495, %dma_wait3A_1496] : memref<128x128xf32, #tpu.memory_space<vmem>> -> memref<32x128xf32, #tpu.memory_space<vmem>>
        %dma_wait3A_1498 = arith.constant 0 : i32
        %dma_wait3A_1499 = arith.constant 0 : i32
        %dma_wait3A_1500 = tpu.memref_slice %arg10[%dma_wait3A_1498, %dma_wait3A_1499] : memref<520x128xf32, #tpu.memory_space<vmem_shared>> -> memref<520x128xf32, #tpu.memory_space<vmem_shared>>
        tpu.wait_indirect_dma semaphore(%run_scoped3A : memref<!tpu.dma_semaphore, #tpu.memory_space<semaphore_mem>>) src(%dma_wait3A_1497 : memref<32x128xf32, #tpu.memory_space<vmem>>) dst(%dma_wait3A_1500 : memref<520x128xf32, #tpu.memory_space<vmem_shared>>)
        tpu.yield
      }) : () -> ()
    } else {
    }
    %barrier3A_1483 = arith.constant 0 : index
    tpu.barrier barrier_id(%barrier3A_1483)
    %eq3A_1484 = arith.constant 0 : i32
    %eq3A_1485 = arith.cmpi eq, %arg1, %eq3A_1484 : i32
    %convert_element_type3A_1486 = arith.extui %eq3A_1485 : i1 to i32
    %cond3A_1487 = arith.constant 0 : i32
    %cond3A_1488 = arith.cmpi ne, %convert_element_type3A_1486, %cond3A_1487 : i32
    scf.if %cond3A_1488 {
      "tpu.region"() ({
        %run_scoped3A = tpu.sem_alloc : memref<!tpu.dma_semaphore, #tpu.memory_space<semaphore_mem>>
        %dma_start3A_1489 = arith.constant 0 : i32
        %dma_start3A_1490 = arith.constant 0 : i32
        %dma_start3A_1491 = tpu.memref_slice %arg4[%arg0, %dma_start3A_1489, %dma_start3A_1490] : memref<2x520x128xf32, #tpu.memory_space<hbm>> -> memref<1x520x128xf32, #tpu.memory_space<hbm>>
        %dma_start3A_1492 = tpu.memref_squeeze %dma_start3A_1491 : memref<1x520x128xf32, #tpu.memory_space<hbm>> -> memref<520x128xf32, #tpu.memory_space<hbm>>
        tpu.enqueue_dma source(%arg10 : memref<520x128xf32, #tpu.memory_space<vmem_shared>>) target(%dma_start3A_1492 : memref<520x128xf32, #tpu.memory_space<hbm>>) target_semaphore(%run_scoped3A : memref<!tpu.dma_semaphore, #tpu.memory_space<semaphore_mem>>)
        %dma_wait3A_1493 = arith.constant 0 : i32
        %dma_wait3A_1494 = arith.constant 0 : i32
        %dma_wait3A_1495 = tpu.memref_slice %arg4[%arg0, %dma_wait3A_1493, %dma_wait3A_1494] : memref<2x520x128xf32, #tpu.memory_space<hbm>> -> memref<1x520x128xf32, #tpu.memory_space<hbm>>
        %dma_wait3A_1496 = tpu.memref_squeeze %dma_wait3A_1495 : memref<1x520x128xf32, #tpu.memory_space<hbm>> -> memref<520x128xf32, #tpu.memory_space<hbm>>
        tpu.wait_dma2 semaphore(%run_scoped3A : memref<!tpu.dma_semaphore, #tpu.memory_space<semaphore_mem>>) src(%arg10 : memref<520x128xf32, #tpu.memory_space<vmem_shared>>) dst(%dma_wait3A_1496 : memref<520x128xf32, #tpu.memory_space<hbm>>)
        tpu.yield
      }) : () -> ()
    } else {
    }
    return
  }
}

module attributes {stable_mosaic.version = 14 : i64} {
  func.func @_vsum_body(%arg0: i32, %arg1: memref<1x1x2048xi32, #tpu.memory_space<vmem>>, %arg2: memref<48x2048xf32, #tpu.memory_space<vmem>>, %arg3: memref<512x48xf32, #tpu.memory_space<vmem>>, %arg4: memref<512x1xf32, #tpu.memory_space<vmem>>) attributes {dimension_semantics = [#tpu.dimension_semantics<arbitrary>], iteration_bounds = array<i64: 49>, scalar_prefetch = 0 : i64, scratch_operands = 0 : i64, tpu.core_type = #tpu.core_type<tc>, window_params = [{transform_indices = @transform_0, window_bounds = array<i64: 1, 1, 2048>}, {transform_indices = @transform_1, window_bounds = array<i64: 48, 2048>}, {pipeline_mode = #tpu.pipeline_mode<synchronous>, transform_indices = @transform_2, window_bounds = array<i64: 512, 48>}, {pipeline_mode = #tpu.pipeline_mode<synchronous>, transform_indices = @transform_3, window_bounds = array<i64: 512, 1>}]} {
    %get3A = arith.constant 0 : index
    %get3A_0 = arith.constant 0 : index
    %get3A_1 = arith.constant 0 : index
    %get3A_2 = vector.load %arg1[%get3A, %get3A_0, %get3A_1] : memref<1x1x2048xi32, #tpu.memory_space<vmem>>, vector<1x1x2048xi32>
    %get3A_3 = vector.shape_cast %get3A_2 : vector<1x1x2048xi32> to vector<2048xi32>
    %reshape3A = vector.shape_cast %get3A_3 : vector<2048xi32> to vector<1x2048xi32>
    %iota3A = tpu.iota {dimensions = array<i32: 0>} : vector<512x2048xi32>
    %eq3A = vector.broadcast %reshape3A : vector<1x2048xi32> to vector<512x2048xi32>
    %eq3A_4 = arith.cmpi eq, %iota3A, %eq3A : vector<512x2048xi32>
    %convert_element_type3A = arith.extui %eq3A_4 : vector<512x2048xi1> to vector<512x2048xi32>
    %convert_element_type3A_5 = arith.sitofp %convert_element_type3A : vector<512x2048xi32> to vector<512x2048xf32>
    %lt3A = arith.constant 512 : i32
    %lt3A_6 = vector.broadcast %lt3A : i32 to vector<1x2048xi32>
    %lt3A_7 = arith.cmpi slt, %reshape3A, %lt3A_6 : vector<1x2048xi32>
    %get3A_8 = arith.constant 0 : index
    %get3A_9 = arith.constant 0 : index
    %get3A_10 = vector.load %arg2[%get3A_8, %get3A_9] : memref<48x2048xf32, #tpu.memory_space<vmem>>, vector<48x2048xf32>
    %jit3A = arith.constant 0.000000e+00 : f32
    %broadcast_in_dim3A = vector.shape_cast %lt3A_7 : vector<1x2048xi1> to vector<1x2048xi1>
    %broadcast_in_dim3A_11 = vector.broadcast %broadcast_in_dim3A : vector<1x2048xi1> to vector<48x2048xi1>
    %broadcast_in_dim3A_12 = vector.broadcast %jit3A : f32 to vector<48x2048xf32>
    %select_n3A = arith.select %broadcast_in_dim3A_11, %get3A_10, %broadcast_in_dim3A_12 : vector<48x2048xi1>, vector<48x2048xf32>
    %dot_general3A = arith.constant dense<0.000000e+00> : vector<512x48xf32>
    %dot_general3A_13 = tpu.matmul %convert_element_type3A_5, %select_n3A, %dot_general3A {dimension_numbers = #tpu.dot_dimension_numbers<[1], [1], [0], [0], [0, 0, 1, 0], [], []>, transpose_lhs_hint = false} : vector<512x2048xf32>, vector<48x2048xf32>, vector<512x48xf32> -> vector<512x48xf32>
    %reduce_sum3A = arith.constant dense<0.000000e+00> : vector<512xf32>
    %reduce_sum3A_14 = vector.multi_reduction <add>, %convert_element_type3A_5, %reduce_sum3A [1] : vector<512x2048xf32> to vector<512xf32>
    %broadcast_in_dim3A_15 = vector.shape_cast %reduce_sum3A_14 : vector<512xf32> to vector<512x1xf32>
    %eq3A_16 = arith.constant 0 : i32
    %eq3A_17 = arith.cmpi eq, %arg0, %eq3A_16 : i32
    %convert_element_type3A_18 = arith.extui %eq3A_17 : i1 to i32
    %cond3A = arith.constant 0 : i32
    %cond3A_19 = arith.cmpi ne, %convert_element_type3A_18, %cond3A : i32
    scf.if %cond3A_19 {
      %swap3A = arith.constant 0 : index
      %swap3A_24 = arith.constant 0 : index
      %swap3A_25 = vector.load %arg3[%swap3A, %swap3A_24] : memref<512x48xf32, #tpu.memory_space<vmem>>, vector<512x48xf32>
      tpu.vector_store %arg3[%swap3A, %swap3A_24], %dot_general3A_13 {strides = array<i32>} : memref<512x48xf32, #tpu.memory_space<vmem>>, vector<512x48xf32>,
      %swap3A_26 = arith.constant 0 : index
      %swap3A_27 = arith.constant 0 : index
      %swap3A_28 = vector.load %arg4[%swap3A_26, %swap3A_27] : memref<512x1xf32, #tpu.memory_space<vmem>>, vector<512x1xf32>
      tpu.vector_store %arg4[%swap3A_26, %swap3A_27], %broadcast_in_dim3A_15 {strides = array<i32>} : memref<512x1xf32, #tpu.memory_space<vmem>>, vector<512x1xf32>,
    } else {
    }
    %ne3A = arith.constant 0 : i32
    %ne3A_20 = arith.cmpi ne, %arg0, %ne3A : i32
    %convert_element_type3A_21 = arith.extui %ne3A_20 : i1 to i32
    %cond3A_22 = arith.constant 0 : i32
    %cond3A_23 = arith.cmpi ne, %convert_element_type3A_21, %cond3A_22 : i32
    scf.if %cond3A_23 {
      %get3A_24 = arith.constant 0 : index
      %get3A_25 = arith.constant 0 : index
      %get3A_26 = vector.load %arg3[%get3A_24, %get3A_25] : memref<512x48xf32, #tpu.memory_space<vmem>>, vector<512x48xf32>
      %add3A = arith.addf %get3A_26, %dot_general3A_13 : vector<512x48xf32>
      %swap3A = arith.constant 0 : index
      %swap3A_27 = arith.constant 0 : index
      %swap3A_28 = vector.load %arg3[%swap3A, %swap3A_27] : memref<512x48xf32, #tpu.memory_space<vmem>>, vector<512x48xf32>
      tpu.vector_store %arg3[%swap3A, %swap3A_27], %add3A {strides = array<i32>} : memref<512x48xf32, #tpu.memory_space<vmem>>, vector<512x48xf32>,
      %get3A_29 = arith.constant 0 : index
      %get3A_30 = arith.constant 0 : index
      %get3A_31 = vector.load %arg4[%get3A_29, %get3A_30] : memref<512x1xf32, #tpu.memory_space<vmem>>, vector<512x1xf32>
      %add3A_32 = arith.addf %get3A_31, %broadcast_in_dim3A_15 : vector<512x1xf32>
      %swap3A_33 = arith.constant 0 : index
      %swap3A_34 = arith.constant 0 : index
      %swap3A_35 = vector.load %arg4[%swap3A_33, %swap3A_34] : memref<512x1xf32, #tpu.memory_space<vmem>>, vector<512x1xf32>
      tpu.vector_store %arg4[%swap3A_33, %swap3A_34], %add3A_32 {strides = array<i32>} : memref<512x1xf32, #tpu.memory_space<vmem>>, vector<512x1xf32>,
    } else {
    }
    return
  }
  func.func @transform_0(%arg0: i32) -> (i32, i32, i32) {
    %c0_i32 = arith.constant 0 : i32
    %c0_i32_0 = arith.constant 0 : i32
    %c0_i32_1 = arith.constant 0 : i32
    return %arg0, %c0_i32, %c0_i32_0 : i32, i32, i32
  }
  func.func @transform_1(%arg0: i32) -> (i32, i32) {
    %c0_i32 = arith.constant 0 : i32
    %c0_i32_0 = arith.constant 0 : i32
    return %c0_i32, %arg0 : i32, i32
  }
  func.func @transform_2(%arg0: i32) -> (i32, i32) {
    %c0_i32 = arith.constant 0 : i32
    %c0_i32_0 = arith.constant 0 : i32
    %c0_i32_1 = arith.constant 0 : i32
    return %c0_i32, %c0_i32_0 : i32, i32
  }
  func.func @transform_3(%arg0: i32) -> (i32, i32) {
    %c0_i32 = arith.constant 0 : i32
    %c0_i32_0 = arith.constant 0 : i32
    %c0_i32_1 = arith.constant 0 : i32
    return %c0_i32, %c0_i32_0 : i32, i32
  }
}

module attributes {stable_mosaic.version = 14 : i64} {
  func.func @_epilogue(%arg0: memref<2x520x128xf32, #tpu.memory_space<vmem>>, %arg1: memref<512x48xf32, #tpu.memory_space<vmem>>, %arg2: memref<512x1xf32, #tpu.memory_space<vmem>>, %arg3: memref<512x8xf32, #tpu.memory_space<vmem>>, %arg4: memref<512x3xf32, #tpu.memory_space<vmem>>, %arg5: memref<128x16xf32, #tpu.memory_space<vmem>>, %arg6: memref<8x16xf32, #tpu.memory_space<vmem>>, %arg7: memref<1x16xf32, #tpu.memory_space<vmem>>, %arg8: memref<16x17xf32, #tpu.memory_space<vmem>>, %arg9: memref<1x17xf32, #tpu.memory_space<vmem>>, %arg10: memref<17x3xf32, #tpu.memory_space<vmem>>, %arg11: memref<17x8xf32, #tpu.memory_space<vmem>>, %arg12: memref<16x8xf32, #tpu.memory_space<vmem>>, %arg13: memref<1x8xf32, #tpu.memory_space<vmem>>, %arg14: memref<8x3xf32, #tpu.memory_space<vmem>>, %arg15: memref<1x3xf32, #tpu.memory_space<vmem>>, %arg16: memref<3x3xf32, #tpu.memory_space<vmem>>, %arg17: memref<3x3xf32, #tpu.memory_space<vmem>>, %arg18: memref<3x3xf32, #tpu.memory_space<vmem>>, %arg19: memref<8x3xf32, #tpu.memory_space<vmem>>, %arg20: memref<1x3xf32, #tpu.memory_space<vmem>>, %arg21: memref<3x3xf32, #tpu.memory_space<vmem>>, %arg22: memref<1x3xf32, #tpu.memory_space<vmem>>, %arg23: memref<512x3xf32, #tpu.memory_space<vmem>>, %arg24: memref<512x9xf32, #tpu.memory_space<vmem>>) attributes {dimension_semantics = [], scalar_prefetch = 0 : i64, scratch_operands = 0 : i64, tpu.core_type = #tpu.core_type<tc>} {
    %get3A = arith.constant 0 : index
    %get3A_0 = arith.constant 0 : index
    %get3A_1 = arith.constant 0 : index
    %get3A_2 = vector.load %arg0[%get3A, %get3A_0, %get3A_1] : memref<2x520x128xf32, #tpu.memory_space<vmem>>, vector<1x520x128xf32>
    %get3A_3 = vector.shape_cast %get3A_2 : vector<1x520x128xf32> to vector<520x128xf32>
    %get3A_4 = arith.constant 1 : index
    %get3A_5 = arith.constant 0 : index
    %get3A_6 = arith.constant 0 : index
    %get3A_7 = vector.load %arg0[%get3A_4, %get3A_5, %get3A_6] : memref<2x520x128xf32, #tpu.memory_space<vmem>>, vector<1x520x128xf32>
    %get3A_8 = vector.shape_cast %get3A_7 : vector<1x520x128xf32> to vector<520x128xf32>
    %add3A = arith.addf %get3A_3, %get3A_8 : vector<520x128xf32>
    %slice3A = vector.extract_strided_slice %add3A {offsets = [0, 0], sizes = [512, 128], strides = [1, 1]} : vector<520x128xf32> to vector<512x128xf32>
    %get3A_9 = arith.constant 0 : index
    %get3A_10 = arith.constant 0 : index
    %get3A_11 = vector.load %arg1[%get3A_9, %get3A_10] : memref<512x48xf32, #tpu.memory_space<vmem>>, vector<512x48xf32>
    %get3A_12 = arith.constant 0 : index
    %get3A_13 = arith.constant 0 : index
    %get3A_14 = vector.load %arg2[%get3A_12, %get3A_13] : memref<512x1xf32, #tpu.memory_space<vmem>>, vector<512x1xf32>
    %max3A = arith.constant 1.000000e+00 : f32
    %max3A_15 = vector.broadcast %max3A : f32 to vector<512x1xf32>
    %max3A_16 = arith.maximumf %get3A_14, %max3A_15 : vector<512x1xf32>
    %div3A = arith.constant 1.000000e+00 : f32
    %div3A_17 = vector.broadcast %div3A : f32 to vector<512x1xf32>
    %div3A_18 = arith.divf %div3A_17, %max3A_16 : vector<512x1xf32>
    %mul3A = vector.broadcast %div3A_18 : vector<512x1xf32> to vector<512x128xf32>
    %mul3A_19 = arith.mulf %slice3A, %mul3A : vector<512x128xf32>
    %mul3A_20 = vector.broadcast %div3A_18 : vector<512x1xf32> to vector<512x48xf32>
    %mul3A_21 = arith.mulf %get3A_11, %mul3A_20 : vector<512x48xf32>
    %get3A_22 = arith.constant 0 : index
    %get3A_23 = arith.constant 0 : index
    %get3A_24 = vector.load %arg5[%get3A_22, %get3A_23] : memref<128x16xf32, #tpu.memory_space<vmem>>, vector<128x16xf32>
    %dot_general3A = arith.constant dense<0.000000e+00> : vector<512x16xf32>
    %dot_general3A_25 = tpu.matmul %mul3A_19, %get3A_24, %dot_general3A {dimension_numbers = #tpu.dot_dimension_numbers<[1], [0], [0], [1], [0, 0, 1, 1], [], []>, transpose_lhs_hint = false} : vector<512x128xf32>, vector<128x16xf32>, vector<512x16xf32> -> vector<512x16xf32>
    %get3A_26 = arith.constant 0 : index
    %get3A_27 = arith.constant 0 : index
    %get3A_28 = vector.load %arg3[%get3A_26, %get3A_27] : memref<512x8xf32, #tpu.memory_space<vmem>>, vector<512x8xf32>
    %get3A_29 = arith.constant 0 : index
    %get3A_30 = arith.constant 0 : index
    %get3A_31 = vector.load %arg6[%get3A_29, %get3A_30] : memref<8x16xf32, #tpu.memory_space<vmem>>, vector<8x16xf32>
    %dot_general3A_32 = arith.constant dense<0.000000e+00> : vector<512x16xf32>
    %dot_general3A_33 = tpu.matmul %get3A_28, %get3A_31, %dot_general3A_32 {dimension_numbers = #tpu.dot_dimension_numbers<[1], [0], [0], [1], [0, 0, 1, 1], [], []>, transpose_lhs_hint = false} : vector<512x8xf32>, vector<8x16xf32>, vector<512x16xf32> -> vector<512x16xf32>
    %add3A_34 = arith.addf %dot_general3A_25, %dot_general3A_33 : vector<512x16xf32>
    %get3A_35 = arith.constant 0 : index
    %get3A_36 = arith.constant 0 : index
    %get3A_37 = vector.load %arg7[%get3A_35, %get3A_36] : memref<1x16xf32, #tpu.memory_space<vmem>>, vector<1x16xf32>
    %add3A_38 = vector.broadcast %get3A_37 : vector<1x16xf32> to vector<512x16xf32>
    %add3A_39 = arith.addf %add3A_34, %add3A_38 : vector<512x16xf32>
    %get3A_40 = arith.constant 0 : index
    %get3A_41 = arith.constant 0 : index
    %get3A_42 = vector.load %arg4[%get3A_40, %get3A_41] : memref<512x3xf32, #tpu.memory_space<vmem>>, vector<512x3xf32>
    %slice3A_43 = vector.extract_strided_slice %mul3A_21 {offsets = [0, 0], sizes = [512, 16], strides = [1, 1]} : vector<512x48xf32> to vector<512x16xf32>
    %get3A_44 = arith.constant 0 : index
    %get3A_45 = arith.constant 0 : index
    %get3A_46 = vector.load %arg8[%get3A_44, %get3A_45] : memref<16x17xf32, #tpu.memory_space<vmem>>, vector<16x17xf32>
    %dot_general3A_47 = arith.constant dense<0.000000e+00> : vector<512x17xf32>
    %dot_general3A_48 = tpu.matmul %slice3A_43, %get3A_46, %dot_general3A_47 {dimension_numbers = #tpu.dot_dimension_numbers<[1], [0], [0], [1], [0, 0, 1, 1], [], []>, transpose_lhs_hint = false} : vector<512x16xf32>, vector<16x17xf32>, vector<512x17xf32> -> vector<512x17xf32>
    %slice3A_49 = vector.extract_strided_slice %get3A_42 {offsets = [0, 0], sizes = [512, 1], strides = [1, 1]} : vector<512x3xf32> to vector<512x1xf32>
    %get3A_50 = arith.constant 0 : index
    %get3A_51 = arith.constant 0 : index
    %get3A_52 = vector.load %arg9[%get3A_50, %get3A_51] : memref<1x17xf32, #tpu.memory_space<vmem>>, vector<1x17xf32>
    %mul3A_53 = vector.broadcast %slice3A_49 : vector<512x1xf32> to vector<512x17xf32>
    %mul3A_54 = vector.broadcast %get3A_52 : vector<1x17xf32> to vector<512x17xf32>
    %mul3A_55 = arith.mulf %mul3A_53, %mul3A_54 : vector<512x17xf32>
    %add3A_56 = arith.addf %dot_general3A_48, %mul3A_55 : vector<512x17xf32>
    %slice3A_57 = vector.extract_strided_slice %mul3A_21 {offsets = [0, 16], sizes = [512, 16], strides = [1, 1]} : vector<512x48xf32> to vector<512x16xf32>
    %get3A_58 = arith.constant 0 : index
    %get3A_59 = arith.constant 0 : index
    %get3A_60 = vector.load %arg8[%get3A_58, %get3A_59] : memref<16x17xf32, #tpu.memory_space<vmem>>, vector<16x17xf32>
    %dot_general3A_61 = arith.constant dense<0.000000e+00> : vector<512x17xf32>
    %dot_general3A_62 = tpu.matmul %slice3A_57, %get3A_60, %dot_general3A_61 {dimension_numbers = #tpu.dot_dimension_numbers<[1], [0], [0], [1], [0, 0, 1, 1], [], []>, transpose_lhs_hint = false} : vector<512x16xf32>, vector<16x17xf32>, vector<512x17xf32> -> vector<512x17xf32>
    %slice3A_63 = vector.extract_strided_slice %get3A_42 {offsets = [0, 1], sizes = [512, 1], strides = [1, 1]} : vector<512x3xf32> to vector<512x1xf32>
    %get3A_64 = arith.constant 0 : index
    %get3A_65 = arith.constant 0 : index
    %get3A_66 = vector.load %arg9[%get3A_64, %get3A_65] : memref<1x17xf32, #tpu.memory_space<vmem>>, vector<1x17xf32>
    %mul3A_67 = vector.broadcast %slice3A_63 : vector<512x1xf32> to vector<512x17xf32>
    %mul3A_68 = vector.broadcast %get3A_66 : vector<1x17xf32> to vector<512x17xf32>
    %mul3A_69 = arith.mulf %mul3A_67, %mul3A_68 : vector<512x17xf32>
    %add3A_70 = arith.addf %dot_general3A_62, %mul3A_69 : vector<512x17xf32>
    %slice3A_71 = vector.extract_strided_slice %mul3A_21 {offsets = [0, 32], sizes = [512, 16], strides = [1, 1]} : vector<512x48xf32> to vector<512x16xf32>
    %get3A_72 = arith.constant 0 : index
    %get3A_73 = arith.constant 0 : index
    %get3A_74 = vector.load %arg8[%get3A_72, %get3A_73] : memref<16x17xf32, #tpu.memory_space<vmem>>, vector<16x17xf32>
    %dot_general3A_75 = arith.constant dense<0.000000e+00> : vector<512x17xf32>
    %dot_general3A_76 = tpu.matmul %slice3A_71, %get3A_74, %dot_general3A_75 {dimension_numbers = #tpu.dot_dimension_numbers<[1], [0], [0], [1], [0, 0, 1, 1], [], []>, transpose_lhs_hint = false} : vector<512x16xf32>, vector<16x17xf32>, vector<512x17xf32> -> vector<512x17xf32>
    %slice3A_77 = vector.extract_strided_slice %get3A_42 {offsets = [0, 2], sizes = [512, 1], strides = [1, 1]} : vector<512x3xf32> to vector<512x1xf32>
    %get3A_78 = arith.constant 0 : index
    %get3A_79 = arith.constant 0 : index
    %get3A_80 = vector.load %arg9[%get3A_78, %get3A_79] : memref<1x17xf32, #tpu.memory_space<vmem>>, vector<1x17xf32>
    %mul3A_81 = vector.broadcast %slice3A_77 : vector<512x1xf32> to vector<512x17xf32>
    %mul3A_82 = vector.broadcast %get3A_80 : vector<1x17xf32> to vector<512x17xf32>
    %mul3A_83 = arith.mulf %mul3A_81, %mul3A_82 : vector<512x17xf32>
    %add3A_84 = arith.addf %dot_general3A_76, %mul3A_83 : vector<512x17xf32>
    %mul3A_85 = arith.mulf %add3A_56, %add3A_56 : vector<512x17xf32>
    %mul3A_86 = arith.mulf %add3A_70, %add3A_70 : vector<512x17xf32>
    %add3A_87 = arith.addf %mul3A_85, %mul3A_86 : vector<512x17xf32>
    %mul3A_88 = arith.mulf %add3A_84, %add3A_84 : vector<512x17xf32>
    %add3A_89 = arith.addf %add3A_87, %mul3A_88 : vector<512x17xf32>
    %sqrt3A = math.sqrt %add3A_89 : vector<512x17xf32>
    %get3A_90 = arith.constant 0 : index
    %get3A_91 = arith.constant 0 : index
    %get3A_92 = vector.load %arg11[%get3A_90, %get3A_91] : memref<17x8xf32, #tpu.memory_space<vmem>>, vector<17x8xf32>
    %dot_general3A_93 = arith.constant dense<0.000000e+00> : vector<512x8xf32>
    %dot_general3A_94 = tpu.matmul %sqrt3A, %get3A_92, %dot_general3A_93 {dimension_numbers = #tpu.dot_dimension_numbers<[1], [0], [0], [1], [0, 0, 1, 1], [], []>, transpose_lhs_hint = false} : vector<512x17xf32>, vector<17x8xf32>, vector<512x8xf32> -> vector<512x8xf32>
    %get3A_95 = arith.constant 0 : index
    %get3A_96 = arith.constant 0 : index
    %get3A_97 = vector.load %arg12[%get3A_95, %get3A_96] : memref<16x8xf32, #tpu.memory_space<vmem>>, vector<16x8xf32>
    %dot_general3A_98 = arith.constant dense<0.000000e+00> : vector<512x8xf32>
    %dot_general3A_99 = tpu.matmul %add3A_39, %get3A_97, %dot_general3A_98 {dimension_numbers = #tpu.dot_dimension_numbers<[1], [0], [0], [1], [0, 0, 1, 1], [], []>, transpose_lhs_hint = false} : vector<512x16xf32>, vector<16x8xf32>, vector<512x8xf32> -> vector<512x8xf32>
    %add3A_100 = arith.addf %dot_general3A_94, %dot_general3A_99 : vector<512x8xf32>
    %get3A_101 = arith.constant 0 : index
    %get3A_102 = arith.constant 0 : index
    %get3A_103 = vector.load %arg13[%get3A_101, %get3A_102] : memref<1x8xf32, #tpu.memory_space<vmem>>, vector<1x8xf32>
    %add3A_104 = vector.broadcast %get3A_103 : vector<1x8xf32> to vector<512x8xf32>
    %add3A_105 = arith.addf %add3A_100, %add3A_104 : vector<512x8xf32>
    %neg3A = arith.constant 0.000000e+00 : f32
    %neg3A_106 = vector.broadcast %neg3A : f32 to vector<512x8xf32>
    %neg3A_107 = arith.subf %neg3A_106, %add3A_105 : vector<512x8xf32>
    %exp3A = math.exp %neg3A_107 : vector<512x8xf32>
    %add3A_108 = arith.constant 1.000000e+00 : f32
    %add3A_109 = vector.broadcast %add3A_108 : f32 to vector<512x8xf32>
    %add3A_110 = arith.addf %add3A_109, %exp3A : vector<512x8xf32>
    %div3A_111 = arith.constant 1.000000e+00 : f32
    %div3A_112 = vector.broadcast %div3A_111 : f32 to vector<512x8xf32>
    %div3A_113 = arith.divf %div3A_112, %add3A_110 : vector<512x8xf32>
    %get3A_114 = arith.constant 0 : index
    %get3A_115 = arith.constant 0 : index
    %get3A_116 = vector.load %arg14[%get3A_114, %get3A_115] : memref<8x3xf32, #tpu.memory_space<vmem>>, vector<8x3xf32>
    %dot_general3A_117 = arith.constant dense<0.000000e+00> : vector<512x3xf32>
    %dot_general3A_118 = tpu.matmul %div3A_113, %get3A_116, %dot_general3A_117 {dimension_numbers = #tpu.dot_dimension_numbers<[1], [0], [0], [1], [0, 0, 1, 1], [], []>, transpose_lhs_hint = false} : vector<512x8xf32>, vector<8x3xf32>, vector<512x3xf32> -> vector<512x3xf32>
    %get3A_119 = arith.constant 0 : index
    %get3A_120 = arith.constant 0 : index
    %get3A_121 = vector.load %arg15[%get3A_119, %get3A_120] : memref<1x3xf32, #tpu.memory_space<vmem>>, vector<1x3xf32>
    %add3A_122 = vector.broadcast %get3A_121 : vector<1x3xf32> to vector<512x3xf32>
    %add3A_123 = arith.addf %dot_general3A_118, %add3A_122 : vector<512x3xf32>
    %get3A_124 = arith.constant 0 : index
    %get3A_125 = arith.constant 0 : index
    %get3A_126 = vector.load %arg10[%get3A_124, %get3A_125] : memref<17x3xf32, #tpu.memory_space<vmem>>, vector<17x3xf32>
    %dot_general3A_127 = arith.constant dense<0.000000e+00> : vector<512x3xf32>
    %dot_general3A_128 = tpu.matmul %add3A_56, %get3A_126, %dot_general3A_127 {dimension_numbers = #tpu.dot_dimension_numbers<[1], [0], [0], [1], [0, 0, 1, 1], [], []>, transpose_lhs_hint = false} : vector<512x17xf32>, vector<17x3xf32>, vector<512x3xf32> -> vector<512x3xf32>
    %mul3A_129 = arith.mulf %dot_general3A_128, %add3A_123 : vector<512x3xf32>
    %get3A_130 = arith.constant 0 : index
    %get3A_131 = arith.constant 0 : index
    %get3A_132 = vector.load %arg10[%get3A_130, %get3A_131] : memref<17x3xf32, #tpu.memory_space<vmem>>, vector<17x3xf32>
    %dot_general3A_133 = arith.constant dense<0.000000e+00> : vector<512x3xf32>
    %dot_general3A_134 = tpu.matmul %add3A_70, %get3A_132, %dot_general3A_133 {dimension_numbers = #tpu.dot_dimension_numbers<[1], [0], [0], [1], [0, 0, 1, 1], [], []>, transpose_lhs_hint = false} : vector<512x17xf32>, vector<17x3xf32>, vector<512x3xf32> -> vector<512x3xf32>
    %mul3A_135 = arith.mulf %dot_general3A_134, %add3A_123 : vector<512x3xf32>
    %get3A_136 = arith.constant 0 : index
    %get3A_137 = arith.constant 0 : index
    %get3A_138 = vector.load %arg10[%get3A_136, %get3A_137] : memref<17x3xf32, #tpu.memory_space<vmem>>, vector<17x3xf32>
    %dot_general3A_139 = arith.constant dense<0.000000e+00> : vector<512x3xf32>
    %dot_general3A_140 = tpu.matmul %add3A_84, %get3A_138, %dot_general3A_139 {dimension_numbers = #tpu.dot_dimension_numbers<[1], [0], [0], [1], [0, 0, 1, 1], [], []>, transpose_lhs_hint = false} : vector<512x17xf32>, vector<17x3xf32>, vector<512x3xf32> -> vector<512x3xf32>
    %mul3A_141 = arith.mulf %dot_general3A_140, %add3A_123 : vector<512x3xf32>
    %get3A_142 = arith.constant 0 : index
    %get3A_143 = arith.constant 0 : index
    %get3A_144 = vector.load %arg16[%get3A_142, %get3A_143] : memref<3x3xf32, #tpu.memory_space<vmem>>, vector<3x3xf32>
    %dot_general3A_145 = arith.constant dense<0.000000e+00> : vector<512x3xf32>
    %dot_general3A_146 = tpu.matmul %mul3A_129, %get3A_144, %dot_general3A_145 {dimension_numbers = #tpu.dot_dimension_numbers<[1], [0], [0], [1], [0, 0, 1, 1], [], []>, transpose_lhs_hint = false} : vector<512x3xf32>, vector<3x3xf32>, vector<512x3xf32> -> vector<512x3xf32>
    %get3A_147 = arith.constant 0 : index
    %get3A_148 = arith.constant 0 : index
    %get3A_149 = vector.load %arg16[%get3A_147, %get3A_148] : memref<3x3xf32, #tpu.memory_space<vmem>>, vector<3x3xf32>
    %dot_general3A_150 = arith.constant dense<0.000000e+00> : vector<512x3xf32>
    %dot_general3A_151 = tpu.matmul %mul3A_135, %get3A_149, %dot_general3A_150 {dimension_numbers = #tpu.dot_dimension_numbers<[1], [0], [0], [1], [0, 0, 1, 1], [], []>, transpose_lhs_hint = false} : vector<512x3xf32>, vector<3x3xf32>, vector<512x3xf32> -> vector<512x3xf32>
    %get3A_152 = arith.constant 0 : index
    %get3A_153 = arith.constant 0 : index
    %get3A_154 = vector.load %arg16[%get3A_152, %get3A_153] : memref<3x3xf32, #tpu.memory_space<vmem>>, vector<3x3xf32>
    %dot_general3A_155 = arith.constant dense<0.000000e+00> : vector<512x3xf32>
    %dot_general3A_156 = tpu.matmul %mul3A_141, %get3A_154, %dot_general3A_155 {dimension_numbers = #tpu.dot_dimension_numbers<[1], [0], [0], [1], [0, 0, 1, 1], [], []>, transpose_lhs_hint = false} : vector<512x3xf32>, vector<3x3xf32>, vector<512x3xf32> -> vector<512x3xf32>
    %mul3A_157 = arith.mulf %dot_general3A_146, %dot_general3A_146 : vector<512x3xf32>
    %mul3A_158 = arith.mulf %dot_general3A_151, %dot_general3A_151 : vector<512x3xf32>
    %add3A_159 = arith.addf %mul3A_157, %mul3A_158 : vector<512x3xf32>
    %mul3A_160 = arith.mulf %dot_general3A_156, %dot_general3A_156 : vector<512x3xf32>
    %add3A_161 = arith.addf %add3A_159, %mul3A_160 : vector<512x3xf32>
    %sqrt3A_162 = math.sqrt %add3A_161 : vector<512x3xf32>
    %get3A_163 = arith.constant 0 : index
    %get3A_164 = arith.constant 0 : index
    %get3A_165 = vector.load %arg18[%get3A_163, %get3A_164] : memref<3x3xf32, #tpu.memory_space<vmem>>, vector<3x3xf32>
    %dot_general3A_166 = arith.constant dense<0.000000e+00> : vector<512x3xf32>
    %dot_general3A_167 = tpu.matmul %sqrt3A_162, %get3A_165, %dot_general3A_166 {dimension_numbers = #tpu.dot_dimension_numbers<[1], [0], [0], [1], [0, 0, 1, 1], [], []>, transpose_lhs_hint = false} : vector<512x3xf32>, vector<3x3xf32>, vector<512x3xf32> -> vector<512x3xf32>
    %get3A_168 = arith.constant 0 : index
    %get3A_169 = arith.constant 0 : index
    %get3A_170 = vector.load %arg19[%get3A_168, %get3A_169] : memref<8x3xf32, #tpu.memory_space<vmem>>, vector<8x3xf32>
    %dot_general3A_171 = arith.constant dense<0.000000e+00> : vector<512x3xf32>
    %dot_general3A_172 = tpu.matmul %add3A_105, %get3A_170, %dot_general3A_171 {dimension_numbers = #tpu.dot_dimension_numbers<[1], [0], [0], [1], [0, 0, 1, 1], [], []>, transpose_lhs_hint = false} : vector<512x8xf32>, vector<8x3xf32>, vector<512x3xf32> -> vector<512x3xf32>
    %add3A_173 = arith.addf %dot_general3A_167, %dot_general3A_172 : vector<512x3xf32>
    %get3A_174 = arith.constant 0 : index
    %get3A_175 = arith.constant 0 : index
    %get3A_176 = vector.load %arg20[%get3A_174, %get3A_175] : memref<1x3xf32, #tpu.memory_space<vmem>>, vector<1x3xf32>
    %add3A_177 = vector.broadcast %get3A_176 : vector<1x3xf32> to vector<512x3xf32>
    %add3A_178 = arith.addf %add3A_173, %add3A_177 : vector<512x3xf32>
    %neg3A_179 = arith.constant 0.000000e+00 : f32
    %neg3A_180 = vector.broadcast %neg3A_179 : f32 to vector<512x3xf32>
    %neg3A_181 = arith.subf %neg3A_180, %add3A_178 : vector<512x3xf32>
    %exp3A_182 = math.exp %neg3A_181 : vector<512x3xf32>
    %add3A_183 = arith.constant 1.000000e+00 : f32
    %add3A_184 = vector.broadcast %add3A_183 : f32 to vector<512x3xf32>
    %add3A_185 = arith.addf %add3A_184, %exp3A_182 : vector<512x3xf32>
    %div3A_186 = arith.constant 1.000000e+00 : f32
    %div3A_187 = vector.broadcast %div3A_186 : f32 to vector<512x3xf32>
    %div3A_188 = arith.divf %div3A_187, %add3A_185 : vector<512x3xf32>
    %get3A_189 = arith.constant 0 : index
    %get3A_190 = arith.constant 0 : index
    %get3A_191 = vector.load %arg21[%get3A_189, %get3A_190] : memref<3x3xf32, #tpu.memory_space<vmem>>, vector<3x3xf32>
    %dot_general3A_192 = arith.constant dense<0.000000e+00> : vector<512x3xf32>
    %dot_general3A_193 = tpu.matmul %div3A_188, %get3A_191, %dot_general3A_192 {dimension_numbers = #tpu.dot_dimension_numbers<[1], [0], [0], [1], [0, 0, 1, 1], [], []>, transpose_lhs_hint = false} : vector<512x3xf32>, vector<3x3xf32>, vector<512x3xf32> -> vector<512x3xf32>
    %get3A_194 = arith.constant 0 : index
    %get3A_195 = arith.constant 0 : index
    %get3A_196 = vector.load %arg22[%get3A_194, %get3A_195] : memref<1x3xf32, #tpu.memory_space<vmem>>, vector<1x3xf32>
    %add3A_197 = vector.broadcast %get3A_196 : vector<1x3xf32> to vector<512x3xf32>
    %add3A_198 = arith.addf %dot_general3A_193, %add3A_197 : vector<512x3xf32>
    %get3A_199 = arith.constant 0 : index
    %get3A_200 = arith.constant 0 : index
    %get3A_201 = vector.load %arg17[%get3A_199, %get3A_200] : memref<3x3xf32, #tpu.memory_space<vmem>>, vector<3x3xf32>
    %dot_general3A_202 = arith.constant dense<0.000000e+00> : vector<512x3xf32>
    %dot_general3A_203 = tpu.matmul %dot_general3A_146, %get3A_201, %dot_general3A_202 {dimension_numbers = #tpu.dot_dimension_numbers<[1], [0], [0], [1], [0, 0, 1, 1], [], []>, transpose_lhs_hint = false} : vector<512x3xf32>, vector<3x3xf32>, vector<512x3xf32> -> vector<512x3xf32>
    %mul3A_204 = arith.mulf %dot_general3A_203, %add3A_198 : vector<512x3xf32>
    %get3A_205 = arith.constant 0 : index
    %get3A_206 = arith.constant 0 : index
    %get3A_207 = vector.load %arg17[%get3A_205, %get3A_206] : memref<3x3xf32, #tpu.memory_space<vmem>>, vector<3x3xf32>
    %dot_general3A_208 = arith.constant dense<0.000000e+00> : vector<512x3xf32>
    %dot_general3A_209 = tpu.matmul %dot_general3A_151, %get3A_207, %dot_general3A_208 {dimension_numbers = #tpu.dot_dimension_numbers<[1], [0], [0], [1], [0, 0, 1, 1], [], []>, transpose_lhs_hint = false} : vector<512x3xf32>, vector<3x3xf32>, vector<512x3xf32> -> vector<512x3xf32>
    %mul3A_210 = arith.mulf %dot_general3A_209, %add3A_198 : vector<512x3xf32>
    %get3A_211 = arith.constant 0 : index
    %get3A_212 = arith.constant 0 : index
    %get3A_213 = vector.load %arg17[%get3A_211, %get3A_212] : memref<3x3xf32, #tpu.memory_space<vmem>>, vector<3x3xf32>
    %dot_general3A_214 = arith.constant dense<0.000000e+00> : vector<512x3xf32>
    %dot_general3A_215 = tpu.matmul %dot_general3A_156, %get3A_213, %dot_general3A_214 {dimension_numbers = #tpu.dot_dimension_numbers<[1], [0], [0], [1], [0, 0, 1, 1], [], []>, transpose_lhs_hint = false} : vector<512x3xf32>, vector<3x3xf32>, vector<512x3xf32> -> vector<512x3xf32>
    %mul3A_216 = arith.mulf %dot_general3A_215, %add3A_198 : vector<512x3xf32>
    %swap3A = arith.constant 0 : index
    %swap3A_217 = arith.constant 0 : index
    %swap3A_218 = vector.load %arg23[%swap3A, %swap3A_217] : memref<512x3xf32, #tpu.memory_space<vmem>>, vector<512x3xf32>
    tpu.vector_store %arg23[%swap3A, %swap3A_217], %add3A_178 {strides = array<i32>} : memref<512x3xf32, #tpu.memory_space<vmem>>, vector<512x3xf32>,
    %concatenate3A = tpu.concatenate %mul3A_204, %mul3A_210, %mul3A_216 in 1 : vector<512x3xf32>, vector<512x3xf32>, vector<512x3xf32> -> vector<512x9xf32>
    %swap3A_219 = arith.constant 0 : index
    %swap3A_220 = arith.constant 0 : index
    %swap3A_221 = vector.load %arg24[%swap3A_219, %swap3A_220] : memref<512x9xf32, #tpu.memory_space<vmem>>, vector<512x9xf32>
    tpu.vector_store %arg24[%swap3A_219, %swap3A_220], %concatenate3A {strides = array<i32>} : memref<512x9xf32, #tpu.memory_space<vmem>>, vector<512x9xf32>,
    return
  }
}

</mosaic_0001>

<sc_bundles>
// kernel: kernel.5.cloned.1.call-start
scs
__scs_entry_jumppad:
0x0: {  	(pc) =	sbr.rel $0x88, $3  }
0x1: {  	(tag) =	ssettag $0x0;
	lr =	simm.s32 $0x1  }
0x2: {  	[smem:$0x3F8E] =	sst lr;
	_ =	strace $0xD0000000  }
0x3: {  	_ = 	snop  }
0x4: {  	_ = 	snop  }
0x5: {  	_ = 	snop  }
0x6: {  	_ = 	snop  }
0x7: {  	_ = 	snop  }
__scs_overlays_trampoline_lowered:
0x8: {  	[smem:$0x3F9D] =	sst s0  }
0x9: {  	[smem:$0x3F9E] =	sst s1  }
0xa: {  	[smem:$0x3F9F] =	sst s2  }
0xb: {  	[smem:$0x3FA0] =	sst s3  }
0xc: {  	[smem:$0x3FA1] =	sst s4  }
0xd: {  	[smem:$0x3FA2] =	sst s5  }
0xe: {  	[smem:$0x3FA3] =	sst s6  }
0xf: {  	[smem:$0x3FA4] =	sst s7  }
0x10: {  	[smem:$0x3FA5] =	sst s8  }
0x11: {  	[smem:$0x3FA6] =	sst s9;
	s0 =	simm.s32 @!p0 $0x0  }
0x12: {  	s1 =	sld [smem:$0x3F8C];
	s0 =	simm.s32 @p0 $0x1  }
0x13: {  	[smem:$0x3FA7] =	sst s0;
	s0 =	simm.s32 @!p1 $0x0  }
0x14: {  	s2 =	sld [smem:$0x3F8B];
	s0 =	simm.s32 @p1 $0x1  }
0x15: {  	[smem:$0x3FA8] =	sst s0;
	s0 =	simm.s32 @!p2 $0x0  }
0x16: {  	s3 =	sld [smem:$0x3FDB];
	s0 =	simm.s32 @p2 $0x1  }
0x17: {  	s4 =	simm.s32 $0x1BF5;
	[smem:$0x3FAA] =	sst s0  }
0x18: {  	s0 =	sld [smem:$0x3F8D];
	_ =	swait.ge [sflag:s4], $0x0  }
0x19: {  	s7 =	sld [smem:$0x3F8E]  }
0x1a: {  	s8 =	sadd.s32 $0xFFFFE003, lr  }
0x1b: {  	s9 =	sadd.s32 $0xFFFFFEF7, lr;
	s5 =	simm.s32 $0xFFFFFFFF;
	p2 =	slt.u32 s8, $0xFFFFF086  }
0x1c: {  	p1 =	slt.u32 s9, $0xF7A;
	s5 =	simm.s32 @!p2 $0x0  }
0x1d: {  	s5 =	simm.s32 @p1 $0x1;
	p0 =	seq.s32 s7, s2  }
0x1e: {  	s7 =	smul.u32 @!p0 $0xF7A, s2;
	p2 =	seq.s32 @!p0 s5, $0x0  }
0x1f: {  	s9 =	smul.u32 $0xF7A, s1;
	s8 =	simm.s32 @!p0 $0x1BF5;
	p2 =	por !p2, p0  }
0x20: {  	[sflag:s8] =	ssyncset.s32 @!p0 $0xFFFFF086;
	s6 =	sadd.s32 @!p0 s3, s7;
	s7 =	simm.s32 @!p0 $0x108  }
0x21: {  	s3 =	sadd.s32 s3, s9;
	s6 =	sadd.s32 @!p0 $0x88, s6;
	s7 =	simm.s32 @p2 $0x1082  }
0x22: {  	[simem:s7], [sflag:s8] =	dma.local @!p0 [hbm:s6], $0xF7A  }
0x23: {  	s9 =	sor.u32 $0xD0000000, s2;
	s6 =	simm.s32 $0x108;
	_ =	swait.ge @!p0 [sflag:s8], $0x0  }
0x24: {  	s3 =	sadd.s32 $0x88, s3;
	s6 =	simm.s32 @!p1 $0x1082;
	[sflag:s4] =	ssyncset.s32 $0xFFFFF086  }
0x25: {  	[simem:s6], [sflag:s4] =	dma.local [hbm:s3], $0xF7A  }
0x26: {  	[smem:$0x3F8E] =	sst s1;
	(tag) =	ssettag s2;
	_ =	strace s9  }
0x27: {  	s1 =	sld [smem:$0x3F9E]  }
0x28: {  	s2 =	sld [smem:$0x3F9F]  }
0x29: {  	s4 =	sld [smem:$0x3FA1]  }
0x2a: {  	p0 =	seq.s32 s5, $0x0;
	s5 =	sld [smem:$0x3FA2]  }
0x2b: {  	s6 =	sld [smem:$0x3FA3]  }
0x2c: {  	s7 =	sld [smem:$0x3FA4]  }
0x2d: {  	s3 =	simm.s32 $0x108;
	s8 =	sld [smem:$0x3FA5]  }
0x2e: {  	s3 =	simm.s32 @!p0 $0x1082;
	s9 =	sld [smem:$0x3FA6]  }
0x2f: {  	lr =	sadd.s32 s0, s3;
	s0 =	sld [smem:$0x3F9D]  }
0x30: {  	s3 =	sld [smem:$0x3FA0]  }
0x31: {  	[smem:$0x3FA9] =	sst s10  }
0x32: {  	s10 =	sld [smem:$0x3FA7];
	_ =	sdelay $0x3  }
0x33: {  	p0 =	seq.s32 s10, $0x1;
	s10 =	sld [smem:$0x3FA9];
	_ =	sdelay $0x3  }
0x34: {  	[smem:$0x3FA9] =	sst s10  }
0x35: {  	s10 =	sld [smem:$0x3FA8];
	_ =	sdelay $0x3  }
0x36: {  	p1 =	seq.s32 s10, $0x1;
	s10 =	sld [smem:$0x3FA9];
	_ =	sdelay $0x3  }
0x37: {  	[smem:$0x3FA9] =	sst s10  }
0x38: {  	s10 =	sld [smem:$0x3FAA]  }
0x39: {  	_ = 	snop;
	(pc) =	sbr.ind lr, $3  }
0x3a: {  	_ = 	snop  }
0x3b: {  	_ = 	snop  }
0x3c: {  	p2 =	seq.s32 s10, $0x1;
	s10 =	sld [smem:$0x3FA9]  }
0x3d: {  	_ =	shalt  }
0x3e: {  	_ =	shalt  }
0x3f: {  	_ =	shalt  }
0x40: {  	_ =	shalt  }
0x41: {  	_ =	shalt  }
0x42: {  	_ =	shalt  }
0x43: {  	_ =	shalt  }
0x44: {  	_ =	shalt  }
0x45: {  	_ =	shalt  }
0x46: {  	_ =	shalt  }
0x47: {  	_ =	shalt  }
0x48: {  	_ =	shalt  }
0x49: {  	_ =	shalt  }
0x4a: {  	_ =	shalt  }
0x4b: {  	_ =	shalt  }
0x4c: {  	_ =	shalt  }
0x4d: {  	_ =	shalt  }
0x4e: {  	_ =	shalt  }
0x4f: {  	_ =	shalt  }
0x50: {  	_ =	shalt  }
0x51: {  	_ =	shalt  }
0x52: {  	_ =	shalt  }
0x53: {  	_ =	shalt  }
0x54: {  	_ =	shalt  }
0x55: {  	_ =	shalt  }
0x56: {  	_ =	shalt  }
0x57: {  	_ =	shalt  }
0x58: {  	_ =	shalt  }
0x59: {  	_ =	shalt  }
0x5a: {  	_ =	shalt  }
0x5b: {  	_ =	shalt  }
0x5c: {  	_ =	shalt  }
0x5d: {  	_ =	shalt  }
0x5e: {  	_ =	shalt  }
0x5f: {  	_ =	shalt  }
0x60: {  	_ =	shalt  }
0x61: {  	_ =	shalt  }
0x62: {  	_ =	shalt  }
0x63: {  	_ =	shalt  }
0x64: {  	_ =	shalt  }
0x65: {  	_ =	shalt  }
0x66: {  	_ =	shalt  }
0x67: {  	_ =	shalt  }
0x68: {  	_ =	shalt  }
0x69: {  	_ =	shalt  }
0x6a: {  	_ =	shalt  }
0x6b: {  	_ =	shalt  }
0x6c: {  	_ =	shalt  }
0x6d: {  	_ =	shalt  }
0x6e: {  	_ =	shalt  }
0x6f: {  	_ =	shalt  }
0x70: {  	_ =	shalt  }
0x71: {  	_ =	shalt  }
0x72: {  	_ =	shalt  }
0x73: {  	_ =	shalt  }
0x74: {  	_ =	shalt  }
0x75: {  	_ =	shalt  }
0x76: {  	_ =	shalt  }
0x77: {  	_ =	shalt  }
0x78: {  	_ =	shalt  }
0x79: {  	_ =	shalt  }
0x7a: {  	_ =	shalt  }
0x7b: {  	_ =	shalt  }
0x7c: {  	_ =	shalt  }
0x7d: {  	_ =	shalt  }
0x7e: {  	_ =	shalt  }
0x7f: {  	_ =	shalt  }
0x80: {  	_ =	shalt  }
0x81: {  	_ =	shalt  }
0x82: {  	_ =	shalt  }
0x83: {  	_ =	shalt  }
0x84: {  	_ =	shalt  }
0x85: {  	_ =	shalt  }
0x86: {  	_ =	shalt  }
0x87: {  	_ =	shalt  }
.Lfunc_end0:
.L_simem_size_0:
called_computation_lowered:
.L_overlay_start_0:
0x88: {  	s2 =	sld [smem:$0x3FD9]  }
0x89: {  	s3 =	sld [smem:$0x3FFE];
	_ =	sdelay $0x1  }
0x8a: {  	s1 =	srdreg.scid  }
0x8b: {  	s0 =	sand.u32 $0x1, s1  }
0x8c: {  	s17 =	sshll.u32 s0, $0xA;
	s2 =	sadd.s32 s3, s2  }
0x8d: {  	s2 =	sadd.s32 s2, s17  }
0x8e: {  	[smem:$0x3FB5] =	sst s2  }
0x8f: {  	_ = 	snop  }
0x90: {  	s2 =	sld [smem:$0x3FC9]  }
0x91: {  	s18 =	sld [smem:$0x3FC7];
	(tm) =	ssettm $0x1  }
0x92: {  	s4 =	sld [smem:$0x3FFB];
	_ =	sdelay $0x3  }
0x93: {  	_ =	strace s4  }
0x94: {  	s4 =	sld [smem:$0x3FFC];
	_ =	sdelay $0x3  }
0x95: {  	_ =	strace s4  }
0x96: {  	s4 =	sld [smem:$0x3FFD];
	_ =	sdelay $0x3  }
0x97: {  	_ =	strace s4  }
0x98: {  	_ =	strace $0x8FFFFFFF  }
0x99: {  	s19 =	sld [smem:$0x3FDB];
	_ =	sdelay $0x1  }
0x9a: {  	s5 =	simm.s32 $_scs_section_size  }
0x9b: {  	s6 =	simm.s32 $_size__tile_overlayer_lowered;
	s7 =	simm.s32 $_tile_overlayer_lowered  }
0x9c: {  	s22 =	simm.s32 $0x1BFF;
	s21 =	sshll.u32 s7, $0x1;
	s4 =	sadd.s32 s5, s19  }
0x9d: {  	s8 =	simm.s32 $0x0;
	s20 =	sshll.u32 s6, $0x1;
	s6 =	sadd.s32 s21, s4  }
0x9e: {  	[timem:s8], [sflag:s22] =	dma.local [hbm:s6], s20  }
0x9f: {  	_ =	swait.ge [sflag:s22], s20  }
0xa0: {  	s5 =	ssub.s32 $0x0, s20;
	[sflag:s22] =	ssyncset.done $0x0  }
0xa1: {  	[sflag:s22] =	ssyncadd.s32 s5;
	_ =	sdelay $0x1  }
0xa2: {  	s23 =	simm.s32 $0x1B8B  }
0xa3: {  	_ =	swait.ge [sflag:s23], $0x1  }
0xa4: {  	[sflag:s23] =	ssyncset.done $0x0  }
0xa5: {  	s25 =	simm.s32 $0x1B8E;
	s24 =	sld [smem:$0x3FFE];
	[sflag:s23] =	ssyncadd.s32 $0xFFFFFFFF  }
0xa6: {  	s26 =	simm.s32 $execute0_lowered;
	[smem:$0x3FD2] =	sst s25  }
0xa7: {  	s6 =	sshll.u32 s26, $0x1;
	_ =	strace $0x80000046;
	[dreg:$0x1] =	wrdreg $0xFFFFFFFF  }
0xa8: {  	s28 =	simm.s32 $_size_execute0_lowered;
	s4 =	sadd.s32 s4, s6;
	[dreg:$0x0] =	wrdreg $0x0  }
0xa9: {  	s6 =	sshll.u32 s28, $0x1;
	[dreg:$0x2] =	wrdreg s4  }
0xaa: {  	[dreg:$0x3] =	wrdreg s6  }
0xab: {  	[dreg:$0x4] =	wrdreg $0xC0  }
0xac: {  	_ =	task [dreg:s8], $0x5FFFF  }
0xad: {  	[dreg:$0x1] =	wrdreg $0xFFFFFFFF  }
0xae: {  	[dreg:$0x0] =	wrdreg $0x60  }
0xaf: {  	[dreg:$0x2] =	wrdreg s2  }
0xb0: {  	[dreg:$0x3] =	wrdreg s18  }
0xb1: {  	[dreg:$0x4] =	wrdreg s24  }
0xb2: {  	[dreg:$0x5] =	wrdreg $0xC2800  }
0xb3: {  	[dreg:$0x6] =	wrdreg $0x9  }
0xb4: {  	_ =	task.clear_ibuf [dreg:s8], $0x7FFFF;
	_ =	strace $0x90000046  }
0xb5: {  	s29 =	simm.s32 $0x9;
	_ =	strace $0x80000048  }
0xb6: {  	_ =	swait.ge [sflag:s29], $0x1  }
0xb7: {  	[sflag:s29] =	ssyncadd.s32 $0xFFFFFFFF  }
0xb8: {  	_ =	strace $0x90000048  }
0xb9: {  	_ =	sfence  }
0xba: {  	s30 =	sld [smem:$0x0];
	_ =	sdelay $0x2  }
0xbb: {  	s31 =	sshll.u32 s1, $0xD;
	s1 =	sshrl.u32 s1, $0x2  }
0xbc: {  	s3 =	sand.u32 $0x4000, s31;
	s1 =	sadd.s32 s1, s30  }
0xbd: {  	s0 =	sor.u32 s3, s0;
	s1 =	sshll.u32 s1, $0x11  }
0xbe: {  	s0 =	sor.u32 s1, s0  }
0xbf: {  	s0 =	sadd.s32 $0x8F2B, s0  }
0xc0: {  	[sflag:s0] =	ssyncadd.remote.s32 $0x1  }
0xc1: {  	_ =	sfence.sel $0xFFFF  }
0xc2: {  	[dreg:$0x0] =	wrdreg $0xFFFFFFFF;
	(pc) =	sbr.abs _section_cstart, $3  }
0xc3: {  	[dreg:$0x1] =	wrdreg $0xFFFFFFFF  }
0xc4: {  	_ =	task.clear_ibuf [dreg:s8], $0x2FFFF;
	_ =	strace $0x9FFFFFFF  }
0xc5: {  	(tm) =	ssettm $0x7FFFFFFF  }
tec
execute0_lowered:
.L_overlay_start_1:
0x0: {  	(tag) =	ssettag $0x1  }
0x1: {  	s0 =	rddreg [dreg:$0x0]  }
0x2: {  	s3 =	rddreg [dreg:$0x1]  }
0x3: {  	s4 =	rddreg [dreg:$0x2]  }
0x4: {  	s1 =	rddreg [dreg:$0x3];
	s5 =	srdreg.scid  }
0x5: {  	s2 =	simm.s32 $0x0;
	s7 =	stileid.u32;
	s30 =	simm.s32 $0x7  }
0x6: {  	s31 =	simm.s32 $0xC000;
	s6 =	sand.u32 $0x1, s5;
	[smem:$0x7FF] =	sst s2  }
0x7: {  	s9 =	sshll.u32 s7, $0x1;
	s11 =	sshll.u32 s7, $0xC;
	p0 =	sne.s32 s7, $0x0  }
0x8: {  	s5 =	smul.u32 $0x2080, s6;
	s8 =	ssub.s32 $0x2, s6;
	s6 =	sor.u32 s6, s9  }
0x9: {  	_ =	strace $0x80000047;
	s10 =	sshrl.u32 s8, $0x1;
	s12 =	sshll.u32 s6, $0xB  }
0xa: {  	s9 =	sshll.u32 s6, $0x4;
	s14 =	sor.u32 $0x20, s6;
	s18 =	sor.u32 $0x60, s6  }
0xb: {  	s21 =	sor.u32 $0x80, s6;
	s23 =	sor.u32 $0xA0, s6;
	s26 =	sor.u32 $0xC0, s6  }
0xc: {  	p1 =	slt.u32 s6, $0xD;
	p2 =	sne.s32 s6, $0x1F;
	s4 =	sadd.s32 s5, s4  }
0xd: {  	s5 =	ssub.s32 s8, s10;
	s8 =	sadd.s32 s11, s1;
	s13 =	sadd.s32 s3, s9  }
0xe: {  	s15 =	sshll.u32 s14, $0xB;
	s10 =	sor.u32 $0x40, s6;
	s19 =	sshll.u32 s18, $0xB  }
0xf: {  	s22 =	sshll.u32 s21, $0xB;
	s24 =	sshll.u32 s23, $0xB;
	s25 =	sshll.u32 s23, $0x4  }
0x10: {  	s11 =	sor.u32 $0xE0, s6;
	[dreg:$0x5] =	wrdreg s8;
	s8 =	sadd.s32 s0, s12  }
0x11: {  	[dreg:$0x7] =	wrdreg s13;
	s9 =	sadd.s32 s0, s15;
	s16 =	sshll.u32 s10, $0xB  }
0x12: {  	s17 =	sshll.u32 s10, $0x4;
	s10 =	sshll.u32 s26, $0xB;
	s12 =	sshll.u32 s26, $0x4  }
0x13: {  	s13 =	sshll.u32 s11, $0xB;
	s15 =	sshll.u32 s11, $0x4;
	s26 =	sor.u32 $0x180, s6  }
0x14: {  	s28 =	sadd.s32 $0x3400, s4;
	s29 =	smax.u32 s5, $0x1;
	s4 =	simm.s32 $0x1  }
0x15: {  	s5 =	simm.s32 $0x80;
	[dreg:$0x6] =	wrdreg s8;
	s8 =	sshll.u32 s14, $0x4  }
0x16: {  	[dreg:$0x8] =	wrdreg s9;
	s9 =	sshll.u32 s18, $0x4;
	s14 =	sadd.s32 s0, s13  }
0x17: {  	s18 =	sor.u32 $0x120, s6;
	s8 =	sadd.s32 s3, s8;
	[dreg:$0x14] =	wrdreg s14  }
0x18: {  	s11 =	sshll.u32 s26, $0x4;
	s20 =	sadd.s32 s3, s9;
	[dreg:$0x9] =	wrdreg s8  }
0x19: {  	s9 =	sadd.s32 s0, s22;
	s8 =	sadd.s32 s0, s16;
	[dreg:$0xd] =	wrdreg s20  }
0x1a: {  	[dreg:$0xe] =	wrdreg s9;
	s16 =	sor.u32 $0x100, s6;
	s20 =	sshll.u32 s18, $0x4  }
0x1b: {  	s9 =	sor.u32 $0x260, s6;
	[dreg:$0xa] =	wrdreg s8;
	s8 =	sadd.s32 s3, s17  }
0x1c: {  	s7 =	sshll.u32 s16, $0x4;
	[dreg:$0xb] =	wrdreg s8;
	s8 =	sadd.s32 s0, s19  }
0x1d: {  	s7 =	sadd.s32 s3, s7;
	s19 =	sshll.u32 s18, $0xB;
	[dreg:$0xc] =	wrdreg s8  }
0x1e: {  	s8 =	sshll.u32 s21, $0x4;
	[dreg:$0x17] =	wrdreg s7;
	s7 =	sadd.s32 s0, s19  }
0x1f: {  	s17 =	sshll.u32 s16, $0xB;
	s8 =	sadd.s32 s3, s8;
	[dreg:$0x18] =	wrdreg s7  }
0x20: {  	s21 =	sor.u32 $0x140, s6;
	s7 =	sadd.s32 s3, s20;
	[dreg:$0xf] =	wrdreg s8  }
0x21: {  	s22 =	sshll.u32 s21, $0xB;
	s8 =	sadd.s32 s0, s24;
	[dreg:$0x19] =	wrdreg s7  }
0x22: {  	s20 =	sor.u32 $0x200, s6;
	s7 =	sadd.s32 s0, s22;
	[dreg:$0x10] =	wrdreg s8  }
0x23: {  	s24 =	sor.u32 $0x160, s6;
	s8 =	sadd.s32 s3, s25;
	[dreg:$0x1a] =	wrdreg s7  }
0x24: {  	s7 =	sshll.u32 s24, $0x4;
	[dreg:$0x11] =	wrdreg s8;
	s8 =	sadd.s32 s0, s10  }
0x25: {  	s25 =	sshll.u32 s24, $0xB;
	s7 =	sadd.s32 s3, s7;
	[dreg:$0x12] =	wrdreg s8  }
0x26: {  	s10 =	sshll.u32 s26, $0xB;
	s8 =	sadd.s32 s3, s12;
	[dreg:$0x1d] =	wrdreg s7  }
0x27: {  	s7 =	sadd.s32 s0, s10;
	s12 =	sor.u32 $0x1A0, s6;
	[dreg:$0x13] =	wrdreg s8  }
0x28: {  	s10 =	sshll.u32 s9, $0xB;
	s8 =	sadd.s32 s3, s15;
	[dreg:$0x1e] =	wrdreg s7  }
0x29: {  	s7 =	sadd.s32 s3, s11;
	s13 =	sshll.u32 s12, $0xB;
	s15 =	sor.u32 $0x1C0, s6  }
0x2a: {  	s11 =	sor.u32 $0x280, s6;
	[dreg:$0x15] =	wrdreg s8;
	s8 =	sadd.s32 s0, s17  }
0x2b: {  	[dreg:$0x1f] =	wrdreg s7;
	s7 =	sadd.s32 s0, s13;
	s16 =	sshll.u32 s15, $0xB  }
0x2c: {  	s17 =	sor.u32 $0x1E0, s6;
	s13 =	sshll.u32 s11, $0xB;
	[dreg:$0x16] =	wrdreg s8  }
0x2d: {  	s8 =	sshll.u32 s21, $0x4;
	[smem:$0x7ED] =	sst s7;
	s7 =	sshll.u32 s15, $0x4  }
0x2e: {  	s18 =	sshll.u32 s17, $0xB;
	s19 =	sshll.u32 s17, $0x4;
	s21 =	sshll.u32 s20, $0xB  }
0x2f: {  	s15 =	sshll.u32 s11, $0x4;
	s17 =	sor.u32 $0x2C0, s6;
	s23 =	sadd.s32 s3, s8  }
0x30: {  	s11 =	simm.s32 $0x5;
	s8 =	sadd.s32 s0, s25;
	[dreg:$0x1b] =	wrdreg s23  }
0x31: {  	s7 =	sadd.s32 s3, s7;
	s25 =	sor.u32 $0x240, s6;
	[dreg:$0x1c] =	wrdreg s8  }
0x32: {  	s8 =	sshll.u32 s12, $0x4;
	[smem:$0x7F0] =	sst s7;
	s7 =	sadd.s32 s0, s18  }
0x33: {  	s23 =	sor.u32 $0x220, s6;
	s14 =	sadd.s32 s3, s8;
	[smem:$0x7F1] =	sst s7  }
0x34: {  	s26 =	sshll.u32 s25, $0xB;
	s8 =	sadd.s32 s0, s16;
	[smem:$0x7EE] =	sst s14  }
0x35: {  	s12 =	sshll.u32 s9, $0x4;
	s7 =	sadd.s32 s3, s19;
	[smem:$0x7EF] =	sst s8  }
0x36: {  	s24 =	sshll.u32 s23, $0xB;
	s16 =	sor.u32 $0x2A0, s6;
	[smem:$0x7F2] =	sst s7  }
0x37: {  	s8 =	sshll.u32 s20, $0x4;
	s7 =	sadd.s32 s0, s21;
	s14 =	sadd.s32 s0, s13  }
0x38: {  	s20 =	sshll.u32 s16, $0xB;
	s21 =	sshll.u32 s17, $0xB;
	s13 =	simm.s32 $0x0  }
0x39: {  	[smem:$0x7F3] =	sst s7;
	s22 =	sadd.s32 s3, s8;
	s7 =	sshll.u32 s23, $0x4  }
0x3a: {  	s8 =	sadd.s32 s0, s24;
	[smem:$0x7FB] =	sst s14;
	s9 =	sadd.s32 s0, s20  }
0x3b: {  	s19 =	sadd.s32 s0, s21;
	s23 =	sor.u32 $0x2E0, s6;
	[smem:$0x7F4] =	sst s22  }
0x3c: {  	s6 =	smin.u32 s6, $0xC;
	[smem:$0x7F5] =	sst s8;
	s7 =	sadd.s32 s3, s7  }
0x3d: {  	s8 =	sshll.u32 s25, $0x4;
	[smem:$0x7FD] =	sst s9;
	s22 =	sshll.u32 s17, $0x4  }
0x3e: {  	s24 =	sshll.u32 s23, $0xB;
	s6 =	sor.u32 $0x300, s6;
	s25 =	sshll.u32 s23, $0x4  }
0x3f: {  	s9 =	simm.s32 $0x4;
	[smem:$0x7F6] =	sst s7;
	s7 =	sadd.s32 s0, s26  }
0x40: {  	s20 =	sadd.s32 s3, s22;
	s21 =	sadd.s32 s0, s24;
	s26 =	sshll.u32 s6, $0xB  }
0x41: {  	s6 =	sshll.u32 s6, $0x4;
	s22 =	sadd.s32 s3, s25;
	s25 =	sadd.s32 $0x186800, s0  }
0x42: {  	[smem:$0x7F7] =	sst s7;
	s7 =	sadd.s32 s3, s8;
	s23 =	sadd.s32 s0, s26  }
0x43: {  	s24 =	sadd.s32 s3, s6;
	s26 =	sadd.s32 $0x30D0, s3;
	s6 =	simm.s32 $0x8000  }
0x44: {  	s8 =	simm.s32 $0x2;
	[smem:$0x7F8] =	sst s7;
	s7 =	sadd.s32 s0, s10  }
0x45: {  	s0 =	simm.s32 $0x4000;
	[smem:$0x7F9] =	sst s7;
	s7 =	sadd.s32 s3, s12  }
0x46: {  	s10 =	simm.s32 $0x3;
	[smem:$0x7FA] =	sst s7;
	s7 =	sadd.s32 s3, s15  }
0x47: {  	s12 =	simm.s32 $0x6;
	[smem:$0x7FC] =	sst s7;
	s7 =	sshll.u32 s16, $0x4  }
0x48: {  	v0 =	vimm.f32 $0.0e+00;
	s18 =	sadd.s32 s3, s7;
	s3 =	simm.s32 $0xC080;
	s7 =	simm.s32 $0xC100  }
.LBB2_1:
0x49: {  	s14 =	sand.u32 $0x3E00, s2  }
0x4a: {  	s15 =	sand.u32 $0x70, s2;
	s16 =	sshrl.u32 s14, $0x2  }
0x4b: {  	s14 =	simm.s32 $0x40;
	s16 =	sor.u32 s15, s16;
	s15 =	simm.s32 $0x0  }
.LBB2_2:
0x4c: {  	p3 =	sne.s32 s14, $0x3FC0  }
0x4d: {  	[tilespmem:s16+$0x0] =	vst v0;
	s15 =	sadd.s32 $0x10, s15;
	s16 =	smov.u32 s14;
	s14 =	sadd.s32 $0x40, s14  }
.Ltmp0:
0x4e: {  	(pc) =	sbr.rel @p3 .LBB2_2-.Ltmp0, $4  }
0x4f: {  	_ = 	snop  }
0x50: {  	s16 =	sand.u32 $0x3E00, s16  }
0x51: {  	s17 =	sand.u32 $0x70, s15;
	s16 =	sshrl.u32 s16, $0x2  }
0x52: {  	s16 =	sor.u32 s17, s16  }
0x53: {  	[tilespmem:s16+$0x0] =	vst v0;
	s14 =	rddreg [dreg:$0x5]  }
0x54: {  	[spmem:s14] =	stream.linear.scatter [tilespmem:s2], [sflag:$0x7], $0x1000, $0x38;
	[tilespmem:$0xD2C0] =	vst v63  }
0x55: {  	_ =	swait.ge [sflag:s30], $0x1000  }
0x56: {  	[sflag:s30] =	ssyncset.done $0x0  }
0x57: {  	[sflag:s30] =	ssyncadd.s32 $0xFFFFF000  }
0x58: {  	[bflag:$0x0] =	sbarrier.arrive $0xFFFF  }
0x59: {  	s17 =	rddreg [dreg:$0x6]  }
0x5a: {  	[tilespmem:s2], [sflag:$0x1] =	stream.linear.gather [hbm4b:s17+s2], $0x4000, $0x38;
	[tilespmem:$0xD2C0] =	vst v63  }
0x5b: {  	s15 =	rddreg [dreg:$0x7]  }
0x5c: {  	[tilespmem:s31], [sflag:$0x1] =	stream.linear.gather [hbm4b:s15+s2], $0x80, $0x38;
	[tilespmem:$0xD2C0] =	vst v63  }
0x5d: {  	s16 =	rddreg [dreg:$0x8]  }
0x5e: {  	[tilespmem:s0], [sflag:$0x2] =	stream.linear.gather [hbm4b:s16+s2], $0x4000, $0x38;
	[tilespmem:$0xD2C0] =	vst v63  }
0x5f: {  	s17 =	rddreg [dreg:$0x9]  }
0x60: {  	[tilespmem:s3], [sflag:$0x2] =	stream.linear.gather [hbm4b:s17+s2], $0x80, $0x38;
	[tilespmem:$0xD2C0] =	vst v63  }
0x61: {  	_ =	swait.ge [sflag:s4], $0x4000  }
0x62: {  	[sflag:s4] =	ssyncset.done $0x0  }
0x63: {  	[sflag:s4] =	ssyncadd.s32 $0xFFFFC000  }
0x64: {  	_ =	swait.ge [sflag:s4], $0x80  }
0x65: {  	[sflag:s4] =	ssyncset.done $0x0  }
0x66: {  	[sflag:s4] =	ssyncadd.s32 $0xFFFFFF80  }
0x67: {  	[spmem:s1] =	stream.indirect.scatter.add.f32 [tilespmem:s2], [sflag:$0x4], $0x80, s31, s5, $0xb8;
	[tilespmem:$0xD2C0] =	vst v63  }
0x68: {  	s15 =	rddreg [dreg:$0xa]  }
0x69: {  	[tilespmem:s6], [sflag:$0x3] =	stream.linear.gather [hbm4b:s15+s2], $0x4000, $0x38;
	[tilespmem:$0xD2C0] =	vst v63  }
0x6a: {  	s16 =	rddreg [dreg:$0xb]  }
0x6b: {  	[tilespmem:s7], [sflag:$0x3] =	stream.linear.gather [hbm4b:s16+s2], $0x80, $0x38;
	[tilespmem:$0xD2C0] =	vst v63  }
0x6c: {  	_ =	swait.ge [sflag:s8], $0x4000  }
0x6d: {  	[sflag:s8] =	ssyncset.done $0x0  }
0x6e: {  	[sflag:s8] =	ssyncadd.s32 $0xFFFFC000  }
0x6f: {  	_ =	swait.ge [sflag:s8], $0x80  }
0x70: {  	[sflag:s8] =	ssyncset.done $0x0  }
0x71: {  	[sflag:s8] =	ssyncadd.s32 $0xFFFFFF80  }
0x72: {  	[spmem:s1] =	stream.indirect.scatter.add.f32 [tilespmem:s0], [sflag:$0x5], $0x80, s3, s5, $0xb8;
	[tilespmem:$0xD2C0] =	vst v63  }
0x73: {  	_ =	swait.ge [sflag:s9], $0x4000  }
0x74: {  	[sflag:s9] =	ssyncset.done $0x0  }
0x75: {  	s17 =	rddreg [dreg:$0xc];
	[sflag:s9] =	ssyncadd.s32 $0xFFFFC000  }
0x76: {  	[tilespmem:s2], [sflag:$0x1] =	stream.linear.gather [hbm4b:s17+s2], $0x4000, $0x38;
	[tilespmem:$0xD2C0] =	vst v63  }
0x77: {  	s15 =	rddreg [dreg:$0xd]  }
0x78: {  	[tilespmem:s31], [sflag:$0x1] =	stream.linear.gather [hbm4b:s15+s2], $0x80, $0x38;
	[tilespmem:$0xD2C0] =	vst v63  }
0x79: {  	_ =	swait.ge [sflag:s10], $0x4000  }
0x7a: {  	[sflag:s10] =	ssyncset.done $0x0  }
0x7b: {  	[sflag:s10] =	ssyncadd.s32 $0xFFFFC000  }
0x7c: {  	_ =	swait.ge [sflag:s10], $0x80  }
0x7d: {  	[sflag:s10] =	ssyncset.done $0x0  }
0x7e: {  	[sflag:s10] =	ssyncadd.s32 $0xFFFFFF80  }
0x7f: {  	[spmem:s1] =	stream.indirect.scatter.add.f32 [tilespmem:s6], [sflag:$0x6], $0x80, s7, s5, $0xb8;
	[tilespmem:$0xD2C0] =	vst v63  }
0x80: {  	_ =	swait.ge [sflag:s11], $0x4000  }
0x81: {  	[sflag:s11] =	ssyncset.done $0x0  }
0x82: {  	s16 =	rddreg [dreg:$0xe];
	[sflag:s11] =	ssyncadd.s32 $0xFFFFC000  }
0x83: {  	[tilespmem:s0], [sflag:$0x2] =	stream.linear.gather [hbm4b:s16+s2], $0x4000, $0x38;
	[tilespmem:$0xD2C0] =	vst v63  }
0x84: {  	s17 =	rddreg [dreg:$0xf]  }
0x85: {  	[tilespmem:s3], [sflag:$0x2] =	stream.linear.gather [hbm4b:s17+s2], $0x80, $0x38;
	[tilespmem:$0xD2C0] =	vst v63  }
0x86: {  	_ =	swait.ge [sflag:s4], $0x4000  }
0x87: {  	[sflag:s4] =	ssyncset.done $0x0  }
0x88: {  	[sflag:s4] =	ssyncadd.s32 $0xFFFFC000  }
0x89: {  	_ =	swait.ge [sflag:s4], $0x80  }
0x8a: {  	[sflag:s4] =	ssyncset.done $0x0  }
0x8b: {  	[sflag:s4] =	ssyncadd.s32 $0xFFFFFF80  }
0x8c: {  	[spmem:s1] =	stream.indirect.scatter.add.f32 [tilespmem:s2], [sflag:$0x4], $0x80, s31, s5, $0xb8;
	[tilespmem:$0xD2C0] =	vst v63  }
0x8d: {  	_ =	swait.ge [sflag:s12], $0x4000  }
0x8e: {  	[sflag:s12] =	ssyncset.done $0x0  }
0x8f: {  	s15 =	rddreg [dreg:$0x10];
	[sflag:s12] =	ssyncadd.s32 $0xFFFFC000  }
0x90: {  	[tilespmem:s6], [sflag:$0x3] =	stream.linear.gather [hbm4b:s15+s2], $0x4000, $0x38;
	[tilespmem:$0xD2C0] =	vst v63  }
0x91: {  	s16 =	rddreg [dreg:$0x11]  }
0x92: {  	[tilespmem:s7], [sflag:$0x3] =	stream.linear.gather [hbm4b:s16+s2], $0x80, $0x38;
	[tilespmem:$0xD2C0] =	vst v63  }
0x93: {  	_ =	swait.ge [sflag:s8], $0x4000  }
0x94: {  	[sflag:s8] =	ssyncset.done $0x0  }
0x95: {  	[sflag:s8] =	ssyncadd.s32 $0xFFFFC000  }
0x96: {  	_ =	swait.ge [sflag:s8], $0x80  }
0x97: {  	[sflag:s8] =	ssyncset.done $0x0  }
0x98: {  	[sflag:s8] =	ssyncadd.s32 $0xFFFFFF80  }
0x99: {  	[spmem:s1] =	stream.indirect.scatter.add.f32 [tilespmem:s0], [sflag:$0x5], $0x80, s3, s5, $0xb8;
	[tilespmem:$0xD2C0] =	vst v63  }
0x9a: {  	_ =	swait.ge [sflag:s9], $0x4000  }
0x9b: {  	[sflag:s9] =	ssyncset.done $0x0  }
0x9c: {  	s17 =	rddreg [dreg:$0x12];
	[sflag:s9] =	ssyncadd.s32 $0xFFFFC000  }
0x9d: {  	[tilespmem:s2], [sflag:$0x1] =	stream.linear.gather [hbm4b:s17+s2], $0x4000, $0x38;
	[tilespmem:$0xD2C0] =	vst v63  }
0x9e: {  	s15 =	rddreg [dreg:$0x13]  }
0x9f: {  	[tilespmem:s31], [sflag:$0x1] =	stream.linear.gather [hbm4b:s15+s2], $0x80, $0x38;
	[tilespmem:$0xD2C0] =	vst v63  }
0xa0: {  	_ =	swait.ge [sflag:s10], $0x4000  }
0xa1: {  	[sflag:s10] =	ssyncset.done $0x0  }
0xa2: {  	[sflag:s10] =	ssyncadd.s32 $0xFFFFC000  }
0xa3: {  	_ =	swait.ge [sflag:s10], $0x80  }
0xa4: {  	[sflag:s10] =	ssyncset.done $0x0  }
0xa5: {  	[sflag:s10] =	ssyncadd.s32 $0xFFFFFF80  }
0xa6: {  	[spmem:s1] =	stream.indirect.scatter.add.f32 [tilespmem:s6], [sflag:$0x6], $0x80, s7, s5, $0xb8;
	[tilespmem:$0xD2C0] =	vst v63  }
0xa7: {  	_ =	swait.ge [sflag:s11], $0x4000  }
0xa8: {  	[sflag:s11] =	ssyncset.done $0x0  }
0xa9: {  	s16 =	rddreg [dreg:$0x14];
	[sflag:s11] =	ssyncadd.s32 $0xFFFFC000  }
0xaa: {  	[tilespmem:s0], [sflag:$0x2] =	stream.linear.gather [hbm4b:s16+s2], $0x4000, $0x38;
	[tilespmem:$0xD2C0] =	vst v63  }
0xab: {  	s17 =	rddreg [dreg:$0x15]  }
0xac: {  	[tilespmem:s3], [sflag:$0x2] =	stream.linear.gather [hbm4b:s17+s2], $0x80, $0x38;
	[tilespmem:$0xD2C0] =	vst v63  }
0xad: {  	_ =	swait.ge [sflag:s4], $0x4000  }
0xae: {  	[sflag:s4] =	ssyncset.done $0x0  }
0xaf: {  	[sflag:s4] =	ssyncadd.s32 $0xFFFFC000  }
0xb0: {  	_ =	swait.ge [sflag:s4], $0x80  }
0xb1: {  	[sflag:s4] =	ssyncset.done $0x0  }
0xb2: {  	[sflag:s4] =	ssyncadd.s32 $0xFFFFFF80  }
0xb3: {  	[spmem:s1] =	stream.indirect.scatter.add.f32 [tilespmem:s2], [sflag:$0x4], $0x80, s31, s5, $0xb8;
	[tilespmem:$0xD2C0] =	vst v63  }
0xb4: {  	_ =	swait.ge [sflag:s12], $0x4000  }
0xb5: {  	[sflag:s12] =	ssyncset.done $0x0  }
0xb6: {  	s15 =	rddreg [dreg:$0x16];
	[sflag:s12] =	ssyncadd.s32 $0xFFFFC000  }
0xb7: {  	[tilespmem:s6], [sflag:$0x3] =	stream.linear.gather [hbm4b:s15+s2], $0x4000, $0x38;
	[tilespmem:$0xD2C0] =	vst v63  }
0xb8: {  	s16 =	rddreg [dreg:$0x17]  }
0xb9: {  	[tilespmem:s7], [sflag:$0x3] =	stream.linear.gather [hbm4b:s16+s2], $0x80, $0x38;
	[tilespmem:$0xD2C0] =	vst v63  }
0xba: {  	_ =	swait.ge [sflag:s8], $0x4000  }
0xbb: {  	[sflag:s8] =	ssyncset.done $0x0  }
0xbc: {  	[sflag:s8] =	ssyncadd.s32 $0xFFFFC000  }
0xbd: {  	_ =	swait.ge [sflag:s8], $0x80  }
0xbe: {  	[sflag:s8] =	ssyncset.done $0x0  }
0xbf: {  	[sflag:s8] =	ssyncadd.s32 $0xFFFFFF80  }
0xc0: {  	[spmem:s1] =	stream.indirect.scatter.add.f32 [tilespmem:s0], [sflag:$0x5], $0x80, s3, s5, $0xb8;
	[tilespmem:$0xD2C0] =	vst v63  }
0xc1: {  	_ =	swait.ge [sflag:s9], $0x4000  }
0xc2: {  	[sflag:s9] =	ssyncset.done $0x0  }
0xc3: {  	s17 =	rddreg [dreg:$0x18];
	[sflag:s9] =	ssyncadd.s32 $0xFFFFC000  }
0xc4: {  	[tilespmem:s2], [sflag:$0x1] =	stream.linear.gather [hbm4b:s17+s2], $0x4000, $0x38;
	[tilespmem:$0xD2C0] =	vst v63  }
0xc5: {  	s15 =	rddreg [dreg:$0x19]  }
0xc6: {  	[tilespmem:s31], [sflag:$0x1] =	stream.linear.gather [hbm4b:s15+s2], $0x80, $0x38;
	[tilespmem:$0xD2C0] =	vst v63  }
0xc7: {  	_ =	swait.ge [sflag:s10], $0x4000  }
0xc8: {  	[sflag:s10] =	ssyncset.done $0x0  }
0xc9: {  	[sflag:s10] =	ssyncadd.s32 $0xFFFFC000  }
0xca: {  	_ =	swait.ge [sflag:s10], $0x80  }
0xcb: {  	[sflag:s10] =	ssyncset.done $0x0  }
0xcc: {  	[sflag:s10] =	ssyncadd.s32 $0xFFFFFF80  }
0xcd: {  	[spmem:s1] =	stream.indirect.scatter.add.f32 [tilespmem:s6], [sflag:$0x6], $0x80, s7, s5, $0xb8;
	[tilespmem:$0xD2C0] =	vst v63  }
0xce: {  	_ =	swait.ge [sflag:s11], $0x4000  }
0xcf: {  	[sflag:s11] =	ssyncset.done $0x0  }
0xd0: {  	s16 =	rddreg [dreg:$0x1a];
	[sflag:s11] =	ssyncadd.s32 $0xFFFFC000  }
0xd1: {  	[tilespmem:s0], [sflag:$0x2] =	stream.linear.gather [hbm4b:s16+s2], $0x4000, $0x38;
	[tilespmem:$0xD2C0] =	vst v63  }
0xd2: {  	s17 =	rddreg [dreg:$0x1b]  }
0xd3: {  	[tilespmem:s3], [sflag:$0x2] =	stream.linear.gather [hbm4b:s17+s2], $0x80, $0x38;
	[tilespmem:$0xD2C0] =	vst v63  }
0xd4: {  	_ =	swait.ge [sflag:s4], $0x4000  }
0xd5: {  	[sflag:s4] =	ssyncset.done $0x0  }
0xd6: {  	[sflag:s4] =	ssyncadd.s32 $0xFFFFC000  }
0xd7: {  	_ =	swait.ge [sflag:s4], $0x80  }
0xd8: {  	[sflag:s4] =	ssyncset.done $0x0  }
0xd9: {  	[sflag:s4] =	ssyncadd.s32 $0xFFFFFF80  }
0xda: {  	[spmem:s1] =	stream.indirect.scatter.add.f32 [tilespmem:s2], [sflag:$0x4], $0x80, s31, s5, $0xb8;
	[tilespmem:$0xD2C0] =	vst v63  }
0xdb: {  	_ =	swait.ge [sflag:s12], $0x4000  }
0xdc: {  	[sflag:s12] =	ssyncset.done $0x0  }
0xdd: {  	s15 =	rddreg [dreg:$0x1c];
	[sflag:s12] =	ssyncadd.s32 $0xFFFFC000  }
0xde: {  	[tilespmem:s6], [sflag:$0x3] =	stream.linear.gather [hbm4b:s15+s2], $0x4000, $0x38;
	[tilespmem:$0xD2C0] =	vst v63  }
0xdf: {  	s16 =	rddreg [dreg:$0x1d]  }
0xe0: {  	[tilespmem:s7], [sflag:$0x3] =	stream.linear.gather [hbm4b:s16+s2], $0x80, $0x38;
	[tilespmem:$0xD2C0] =	vst v63  }
0xe1: {  	_ =	swait.ge [sflag:s8], $0x4000  }
0xe2: {  	[sflag:s8] =	ssyncset.done $0x0  }
0xe3: {  	[sflag:s8] =	ssyncadd.s32 $0xFFFFC000  }
0xe4: {  	_ =	swait.ge [sflag:s8], $0x80  }
0xe5: {  	[sflag:s8] =	ssyncset.done $0x0  }
0xe6: {  	[sflag:s8] =	ssyncadd.s32 $0xFFFFFF80  }
0xe7: {  	[spmem:s1] =	stream.indirect.scatter.add.f32 [tilespmem:s0], [sflag:$0x5], $0x80, s3, s5, $0xb8;
	[tilespmem:$0xD2C0] =	vst v63  }
0xe8: {  	_ =	swait.ge [sflag:s9], $0x4000  }
0xe9: {  	[sflag:s9] =	ssyncset.done $0x0  }
0xea: {  	s17 =	rddreg [dreg:$0x1e];
	[sflag:s9] =	ssyncadd.s32 $0xFFFFC000  }
0xeb: {  	[tilespmem:s2], [sflag:$0x1] =	stream.linear.gather [hbm4b:s17+s2], $0x4000, $0x38;
	[tilespmem:$0xD2C0] =	vst v63  }
0xec: {  	s15 =	rddreg [dreg:$0x1f]  }
0xed: {  	[tilespmem:s31], [sflag:$0x1] =	stream.linear.gather [hbm4b:s15+s2], $0x80, $0x38;
	[tilespmem:$0xD2C0] =	vst v63  }
0xee: {  	_ =	swait.ge [sflag:s10], $0x4000  }
0xef: {  	[sflag:s10] =	ssyncset.done $0x0  }
0xf0: {  	[sflag:s10] =	ssyncadd.s32 $0xFFFFC000  }
0xf1: {  	_ =	swait.ge [sflag:s10], $0x80  }
0xf2: {  	[sflag:s10] =	ssyncset.done $0x0  }
0xf3: {  	[sflag:s10] =	ssyncadd.s32 $0xFFFFFF80  }
0xf4: {  	[spmem:s1] =	stream.indirect.scatter.add.f32 [tilespmem:s6], [sflag:$0x6], $0x80, s7, s5, $0xb8;
	[tilespmem:$0xD2C0] =	vst v63  }
0xf5: {  	_ =	swait.ge [sflag:s11], $0x4000  }
0xf6: {  	s16 =	sld [smem:$0x7ED]  }
0xf7: {  	[sflag:s11] =	ssyncset.done $0x0  }
0xf8: {  	s17 =	sld [smem:$0x7EE];
	[sflag:s11] =	ssyncadd.s32 $0xFFFFC000  }
0xf9: {  	[tilespmem:s0], [sflag:$0x2] =	stream.linear.gather [hbm4b:s16+s2], $0x4000, $0x38;
	[tilespmem:$0xD2C0] =	vst v63  }
0xfa: {  	_ = 	snop  }
0xfb: {  	[tilespmem:s3], [sflag:$0x2] =	stream.linear.gather [hbm4b:s17+s2], $0x80, $0x38;
	[tilespmem:$0xD2C0] =	vst v63  }
0xfc: {  	_ =	swait.ge [sflag:s4], $0x4000  }
0xfd: {  	[sflag:s4] =	ssyncset.done $0x0  }
0xfe: {  	[sflag:s4] =	ssyncadd.s32 $0xFFFFC000  }
0xff: {  	_ =	swait.ge [sflag:s4], $0x80  }
0x100: {  	[sflag:s4] =	ssyncset.done $0x0  }
0x101: {  	[sflag:s4] =	ssyncadd.s32 $0xFFFFFF80  }
0x102: {  	[spmem:s1] =	stream.indirect.scatter.add.f32 [tilespmem:s2], [sflag:$0x4], $0x80, s31, s5, $0xb8;
	[tilespmem:$0xD2C0] =	vst v63  }
0x103: {  	_ =	swait.ge [sflag:s12], $0x4000  }
0x104: {  	s15 =	sld [smem:$0x7EF]  }
0x105: {  	[sflag:s12] =	ssyncset.done $0x0  }
0x106: {  	s16 =	sld [smem:$0x7F0];
	[sflag:s12] =	ssyncadd.s32 $0xFFFFC000  }
0x107: {  	[tilespmem:s6], [sflag:$0x3] =	stream.linear.gather [hbm4b:s15+s2], $0x4000, $0x38;
	[tilespmem:$0xD2C0] =	vst v63  }
0x108: {  	_ = 	snop  }
0x109: {  	[tilespmem:s7], [sflag:$0x3] =	stream.linear.gather [hbm4b:s16+s2], $0x80, $0x38;
	[tilespmem:$0xD2C0] =	vst v63  }
0x10a: {  	_ =	swait.ge [sflag:s8], $0x4000  }
0x10b: {  	[sflag:s8] =	ssyncset.done $0x0  }
0x10c: {  	[sflag:s8] =	ssyncadd.s32 $0xFFFFC000  }
0x10d: {  	_ =	swait.ge [sflag:s8], $0x80  }
0x10e: {  	[sflag:s8] =	ssyncset.done $0x0  }
0x10f: {  	[sflag:s8] =	ssyncadd.s32 $0xFFFFFF80  }
0x110: {  	[spmem:s1] =	stream.indirect.scatter.add.f32 [tilespmem:s0], [sflag:$0x5], $0x80, s3, s5, $0xb8;
	[tilespmem:$0xD2C0] =	vst v63  }
0x111: {  	_ =	swait.ge [sflag:s9], $0x4000  }
0x112: {  	s17 =	sld [smem:$0x7F1]  }
0x113: {  	[sflag:s9] =	ssyncset.done $0x0  }
0x114: {  	s15 =	sld [smem:$0x7F2];
	[sflag:s9] =	ssyncadd.s32 $0xFFFFC000  }
0x115: {  	[tilespmem:s2], [sflag:$0x1] =	stream.linear.gather [hbm4b:s17+s2], $0x4000, $0x38;
	[tilespmem:$0xD2C0] =	vst v63  }
0x116: {  	_ = 	snop  }
0x117: {  	[tilespmem:s31], [sflag:$0x1] =	stream.linear.gather [hbm4b:s15+s2], $0x80, $0x38;
	[tilespmem:$0xD2C0] =	vst v63  }
0x118: {  	_ =	swait.ge [sflag:s10], $0x4000  }
0x119: {  	[sflag:s10] =	ssyncset.done $0x0  }
0x11a: {  	[sflag:s10] =	ssyncadd.s32 $0xFFFFC000  }
0x11b: {  	_ =	swait.ge [sflag:s10], $0x80  }
0x11c: {  	[sflag:s10] =	ssyncset.done $0x0  }
0x11d: {  	[sflag:s10] =	ssyncadd.s32 $0xFFFFFF80  }
0x11e: {  	[spmem:s1] =	stream.indirect.scatter.add.f32 [tilespmem:s6], [sflag:$0x6], $0x80, s7, s5, $0xb8;
	[tilespmem:$0xD2C0] =	vst v63  }
0x11f: {  	_ =	swait.ge [sflag:s11], $0x4000  }
0x120: {  	s16 =	sld [smem:$0x7F3]  }
0x121: {  	[sflag:s11] =	ssyncset.done $0x0  }
0x122: {  	s17 =	sld [smem:$0x7F4];
	[sflag:s11] =	ssyncadd.s32 $0xFFFFC000  }
0x123: {  	[tilespmem:s0], [sflag:$0x2] =	stream.linear.gather [hbm4b:s16+s2], $0x4000, $0x38;
	[tilespmem:$0xD2C0] =	vst v63  }
0x124: {  	_ = 	snop  }
0x125: {  	[tilespmem:s3], [sflag:$0x2] =	stream.linear.gather [hbm4b:s17+s2], $0x80, $0x38;
	[tilespmem:$0xD2C0] =	vst v63  }
0x126: {  	_ =	swait.ge [sflag:s4], $0x4000  }
0x127: {  	[sflag:s4] =	ssyncset.done $0x0  }
0x128: {  	[sflag:s4] =	ssyncadd.s32 $0xFFFFC000  }
0x129: {  	_ =	swait.ge [sflag:s4], $0x80  }
0x12a: {  	[sflag:s4] =	ssyncset.done $0x0  }
0x12b: {  	[sflag:s4] =	ssyncadd.s32 $0xFFFFFF80  }
0x12c: {  	[spmem:s1] =	stream.indirect.scatter.add.f32 [tilespmem:s2], [sflag:$0x4], $0x80, s31, s5, $0xb8;
	[tilespmem:$0xD2C0] =	vst v63  }
0x12d: {  	_ =	swait.ge [sflag:s12], $0x4000  }
0x12e: {  	s15 =	sld [smem:$0x7F5]  }
0x12f: {  	[sflag:s12] =	ssyncset.done $0x0  }
0x130: {  	s16 =	sld [smem:$0x7F6];
	[sflag:s12] =	ssyncadd.s32 $0xFFFFC000  }
0x131: {  	[tilespmem:s6], [sflag:$0x3] =	stream.linear.gather [hbm4b:s15+s2], $0x4000, $0x38;
	[tilespmem:$0xD2C0] =	vst v63  }
0x132: {  	_ = 	snop  }
0x133: {  	[tilespmem:s7], [sflag:$0x3] =	stream.linear.gather [hbm4b:s16+s2], $0x80, $0x38;
	[tilespmem:$0xD2C0] =	vst v63  }
0x134: {  	_ =	swait.ge [sflag:s8], $0x4000  }
0x135: {  	[sflag:s8] =	ssyncset.done $0x0  }
0x136: {  	[sflag:s8] =	ssyncadd.s32 $0xFFFFC000  }
0x137: {  	_ =	swait.ge [sflag:s8], $0x80  }
0x138: {  	[sflag:s8] =	ssyncset.done $0x0  }
0x139: {  	[sflag:s8] =	ssyncadd.s32 $0xFFFFFF80  }
0x13a: {  	[spmem:s1] =	stream.indirect.scatter.add.f32 [tilespmem:s0], [sflag:$0x5], $0x80, s3, s5, $0xb8;
	[tilespmem:$0xD2C0] =	vst v63  }
0x13b: {  	_ =	swait.ge [sflag:s9], $0x4000  }
0x13c: {  	s17 =	sld [smem:$0x7F7]  }
0x13d: {  	[sflag:s9] =	ssyncset.done $0x0  }
0x13e: {  	s15 =	sld [smem:$0x7F8];
	[sflag:s9] =	ssyncadd.s32 $0xFFFFC000  }
0x13f: {  	[tilespmem:s2], [sflag:$0x1] =	stream.linear.gather [hbm4b:s17+s2], $0x4000, $0x38;
	[tilespmem:$0xD2C0] =	vst v63  }
0x140: {  	_ = 	snop  }
0x141: {  	[tilespmem:s31], [sflag:$0x1] =	stream.linear.gather [hbm4b:s15+s2], $0x80, $0x38;
	[tilespmem:$0xD2C0] =	vst v63  }
0x142: {  	_ =	swait.ge [sflag:s10], $0x4000  }
0x143: {  	[sflag:s10] =	ssyncset.done $0x0  }
0x144: {  	[sflag:s10] =	ssyncadd.s32 $0xFFFFC000  }
0x145: {  	_ =	swait.ge [sflag:s10], $0x80  }
0x146: {  	[sflag:s10] =	ssyncset.done $0x0  }
0x147: {  	[sflag:s10] =	ssyncadd.s32 $0xFFFFFF80  }
0x148: {  	[spmem:s1] =	stream.indirect.scatter.add.f32 [tilespmem:s6], [sflag:$0x6], $0x80, s7, s5, $0xb8;
	[tilespmem:$0xD2C0] =	vst v63  }
0x149: {  	_ =	swait.ge [sflag:s11], $0x4000  }
0x14a: {  	s16 =	sld [smem:$0x7F9]  }
0x14b: {  	[sflag:s11] =	ssyncset.done $0x0  }
0x14c: {  	s17 =	sld [smem:$0x7FA];
	[sflag:s11] =	ssyncadd.s32 $0xFFFFC000  }
0x14d: {  	[tilespmem:s0], [sflag:$0x2] =	stream.linear.gather [hbm4b:s16+s2], $0x4000, $0x38;
	[tilespmem:$0xD2C0] =	vst v63  }
0x14e: {  	_ = 	snop  }
0x14f: {  	[tilespmem:s3], [sflag:$0x2] =	stream.linear.gather [hbm4b:s17+s2], $0x80, $0x38;
	[tilespmem:$0xD2C0] =	vst v63  }
0x150: {  	_ =	swait.ge [sflag:s4], $0x4000  }
0x151: {  	[sflag:s4] =	ssyncset.done $0x0  }
0x152: {  	[sflag:s4] =	ssyncadd.s32 $0xFFFFC000  }
0x153: {  	_ =	swait.ge [sflag:s4], $0x80  }
0x154: {  	[sflag:s4] =	ssyncset.done $0x0  }
0x155: {  	[sflag:s4] =	ssyncadd.s32 $0xFFFFFF80  }
0x156: {  	[spmem:s1] =	stream.indirect.scatter.add.f32 [tilespmem:s2], [sflag:$0x4], $0x80, s31, s5, $0xb8;
	[tilespmem:$0xD2C0] =	vst v63  }
0x157: {  	_ =	swait.ge [sflag:s12], $0x4000  }
0x158: {  	s15 =	sld [smem:$0x7FB]  }
0x159: {  	[sflag:s12] =	ssyncset.done $0x0  }
0x15a: {  	s16 =	sld [smem:$0x7FC];
	[sflag:s12] =	ssyncadd.s32 $0xFFFFC000  }
0x15b: {  	[tilespmem:s6], [sflag:$0x3] =	stream.linear.gather [hbm4b:s15+s2], $0x4000, $0x38;
	[tilespmem:$0xD2C0] =	vst v63  }
0x15c: {  	_ = 	snop  }
0x15d: {  	[tilespmem:s7], [sflag:$0x3] =	stream.linear.gather [hbm4b:s16+s2], $0x80, $0x38;
	[tilespmem:$0xD2C0] =	vst v63  }
0x15e: {  	_ =	swait.ge [sflag:s8], $0x4000  }
0x15f: {  	[sflag:s8] =	ssyncset.done $0x0  }
0x160: {  	[sflag:s8] =	ssyncadd.s32 $0xFFFFC000  }
0x161: {  	_ =	swait.ge [sflag:s8], $0x80  }
0x162: {  	[sflag:s8] =	ssyncset.done $0x0  }
0x163: {  	[sflag:s8] =	ssyncadd.s32 $0xFFFFFF80  }
0x164: {  	[spmem:s1] =	stream.indirect.scatter.add.f32 [tilespmem:s0], [sflag:$0x5], $0x80, s3, s5, $0xb8;
	[tilespmem:$0xD2C0] =	vst v63  }
0x165: {  	_ =	swait.ge [sflag:s9], $0x4000  }
0x166: {  	s17 =	sld [smem:$0x7FD]  }
0x167: {  	[sflag:s9] =	ssyncset.done $0x0  }
0x168: {  	[sflag:s9] =	ssyncadd.s32 $0xFFFFC000  }
0x169: {  	[tilespmem:s2], [sflag:$0x1] =	stream.linear.gather [hbm4b:s17+s2], $0x4000, $0x38;
	[tilespmem:$0xD2C0] =	vst v63  }
0x16a: {  	_ = 	snop  }
0x16b: {  	[tilespmem:s31], [sflag:$0x1] =	stream.linear.gather [hbm4b:s18+s2], $0x80, $0x38;
	[tilespmem:$0xD2C0] =	vst v63  }
0x16c: {  	_ =	swait.ge [sflag:s10], $0x4000  }
0x16d: {  	[sflag:s10] =	ssyncset.done $0x0  }
0x16e: {  	[sflag:s10] =	ssyncadd.s32 $0xFFFFC000  }
0x16f: {  	_ =	swait.ge [sflag:s10], $0x80  }
0x170: {  	[sflag:s10] =	ssyncset.done $0x0  }
0x171: {  	[sflag:s10] =	ssyncadd.s32 $0xFFFFFF80  }
0x172: {  	[spmem:s1] =	stream.indirect.scatter.add.f32 [tilespmem:s6], [sflag:$0x6], $0x80, s7, s5, $0xb8;
	[tilespmem:$0xD2C0] =	vst v63  }
0x173: {  	_ =	swait.ge [sflag:s11], $0x4000  }
0x174: {  	[sflag:s11] =	ssyncset.done $0x0  }
0x175: {  	[sflag:s11] =	ssyncadd.s32 $0xFFFFC000  }
0x176: {  	[tilespmem:s0], [sflag:$0x2] =	stream.linear.gather [hbm4b:s19+s2], $0x4000, $0x38;
	[tilespmem:$0xD2C0] =	vst v63  }
0x177: {  	_ = 	snop  }
0x178: {  	[tilespmem:s3], [sflag:$0x2] =	stream.linear.gather [hbm4b:s20+s2], $0x80, $0x38;
	[tilespmem:$0xD2C0] =	vst v63  }
0x179: {  	_ =	swait.ge [sflag:s4], $0x4000  }
0x17a: {  	[sflag:s4] =	ssyncset.done $0x0  }
0x17b: {  	[sflag:s4] =	ssyncadd.s32 $0xFFFFC000  }
0x17c: {  	_ =	swait.ge [sflag:s4], $0x80  }
0x17d: {  	[sflag:s4] =	ssyncset.done $0x0  }
0x17e: {  	[sflag:s4] =	ssyncadd.s32 $0xFFFFFF80  }
0x17f: {  	[spmem:s1] =	stream.indirect.scatter.add.f32 [tilespmem:s2], [sflag:$0x4], $0x80, s31, s5, $0xb8;
	[tilespmem:$0xD2C0] =	vst v63  }
0x180: {  	_ =	swait.ge [sflag:s12], $0x4000  }
0x181: {  	[sflag:s12] =	ssyncset.done $0x0  }
0x182: {  	[sflag:s12] =	ssyncadd.s32 $0xFFFFC000  }
0x183: {  	[tilespmem:s6], [sflag:$0x3] =	stream.linear.gather [hbm4b:s21+s2], $0x4000, $0x38;
	[tilespmem:$0xD2C0] =	vst v63  }
0x184: {  	_ = 	snop  }
0x185: {  	[tilespmem:s7], [sflag:$0x3] =	stream.linear.gather [hbm4b:s22+s2], $0x80, $0x38;
	[tilespmem:$0xD2C0] =	vst v63  }
0x186: {  	_ =	swait.ge [sflag:s8], $0x4000  }
0x187: {  	[sflag:s8] =	ssyncset.done $0x0  }
0x188: {  	[sflag:s8] =	ssyncadd.s32 $0xFFFFC000  }
0x189: {  	_ =	swait.ge [sflag:s8], $0x80  }
0x18a: {  	[sflag:s8] =	ssyncset.done $0x0  }
0x18b: {  	[sflag:s8] =	ssyncadd.s32 $0xFFFFFF80  }
0x18c: {  	[spmem:s1] =	stream.indirect.scatter.add.f32 [tilespmem:s0], [sflag:$0x5], $0x80, s3, s5, $0xb8;
	[tilespmem:$0xD2C0] =	vst v63  }
0x18d: {  	_ =	swait.ge [sflag:s9], $0x4000  }
0x18e: {  	[sflag:s9] =	ssyncset.done $0x0  }
0x18f: {  	[sflag:s9] =	ssyncadd.s32 $0xFFFFC000  }
0x190: {  	[tilespmem:s2], [sflag:$0x1] =	stream.linear.gather [hbm4b:s23+s2], $0x4000, $0x38;
	[tilespmem:$0xD2C0] =	vst v63  }
0x191: {  	_ = 	snop  }
0x192: {  	[tilespmem:s31], [sflag:$0x1] =	stream.linear.gather [hbm4b:s24+s2], $0x80, $0x38;
	[tilespmem:$0xD2C0] =	vst v63  }
0x193: {  	_ =	swait.ge [sflag:s10], $0x4000  }
0x194: {  	[sflag:s10] =	ssyncset.done $0x0  }
0x195: {  	[sflag:s10] =	ssyncadd.s32 $0xFFFFC000  }
0x196: {  	_ =	swait.ge [sflag:s10], $0x80  }
0x197: {  	[sflag:s10] =	ssyncset.done $0x0  }
0x198: {  	[sflag:s10] =	ssyncadd.s32 $0xFFFFFF80  }
0x199: {  	[spmem:s1] =	stream.indirect.scatter.add.f32 [tilespmem:s6], [sflag:$0x6], $0x80, s7, s5, $0xb8;
	[tilespmem:$0xD2C0] =	vst v63  }
0x19a: {  	_ =	swait.ge [sflag:s11], $0x4000  }
0x19b: {  	[sflag:s11] =	ssyncset.done $0x0  }
0x19c: {  	[sflag:s11] =	ssyncadd.s32 $0xFFFFC000  }
0x19d: {  	_ =	swait.ge [sflag:s4], $0x4000  }
0x19e: {  	[sflag:s4] =	ssyncset.done $0x0  }
0x19f: {  	[sflag:s4] =	ssyncadd.s32 $0xFFFFC000  }
0x1a0: {  	_ =	swait.ge [sflag:s4], $0x80  }
0x1a1: {  	[sflag:s4] =	ssyncset.done $0x0  }
0x1a2: {  	v1 =	vimm.s32 @!p1 $0x200;
	[sflag:s4] =	ssyncadd.s32 $0xFFFFFF80  }
0x1a3: {  	[tilespmem:$0xC000] =	vst @!p1 v1  }
0x1a4: {  	[tilespmem:$0xC010] =	vst @!p1 v1  }
0x1a5: {  	[tilespmem:$0xC020] =	vst @!p1 v1  }
0x1a6: {  	[tilespmem:$0xC030] =	vst @!p1 v1  }
0x1a7: {  	[tilespmem:$0xC040] =	vst @!p1 v1  }
0x1a8: {  	[tilespmem:$0xC050] =	vst @!p1 v1  }
0x1a9: {  	[tilespmem:$0xC060] =	vst @!p1 v1  }
0x1aa: {  	[tilespmem:$0xC070] =	vst @!p1 v1  }
0x1ab: {  	[spmem:s1] =	stream.indirect.scatter.add.f32 [tilespmem:s2], [sflag:$0x4], $0x80, s31, s5, $0xb8;
	[tilespmem:$0xD2C0] =	vst v63  }
0x1ac: {  	_ =	swait.ge [sflag:s12], $0x4000  }
0x1ad: {  	[sflag:s12] =	ssyncset.done $0x0  }
0x1ae: {  	[sflag:s12] =	ssyncadd.s32 $0xFFFFC000  }
0x1af: {  	_ =	swait.ge [sflag:s9], $0x4000  }
0x1b0: {  	[sflag:s9] =	ssyncset.done $0x0  }
0x1b1: {  	s14 =	simm.s32 @!p2 $0x0;
	s15 =	simm.s32 @!p2 $0x7;
	[sflag:s9] =	ssyncadd.s32 $0xFFFFC000  }
0x1b2: {  	[tilespmem:s14], [sflag:$0x7] =	stream.linear.gather @!p2 [hbm4b:s25+s14], $0x1000, $0x38;
	[tilespmem:$0xD2C0] =	vst v63  }
0x1b3: {  	_ =	swait.ge @!p2 [sflag:s15], $0x1000  }
0x1b4: {  	[sflag:s15] =	ssyncset.done @!p2 $0x0  }
0x1b5: {  	s16 =	simm.s32 @!p2 $0xC200;
	[sflag:s15] =	ssyncadd.s32 @!p2 $0xFFFFF000  }
0x1b6: {  	[tilespmem:s16], [sflag:$0x7] =	stream.linear.gather @!p2 [hbm4b:s26+s14], $0x20, $0x38;
	[tilespmem:$0xD2C0] =	vst v63  }
0x1b7: {  	_ =	swait.ge @!p2 [sflag:s15], $0x20  }
0x1b8: {  	[sflag:s15] =	ssyncset.done @!p2 $0x0  }
0x1b9: {  	s17 =	simm.s32 @!p2 $0x20;
	[sflag:s15] =	ssyncadd.s32 @!p2 $0xFFFFFFE0  }
0x1ba: {  	[spmem:s1] =	stream.indirect.scatter.add.f32 @!p2 [tilespmem:s14], [sflag:$0x7], $0x80, s16, s17, $0xb8;
	[tilespmem:$0xD2C0] =	vst v63  }
0x1bb: {  	_ =	swait.ge @!p2 [sflag:s15], $0x1000  }
0x1bc: {  	s13 =	sadd.s32 $0x1, s13;
	[sflag:s15] =	ssyncset.done @!p2 $0x0  }
0x1bd: {  	p3 =	sne.s32 s13, s29;
	[sflag:s15] =	ssyncadd.s32 @!p2 $0xFFFFF000  }
0x1be: {  	s14 =	sshrl.u32 @!p0 s1, $0x3;
	s15 =	simm.s32 @!p0 $0x1C07;
	[bflag:$0x0] =	sbarrier.arrive $0xFFFF  }
0x1bf: {  	[hbm:s28], [sflag:s15] =	dma.local @!p0 [spmem:s14], $0x2080  }
.Ltmp1:
0x1c0: {  	_ = 	snop;
	(pc) =	sbr.rel @p3 .LBB2_1-.Ltmp1, $4  }
0x1c1: {  	s14 =	simm.s32 @!p0 $0x7  }
0x1c2: {  	_ =	swait.ge @!p0 [sflag:s14], $0x2080  }
0x1c3: {  	[sflag:s14] =	ssyncset.done @!p0 $0x0  }
0x1c4: {  	[sflag:s14] =	ssyncadd.s32 @!p0 $0xFFFFDF80  }
0x1c5: {  	_ =	sfence.sel $0x180000  }
0x1c6: {  	[bflag:$0x0] =	sbarrier.arrive $0xFFFF  }
0x1c7: {  	_ =	strace $0x90000047  }
0x1c8: {  	[bflag:$0x2] =	sbarrier.arrive $0xFFFF  }
0x1c9: {  	s0 =	rddreg [dreg:$0x4]  }
0x1ca: {  	s0 =	sadd.s32 @!p0 $0x100000, s0  }
0x1cb: {  	[sflag:s0] =	ssyncadd.tile.s32 @!p0 $0x1;
	_ =	shalt  }
.Lfunc_end2:
_tile_overlayer_lowered:
.L_overlay_start_2:
0x1cc: {  	(tag) =	ssettag $0x2  }
0x1cd: {  	s0 =	rddreg [dreg:$0x0];
	s2 =	stileid.u32  }
0x1ce: {  	s1 =	rddreg [dreg:$0x1];
	p0 =	sne.s32 s2, $0x0  }
0x1cf: {  	s3 =	rddreg [dreg:$0x2];
	[bflag:$0x3] =	sbarrier.arrive $0xFFFF;
	s2 =	simm.s32 @!p0 $0x1C07  }
0x1d0: {  	[timem:s3], [sflag:s2] =	dma.local @!p0 [hbm:s0], s1  }
0x1d1: {  	s0 =	simm.s32 @!p0 $0x7  }
0x1d2: {  	_ =	swait.ge @!p0 [sflag:s0], s1  }
0x1d3: {  	s1 =	ssub.s32 @!p0 $0x0, s1;
	[sflag:s0] =	ssyncset.done @!p0 $0x0  }
0x1d4: {  	[sflag:s0] =	ssyncadd.s32 @!p0 s1  }
0x1d5: {  	[bflag:$0x3] =	sbarrier.arrive $0xFFFF  }
0x1d6: {  	_ =	shalt  }

</sc_bundles>
